<compile_context>
chip_gen: v7x
topology: tpu7x:2x2x1
jax: 0.10.2.dev20260603
libtpu: 0.0.44.dev20260713+nightly
codegen_flags: <defaults>
</compile_context>

<pallas_src>
import functools

import jax
import jax.numpy as jnp
from jax import lax
from jax.experimental import pallas as pl
from jax.experimental.pallas import tpu as pltpu
from jax.experimental.pallas import tpu_sc as plsc

_NC = 2
_NS = 16
_LANES = 16


_CHUNK = 64
_NBANK = 2
_V = 2


def _sc_degree(dst, n_nodes, d):
    e = dst.shape[0]
    chunk, nbank, v = _CHUNK, _NBANK, _V
    ns = nbank * v
    nw = _NC * _NS
    epw = e // nw
    nit = epw // (ns * chunk)
    tail_e = epw - nit * ns * chunk
    rpt = (n_nodes // _NS) // 8 * 8
    tail = n_nodes - _NS * rpt
    zr = 48
    assert e == nw * epw and chunk % 8 == 0 and tail_e % 8 == 0 and tail_e < chunk
    assert n_nodes % 8 == 0 and rpt % zr == 0 and tail <= zr and d % _LANES == 0

    mesh = plsc.VectorSubcoreMesh(core_axis_name="c", subcore_axis_name="s")

    @functools.partial(
        pl.kernel,
        out_type=jax.ShapeDtypeStruct((_NC * n_nodes, d), jnp.float32),
        mesh=mesh,
        scratch_types=[
            pltpu.VMEM_SHARED((n_nodes, d), jnp.float32),
        ] + [pltpu.VMEM((chunk,), jnp.int32)] * ns + [
            pltpu.VMEM((tail_e,), jnp.int32),
            pltpu.VMEM((chunk, d), jnp.float32),
            pltpu.VMEM((zr, d), jnp.float32),
        ] + [pltpu.SemaphoreType.DMA] * (ns + 1),
    )
    def k(dst_hbm, out_hbm, acc, *rest):
        idx_d = rest[:ns]
        idx_td = rest[ns]
        ones_v, zbuf = rest[ns + 1], rest[ns + 2]
        isem = rest[ns + 3]
        sems = rest[ns + 4:]
        cid = lax.axis_index("c")
        sid = lax.axis_index("s")
        zero16 = jnp.zeros((_LANES,), jnp.float32)
        one16 = jnp.ones((_LANES,), jnp.float32)

        def zb(i, carry):
            def zb2(j, carry2):
                zbuf[i, pl.ds(j * _LANES, _LANES)] = zero16
                return carry2

            lax.fori_loop(0, d // _LANES, zb2, 0)
            return carry

        lax.fori_loop(0, zr, zb, 0)

        def ob(i, carry):
            def ob2(j, carry2):
                ones_v[i, pl.ds(j * _LANES, _LANES)] = one16
                return carry2

            lax.fori_loop(0, d // _LANES, ob2, 0)
            return carry

        lax.fori_loop(0, chunk, ob, 0)

        row0 = sid * rpt
        for z in range(rpt // zr):
            pltpu.sync_copy(zbuf, acc.at[pl.ds(row0 + z * zr, zr)])
        if tail:
            @pl.when(sid == _NS - 1)
            def _():
                pltpu.sync_copy(zbuf.at[pl.ds(0, tail)],
                                acc.at[pl.ds(_NS * rpt, tail)])
        plsc.subcore_barrier()

        base = (cid * _NS + sid) * epw

        def body(it, carry):
            off0 = base + it * (ns * chunk)
            for p in range(nbank):
                slots = [p * v + j for j in range(v)]

                @pl.when(it > 0)
                def _():
                    for s in slots:
                        pltpu.make_async_copy(ones_v, acc.at[idx_d[s]],
                                              sems[s]).wait()

                idescs = [
                    pltpu.async_copy(
                        dst_hbm.at[pl.ds(off0 + s * chunk, chunk)],
                        idx_d[s], isem)
                    for s in slots
                ]
                for dsc in idescs:
                    dsc.wait()
                for s in slots:
                    pltpu.async_copy(ones_v, acc.at[idx_d[s]], sems[s],
                                     add=True)
            return carry

        lax.fori_loop(0, nit, body, 0)
        for s in range(ns):
            pltpu.make_async_copy(ones_v, acc.at[idx_d[s]], sems[s]).wait()

        if tail_e:
            toff = base + nit * ns * chunk
            pltpu.sync_copy(dst_hbm.at[pl.ds(toff, tail_e)], idx_td)
            pltpu.sync_copy(ones_v.at[pl.ds(0, tail_e)], acc.at[idx_td],
                            add=True)
        plsc.subcore_barrier()
        out0 = cid * n_nodes
        pltpu.sync_copy(acc.at[pl.ds(row0, rpt)],
                        out_hbm.at[pl.ds(out0 + row0, rpt)])
        if tail:
            @pl.when(sid == _NS - 1)
            def _():
                pltpu.sync_copy(acc.at[pl.ds(_NS * rpt, tail)],
                                out_hbm.at[pl.ds(out0 + _NS * rpt, tail)])

    return k(dst)


def _sc_aggregate(g, src, dst):
    n, d = g.shape
    e = src.shape[0]
    chunk, nbank, v = _CHUNK, _NBANK, _V
    ns = nbank * v
    nw = _NC * _NS
    epw = e // nw
    nit = epw // (ns * chunk)
    tail_e = epw - nit * ns * chunk
    rpt = (n // _NS) // 8 * 8
    tail = n - _NS * rpt
    zr = 48
    assert e == nw * epw and chunk % 8 == 0 and tail_e % 8 == 0 and tail_e < chunk
    assert n % 8 == 0 and rpt % zr == 0 and tail <= zr and d % _LANES == 0

    mesh = plsc.VectorSubcoreMesh(core_axis_name="c", subcore_axis_name="s")

    @functools.partial(
        pl.kernel,
        out_type=jax.ShapeDtypeStruct((_NC * n, d), jnp.float32),
        mesh=mesh,
        scratch_types=[
            pltpu.VMEM_SHARED((n, d), jnp.float32),
        ] + [pltpu.VMEM((chunk,), jnp.int32)] * (2 * ns) + [
            pltpu.VMEM((tail_e,), jnp.int32)] * 2 + [
            pltpu.VMEM((chunk, d), jnp.float32)] * ns + [
            pltpu.VMEM((zr, d), jnp.float32),
        ] + [pltpu.SemaphoreType.DMA] * (2 * ns + 1),
    )
    def k(g_hbm, src_hbm, dst_hbm, out_hbm, acc, *rest):
        idx_s = rest[:ns]
        idx_d = rest[ns:2 * ns]
        idx_ts, idx_td = rest[2 * ns], rest[2 * ns + 1]
        rows = rest[2 * ns + 2:3 * ns + 2]
        zbuf = rest[3 * ns + 2]
        isem = rest[3 * ns + 3]
        gsem = rest[3 * ns + 4:3 * ns + 4 + ns]
        ssem = rest[3 * ns + 4 + ns:]
        cid = lax.axis_index("c")
        sid = lax.axis_index("s")
        zero16 = jnp.zeros((_LANES,), jnp.float32)

        def zb(i, carry):
            def zb2(j, carry2):
                zbuf[i, pl.ds(j * _LANES, _LANES)] = zero16
                return carry2

            lax.fori_loop(0, d // _LANES, zb2, 0)
            return carry

        lax.fori_loop(0, zr, zb, 0)

        row0 = sid * rpt
        for z in range(rpt // zr):
            pltpu.sync_copy(zbuf, acc.at[pl.ds(row0 + z * zr, zr)])
        if tail:
            @pl.when(sid == _NS - 1)
            def _():
                pltpu.sync_copy(zbuf.at[pl.ds(0, tail)],
                                acc.at[pl.ds(_NS * rpt, tail)])
        plsc.subcore_barrier()

        base = (cid * _NS + sid) * epw

        def body(it, carry):
            off0 = base + it * (ns * chunk)
            for p in range(nbank):
                slots = [p * v + j for j in range(v)]

                @pl.when(it > 0)
                def _():
                    for s in slots:
                        pltpu.make_async_copy(rows[s], acc.at[idx_d[s]],
                                              ssem[s]).wait()

                idescs = []
                for s in slots:
                    co = off0 + s * chunk
                    idescs.append(pltpu.async_copy(
                        src_hbm.at[pl.ds(co, chunk)], idx_s[s], isem))
                    idescs.append(pltpu.async_copy(
                        dst_hbm.at[pl.ds(co, chunk)], idx_d[s], isem))
                for dsc in idescs:
                    dsc.wait()
                gd = {s: pltpu.async_copy(g_hbm.at[idx_s[s]], rows[s],
                                          gsem[s]) for s in slots}
                for s in slots:
                    gd[s].wait()
                    pltpu.async_copy(rows[s], acc.at[idx_d[s]], ssem[s],
                                     add=True)
            return carry

        lax.fori_loop(0, nit, body, 0)
        for s in range(ns):
            pltpu.make_async_copy(rows[s], acc.at[idx_d[s]], ssem[s]).wait()

        if tail_e:
            toff = base + nit * ns * chunk
            pltpu.sync_copy(src_hbm.at[pl.ds(toff, tail_e)], idx_ts)
            pltpu.sync_copy(dst_hbm.at[pl.ds(toff, tail_e)], idx_td)
            pltpu.async_copy(g_hbm.at[idx_ts], rows[0].at[pl.ds(0, tail_e)],
                             gsem[0]).wait()
            pltpu.sync_copy(rows[0].at[pl.ds(0, tail_e)], acc.at[idx_td],
                            add=True)
        plsc.subcore_barrier()

        out0 = cid * n
        pltpu.sync_copy(acc.at[pl.ds(row0, rpt)],
                        out_hbm.at[pl.ds(out0 + row0, rpt)])
        if tail:
            @pl.when(sid == _NS - 1)
            def _():
                pltpu.sync_copy(acc.at[pl.ds(_NS * rpt, tail)],
                                out_hbm.at[pl.ds(out0 + _NS * rpt, tail)])

    return k(g, src, dst)


def _tc_matmul_scale(x, w, deg_parts):
    n, din = x.shape
    dout = w.shape[1]
    b = 1000
    nb = n // b

    def body(x_ref, w_ref, p0_ref, p1_ref, o_ref, dv_ref):
        s = p0_ref[:, 0:1] + p1_ref[:, 0:1]
        dv = lax.rsqrt(s + 1.0)
        dv_ref[...] = dv
        h = jnp.dot(x_ref[...], w_ref[...], preferred_element_type=jnp.float32)
        o_ref[...] = h * dv

    return pl.pallas_call(
        body,
        grid=(nb,),
        in_specs=[
            pl.BlockSpec((b, din), lambda i: (i, 0)),
            pl.BlockSpec((din, dout), lambda i: (0, 0)),
            pl.BlockSpec((b, deg_parts.shape[1]), lambda i: (i, 0)),
            pl.BlockSpec((b, deg_parts.shape[1]), lambda i: (i + nb, 0)),
        ],
        out_specs=[
            pl.BlockSpec((b, dout), lambda i: (i, 0)),
            pl.BlockSpec((b, 1), lambda i: (i, 0)),
        ],
        out_shape=[
            jax.ShapeDtypeStruct((n, dout), jnp.float32),
            jax.ShapeDtypeStruct((n, 1), jnp.float32),
        ],
    )(x, w, deg_parts, deg_parts)


def _tc_mid(parts, g1, dinv_col, b1_row):
    n, d = g1.shape
    b = 1000
    nb = n // b

    def body(p0_ref, p1_ref, g_ref, dv_ref, b_ref, r_ref, s_ref):
        i = pl.program_id(0)
        z = (p0_ref[...] + p1_ref[...] + g_ref[...]) * dv_ref[...] + b_ref[...]
        r = jnp.maximum(z, 0.0)
        r_ref[...] = r

        @pl.when(i == 0)
        def _():
            s_ref[...] = jnp.zeros_like(s_ref)

        s_ref[0:1, :] += jnp.sum(r, axis=0, keepdims=True)
        s_ref[1:2, :] += jnp.sum(r * r, axis=0, keepdims=True)

    return pl.pallas_call(
        body,
        grid=(nb,),
        in_specs=[
            pl.BlockSpec((b, d), lambda i: (i, 0)),
            pl.BlockSpec((b, d), lambda i: (i + nb, 0)),
            pl.BlockSpec((b, d), lambda i: (i, 0)),
            pl.BlockSpec((b, 1), lambda i: (i, 0)),
            pl.BlockSpec((1, d), lambda i: (0, 0)),
        ],
        out_specs=[
            pl.BlockSpec((b, d), lambda i: (i, 0)),
            pl.BlockSpec((2, d), lambda i: (0, 0)),
        ],
        out_shape=[
            jax.ShapeDtypeStruct((n, d), jnp.float32),
            jax.ShapeDtypeStruct((2, d), jnp.float32),
        ],
    )(parts, parts, g1, dinv_col, b1_row)


def _tc_bn_matmul(r, stats, gamma_row, beta_row, w2, dinv_col):
    n, d = r.shape
    dout = w2.shape[1]
    b = 1000
    inv_n = 1.0 / n

    def body(r_ref, s_ref, ga_ref, be_ref, w_ref, dv_ref, o_ref):
        mean = s_ref[0:1, :] * inv_n
        ex2 = s_ref[1:2, :] * inv_n
        var = ex2 - mean * mean
        bn = ga_ref[...] * (r_ref[...] - mean) * lax.rsqrt(var + 1e-5) + be_ref[...]
        h = jnp.dot(bn, w_ref[...], preferred_element_type=jnp.float32)
        o_ref[...] = h * dv_ref[...]

    return pl.pallas_call(
        body,
        grid=(n // b,),
        in_specs=[
            pl.BlockSpec((b, d), lambda i: (i, 0)),
            pl.BlockSpec((2, d), lambda i: (0, 0)),
            pl.BlockSpec((1, d), lambda i: (0, 0)),
            pl.BlockSpec((1, d), lambda i: (0, 0)),
            pl.BlockSpec((d, dout), lambda i: (0, 0)),
            pl.BlockSpec((b, 1), lambda i: (i, 0)),
        ],
        out_specs=pl.BlockSpec((b, dout), lambda i: (i, 0)),
        out_shape=jax.ShapeDtypeStruct((n, dout), jnp.float32),
    )(r, stats, gamma_row, beta_row, w2, dinv_col)


def _tc_final(parts, g2, dinv_col, b2_row):
    n, d = g2.shape
    b = 1000
    nb = n // b

    def body(q0_ref, q1_ref, g_ref, dv_ref, b_ref, o_ref):
        z = (q0_ref[...] + q1_ref[...] + g_ref[...]) * dv_ref[...] + b_ref[...]
        m = jnp.max(z, axis=1, keepdims=True)
        ez = jnp.exp(z - m)
        lse = jnp.log(jnp.sum(ez, axis=1, keepdims=True))
        o_ref[...] = z - m - lse

    return pl.pallas_call(
        body,
        grid=(nb,),
        in_specs=[
            pl.BlockSpec((b, d), lambda i: (i, 0)),
            pl.BlockSpec((b, d), lambda i: (i + nb, 0)),
            pl.BlockSpec((b, d), lambda i: (i, 0)),
            pl.BlockSpec((b, 1), lambda i: (i, 0)),
            pl.BlockSpec((1, d), lambda i: (0, 0)),
        ],
        out_specs=pl.BlockSpec((b, d), lambda i: (i, 0)),
        out_shape=jax.ShapeDtypeStruct((n, d), jnp.float32),
    )(parts, parts, g2, dinv_col, b2_row)


def kernel(x, edge_index, W1, b1, gamma1, beta1, W2, b2):
    n = x.shape[0]
    src = edge_index[0]
    dst = edge_index[1]

    deg_parts = _sc_degree(dst, n, 128)
    g1, dinv_col = _tc_matmul_scale(x, W1, deg_parts)
    p = _sc_aggregate(g1, src, dst)
    r, stats = _tc_mid(p, g1, dinv_col, b1.reshape(1, -1))
    g2 = _tc_bn_matmul(r, stats, gamma1.reshape(1, -1), beta1.reshape(1, -1),
                       W2, dinv_col)
    q = _sc_aggregate(g2, src, dst)
    return _tc_final(q, g2, dinv_col, b2.reshape(1, -1))

# --- scband reference (transcript-rebuilt; emitter-appended) ---
"""Pipeline reference for scband-gcnmodel-31610959298975 (READ-ONLY COPY).

The authoritative reference and input builder live on the scoring server;
editing this copy changes nothing except your own understanding.
"""

import jax, jax.numpy as jnp
import numpy as np

N = 10000
E = 320000
D_IN = 128
D_HID = 128
D_OUT = 128


def setup_inputs(seed: int = 0):
    key = jax.random.key(seed)
    ks = jax.random.split(key, 8)
    x = jax.random.normal(ks[0], (N, D_IN), dtype=jnp.float32)
    edge_index = jax.random.randint(ks[1], (2, E), 0, N, dtype=jnp.int32)
    W1 = jax.random.normal(ks[2], (D_IN, D_HID), dtype=jnp.float32) * 0.05
    b1 = jnp.zeros((D_HID,), dtype=jnp.float32)
    gamma1 = jnp.ones((D_HID,), dtype=jnp.float32)
    beta1 = jnp.zeros((D_HID,), dtype=jnp.float32)
    W2 = jax.random.normal(ks[3], (D_HID, D_OUT), dtype=jnp.float32) * 0.05
    b2 = jnp.zeros((D_OUT,), dtype=jnp.float32)
    return {"x": x, "edge_index": edge_index, "W1": W1, "b1": b1,
            "gamma1": gamma1, "beta1": beta1, "W2": W2, "b2": b2}


def gcn_conv(h, edge_index, W, b, num_nodes):
    # GCN layer: H' = D~^{-1/2} A~ D~^{-1/2} H W + b, with A~ = A + I
    src = edge_index[0]
    dst = edge_index[1]
    loop = jnp.arange(num_nodes, dtype=src.dtype)
    src = jnp.concatenate([src, loop])
    dst = jnp.concatenate([dst, loop])
    h = h @ W
    deg = jnp.zeros((num_nodes,), dtype=h.dtype).at[dst].add(1.0)
    dinv = jax.lax.rsqrt(jnp.maximum(deg, 1.0))
    norm = dinv[src] * dinv[dst]
    msg = h[src] * norm[:, None]
    out = jnp.zeros((num_nodes, h.shape[1]), dtype=h.dtype).at[dst].add(msg)
    return out + b


def batch_norm(h, gamma, beta, eps=1e-5):
    mean = jnp.mean(h, axis=0)
    var = jnp.mean((h - mean) ** 2, axis=0)
    return gamma * (h - mean) * jax.lax.rsqrt(var + eps) + beta


def reference(x, edge_index, W1, b1, gamma1, beta1, W2, b2):
    num_nodes = x.shape[0]
    h = gcn_conv(x, edge_index, W1, b1, num_nodes)
    h = jax.nn.relu(h)
    h = batch_norm(h, gamma1, beta1)
    # dropout p=0.0 -> identity
    h = gcn_conv(h, edge_index, W2, b2, num_nodes)
    return jax.nn.log_softmax(h, axis=1)

if __name__ == "__main__":
    import jax
    _d = setup_inputs()
    print(jax.jit(kernel)(*tuple(_d.values())))

</pallas_src>

<mosaic_0001>
#map = affine_map<(d0, d1) -> (0)>
#map1 = affine_map<(d0, d1) -> (0, 0)>
module attributes {stable_mosaic.version = 14 : i64} {
  func.func @k(%arg0: i32, %arg1: i32, %arg2: memref<320000xi32, #tpu.memory_space<hbm>>, %arg3: memref<20000x128xf32, #tpu.memory_space<hbm>>, %arg4: memref<10000x128xf32, #tpu.memory_space<vmem_shared>>, %arg5: memref<64xi32, #tpu.memory_space<vmem>>, %arg6: memref<64xi32, #tpu.memory_space<vmem>>, %arg7: memref<64xi32, #tpu.memory_space<vmem>>, %arg8: memref<64xi32, #tpu.memory_space<vmem>>, %arg9: memref<16xi32, #tpu.memory_space<vmem>>, %arg10: memref<64x128xf32, #tpu.memory_space<vmem>>, %arg11: memref<48x128xf32, #tpu.memory_space<vmem>>, %arg12: memref<!tpu.dma_semaphore, #tpu.memory_space<semaphore_mem>>, %arg13: memref<!tpu.dma_semaphore, #tpu.memory_space<semaphore_mem>>, %arg14: memref<!tpu.dma_semaphore, #tpu.memory_space<semaphore_mem>>, %arg15: memref<!tpu.dma_semaphore, #tpu.memory_space<semaphore_mem>>, %arg16: memref<!tpu.dma_semaphore, #tpu.memory_space<semaphore_mem>>) attributes {dimension_semantics = [#tpu.dimension_semantics<core_parallel>, #tpu.dimension_semantics<subcore_parallel>], iteration_bounds = array<i64: 2, 16>, scalar_prefetch = 0 : i64, scratch_operands = 13 : i64, tpu.core_type = #tpu.core_type<sc_vector_subcore>, window_params = [{transform_indices = #map}, {transform_indices = #map1}]} {
    %broadcast_in_dim3A = arith.constant 0.000000e+00 : f32
    %broadcast_in_dim3A_0 = vector.broadcast %broadcast_in_dim3A : f32 to vector<16xf32>
    %broadcast_in_dim3A_1 = arith.constant 1.000000e+00 : f32
    %broadcast_in_dim3A_2 = vector.broadcast %broadcast_in_dim3A_1 : f32 to vector<16xf32>
    %scan3A = arith.constant 0 : i32
    %scan3A_3 = arith.constant 0 : i32
    %scan3A_4 = arith.constant 48 : i32
    %scan3A_5 = arith.addi %scan3A_3, %scan3A_4 : i32
    %scan3A_6 = arith.constant 1 : i32
    scf.for %scan3A_75 = %scan3A_3 to %scan3A_5 step %scan3A_6  : i32 {
      %scan3A_76 = arith.constant 0 : i32
      %scan3A_77 = arith.constant 0 : i32
      %scan3A_78 = arith.constant 8 : i32
      %scan3A_79 = arith.addi %scan3A_77, %scan3A_78 : i32
      %scan3A_80 = arith.constant 1 : i32
      scf.for %scan3A_82 = %scan3A_77 to %scan3A_79 step %scan3A_80  : i32 {
        %mul3A_83 = arith.constant 16 : i32
        %mul3A_84 = arith.muli %scan3A_82, %mul3A_83 : i32
        %swap3A = arith.index_cast %scan3A_75 : i32 to index
        %swap3A_85 = arith.index_cast %mul3A_84 : i32 to index
        %swap3A_86 = tpu.vector_load %arg11[%swap3A, %swap3A_85] {strides = array<i32>} : memref<48x128xf32, #tpu.memory_space<vmem>>, vector<1x16xf32>,
        %swap3A_87 = vector.shape_cast %swap3A_86 : vector<1x16xf32> to vector<16xf32>
        %swap3A_88 = vector.shape_cast %broadcast_in_dim3A_0 : vector<16xf32> to vector<1x16xf32>
        tpu.vector_store %arg11[%swap3A, %swap3A_85], %swap3A_88 {strides = array<i32>} : memref<48x128xf32, #tpu.memory_space<vmem>>, vector<1x16xf32>,
      }
      %scan3A_81 = arith.constant 8 : i32
    }
    %scan3A_7 = arith.constant 48 : i32
    %scan3A_8 = arith.constant 0 : i32
    %scan3A_9 = arith.constant 0 : i32
    %scan3A_10 = arith.constant 64 : i32
    %scan3A_11 = arith.addi %scan3A_9, %scan3A_10 : i32
    %scan3A_12 = arith.constant 1 : i32
    scf.for %scan3A_75 = %scan3A_9 to %scan3A_11 step %scan3A_12  : i32 {
      %scan3A_76 = arith.constant 0 : i32
      %scan3A_77 = arith.constant 0 : i32
      %scan3A_78 = arith.constant 8 : i32
      %scan3A_79 = arith.addi %scan3A_77, %scan3A_78 : i32
      %scan3A_80 = arith.constant 1 : i32
      scf.for %scan3A_82 = %scan3A_77 to %scan3A_79 step %scan3A_80  : i32 {
        %mul3A_83 = arith.constant 16 : i32
        %mul3A_84 = arith.muli %scan3A_82, %mul3A_83 : i32
        %swap3A = arith.index_cast %scan3A_75 : i32 to index
        %swap3A_85 = arith.index_cast %mul3A_84 : i32 to index
        %swap3A_86 = tpu.vector_load %arg10[%swap3A, %swap3A_85] {strides = array<i32>} : memref<64x128xf32, #tpu.memory_space<vmem>>, vector<1x16xf32>,
        %swap3A_87 = vector.shape_cast %swap3A_86 : vector<1x16xf32> to vector<16xf32>
        %swap3A_88 = vector.shape_cast %broadcast_in_dim3A_2 : vector<16xf32> to vector<1x16xf32>
        tpu.vector_store %arg10[%swap3A, %swap3A_85], %swap3A_88 {strides = array<i32>} : memref<64x128xf32, #tpu.memory_space<vmem>>, vector<1x16xf32>,
      }
      %scan3A_81 = arith.constant 8 : i32
    }
    %scan3A_13 = arith.constant 64 : i32
    %mul3A = arith.constant 624 : i32
    %mul3A_14 = arith.muli %arg1, %mul3A : i32
    %add3A = arith.constant 0 : i32
    %add3A_15 = arith.addi %mul3A_14, %add3A : i32
    "tpu.region"() ({
      %run_scoped3A = tpu.sem_alloc : memref<!tpu.dma_semaphore, #tpu.memory_space<semaphore_mem>>
      %dma_start3A = arith.constant 0 : i32
      %dma_start3A_75 = tpu.memref_slice %arg4[%add3A_15, %dma_start3A] : memref<10000x128xf32, #tpu.memory_space<vmem_shared>> -> memref<48x128xf32, #tpu.memory_space<vmem_shared>>
      %dma_start3A_76 = arith.constant 0 : i32
      %dma_start3A_77 = tpu.memref_slice %arg4[%add3A_15, %dma_start3A_76] : memref<10000x128xf32, #tpu.memory_space<vmem_shared>> -> memref<48x128xf32, #tpu.memory_space<vmem_shared>>
      tpu.enqueue_dma source(%arg11 : memref<48x128xf32, #tpu.memory_space<vmem>>) target(%dma_start3A_77 : memref<48x128xf32, #tpu.memory_space<vmem_shared>>) target_semaphore(%run_scoped3A : memref<!tpu.dma_semaphore, #tpu.memory_space<semaphore_mem>>)
      %dma_wait3A_78 = arith.constant 0 : i32
      %dma_wait3A_79 = tpu.memref_slice %arg4[%add3A_15, %dma_wait3A_78] : memref<10000x128xf32, #tpu.memory_space<vmem_shared>> -> memref<48x128xf32, #tpu.memory_space<vmem_shared>>
      %dma_wait3A_80 = arith.constant 0 : i32
      %dma_wait3A_81 = tpu.memref_slice %arg4[%add3A_15, %dma_wait3A_80] : memref<10000x128xf32, #tpu.memory_space<vmem_shared>> -> memref<48x128xf32, #tpu.memory_space<vmem_shared>>
      tpu.wait_dma2 semaphore(%run_scoped3A : memref<!tpu.dma_semaphore, #tpu.memory_space<semaphore_mem>>) src(%arg11 : memref<48x128xf32, #tpu.memory_space<vmem>>) dst(%dma_wait3A_81 : memref<48x128xf32, #tpu.memory_space<vmem_shared>>)
      tpu.yield
    }) : () -> ()
    %add3A_16 = arith.constant 48 : i32
    %add3A_17 = arith.addi %mul3A_14, %add3A_16 : i32
    "tpu.region"() ({
      %run_scoped3A = tpu.sem_alloc : memref<!tpu.dma_semaphore, #tpu.memory_space<semaphore_mem>>
      %dma_start3A = arith.constant 0 : i32
      %dma_start3A_75 = tpu.memref_slice %arg4[%add3A_17, %dma_start3A] : memref<10000x128xf32, #tpu.memory_space<vmem_shared>> -> memref<48x128xf32, #tpu.memory_space<vmem_shared>>
      %dma_start3A_76 = arith.constant 0 : i32
      %dma_start3A_77 = tpu.memref_slice %arg4[%add3A_17, %dma_start3A_76] : memref<10000x128xf32, #tpu.memory_space<vmem_shared>> -> memref<48x128xf32, #tpu.memory_space<vmem_shared>>
      tpu.enqueue_dma source(%arg11 : memref<48x128xf32, #tpu.memory_space<vmem>>) target(%dma_start3A_77 : memref<48x128xf32, #tpu.memory_space<vmem_shared>>) target_semaphore(%run_scoped3A : memref<!tpu.dma_semaphore, #tpu.memory_space<semaphore_mem>>)
      %dma_wait3A_78 = arith.constant 0 : i32
      %dma_wait3A_79 = tpu.memref_slice %arg4[%add3A_17, %dma_wait3A_78] : memref<10000x128xf32, #tpu.memory_space<vmem_shared>> -> memref<48x128xf32, #tpu.memory_space<vmem_shared>>
      %dma_wait3A_80 = arith.constant 0 : i32
      %dma_wait3A_81 = tpu.memref_slice %arg4[%add3A_17, %dma_wait3A_80] : memref<10000x128xf32, #tpu.memory_space<vmem_shared>> -> memref<48x128xf32, #tpu.memory_space<vmem_shared>>
      tpu.wait_dma2 semaphore(%run_scoped3A : memref<!tpu.dma_semaphore, #tpu.memory_space<semaphore_mem>>) src(%arg11 : memref<48x128xf32, #tpu.memory_space<vmem>>) dst(%dma_wait3A_81 : memref<48x128xf32, #tpu.memory_space<vmem_shared>>)
      tpu.yield
    }) : () -> ()
    %add3A_18 = arith.constant 96 : i32
    %add3A_19 = arith.addi %mul3A_14, %add3A_18 : i32
    "tpu.region"() ({
      %run_scoped3A = tpu.sem_alloc : memref<!tpu.dma_semaphore, #tpu.memory_space<semaphore_mem>>
      %dma_start3A = arith.constant 0 : i32
      %dma_start3A_75 = tpu.memref_slice %arg4[%add3A_19, %dma_start3A] : memref<10000x128xf32, #tpu.memory_space<vmem_shared>> -> memref<48x128xf32, #tpu.memory_space<vmem_shared>>
      %dma_start3A_76 = arith.constant 0 : i32
      %dma_start3A_77 = tpu.memref_slice %arg4[%add3A_19, %dma_start3A_76] : memref<10000x128xf32, #tpu.memory_space<vmem_shared>> -> memref<48x128xf32, #tpu.memory_space<vmem_shared>>
      tpu.enqueue_dma source(%arg11 : memref<48x128xf32, #tpu.memory_space<vmem>>) target(%dma_start3A_77 : memref<48x128xf32, #tpu.memory_space<vmem_shared>>) target_semaphore(%run_scoped3A : memref<!tpu.dma_semaphore, #tpu.memory_space<semaphore_mem>>)
      %dma_wait3A_78 = arith.constant 0 : i32
      %dma_wait3A_79 = tpu.memref_slice %arg4[%add3A_19, %dma_wait3A_78] : memref<10000x128xf32, #tpu.memory_space<vmem_shared>> -> memref<48x128xf32, #tpu.memory_space<vmem_shared>>
      %dma_wait3A_80 = arith.constant 0 : i32
      %dma_wait3A_81 = tpu.memref_slice %arg4[%add3A_19, %dma_wait3A_80] : memref<10000x128xf32, #tpu.memory_space<vmem_shared>> -> memref<48x128xf32, #tpu.memory_space<vmem_shared>>
      tpu.wait_dma2 semaphore(%run_scoped3A : memref<!tpu.dma_semaphore, #tpu.memory_space<semaphore_mem>>) src(%arg11 : memref<48x128xf32, #tpu.memory_space<vmem>>) dst(%dma_wait3A_81 : memref<48x128xf32, #tpu.memory_space<vmem_shared>>)
      tpu.yield
    }) : () -> ()
    %add3A_20 = arith.constant 144 : i32
    %add3A_21 = arith.addi %mul3A_14, %add3A_20 : i32
    "tpu.region"() ({
      %run_scoped3A = tpu.sem_alloc : memref<!tpu.dma_semaphore, #tpu.memory_space<semaphore_mem>>
      %dma_start3A = arith.constant 0 : i32
      %dma_start3A_75 = tpu.memref_slice %arg4[%add3A_21, %dma_start3A] : memref<10000x128xf32, #tpu.memory_space<vmem_shared>> -> memref<48x128xf32, #tpu.memory_space<vmem_shared>>
      %dma_start3A_76 = arith.constant 0 : i32
      %dma_start3A_77 = tpu.memref_slice %arg4[%add3A_21, %dma_start3A_76] : memref<10000x128xf32, #tpu.memory_space<vmem_shared>> -> memref<48x128xf32, #tpu.memory_space<vmem_shared>>
      tpu.enqueue_dma source(%arg11 : memref<48x128xf32, #tpu.memory_space<vmem>>) target(%dma_start3A_77 : memref<48x128xf32, #tpu.memory_space<vmem_shared>>) target_semaphore(%run_scoped3A : memref<!tpu.dma_semaphore, #tpu.memory_space<semaphore_mem>>)
      %dma_wait3A_78 = arith.constant 0 : i32
      %dma_wait3A_79 = tpu.memref_slice %arg4[%add3A_21, %dma_wait3A_78] : memref<10000x128xf32, #tpu.memory_space<vmem_shared>> -> memref<48x128xf32, #tpu.memory_space<vmem_shared>>
      %dma_wait3A_80 = arith.constant 0 : i32
      %dma_wait3A_81 = tpu.memref_slice %arg4[%add3A_21, %dma_wait3A_80] : memref<10000x128xf32, #tpu.memory_space<vmem_shared>> -> memref<48x128xf32, #tpu.memory_space<vmem_shared>>
      tpu.wait_dma2 semaphore(%run_scoped3A : memref<!tpu.dma_semaphore, #tpu.memory_space<semaphore_mem>>) src(%arg11 : memref<48x128xf32, #tpu.memory_space<vmem>>) dst(%dma_wait3A_81 : memref<48x128xf32, #tpu.memory_space<vmem_shared>>)
      tpu.yield
    }) : () -> ()
    %add3A_22 = arith.constant 192 : i32
    %add3A_23 = arith.addi %mul3A_14, %add3A_22 : i32
    "tpu.region"() ({
      %run_scoped3A = tpu.sem_alloc : memref<!tpu.dma_semaphore, #tpu.memory_space<semaphore_mem>>
      %dma_start3A = arith.constant 0 : i32
      %dma_start3A_75 = tpu.memref_slice %arg4[%add3A_23, %dma_start3A] : memref<10000x128xf32, #tpu.memory_space<vmem_shared>> -> memref<48x128xf32, #tpu.memory_space<vmem_shared>>
      %dma_start3A_76 = arith.constant 0 : i32
      %dma_start3A_77 = tpu.memref_slice %arg4[%add3A_23, %dma_start3A_76] : memref<10000x128xf32, #tpu.memory_space<vmem_shared>> -> memref<48x128xf32, #tpu.memory_space<vmem_shared>>
      tpu.enqueue_dma source(%arg11 : memref<48x128xf32, #tpu.memory_space<vmem>>) target(%dma_start3A_77 : memref<48x128xf32, #tpu.memory_space<vmem_shared>>) target_semaphore(%run_scoped3A : memref<!tpu.dma_semaphore, #tpu.memory_space<semaphore_mem>>)
      %dma_wait3A_78 = arith.constant 0 : i32
      %dma_wait3A_79 = tpu.memref_slice %arg4[%add3A_23, %dma_wait3A_78] : memref<10000x128xf32, #tpu.memory_space<vmem_shared>> -> memref<48x128xf32, #tpu.memory_space<vmem_shared>>
      %dma_wait3A_80 = arith.constant 0 : i32
      %dma_wait3A_81 = tpu.memref_slice %arg4[%add3A_23, %dma_wait3A_80] : memref<10000x128xf32, #tpu.memory_space<vmem_shared>> -> memref<48x128xf32, #tpu.memory_space<vmem_shared>>
      tpu.wait_dma2 semaphore(%run_scoped3A : memref<!tpu.dma_semaphore, #tpu.memory_space<semaphore_mem>>) src(%arg11 : memref<48x128xf32, #tpu.memory_space<vmem>>) dst(%dma_wait3A_81 : memref<48x128xf32, #tpu.memory_space<vmem_shared>>)
      tpu.yield
    }) : () -> ()
    %add3A_24 = arith.constant 240 : i32
    %add3A_25 = arith.addi %mul3A_14, %add3A_24 : i32
    "tpu.region"() ({
      %run_scoped3A = tpu.sem_alloc : memref<!tpu.dma_semaphore, #tpu.memory_space<semaphore_mem>>
      %dma_start3A = arith.constant 0 : i32
      %dma_start3A_75 = tpu.memref_slice %arg4[%add3A_25, %dma_start3A] : memref<10000x128xf32, #tpu.memory_space<vmem_shared>> -> memref<48x128xf32, #tpu.memory_space<vmem_shared>>
      %dma_start3A_76 = arith.constant 0 : i32
      %dma_start3A_77 = tpu.memref_slice %arg4[%add3A_25, %dma_start3A_76] : memref<10000x128xf32, #tpu.memory_space<vmem_shared>> -> memref<48x128xf32, #tpu.memory_space<vmem_shared>>
      tpu.enqueue_dma source(%arg11 : memref<48x128xf32, #tpu.memory_space<vmem>>) target(%dma_start3A_77 : memref<48x128xf32, #tpu.memory_space<vmem_shared>>) target_semaphore(%run_scoped3A : memref<!tpu.dma_semaphore, #tpu.memory_space<semaphore_mem>>)
      %dma_wait3A_78 = arith.constant 0 : i32
      %dma_wait3A_79 = tpu.memref_slice %arg4[%add3A_25, %dma_wait3A_78] : memref<10000x128xf32, #tpu.memory_space<vmem_shared>> -> memref<48x128xf32, #tpu.memory_space<vmem_shared>>
      %dma_wait3A_80 = arith.constant 0 : i32
      %dma_wait3A_81 = tpu.memref_slice %arg4[%add3A_25, %dma_wait3A_80] : memref<10000x128xf32, #tpu.memory_space<vmem_shared>> -> memref<48x128xf32, #tpu.memory_space<vmem_shared>>
      tpu.wait_dma2 semaphore(%run_scoped3A : memref<!tpu.dma_semaphore, #tpu.memory_space<semaphore_mem>>) src(%arg11 : memref<48x128xf32, #tpu.memory_space<vmem>>) dst(%dma_wait3A_81 : memref<48x128xf32, #tpu.memory_space<vmem_shared>>)
      tpu.yield
    }) : () -> ()
    %add3A_26 = arith.constant 288 : i32
    %add3A_27 = arith.addi %mul3A_14, %add3A_26 : i32
    "tpu.region"() ({
      %run_scoped3A = tpu.sem_alloc : memref<!tpu.dma_semaphore, #tpu.memory_space<semaphore_mem>>
      %dma_start3A = arith.constant 0 : i32
      %dma_start3A_75 = tpu.memref_slice %arg4[%add3A_27, %dma_start3A] : memref<10000x128xf32, #tpu.memory_space<vmem_shared>> -> memref<48x128xf32, #tpu.memory_space<vmem_shared>>
      %dma_start3A_76 = arith.constant 0 : i32
      %dma_start3A_77 = tpu.memref_slice %arg4[%add3A_27, %dma_start3A_76] : memref<10000x128xf32, #tpu.memory_space<vmem_shared>> -> memref<48x128xf32, #tpu.memory_space<vmem_shared>>
      tpu.enqueue_dma source(%arg11 : memref<48x128xf32, #tpu.memory_space<vmem>>) target(%dma_start3A_77 : memref<48x128xf32, #tpu.memory_space<vmem_shared>>) target_semaphore(%run_scoped3A : memref<!tpu.dma_semaphore, #tpu.memory_space<semaphore_mem>>)
      %dma_wait3A_78 = arith.constant 0 : i32
      %dma_wait3A_79 = tpu.memref_slice %arg4[%add3A_27, %dma_wait3A_78] : memref<10000x128xf32, #tpu.memory_space<vmem_shared>> -> memref<48x128xf32, #tpu.memory_space<vmem_shared>>
      %dma_wait3A_80 = arith.constant 0 : i32
      %dma_wait3A_81 = tpu.memref_slice %arg4[%add3A_27, %dma_wait3A_80] : memref<10000x128xf32, #tpu.memory_space<vmem_shared>> -> memref<48x128xf32, #tpu.memory_space<vmem_shared>>
      tpu.wait_dma2 semaphore(%run_scoped3A : memref<!tpu.dma_semaphore, #tpu.memory_space<semaphore_mem>>) src(%arg11 : memref<48x128xf32, #tpu.memory_space<vmem>>) dst(%dma_wait3A_81 : memref<48x128xf32, #tpu.memory_space<vmem_shared>>)
      tpu.yield
    }) : () -> ()
    %add3A_28 = arith.constant 336 : i32
    %add3A_29 = arith.addi %mul3A_14, %add3A_28 : i32
    "tpu.region"() ({
      %run_scoped3A = tpu.sem_alloc : memref<!tpu.dma_semaphore, #tpu.memory_space<semaphore_mem>>
      %dma_start3A = arith.constant 0 : i32
      %dma_start3A_75 = tpu.memref_slice %arg4[%add3A_29, %dma_start3A] : memref<10000x128xf32, #tpu.memory_space<vmem_shared>> -> memref<48x128xf32, #tpu.memory_space<vmem_shared>>
      %dma_start3A_76 = arith.constant 0 : i32
      %dma_start3A_77 = tpu.memref_slice %arg4[%add3A_29, %dma_start3A_76] : memref<10000x128xf32, #tpu.memory_space<vmem_shared>> -> memref<48x128xf32, #tpu.memory_space<vmem_shared>>
      tpu.enqueue_dma source(%arg11 : memref<48x128xf32, #tpu.memory_space<vmem>>) target(%dma_start3A_77 : memref<48x128xf32, #tpu.memory_space<vmem_shared>>) target_semaphore(%run_scoped3A : memref<!tpu.dma_semaphore, #tpu.memory_space<semaphore_mem>>)
      %dma_wait3A_78 = arith.constant 0 : i32
      %dma_wait3A_79 = tpu.memref_slice %arg4[%add3A_29, %dma_wait3A_78] : memref<10000x128xf32, #tpu.memory_space<vmem_shared>> -> memref<48x128xf32, #tpu.memory_space<vmem_shared>>
      %dma_wait3A_80 = arith.constant 0 : i32
      %dma_wait3A_81 = tpu.memref_slice %arg4[%add3A_29, %dma_wait3A_80] : memref<10000x128xf32, #tpu.memory_space<vmem_shared>> -> memref<48x128xf32, #tpu.memory_space<vmem_shared>>
      tpu.wait_dma2 semaphore(%run_scoped3A : memref<!tpu.dma_semaphore, #tpu.memory_space<semaphore_mem>>) src(%arg11 : memref<48x128xf32, #tpu.memory_space<vmem>>) dst(%dma_wait3A_81 : memref<48x128xf32, #tpu.memory_space<vmem_shared>>)
      tpu.yield
    }) : () -> ()
    %add3A_30 = arith.constant 384 : i32
    %add3A_31 = arith.addi %mul3A_14, %add3A_30 : i32
    "tpu.region"() ({
      %run_scoped3A = tpu.sem_alloc : memref<!tpu.dma_semaphore, #tpu.memory_space<semaphore_mem>>
      %dma_start3A = arith.constant 0 : i32
      %dma_start3A_75 = tpu.memref_slice %arg4[%add3A_31, %dma_start3A] : memref<10000x128xf32, #tpu.memory_space<vmem_shared>> -> memref<48x128xf32, #tpu.memory_space<vmem_shared>>
      %dma_start3A_76 = arith.constant 0 : i32
      %dma_start3A_77 = tpu.memref_slice %arg4[%add3A_31, %dma_start3A_76] : memref<10000x128xf32, #tpu.memory_space<vmem_shared>> -> memref<48x128xf32, #tpu.memory_space<vmem_shared>>
      tpu.enqueue_dma source(%arg11 : memref<48x128xf32, #tpu.memory_space<vmem>>) target(%dma_start3A_77 : memref<48x128xf32, #tpu.memory_space<vmem_shared>>) target_semaphore(%run_scoped3A : memref<!tpu.dma_semaphore, #tpu.memory_space<semaphore_mem>>)
      %dma_wait3A_78 = arith.constant 0 : i32
      %dma_wait3A_79 = tpu.memref_slice %arg4[%add3A_31, %dma_wait3A_78] : memref<10000x128xf32, #tpu.memory_space<vmem_shared>> -> memref<48x128xf32, #tpu.memory_space<vmem_shared>>
      %dma_wait3A_80 = arith.constant 0 : i32
      %dma_wait3A_81 = tpu.memref_slice %arg4[%add3A_31, %dma_wait3A_80] : memref<10000x128xf32, #tpu.memory_space<vmem_shared>> -> memref<48x128xf32, #tpu.memory_space<vmem_shared>>
      tpu.wait_dma2 semaphore(%run_scoped3A : memref<!tpu.dma_semaphore, #tpu.memory_space<semaphore_mem>>) src(%arg11 : memref<48x128xf32, #tpu.memory_space<vmem>>) dst(%dma_wait3A_81 : memref<48x128xf32, #tpu.memory_space<vmem_shared>>)
      tpu.yield
    }) : () -> ()
    %add3A_32 = arith.constant 432 : i32
    %add3A_33 = arith.addi %mul3A_14, %add3A_32 : i32
    "tpu.region"() ({
      %run_scoped3A = tpu.sem_alloc : memref<!tpu.dma_semaphore, #tpu.memory_space<semaphore_mem>>
      %dma_start3A = arith.constant 0 : i32
      %dma_start3A_75 = tpu.memref_slice %arg4[%add3A_33, %dma_start3A] : memref<10000x128xf32, #tpu.memory_space<vmem_shared>> -> memref<48x128xf32, #tpu.memory_space<vmem_shared>>
      %dma_start3A_76 = arith.constant 0 : i32
      %dma_start3A_77 = tpu.memref_slice %arg4[%add3A_33, %dma_start3A_76] : memref<10000x128xf32, #tpu.memory_space<vmem_shared>> -> memref<48x128xf32, #tpu.memory_space<vmem_shared>>
      tpu.enqueue_dma source(%arg11 : memref<48x128xf32, #tpu.memory_space<vmem>>) target(%dma_start3A_77 : memref<48x128xf32, #tpu.memory_space<vmem_shared>>) target_semaphore(%run_scoped3A : memref<!tpu.dma_semaphore, #tpu.memory_space<semaphore_mem>>)
      %dma_wait3A_78 = arith.constant 0 : i32
      %dma_wait3A_79 = tpu.memref_slice %arg4[%add3A_33, %dma_wait3A_78] : memref<10000x128xf32, #tpu.memory_space<vmem_shared>> -> memref<48x128xf32, #tpu.memory_space<vmem_shared>>
      %dma_wait3A_80 = arith.constant 0 : i32
      %dma_wait3A_81 = tpu.memref_slice %arg4[%add3A_33, %dma_wait3A_80] : memref<10000x128xf32, #tpu.memory_space<vmem_shared>> -> memref<48x128xf32, #tpu.memory_space<vmem_shared>>
      tpu.wait_dma2 semaphore(%run_scoped3A : memref<!tpu.dma_semaphore, #tpu.memory_space<semaphore_mem>>) src(%arg11 : memref<48x128xf32, #tpu.memory_space<vmem>>) dst(%dma_wait3A_81 : memref<48x128xf32, #tpu.memory_space<vmem_shared>>)
      tpu.yield
    }) : () -> ()
    %add3A_34 = arith.constant 480 : i32
    %add3A_35 = arith.addi %mul3A_14, %add3A_34 : i32
    "tpu.region"() ({
      %run_scoped3A = tpu.sem_alloc : memref<!tpu.dma_semaphore, #tpu.memory_space<semaphore_mem>>
      %dma_start3A = arith.constant 0 : i32
      %dma_start3A_75 = tpu.memref_slice %arg4[%add3A_35, %dma_start3A] : memref<10000x128xf32, #tpu.memory_space<vmem_shared>> -> memref<48x128xf32, #tpu.memory_space<vmem_shared>>
      %dma_start3A_76 = arith.constant 0 : i32
      %dma_start3A_77 = tpu.memref_slice %arg4[%add3A_35, %dma_start3A_76] : memref<10000x128xf32, #tpu.memory_space<vmem_shared>> -> memref<48x128xf32, #tpu.memory_space<vmem_shared>>
      tpu.enqueue_dma source(%arg11 : memref<48x128xf32, #tpu.memory_space<vmem>>) target(%dma_start3A_77 : memref<48x128xf32, #tpu.memory_space<vmem_shared>>) target_semaphore(%run_scoped3A : memref<!tpu.dma_semaphore, #tpu.memory_space<semaphore_mem>>)
      %dma_wait3A_78 = arith.constant 0 : i32
      %dma_wait3A_79 = tpu.memref_slice %arg4[%add3A_35, %dma_wait3A_78] : memref<10000x128xf32, #tpu.memory_space<vmem_shared>> -> memref<48x128xf32, #tpu.memory_space<vmem_shared>>
      %dma_wait3A_80 = arith.constant 0 : i32
      %dma_wait3A_81 = tpu.memref_slice %arg4[%add3A_35, %dma_wait3A_80] : memref<10000x128xf32, #tpu.memory_space<vmem_shared>> -> memref<48x128xf32, #tpu.memory_space<vmem_shared>>
      tpu.wait_dma2 semaphore(%run_scoped3A : memref<!tpu.dma_semaphore, #tpu.memory_space<semaphore_mem>>) src(%arg11 : memref<48x128xf32, #tpu.memory_space<vmem>>) dst(%dma_wait3A_81 : memref<48x128xf32, #tpu.memory_space<vmem_shared>>)
      tpu.yield
    }) : () -> ()
    %add3A_36 = arith.constant 528 : i32
    %add3A_37 = arith.addi %mul3A_14, %add3A_36 : i32
    "tpu.region"() ({
      %run_scoped3A = tpu.sem_alloc : memref<!tpu.dma_semaphore, #tpu.memory_space<semaphore_mem>>
      %dma_start3A = arith.constant 0 : i32
      %dma_start3A_75 = tpu.memref_slice %arg4[%add3A_37, %dma_start3A] : memref<10000x128xf32, #tpu.memory_space<vmem_shared>> -> memref<48x128xf32, #tpu.memory_space<vmem_shared>>
      %dma_start3A_76 = arith.constant 0 : i32
      %dma_start3A_77 = tpu.memref_slice %arg4[%add3A_37, %dma_start3A_76] : memref<10000x128xf32, #tpu.memory_space<vmem_shared>> -> memref<48x128xf32, #tpu.memory_space<vmem_shared>>
      tpu.enqueue_dma source(%arg11 : memref<48x128xf32, #tpu.memory_space<vmem>>) target(%dma_start3A_77 : memref<48x128xf32, #tpu.memory_space<vmem_shared>>) target_semaphore(%run_scoped3A : memref<!tpu.dma_semaphore, #tpu.memory_space<semaphore_mem>>)
      %dma_wait3A_78 = arith.constant 0 : i32
      %dma_wait3A_79 = tpu.memref_slice %arg4[%add3A_37, %dma_wait3A_78] : memref<10000x128xf32, #tpu.memory_space<vmem_shared>> -> memref<48x128xf32, #tpu.memory_space<vmem_shared>>
      %dma_wait3A_80 = arith.constant 0 : i32
      %dma_wait3A_81 = tpu.memref_slice %arg4[%add3A_37, %dma_wait3A_80] : memref<10000x128xf32, #tpu.memory_space<vmem_shared>> -> memref<48x128xf32, #tpu.memory_space<vmem_shared>>
      tpu.wait_dma2 semaphore(%run_scoped3A : memref<!tpu.dma_semaphore, #tpu.memory_space<semaphore_mem>>) src(%arg11 : memref<48x128xf32, #tpu.memory_space<vmem>>) dst(%dma_wait3A_81 : memref<48x128xf32, #tpu.memory_space<vmem_shared>>)
      tpu.yield
    }) : () -> ()
    %add3A_38 = arith.constant 576 : i32
    %add3A_39 = arith.addi %mul3A_14, %add3A_38 : i32
    "tpu.region"() ({
      %run_scoped3A = tpu.sem_alloc : memref<!tpu.dma_semaphore, #tpu.memory_space<semaphore_mem>>
      %dma_start3A = arith.constant 0 : i32
      %dma_start3A_75 = tpu.memref_slice %arg4[%add3A_39, %dma_start3A] : memref<10000x128xf32, #tpu.memory_space<vmem_shared>> -> memref<48x128xf32, #tpu.memory_space<vmem_shared>>
      %dma_start3A_76 = arith.constant 0 : i32
      %dma_start3A_77 = tpu.memref_slice %arg4[%add3A_39, %dma_start3A_76] : memref<10000x128xf32, #tpu.memory_space<vmem_shared>> -> memref<48x128xf32, #tpu.memory_space<vmem_shared>>
      tpu.enqueue_dma source(%arg11 : memref<48x128xf32, #tpu.memory_space<vmem>>) target(%dma_start3A_77 : memref<48x128xf32, #tpu.memory_space<vmem_shared>>) target_semaphore(%run_scoped3A : memref<!tpu.dma_semaphore, #tpu.memory_space<semaphore_mem>>)
      %dma_wait3A_78 = arith.constant 0 : i32
      %dma_wait3A_79 = tpu.memref_slice %arg4[%add3A_39, %dma_wait3A_78] : memref<10000x128xf32, #tpu.memory_space<vmem_shared>> -> memref<48x128xf32, #tpu.memory_space<vmem_shared>>
      %dma_wait3A_80 = arith.constant 0 : i32
      %dma_wait3A_81 = tpu.memref_slice %arg4[%add3A_39, %dma_wait3A_80] : memref<10000x128xf32, #tpu.memory_space<vmem_shared>> -> memref<48x128xf32, #tpu.memory_space<vmem_shared>>
      tpu.wait_dma2 semaphore(%run_scoped3A : memref<!tpu.dma_semaphore, #tpu.memory_space<semaphore_mem>>) src(%arg11 : memref<48x128xf32, #tpu.memory_space<vmem>>) dst(%dma_wait3A_81 : memref<48x128xf32, #tpu.memory_space<vmem_shared>>)
      tpu.yield
    }) : () -> ()
    %eq3A = arith.constant 15 : i32
    %eq3A_40 = arith.cmpi eq, %arg1, %eq3A : i32
    %convert_element_type3A = arith.extui %eq3A_40 : i1 to i32
    %cond3A = arith.constant 0 : i32
    %cond3A_41 = arith.cmpi ne, %convert_element_type3A, %cond3A : i32
    scf.if %cond3A_41 {
      "tpu.region"() ({
        %run_scoped3A = tpu.sem_alloc : memref<!tpu.dma_semaphore, #tpu.memory_space<semaphore_mem>>
        %dma_start3A = arith.constant 0 : i32
        %dma_start3A_75 = arith.constant 0 : i32
        %dma_start3A_76 = tpu.memref_slice %arg11[%dma_start3A, %dma_start3A_75] : memref<48x128xf32, #tpu.memory_space<vmem>> -> memref<16x128xf32, #tpu.memory_space<vmem>>
        %dma_start3A_77 = arith.constant 9984 : i32
        %dma_start3A_78 = arith.constant 0 : i32
        %dma_start3A_79 = tpu.memref_slice %arg4[%dma_start3A_77, %dma_start3A_78] : memref<10000x128xf32, #tpu.memory_space<vmem_shared>> -> memref<16x128xf32, #tpu.memory_space<vmem_shared>>
        %dma_start3A_80 = arith.constant 9984 : i32
        %dma_start3A_81 = arith.constant 0 : i32
        %dma_start3A_82 = tpu.memref_slice %arg4[%dma_start3A_80, %dma_start3A_81] : memref<10000x128xf32, #tpu.memory_space<vmem_shared>> -> memref<16x128xf32, #tpu.memory_space<vmem_shared>>
        %dma_start3A_83 = arith.constant 0 : i32
        %dma_start3A_84 = arith.constant 0 : i32
        %dma_start3A_85 = tpu.memref_slice %arg11[%dma_start3A_83, %dma_start3A_84] : memref<48x128xf32, #tpu.memory_space<vmem>> -> memref<16x128xf32, #tpu.memory_space<vmem>>
        tpu.enqueue_dma source(%dma_start3A_85 : memref<16x128xf32, #tpu.memory_space<vmem>>) target(%dma_start3A_82 : memref<16x128xf32, #tpu.memory_space<vmem_shared>>) target_semaphore(%run_scoped3A : memref<!tpu.dma_semaphore, #tpu.memory_space<semaphore_mem>>)
        %dma_wait3A_86 = arith.constant 0 : i32
        %dma_wait3A_87 = arith.constant 0 : i32
        %dma_wait3A_88 = tpu.memref_slice %arg11[%dma_wait3A_86, %dma_wait3A_87] : memref<48x128xf32, #tpu.memory_space<vmem>> -> memref<16x128xf32, #tpu.memory_space<vmem>>
        %dma_wait3A_89 = arith.constant 9984 : i32
        %dma_wait3A_90 = arith.constant 0 : i32
        %dma_wait3A_91 = tpu.memref_slice %arg4[%dma_wait3A_89, %dma_wait3A_90] : memref<10000x128xf32, #tpu.memory_space<vmem_shared>> -> memref<16x128xf32, #tpu.memory_space<vmem_shared>>
        %dma_wait3A_92 = arith.constant 9984 : i32
        %dma_wait3A_93 = arith.constant 0 : i32
        %dma_wait3A_94 = tpu.memref_slice %arg4[%dma_wait3A_92, %dma_wait3A_93] : memref<10000x128xf32, #tpu.memory_space<vmem_shared>> -> memref<16x128xf32, #tpu.memory_space<vmem_shared>>
        %dma_wait3A_95 = arith.constant 0 : i32
        %dma_wait3A_96 = arith.constant 0 : i32
        %dma_wait3A_97 = tpu.memref_slice %arg11[%dma_wait3A_95, %dma_wait3A_96] : memref<48x128xf32, #tpu.memory_space<vmem>> -> memref<16x128xf32, #tpu.memory_space<vmem>>
        tpu.wait_dma2 semaphore(%run_scoped3A : memref<!tpu.dma_semaphore, #tpu.memory_space<semaphore_mem>>) src(%dma_wait3A_97 : memref<16x128xf32, #tpu.memory_space<vmem>>) dst(%dma_wait3A_94 : memref<16x128xf32, #tpu.memory_space<vmem_shared>>)
        tpu.yield
      }) : () -> ()
    } else {
    }
    %barrier3A = arith.constant 0 : index
    tpu.barrier barrier_id(%barrier3A)
    %mul3A_42 = arith.constant 16 : i32
    %mul3A_43 = arith.muli %arg0, %mul3A_42 : i32
    %add3A_44 = arith.addi %mul3A_43, %arg1 : i32
    %mul3A_45 = arith.constant 10000 : i32
    %mul3A_46 = arith.muli %add3A_44, %mul3A_45 : i32
    %scan3A_47 = arith.constant 0 : i32
    %scan3A_48 = arith.constant 0 : i32
    %scan3A_49 = arith.constant 39 : i32
    %scan3A_50 = arith.addi %scan3A_48, %scan3A_49 : i32
    %scan3A_51 = arith.constant 1 : i32
    scf.for %scan3A_75 = %scan3A_48 to %scan3A_50 step %scan3A_51  : i32 {
      %mul3A_76 = arith.constant 256 : i32
      %mul3A_77 = arith.muli %scan3A_75, %mul3A_76 : i32
      %add3A_78 = arith.addi %mul3A_46, %mul3A_77 : i32
      %gt3A = arith.constant 0 : i32
      %gt3A_79 = arith.cmpi sgt, %scan3A_75, %gt3A : i32
      %convert_element_type3A_80 = arith.extui %gt3A_79 : i1 to i32
      %cond3A_81 = arith.constant 0 : i32
      %cond3A_82 = arith.cmpi ne, %convert_element_type3A_80, %cond3A_81 : i32
      scf.if %cond3A_82 {
        %dma_wait3A_123 = arith.constant 0 : i32
        %dma_wait3A_124 = arith.constant 0 : i32
        %dma_wait3A_125 = tpu.memref_slice %arg4[%dma_wait3A_123, %dma_wait3A_124] : memref<10000x128xf32, #tpu.memory_space<vmem_shared>> -> memref<10000x128xf32, #tpu.memory_space<vmem_shared>>
        tpu.wait_indirect_dma semaphore(%arg13 : memref<!tpu.dma_semaphore, #tpu.memory_space<semaphore_mem>>) src(%arg10 : memref<64x128xf32, #tpu.memory_space<vmem>>) dst(%dma_wait3A_125 : memref<10000x128xf32, #tpu.memory_space<vmem_shared>>)
        %dma_wait3A_126 = arith.constant 0 : i32
        %dma_wait3A_127 = arith.constant 0 : i32
        %dma_wait3A_128 = tpu.memref_slice %arg4[%dma_wait3A_126, %dma_wait3A_127] : memref<10000x128xf32, #tpu.memory_space<vmem_shared>> -> memref<10000x128xf32, #tpu.memory_space<vmem_shared>>
        tpu.wait_indirect_dma semaphore(%arg14 : memref<!tpu.dma_semaphore, #tpu.memory_space<semaphore_mem>>) src(%arg10 : memref<64x128xf32, #tpu.memory_space<vmem>>) dst(%dma_wait3A_128 : memref<10000x128xf32, #tpu.memory_space<vmem_shared>>)
      } else {
      }
      %add3A_83 = arith.constant 0 : i32
      %add3A_84 = arith.addi %add3A_78, %add3A_83 : i32
      %dma_start3A = tpu.memref_slice %arg2[%add3A_84] : memref<320000xi32, #tpu.memory_space<hbm>> -> memref<64xi32, #tpu.memory_space<hbm>>
      %dma_start3A_85 = tpu.memref_slice %arg2[%add3A_84] : memref<320000xi32, #tpu.memory_space<hbm>> -> memref<64xi32, #tpu.memory_space<hbm>>
      tpu.enqueue_dma source(%dma_start3A_85 : memref<64xi32, #tpu.memory_space<hbm>>) target(%arg5 : memref<64xi32, #tpu.memory_space<vmem>>) target_semaphore(%arg12 : memref<!tpu.dma_semaphore, #tpu.memory_space<semaphore_mem>>)
      %add3A_86 = arith.constant 64 : i32
      %add3A_87 = arith.addi %add3A_78, %add3A_86 : i32
      %dma_start3A_88 = tpu.memref_slice %arg2[%add3A_87] : memref<320000xi32, #tpu.memory_space<hbm>> -> memref<64xi32, #tpu.memory_space<hbm>>
      %dma_start3A_89 = tpu.memref_slice %arg2[%add3A_87] : memref<320000xi32, #tpu.memory_space<hbm>> -> memref<64xi32, #tpu.memory_space<hbm>>
      tpu.enqueue_dma source(%dma_start3A_89 : memref<64xi32, #tpu.memory_space<hbm>>) target(%arg6 : memref<64xi32, #tpu.memory_space<vmem>>) target_semaphore(%arg12 : memref<!tpu.dma_semaphore, #tpu.memory_space<semaphore_mem>>)
      %dma_wait3A_90 = tpu.memref_slice %arg2[%add3A_84] : memref<320000xi32, #tpu.memory_space<hbm>> -> memref<64xi32, #tpu.memory_space<hbm>>
      %dma_wait3A_91 = tpu.memref_slice %arg2[%add3A_84] : memref<320000xi32, #tpu.memory_space<hbm>> -> memref<64xi32, #tpu.memory_space<hbm>>
      tpu.wait_dma2 semaphore(%arg12 : memref<!tpu.dma_semaphore, #tpu.memory_space<semaphore_mem>>) src(%dma_wait3A_91 : memref<64xi32, #tpu.memory_space<hbm>>) dst(%arg5 : memref<64xi32, #tpu.memory_space<vmem>>)
      %dma_wait3A_92 = tpu.memref_slice %arg2[%add3A_87] : memref<320000xi32, #tpu.memory_space<hbm>> -> memref<64xi32, #tpu.memory_space<hbm>>
      %dma_wait3A_93 = tpu.memref_slice %arg2[%add3A_87] : memref<320000xi32, #tpu.memory_space<hbm>> -> memref<64xi32, #tpu.memory_space<hbm>>
      tpu.wait_dma2 semaphore(%arg12 : memref<!tpu.dma_semaphore, #tpu.memory_space<semaphore_mem>>) src(%dma_wait3A_93 : memref<64xi32, #tpu.memory_space<hbm>>) dst(%arg6 : memref<64xi32, #tpu.memory_space<vmem>>)
      %dma_start3A_94 = arith.constant 0 : i32
      %dma_start3A_95 = arith.constant 0 : i32
      %dma_start3A_96 = tpu.memref_slice %arg4[%dma_start3A_94, %dma_start3A_95] : memref<10000x128xf32, #tpu.memory_space<vmem_shared>> -> memref<10000x128xf32, #tpu.memory_space<vmem_shared>>
      tpu.enqueue_indirect_dma source(%arg10 : memref<64x128xf32, #tpu.memory_space<vmem>>) target(%dma_start3A_96 : memref<10000x128xf32, #tpu.memory_space<vmem_shared>>) offsets(%arg5 : memref<64xi32, #tpu.memory_space<vmem>>) semaphore(%arg13 : memref<!tpu.dma_semaphore, #tpu.memory_space<semaphore_mem>>) {add = true}
      %dma_start3A_97 = arith.constant 0 : i32
      %dma_start3A_98 = arith.constant 0 : i32
      %dma_start3A_99 = tpu.memref_slice %arg4[%dma_start3A_97, %dma_start3A_98] : memref<10000x128xf32, #tpu.memory_space<vmem_shared>> -> memref<10000x128xf32, #tpu.memory_space<vmem_shared>>
      tpu.enqueue_indirect_dma source(%arg10 : memref<64x128xf32, #tpu.memory_space<vmem>>) target(%dma_start3A_99 : memref<10000x128xf32, #tpu.memory_space<vmem_shared>>) offsets(%arg6 : memref<64xi32, #tpu.memory_space<vmem>>) semaphore(%arg14 : memref<!tpu.dma_semaphore, #tpu.memory_space<semaphore_mem>>) {add = true}
      %gt3A_100 = arith.constant 0 : i32
      %gt3A_101 = arith.cmpi sgt, %scan3A_75, %gt3A_100 : i32
      %convert_element_type3A_102 = arith.extui %gt3A_101 : i1 to i32
      %cond3A_103 = arith.constant 0 : i32
      %cond3A_104 = arith.cmpi ne, %convert_element_type3A_102, %cond3A_103 : i32
      scf.if %cond3A_104 {
        %dma_wait3A_123 = arith.constant 0 : i32
        %dma_wait3A_124 = arith.constant 0 : i32
        %dma_wait3A_125 = tpu.memref_slice %arg4[%dma_wait3A_123, %dma_wait3A_124] : memref<10000x128xf32, #tpu.memory_space<vmem_shared>> -> memref<10000x128xf32, #tpu.memory_space<vmem_shared>>
        tpu.wait_indirect_dma semaphore(%arg15 : memref<!tpu.dma_semaphore, #tpu.memory_space<semaphore_mem>>) src(%arg10 : memref<64x128xf32, #tpu.memory_space<vmem>>) dst(%dma_wait3A_125 : memref<10000x128xf32, #tpu.memory_space<vmem_shared>>)
        %dma_wait3A_126 = arith.constant 0 : i32
        %dma_wait3A_127 = arith.constant 0 : i32
        %dma_wait3A_128 = tpu.memref_slice %arg4[%dma_wait3A_126, %dma_wait3A_127] : memref<10000x128xf32, #tpu.memory_space<vmem_shared>> -> memref<10000x128xf32, #tpu.memory_space<vmem_shared>>
        tpu.wait_indirect_dma semaphore(%arg16 : memref<!tpu.dma_semaphore, #tpu.memory_space<semaphore_mem>>) src(%arg10 : memref<64x128xf32, #tpu.memory_space<vmem>>) dst(%dma_wait3A_128 : memref<10000x128xf32, #tpu.memory_space<vmem_shared>>)
      } else {
      }
      %add3A_105 = arith.constant 128 : i32
      %add3A_106 = arith.addi %add3A_78, %add3A_105 : i32
      %dma_start3A_107 = tpu.memref_slice %arg2[%add3A_106] : memref<320000xi32, #tpu.memory_space<hbm>> -> memref<64xi32, #tpu.memory_space<hbm>>
      %dma_start3A_108 = tpu.memref_slice %arg2[%add3A_106] : memref<320000xi32, #tpu.memory_space<hbm>> -> memref<64xi32, #tpu.memory_space<hbm>>
      tpu.enqueue_dma source(%dma_start3A_108 : memref<64xi32, #tpu.memory_space<hbm>>) target(%arg7 : memref<64xi32, #tpu.memory_space<vmem>>) target_semaphore(%arg12 : memref<!tpu.dma_semaphore, #tpu.memory_space<semaphore_mem>>)
      %add3A_109 = arith.constant 192 : i32
      %add3A_110 = arith.addi %add3A_78, %add3A_109 : i32
      %dma_start3A_111 = tpu.memref_slice %arg2[%add3A_110] : memref<320000xi32, #tpu.memory_space<hbm>> -> memref<64xi32, #tpu.memory_space<hbm>>
      %dma_start3A_112 = tpu.memref_slice %arg2[%add3A_110] : memref<320000xi32, #tpu.memory_space<hbm>> -> memref<64xi32, #tpu.memory_space<hbm>>
      tpu.enqueue_dma source(%dma_start3A_112 : memref<64xi32, #tpu.memory_space<hbm>>) target(%arg8 : memref<64xi32, #tpu.memory_space<vmem>>) target_semaphore(%arg12 : memref<!tpu.dma_semaphore, #tpu.memory_space<semaphore_mem>>)
      %dma_wait3A_113 = tpu.memref_slice %arg2[%add3A_106] : memref<320000xi32, #tpu.memory_space<hbm>> -> memref<64xi32, #tpu.memory_space<hbm>>
      %dma_wait3A_114 = tpu.memref_slice %arg2[%add3A_106] : memref<320000xi32, #tpu.memory_space<hbm>> -> memref<64xi32, #tpu.memory_space<hbm>>
      tpu.wait_dma2 semaphore(%arg12 : memref<!tpu.dma_semaphore, #tpu.memory_space<semaphore_mem>>) src(%dma_wait3A_114 : memref<64xi32, #tpu.memory_space<hbm>>) dst(%arg7 : memref<64xi32, #tpu.memory_space<vmem>>)
      %dma_wait3A_115 = tpu.memref_slice %arg2[%add3A_110] : memref<320000xi32, #tpu.memory_space<hbm>> -> memref<64xi32, #tpu.memory_space<hbm>>
      %dma_wait3A_116 = tpu.memref_slice %arg2[%add3A_110] : memref<320000xi32, #tpu.memory_space<hbm>> -> memref<64xi32, #tpu.memory_space<hbm>>
      tpu.wait_dma2 semaphore(%arg12 : memref<!tpu.dma_semaphore, #tpu.memory_space<semaphore_mem>>) src(%dma_wait3A_116 : memref<64xi32, #tpu.memory_space<hbm>>) dst(%arg8 : memref<64xi32, #tpu.memory_space<vmem>>)
      %dma_start3A_117 = arith.constant 0 : i32
      %dma_start3A_118 = arith.constant 0 : i32
      %dma_start3A_119 = tpu.memref_slice %arg4[%dma_start3A_117, %dma_start3A_118] : memref<10000x128xf32, #tpu.memory_space<vmem_shared>> -> memref<10000x128xf32, #tpu.memory_space<vmem_shared>>
      tpu.enqueue_indirect_dma source(%arg10 : memref<64x128xf32, #tpu.memory_space<vmem>>) target(%dma_start3A_119 : memref<10000x128xf32, #tpu.memory_space<vmem_shared>>) offsets(%arg7 : memref<64xi32, #tpu.memory_space<vmem>>) semaphore(%arg15 : memref<!tpu.dma_semaphore, #tpu.memory_space<semaphore_mem>>) {add = true}
      %dma_start3A_120 = arith.constant 0 : i32
      %dma_start3A_121 = arith.constant 0 : i32
      %dma_start3A_122 = tpu.memref_slice %arg4[%dma_start3A_120, %dma_start3A_121] : memref<10000x128xf32, #tpu.memory_space<vmem_shared>> -> memref<10000x128xf32, #tpu.memory_space<vmem_shared>>
      tpu.enqueue_indirect_dma source(%arg10 : memref<64x128xf32, #tpu.memory_space<vmem>>) target(%dma_start3A_122 : memref<10000x128xf32, #tpu.memory_space<vmem_shared>>) offsets(%arg8 : memref<64xi32, #tpu.memory_space<vmem>>) semaphore(%arg16 : memref<!tpu.dma_semaphore, #tpu.memory_space<semaphore_mem>>) {add = true}
    }
    %scan3A_52 = arith.constant 39 : i32
    %dma_wait3A = arith.constant 0 : i32
    %dma_wait3A_53 = arith.constant 0 : i32
    %dma_wait3A_54 = tpu.memref_slice %arg4[%dma_wait3A, %dma_wait3A_53] : memref<10000x128xf32, #tpu.memory_space<vmem_shared>> -> memref<10000x128xf32, #tpu.memory_space<vmem_shared>>
    tpu.wait_indirect_dma semaphore(%arg13 : memref<!tpu.dma_semaphore, #tpu.memory_space<semaphore_mem>>) src(%arg10 : memref<64x128xf32, #tpu.memory_space<vmem>>) dst(%dma_wait3A_54 : memref<10000x128xf32, #tpu.memory_space<vmem_shared>>)
    %dma_wait3A_55 = arith.constant 0 : i32
    %dma_wait3A_56 = arith.constant 0 : i32
    %dma_wait3A_57 = tpu.memref_slice %arg4[%dma_wait3A_55, %dma_wait3A_56] : memref<10000x128xf32, #tpu.memory_space<vmem_shared>> -> memref<10000x128xf32, #tpu.memory_space<vmem_shared>>
    tpu.wait_indirect_dma semaphore(%arg14 : memref<!tpu.dma_semaphore, #tpu.memory_space<semaphore_mem>>) src(%arg10 : memref<64x128xf32, #tpu.memory_space<vmem>>) dst(%dma_wait3A_57 : memref<10000x128xf32, #tpu.memory_space<vmem_shared>>)
    %dma_wait3A_58 = arith.constant 0 : i32
    %dma_wait3A_59 = arith.constant 0 : i32
    %dma_wait3A_60 = tpu.memref_slice %arg4[%dma_wait3A_58, %dma_wait3A_59] : memref<10000x128xf32, #tpu.memory_space<vmem_shared>> -> memref<10000x128xf32, #tpu.memory_space<vmem_shared>>
    tpu.wait_indirect_dma semaphore(%arg15 : memref<!tpu.dma_semaphore, #tpu.memory_space<semaphore_mem>>) src(%arg10 : memref<64x128xf32, #tpu.memory_space<vmem>>) dst(%dma_wait3A_60 : memref<10000x128xf32, #tpu.memory_space<vmem_shared>>)
    %dma_wait3A_61 = arith.constant 0 : i32
    %dma_wait3A_62 = arith.constant 0 : i32
    %dma_wait3A_63 = tpu.memref_slice %arg4[%dma_wait3A_61, %dma_wait3A_62] : memref<10000x128xf32, #tpu.memory_space<vmem_shared>> -> memref<10000x128xf32, #tpu.memory_space<vmem_shared>>
    tpu.wait_indirect_dma semaphore(%arg16 : memref<!tpu.dma_semaphore, #tpu.memory_space<semaphore_mem>>) src(%arg10 : memref<64x128xf32, #tpu.memory_space<vmem>>) dst(%dma_wait3A_63 : memref<10000x128xf32, #tpu.memory_space<vmem_shared>>)
    %add3A_64 = arith.constant 9984 : i32
    %add3A_65 = arith.addi %mul3A_46, %add3A_64 : i32
    "tpu.region"() ({
      %run_scoped3A = tpu.sem_alloc : memref<!tpu.dma_semaphore, #tpu.memory_space<semaphore_mem>>
      %dma_start3A = tpu.memref_slice %arg2[%add3A_65] : memref<320000xi32, #tpu.memory_space<hbm>> -> memref<16xi32, #tpu.memory_space<hbm>>
      %dma_start3A_75 = tpu.memref_slice %arg2[%add3A_65] : memref<320000xi32, #tpu.memory_space<hbm>> -> memref<16xi32, #tpu.memory_space<hbm>>
      tpu.enqueue_dma source(%dma_start3A_75 : memref<16xi32, #tpu.memory_space<hbm>>) target(%arg9 : memref<16xi32, #tpu.memory_space<vmem>>) target_semaphore(%run_scoped3A : memref<!tpu.dma_semaphore, #tpu.memory_space<semaphore_mem>>)
      %dma_wait3A_76 = tpu.memref_slice %arg2[%add3A_65] : memref<320000xi32, #tpu.memory_space<hbm>> -> memref<16xi32, #tpu.memory_space<hbm>>
      %dma_wait3A_77 = tpu.memref_slice %arg2[%add3A_65] : memref<320000xi32, #tpu.memory_space<hbm>> -> memref<16xi32, #tpu.memory_space<hbm>>
      tpu.wait_dma2 semaphore(%run_scoped3A : memref<!tpu.dma_semaphore, #tpu.memory_space<semaphore_mem>>) src(%dma_wait3A_77 : memref<16xi32, #tpu.memory_space<hbm>>) dst(%arg9 : memref<16xi32, #tpu.memory_space<vmem>>)
      tpu.yield
    }) : () -> ()
    "tpu.region"() ({
      %run_scoped3A = tpu.sem_alloc : memref<!tpu.dma_semaphore, #tpu.memory_space<semaphore_mem>>
      %dma_start3A = arith.constant 0 : i32
      %dma_start3A_75 = arith.constant 0 : i32
      %dma_start3A_76 = tpu.memref_slice %arg10[%dma_start3A, %dma_start3A_75] : memref<64x128xf32, #tpu.memory_space<vmem>> -> memref<16x128xf32, #tpu.memory_space<vmem>>
      %dma_start3A_77 = arith.constant 0 : i32
      %dma_start3A_78 = arith.constant 0 : i32
      %dma_start3A_79 = tpu.memref_slice %arg4[%dma_start3A_77, %dma_start3A_78] : memref<10000x128xf32, #tpu.memory_space<vmem_shared>> -> memref<10000x128xf32, #tpu.memory_space<vmem_shared>>
      tpu.enqueue_indirect_dma source(%dma_start3A_76 : memref<16x128xf32, #tpu.memory_space<vmem>>) target(%dma_start3A_79 : memref<10000x128xf32, #tpu.memory_space<vmem_shared>>) offsets(%arg9 : memref<16xi32, #tpu.memory_space<vmem>>) semaphore(%run_scoped3A : memref<!tpu.dma_semaphore, #tpu.memory_space<semaphore_mem>>) {add = true}
      %dma_wait3A_80 = arith.constant 0 : i32
      %dma_wait3A_81 = arith.constant 0 : i32
      %dma_wait3A_82 = tpu.memref_slice %arg10[%dma_wait3A_80, %dma_wait3A_81] : memref<64x128xf32, #tpu.memory_space<vmem>> -> memref<16x128xf32, #tpu.memory_space<vmem>>
      %dma_wait3A_83 = arith.constant 0 : i32
      %dma_wait3A_84 = arith.constant 0 : i32
      %dma_wait3A_85 = tpu.memref_slice %arg4[%dma_wait3A_83, %dma_wait3A_84] : memref<10000x128xf32, #tpu.memory_space<vmem_shared>> -> memref<10000x128xf32, #tpu.memory_space<vmem_shared>>
      tpu.wait_indirect_dma semaphore(%run_scoped3A : memref<!tpu.dma_semaphore, #tpu.memory_space<semaphore_mem>>) src(%dma_wait3A_82 : memref<16x128xf32, #tpu.memory_space<vmem>>) dst(%dma_wait3A_85 : memref<10000x128xf32, #tpu.memory_space<vmem_shared>>)
      tpu.yield
    }) : () -> ()
    %barrier3A_66 = arith.constant 0 : index
    tpu.barrier barrier_id(%barrier3A_66)
    %mul3A_67 = arith.constant 10000 : i32
    %mul3A_68 = arith.muli %arg0, %mul3A_67 : i32
    %add3A_69 = arith.addi %mul3A_68, %mul3A_14 : i32
    "tpu.region"() ({
      %run_scoped3A = tpu.sem_alloc : memref<!tpu.dma_semaphore, #tpu.memory_space<semaphore_mem>>
      %dma_start3A = arith.constant 0 : i32
      %dma_start3A_75 = tpu.memref_slice %arg3[%add3A_69, %dma_start3A] : memref<20000x128xf32, #tpu.memory_space<hbm>> -> memref<624x128xf32, #tpu.memory_space<hbm>>
      %dma_start3A_76 = arith.constant 0 : i32
      %dma_start3A_77 = tpu.memref_slice %arg4[%mul3A_14, %dma_start3A_76] : memref<10000x128xf32, #tpu.memory_space<vmem_shared>> -> memref<624x128xf32, #tpu.memory_space<vmem_shared>>
      tpu.enqueue_dma source(%dma_start3A_77 : memref<624x128xf32, #tpu.memory_space<vmem_shared>>) target(%dma_start3A_75 : memref<624x128xf32, #tpu.memory_space<hbm>>) target_semaphore(%run_scoped3A : memref<!tpu.dma_semaphore, #tpu.memory_space<semaphore_mem>>)
      %dma_wait3A_78 = arith.constant 0 : i32
      %dma_wait3A_79 = tpu.memref_slice %arg3[%add3A_69, %dma_wait3A_78] : memref<20000x128xf32, #tpu.memory_space<hbm>> -> memref<624x128xf32, #tpu.memory_space<hbm>>
      %dma_wait3A_80 = arith.constant 0 : i32
      %dma_wait3A_81 = tpu.memref_slice %arg4[%mul3A_14, %dma_wait3A_80] : memref<10000x128xf32, #tpu.memory_space<vmem_shared>> -> memref<624x128xf32, #tpu.memory_space<vmem_shared>>
      tpu.wait_dma2 semaphore(%run_scoped3A : memref<!tpu.dma_semaphore, #tpu.memory_space<semaphore_mem>>) src(%dma_wait3A_81 : memref<624x128xf32, #tpu.memory_space<vmem_shared>>) dst(%dma_wait3A_79 : memref<624x128xf32, #tpu.memory_space<hbm>>)
      tpu.yield
    }) : () -> ()
    %eq3A_70 = arith.constant 15 : i32
    %eq3A_71 = arith.cmpi eq, %arg1, %eq3A_70 : i32
    %convert_element_type3A_72 = arith.extui %eq3A_71 : i1 to i32
    %cond3A_73 = arith.constant 0 : i32
    %cond3A_74 = arith.cmpi ne, %convert_element_type3A_72, %cond3A_73 : i32
    scf.if %cond3A_74 {
      %add3A_75 = arith.constant 9984 : i32
      %add3A_76 = arith.addi %mul3A_68, %add3A_75 : i32
      "tpu.region"() ({
        %run_scoped3A = tpu.sem_alloc : memref<!tpu.dma_semaphore, #tpu.memory_space<semaphore_mem>>
        %dma_start3A = arith.constant 0 : i32
        %dma_start3A_77 = tpu.memref_slice %arg3[%add3A_76, %dma_start3A] : memref<20000x128xf32, #tpu.memory_space<hbm>> -> memref<16x128xf32, #tpu.memory_space<hbm>>
        %dma_start3A_78 = arith.constant 9984 : i32
        %dma_start3A_79 = arith.constant 0 : i32
        %dma_start3A_80 = tpu.memref_slice %arg4[%dma_start3A_78, %dma_start3A_79] : memref<10000x128xf32, #tpu.memory_space<vmem_shared>> -> memref<16x128xf32, #tpu.memory_space<vmem_shared>>
        tpu.enqueue_dma source(%dma_start3A_80 : memref<16x128xf32, #tpu.memory_space<vmem_shared>>) target(%dma_start3A_77 : memref<16x128xf32, #tpu.memory_space<hbm>>) target_semaphore(%run_scoped3A : memref<!tpu.dma_semaphore, #tpu.memory_space<semaphore_mem>>)
        %dma_wait3A_81 = arith.constant 0 : i32
        %dma_wait3A_82 = tpu.memref_slice %arg3[%add3A_76, %dma_wait3A_81] : memref<20000x128xf32, #tpu.memory_space<hbm>> -> memref<16x128xf32, #tpu.memory_space<hbm>>
        %dma_wait3A_83 = arith.constant 9984 : i32
        %dma_wait3A_84 = arith.constant 0 : i32
        %dma_wait3A_85 = tpu.memref_slice %arg4[%dma_wait3A_83, %dma_wait3A_84] : memref<10000x128xf32, #tpu.memory_space<vmem_shared>> -> memref<16x128xf32, #tpu.memory_space<vmem_shared>>
        tpu.wait_dma2 semaphore(%run_scoped3A : memref<!tpu.dma_semaphore, #tpu.memory_space<semaphore_mem>>) src(%dma_wait3A_85 : memref<16x128xf32, #tpu.memory_space<vmem_shared>>) dst(%dma_wait3A_82 : memref<16x128xf32, #tpu.memory_space<hbm>>)
        tpu.yield
      }) : () -> ()
    } else {
    }
    return
  }
}

#map = affine_map<(d0, d1) -> (0, 0)>
#map1 = affine_map<(d0, d1) -> (0)>
module attributes {stable_mosaic.version = 14 : i64} {
  func.func @k(%arg0: i32, %arg1: i32, %arg2: memref<10000x128xf32, #tpu.memory_space<hbm>>, %arg3: memref<320000xi32, #tpu.memory_space<hbm>>, %arg4: memref<320000xi32, #tpu.memory_space<hbm>>, %arg5: memref<20000x128xf32, #tpu.memory_space<hbm>>, %arg6: memref<10000x128xf32, #tpu.memory_space<vmem_shared>>, %arg7: memref<64xi32, #tpu.memory_space<vmem>>, %arg8: memref<64xi32, #tpu.memory_space<vmem>>, %arg9: memref<64xi32, #tpu.memory_space<vmem>>, %arg10: memref<64xi32, #tpu.memory_space<vmem>>, %arg11: memref<64xi32, #tpu.memory_space<vmem>>, %arg12: memref<64xi32, #tpu.memory_space<vmem>>, %arg13: memref<64xi32, #tpu.memory_space<vmem>>, %arg14: memref<64xi32, #tpu.memory_space<vmem>>, %arg15: memref<16xi32, #tpu.memory_space<vmem>>, %arg16: memref<16xi32, #tpu.memory_space<vmem>>, %arg17: memref<64x128xf32, #tpu.memory_space<vmem>>, %arg18: memref<64x128xf32, #tpu.memory_space<vmem>>, %arg19: memref<64x128xf32, #tpu.memory_space<vmem>>, %arg20: memref<64x128xf32, #tpu.memory_space<vmem>>, %arg21: memref<48x128xf32, #tpu.memory_space<vmem>>, %arg22: memref<!tpu.dma_semaphore, #tpu.memory_space<semaphore_mem>>, %arg23: memref<!tpu.dma_semaphore, #tpu.memory_space<semaphore_mem>>, %arg24: memref<!tpu.dma_semaphore, #tpu.memory_space<semaphore_mem>>, %arg25: memref<!tpu.dma_semaphore, #tpu.memory_space<semaphore_mem>>, %arg26: memref<!tpu.dma_semaphore, #tpu.memory_space<semaphore_mem>>, %arg27: memref<!tpu.dma_semaphore, #tpu.memory_space<semaphore_mem>>, %arg28: memref<!tpu.dma_semaphore, #tpu.memory_space<semaphore_mem>>, %arg29: memref<!tpu.dma_semaphore, #tpu.memory_space<semaphore_mem>>, %arg30: memref<!tpu.dma_semaphore, #tpu.memory_space<semaphore_mem>>) attributes {dimension_semantics = [#tpu.dimension_semantics<core_parallel>, #tpu.dimension_semantics<subcore_parallel>], iteration_bounds = array<i64: 2, 16>, scalar_prefetch = 0 : i64, scratch_operands = 25 : i64, tpu.core_type = #tpu.core_type<sc_vector_subcore>, window_params = [{transform_indices = #map}, {transform_indices = #map1}, {transform_indices = #map1}, {transform_indices = #map}]} {
    %broadcast_in_dim3A = arith.constant 0.000000e+00 : f32
    %broadcast_in_dim3A_0 = vector.broadcast %broadcast_in_dim3A : f32 to vector<16xf32>
    %scan3A = arith.constant 0 : i32
    %scan3A_1 = arith.constant 0 : i32
    %scan3A_2 = arith.constant 48 : i32
    %scan3A_3 = arith.addi %scan3A_1, %scan3A_2 : i32
    %scan3A_4 = arith.constant 1 : i32
    scf.for %scan3A_78 = %scan3A_1 to %scan3A_3 step %scan3A_4  : i32 {
      %scan3A_79 = arith.constant 0 : i32
      %scan3A_80 = arith.constant 0 : i32
      %scan3A_81 = arith.constant 8 : i32
      %scan3A_82 = arith.addi %scan3A_80, %scan3A_81 : i32
      %scan3A_83 = arith.constant 1 : i32
      scf.for %scan3A_85 = %scan3A_80 to %scan3A_82 step %scan3A_83  : i32 {
        %mul3A_86 = arith.constant 16 : i32
        %mul3A_87 = arith.muli %scan3A_85, %mul3A_86 : i32
        %swap3A = arith.index_cast %scan3A_78 : i32 to index
        %swap3A_88 = arith.index_cast %mul3A_87 : i32 to index
        %swap3A_89 = tpu.vector_load %arg21[%swap3A, %swap3A_88] {strides = array<i32>} : memref<48x128xf32, #tpu.memory_space<vmem>>, vector<1x16xf32>,
        %swap3A_90 = vector.shape_cast %swap3A_89 : vector<1x16xf32> to vector<16xf32>
        %swap3A_91 = vector.shape_cast %broadcast_in_dim3A_0 : vector<16xf32> to vector<1x16xf32>
        tpu.vector_store %arg21[%swap3A, %swap3A_88], %swap3A_91 {strides = array<i32>} : memref<48x128xf32, #tpu.memory_space<vmem>>, vector<1x16xf32>,
      }
      %scan3A_84 = arith.constant 8 : i32
    }
    %scan3A_5 = arith.constant 48 : i32
    %mul3A = arith.constant 624 : i32
    %mul3A_6 = arith.muli %arg1, %mul3A : i32
    %add3A = arith.constant 0 : i32
    %add3A_7 = arith.addi %mul3A_6, %add3A : i32
    "tpu.region"() ({
      %run_scoped3A = tpu.sem_alloc : memref<!tpu.dma_semaphore, #tpu.memory_space<semaphore_mem>>
      %dma_start3A_78 = arith.constant 0 : i32
      %dma_start3A_79 = tpu.memref_slice %arg6[%add3A_7, %dma_start3A_78] : memref<10000x128xf32, #tpu.memory_space<vmem_shared>> -> memref<48x128xf32, #tpu.memory_space<vmem_shared>>
      %dma_start3A_80 = arith.constant 0 : i32
      %dma_start3A_81 = tpu.memref_slice %arg6[%add3A_7, %dma_start3A_80] : memref<10000x128xf32, #tpu.memory_space<vmem_shared>> -> memref<48x128xf32, #tpu.memory_space<vmem_shared>>
      tpu.enqueue_dma source(%arg21 : memref<48x128xf32, #tpu.memory_space<vmem>>) target(%dma_start3A_81 : memref<48x128xf32, #tpu.memory_space<vmem_shared>>) target_semaphore(%run_scoped3A : memref<!tpu.dma_semaphore, #tpu.memory_space<semaphore_mem>>)
      %dma_wait3A_82 = arith.constant 0 : i32
      %dma_wait3A_83 = tpu.memref_slice %arg6[%add3A_7, %dma_wait3A_82] : memref<10000x128xf32, #tpu.memory_space<vmem_shared>> -> memref<48x128xf32, #tpu.memory_space<vmem_shared>>
      %dma_wait3A_84 = arith.constant 0 : i32
      %dma_wait3A_85 = tpu.memref_slice %arg6[%add3A_7, %dma_wait3A_84] : memref<10000x128xf32, #tpu.memory_space<vmem_shared>> -> memref<48x128xf32, #tpu.memory_space<vmem_shared>>
      tpu.wait_dma2 semaphore(%run_scoped3A : memref<!tpu.dma_semaphore, #tpu.memory_space<semaphore_mem>>) src(%arg21 : memref<48x128xf32, #tpu.memory_space<vmem>>) dst(%dma_wait3A_85 : memref<48x128xf32, #tpu.memory_space<vmem_shared>>)
      tpu.yield
    }) : () -> ()
    %add3A_8 = arith.constant 48 : i32
    %add3A_9 = arith.addi %mul3A_6, %add3A_8 : i32
    "tpu.region"() ({
      %run_scoped3A = tpu.sem_alloc : memref<!tpu.dma_semaphore, #tpu.memory_space<semaphore_mem>>
      %dma_start3A_78 = arith.constant 0 : i32
      %dma_start3A_79 = tpu.memref_slice %arg6[%add3A_9, %dma_start3A_78] : memref<10000x128xf32, #tpu.memory_space<vmem_shared>> -> memref<48x128xf32, #tpu.memory_space<vmem_shared>>
      %dma_start3A_80 = arith.constant 0 : i32
      %dma_start3A_81 = tpu.memref_slice %arg6[%add3A_9, %dma_start3A_80] : memref<10000x128xf32, #tpu.memory_space<vmem_shared>> -> memref<48x128xf32, #tpu.memory_space<vmem_shared>>
      tpu.enqueue_dma source(%arg21 : memref<48x128xf32, #tpu.memory_space<vmem>>) target(%dma_start3A_81 : memref<48x128xf32, #tpu.memory_space<vmem_shared>>) target_semaphore(%run_scoped3A : memref<!tpu.dma_semaphore, #tpu.memory_space<semaphore_mem>>)
      %dma_wait3A_82 = arith.constant 0 : i32
      %dma_wait3A_83 = tpu.memref_slice %arg6[%add3A_9, %dma_wait3A_82] : memref<10000x128xf32, #tpu.memory_space<vmem_shared>> -> memref<48x128xf32, #tpu.memory_space<vmem_shared>>
      %dma_wait3A_84 = arith.constant 0 : i32
      %dma_wait3A_85 = tpu.memref_slice %arg6[%add3A_9, %dma_wait3A_84] : memref<10000x128xf32, #tpu.memory_space<vmem_shared>> -> memref<48x128xf32, #tpu.memory_space<vmem_shared>>
      tpu.wait_dma2 semaphore(%run_scoped3A : memref<!tpu.dma_semaphore, #tpu.memory_space<semaphore_mem>>) src(%arg21 : memref<48x128xf32, #tpu.memory_space<vmem>>) dst(%dma_wait3A_85 : memref<48x128xf32, #tpu.memory_space<vmem_shared>>)
      tpu.yield
    }) : () -> ()
    %add3A_10 = arith.constant 96 : i32
    %add3A_11 = arith.addi %mul3A_6, %add3A_10 : i32
    "tpu.region"() ({
      %run_scoped3A = tpu.sem_alloc : memref<!tpu.dma_semaphore, #tpu.memory_space<semaphore_mem>>
      %dma_start3A_78 = arith.constant 0 : i32
      %dma_start3A_79 = tpu.memref_slice %arg6[%add3A_11, %dma_start3A_78] : memref<10000x128xf32, #tpu.memory_space<vmem_shared>> -> memref<48x128xf32, #tpu.memory_space<vmem_shared>>
      %dma_start3A_80 = arith.constant 0 : i32
      %dma_start3A_81 = tpu.memref_slice %arg6[%add3A_11, %dma_start3A_80] : memref<10000x128xf32, #tpu.memory_space<vmem_shared>> -> memref<48x128xf32, #tpu.memory_space<vmem_shared>>
      tpu.enqueue_dma source(%arg21 : memref<48x128xf32, #tpu.memory_space<vmem>>) target(%dma_start3A_81 : memref<48x128xf32, #tpu.memory_space<vmem_shared>>) target_semaphore(%run_scoped3A : memref<!tpu.dma_semaphore, #tpu.memory_space<semaphore_mem>>)
      %dma_wait3A_82 = arith.constant 0 : i32
      %dma_wait3A_83 = tpu.memref_slice %arg6[%add3A_11, %dma_wait3A_82] : memref<10000x128xf32, #tpu.memory_space<vmem_shared>> -> memref<48x128xf32, #tpu.memory_space<vmem_shared>>
      %dma_wait3A_84 = arith.constant 0 : i32
      %dma_wait3A_85 = tpu.memref_slice %arg6[%add3A_11, %dma_wait3A_84] : memref<10000x128xf32, #tpu.memory_space<vmem_shared>> -> memref<48x128xf32, #tpu.memory_space<vmem_shared>>
      tpu.wait_dma2 semaphore(%run_scoped3A : memref<!tpu.dma_semaphore, #tpu.memory_space<semaphore_mem>>) src(%arg21 : memref<48x128xf32, #tpu.memory_space<vmem>>) dst(%dma_wait3A_85 : memref<48x128xf32, #tpu.memory_space<vmem_shared>>)
      tpu.yield
    }) : () -> ()
    %add3A_12 = arith.constant 144 : i32
    %add3A_13 = arith.addi %mul3A_6, %add3A_12 : i32
    "tpu.region"() ({
      %run_scoped3A = tpu.sem_alloc : memref<!tpu.dma_semaphore, #tpu.memory_space<semaphore_mem>>
      %dma_start3A_78 = arith.constant 0 : i32
      %dma_start3A_79 = tpu.memref_slice %arg6[%add3A_13, %dma_start3A_78] : memref<10000x128xf32, #tpu.memory_space<vmem_shared>> -> memref<48x128xf32, #tpu.memory_space<vmem_shared>>
      %dma_start3A_80 = arith.constant 0 : i32
      %dma_start3A_81 = tpu.memref_slice %arg6[%add3A_13, %dma_start3A_80] : memref<10000x128xf32, #tpu.memory_space<vmem_shared>> -> memref<48x128xf32, #tpu.memory_space<vmem_shared>>
      tpu.enqueue_dma source(%arg21 : memref<48x128xf32, #tpu.memory_space<vmem>>) target(%dma_start3A_81 : memref<48x128xf32, #tpu.memory_space<vmem_shared>>) target_semaphore(%run_scoped3A : memref<!tpu.dma_semaphore, #tpu.memory_space<semaphore_mem>>)
      %dma_wait3A_82 = arith.constant 0 : i32
      %dma_wait3A_83 = tpu.memref_slice %arg6[%add3A_13, %dma_wait3A_82] : memref<10000x128xf32, #tpu.memory_space<vmem_shared>> -> memref<48x128xf32, #tpu.memory_space<vmem_shared>>
      %dma_wait3A_84 = arith.constant 0 : i32
      %dma_wait3A_85 = tpu.memref_slice %arg6[%add3A_13, %dma_wait3A_84] : memref<10000x128xf32, #tpu.memory_space<vmem_shared>> -> memref<48x128xf32, #tpu.memory_space<vmem_shared>>
      tpu.wait_dma2 semaphore(%run_scoped3A : memref<!tpu.dma_semaphore, #tpu.memory_space<semaphore_mem>>) src(%arg21 : memref<48x128xf32, #tpu.memory_space<vmem>>) dst(%dma_wait3A_85 : memref<48x128xf32, #tpu.memory_space<vmem_shared>>)
      tpu.yield
    }) : () -> ()
    %add3A_14 = arith.constant 192 : i32
    %add3A_15 = arith.addi %mul3A_6, %add3A_14 : i32
    "tpu.region"() ({
      %run_scoped3A = tpu.sem_alloc : memref<!tpu.dma_semaphore, #tpu.memory_space<semaphore_mem>>
      %dma_start3A_78 = arith.constant 0 : i32
      %dma_start3A_79 = tpu.memref_slice %arg6[%add3A_15, %dma_start3A_78] : memref<10000x128xf32, #tpu.memory_space<vmem_shared>> -> memref<48x128xf32, #tpu.memory_space<vmem_shared>>
      %dma_start3A_80 = arith.constant 0 : i32
      %dma_start3A_81 = tpu.memref_slice %arg6[%add3A_15, %dma_start3A_80] : memref<10000x128xf32, #tpu.memory_space<vmem_shared>> -> memref<48x128xf32, #tpu.memory_space<vmem_shared>>
      tpu.enqueue_dma source(%arg21 : memref<48x128xf32, #tpu.memory_space<vmem>>) target(%dma_start3A_81 : memref<48x128xf32, #tpu.memory_space<vmem_shared>>) target_semaphore(%run_scoped3A : memref<!tpu.dma_semaphore, #tpu.memory_space<semaphore_mem>>)
      %dma_wait3A_82 = arith.constant 0 : i32
      %dma_wait3A_83 = tpu.memref_slice %arg6[%add3A_15, %dma_wait3A_82] : memref<10000x128xf32, #tpu.memory_space<vmem_shared>> -> memref<48x128xf32, #tpu.memory_space<vmem_shared>>
      %dma_wait3A_84 = arith.constant 0 : i32
      %dma_wait3A_85 = tpu.memref_slice %arg6[%add3A_15, %dma_wait3A_84] : memref<10000x128xf32, #tpu.memory_space<vmem_shared>> -> memref<48x128xf32, #tpu.memory_space<vmem_shared>>
      tpu.wait_dma2 semaphore(%run_scoped3A : memref<!tpu.dma_semaphore, #tpu.memory_space<semaphore_mem>>) src(%arg21 : memref<48x128xf32, #tpu.memory_space<vmem>>) dst(%dma_wait3A_85 : memref<48x128xf32, #tpu.memory_space<vmem_shared>>)
      tpu.yield
    }) : () -> ()
    %add3A_16 = arith.constant 240 : i32
    %add3A_17 = arith.addi %mul3A_6, %add3A_16 : i32
    "tpu.region"() ({
      %run_scoped3A = tpu.sem_alloc : memref<!tpu.dma_semaphore, #tpu.memory_space<semaphore_mem>>
      %dma_start3A_78 = arith.constant 0 : i32
      %dma_start3A_79 = tpu.memref_slice %arg6[%add3A_17, %dma_start3A_78] : memref<10000x128xf32, #tpu.memory_space<vmem_shared>> -> memref<48x128xf32, #tpu.memory_space<vmem_shared>>
      %dma_start3A_80 = arith.constant 0 : i32
      %dma_start3A_81 = tpu.memref_slice %arg6[%add3A_17, %dma_start3A_80] : memref<10000x128xf32, #tpu.memory_space<vmem_shared>> -> memref<48x128xf32, #tpu.memory_space<vmem_shared>>
      tpu.enqueue_dma source(%arg21 : memref<48x128xf32, #tpu.memory_space<vmem>>) target(%dma_start3A_81 : memref<48x128xf32, #tpu.memory_space<vmem_shared>>) target_semaphore(%run_scoped3A : memref<!tpu.dma_semaphore, #tpu.memory_space<semaphore_mem>>)
      %dma_wait3A_82 = arith.constant 0 : i32
      %dma_wait3A_83 = tpu.memref_slice %arg6[%add3A_17, %dma_wait3A_82] : memref<10000x128xf32, #tpu.memory_space<vmem_shared>> -> memref<48x128xf32, #tpu.memory_space<vmem_shared>>
      %dma_wait3A_84 = arith.constant 0 : i32
      %dma_wait3A_85 = tpu.memref_slice %arg6[%add3A_17, %dma_wait3A_84] : memref<10000x128xf32, #tpu.memory_space<vmem_shared>> -> memref<48x128xf32, #tpu.memory_space<vmem_shared>>
      tpu.wait_dma2 semaphore(%run_scoped3A : memref<!tpu.dma_semaphore, #tpu.memory_space<semaphore_mem>>) src(%arg21 : memref<48x128xf32, #tpu.memory_space<vmem>>) dst(%dma_wait3A_85 : memref<48x128xf32, #tpu.memory_space<vmem_shared>>)
      tpu.yield
    }) : () -> ()
    %add3A_18 = arith.constant 288 : i32
    %add3A_19 = arith.addi %mul3A_6, %add3A_18 : i32
    "tpu.region"() ({
      %run_scoped3A = tpu.sem_alloc : memref<!tpu.dma_semaphore, #tpu.memory_space<semaphore_mem>>
      %dma_start3A_78 = arith.constant 0 : i32
      %dma_start3A_79 = tpu.memref_slice %arg6[%add3A_19, %dma_start3A_78] : memref<10000x128xf32, #tpu.memory_space<vmem_shared>> -> memref<48x128xf32, #tpu.memory_space<vmem_shared>>
      %dma_start3A_80 = arith.constant 0 : i32
      %dma_start3A_81 = tpu.memref_slice %arg6[%add3A_19, %dma_start3A_80] : memref<10000x128xf32, #tpu.memory_space<vmem_shared>> -> memref<48x128xf32, #tpu.memory_space<vmem_shared>>
      tpu.enqueue_dma source(%arg21 : memref<48x128xf32, #tpu.memory_space<vmem>>) target(%dma_start3A_81 : memref<48x128xf32, #tpu.memory_space<vmem_shared>>) target_semaphore(%run_scoped3A : memref<!tpu.dma_semaphore, #tpu.memory_space<semaphore_mem>>)
      %dma_wait3A_82 = arith.constant 0 : i32
      %dma_wait3A_83 = tpu.memref_slice %arg6[%add3A_19, %dma_wait3A_82] : memref<10000x128xf32, #tpu.memory_space<vmem_shared>> -> memref<48x128xf32, #tpu.memory_space<vmem_shared>>
      %dma_wait3A_84 = arith.constant 0 : i32
      %dma_wait3A_85 = tpu.memref_slice %arg6[%add3A_19, %dma_wait3A_84] : memref<10000x128xf32, #tpu.memory_space<vmem_shared>> -> memref<48x128xf32, #tpu.memory_space<vmem_shared>>
      tpu.wait_dma2 semaphore(%run_scoped3A : memref<!tpu.dma_semaphore, #tpu.memory_space<semaphore_mem>>) src(%arg21 : memref<48x128xf32, #tpu.memory_space<vmem>>) dst(%dma_wait3A_85 : memref<48x128xf32, #tpu.memory_space<vmem_shared>>)
      tpu.yield
    }) : () -> ()
    %add3A_20 = arith.constant 336 : i32
    %add3A_21 = arith.addi %mul3A_6, %add3A_20 : i32
    "tpu.region"() ({
      %run_scoped3A = tpu.sem_alloc : memref<!tpu.dma_semaphore, #tpu.memory_space<semaphore_mem>>
      %dma_start3A_78 = arith.constant 0 : i32
      %dma_start3A_79 = tpu.memref_slice %arg6[%add3A_21, %dma_start3A_78] : memref<10000x128xf32, #tpu.memory_space<vmem_shared>> -> memref<48x128xf32, #tpu.memory_space<vmem_shared>>
      %dma_start3A_80 = arith.constant 0 : i32
      %dma_start3A_81 = tpu.memref_slice %arg6[%add3A_21, %dma_start3A_80] : memref<10000x128xf32, #tpu.memory_space<vmem_shared>> -> memref<48x128xf32, #tpu.memory_space<vmem_shared>>
      tpu.enqueue_dma source(%arg21 : memref<48x128xf32, #tpu.memory_space<vmem>>) target(%dma_start3A_81 : memref<48x128xf32, #tpu.memory_space<vmem_shared>>) target_semaphore(%run_scoped3A : memref<!tpu.dma_semaphore, #tpu.memory_space<semaphore_mem>>)
      %dma_wait3A_82 = arith.constant 0 : i32
      %dma_wait3A_83 = tpu.memref_slice %arg6[%add3A_21, %dma_wait3A_82] : memref<10000x128xf32, #tpu.memory_space<vmem_shared>> -> memref<48x128xf32, #tpu.memory_space<vmem_shared>>
      %dma_wait3A_84 = arith.constant 0 : i32
      %dma_wait3A_85 = tpu.memref_slice %arg6[%add3A_21, %dma_wait3A_84] : memref<10000x128xf32, #tpu.memory_space<vmem_shared>> -> memref<48x128xf32, #tpu.memory_space<vmem_shared>>
      tpu.wait_dma2 semaphore(%run_scoped3A : memref<!tpu.dma_semaphore, #tpu.memory_space<semaphore_mem>>) src(%arg21 : memref<48x128xf32, #tpu.memory_space<vmem>>) dst(%dma_wait3A_85 : memref<48x128xf32, #tpu.memory_space<vmem_shared>>)
      tpu.yield
    }) : () -> ()
    %add3A_22 = arith.constant 384 : i32
    %add3A_23 = arith.addi %mul3A_6, %add3A_22 : i32
    "tpu.region"() ({
      %run_scoped3A = tpu.sem_alloc : memref<!tpu.dma_semaphore, #tpu.memory_space<semaphore_mem>>
      %dma_start3A_78 = arith.constant 0 : i32
      %dma_start3A_79 = tpu.memref_slice %arg6[%add3A_23, %dma_start3A_78] : memref<10000x128xf32, #tpu.memory_space<vmem_shared>> -> memref<48x128xf32, #tpu.memory_space<vmem_shared>>
      %dma_start3A_80 = arith.constant 0 : i32
      %dma_start3A_81 = tpu.memref_slice %arg6[%add3A_23, %dma_start3A_80] : memref<10000x128xf32, #tpu.memory_space<vmem_shared>> -> memref<48x128xf32, #tpu.memory_space<vmem_shared>>
      tpu.enqueue_dma source(%arg21 : memref<48x128xf32, #tpu.memory_space<vmem>>) target(%dma_start3A_81 : memref<48x128xf32, #tpu.memory_space<vmem_shared>>) target_semaphore(%run_scoped3A : memref<!tpu.dma_semaphore, #tpu.memory_space<semaphore_mem>>)
      %dma_wait3A_82 = arith.constant 0 : i32
      %dma_wait3A_83 = tpu.memref_slice %arg6[%add3A_23, %dma_wait3A_82] : memref<10000x128xf32, #tpu.memory_space<vmem_shared>> -> memref<48x128xf32, #tpu.memory_space<vmem_shared>>
      %dma_wait3A_84 = arith.constant 0 : i32
      %dma_wait3A_85 = tpu.memref_slice %arg6[%add3A_23, %dma_wait3A_84] : memref<10000x128xf32, #tpu.memory_space<vmem_shared>> -> memref<48x128xf32, #tpu.memory_space<vmem_shared>>
      tpu.wait_dma2 semaphore(%run_scoped3A : memref<!tpu.dma_semaphore, #tpu.memory_space<semaphore_mem>>) src(%arg21 : memref<48x128xf32, #tpu.memory_space<vmem>>) dst(%dma_wait3A_85 : memref<48x128xf32, #tpu.memory_space<vmem_shared>>)
      tpu.yield
    }) : () -> ()
    %add3A_24 = arith.constant 432 : i32
    %add3A_25 = arith.addi %mul3A_6, %add3A_24 : i32
    "tpu.region"() ({
      %run_scoped3A = tpu.sem_alloc : memref<!tpu.dma_semaphore, #tpu.memory_space<semaphore_mem>>
      %dma_start3A_78 = arith.constant 0 : i32
      %dma_start3A_79 = tpu.memref_slice %arg6[%add3A_25, %dma_start3A_78] : memref<10000x128xf32, #tpu.memory_space<vmem_shared>> -> memref<48x128xf32, #tpu.memory_space<vmem_shared>>
      %dma_start3A_80 = arith.constant 0 : i32
      %dma_start3A_81 = tpu.memref_slice %arg6[%add3A_25, %dma_start3A_80] : memref<10000x128xf32, #tpu.memory_space<vmem_shared>> -> memref<48x128xf32, #tpu.memory_space<vmem_shared>>
      tpu.enqueue_dma source(%arg21 : memref<48x128xf32, #tpu.memory_space<vmem>>) target(%dma_start3A_81 : memref<48x128xf32, #tpu.memory_space<vmem_shared>>) target_semaphore(%run_scoped3A : memref<!tpu.dma_semaphore, #tpu.memory_space<semaphore_mem>>)
      %dma_wait3A_82 = arith.constant 0 : i32
      %dma_wait3A_83 = tpu.memref_slice %arg6[%add3A_25, %dma_wait3A_82] : memref<10000x128xf32, #tpu.memory_space<vmem_shared>> -> memref<48x128xf32, #tpu.memory_space<vmem_shared>>
      %dma_wait3A_84 = arith.constant 0 : i32
      %dma_wait3A_85 = tpu.memref_slice %arg6[%add3A_25, %dma_wait3A_84] : memref<10000x128xf32, #tpu.memory_space<vmem_shared>> -> memref<48x128xf32, #tpu.memory_space<vmem_shared>>
      tpu.wait_dma2 semaphore(%run_scoped3A : memref<!tpu.dma_semaphore, #tpu.memory_space<semaphore_mem>>) src(%arg21 : memref<48x128xf32, #tpu.memory_space<vmem>>) dst(%dma_wait3A_85 : memref<48x128xf32, #tpu.memory_space<vmem_shared>>)
      tpu.yield
    }) : () -> ()
    %add3A_26 = arith.constant 480 : i32
    %add3A_27 = arith.addi %mul3A_6, %add3A_26 : i32
    "tpu.region"() ({
      %run_scoped3A = tpu.sem_alloc : memref<!tpu.dma_semaphore, #tpu.memory_space<semaphore_mem>>
      %dma_start3A_78 = arith.constant 0 : i32
      %dma_start3A_79 = tpu.memref_slice %arg6[%add3A_27, %dma_start3A_78] : memref<10000x128xf32, #tpu.memory_space<vmem_shared>> -> memref<48x128xf32, #tpu.memory_space<vmem_shared>>
      %dma_start3A_80 = arith.constant 0 : i32
      %dma_start3A_81 = tpu.memref_slice %arg6[%add3A_27, %dma_start3A_80] : memref<10000x128xf32, #tpu.memory_space<vmem_shared>> -> memref<48x128xf32, #tpu.memory_space<vmem_shared>>
      tpu.enqueue_dma source(%arg21 : memref<48x128xf32, #tpu.memory_space<vmem>>) target(%dma_start3A_81 : memref<48x128xf32, #tpu.memory_space<vmem_shared>>) target_semaphore(%run_scoped3A : memref<!tpu.dma_semaphore, #tpu.memory_space<semaphore_mem>>)
      %dma_wait3A_82 = arith.constant 0 : i32
      %dma_wait3A_83 = tpu.memref_slice %arg6[%add3A_27, %dma_wait3A_82] : memref<10000x128xf32, #tpu.memory_space<vmem_shared>> -> memref<48x128xf32, #tpu.memory_space<vmem_shared>>
      %dma_wait3A_84 = arith.constant 0 : i32
      %dma_wait3A_85 = tpu.memref_slice %arg6[%add3A_27, %dma_wait3A_84] : memref<10000x128xf32, #tpu.memory_space<vmem_shared>> -> memref<48x128xf32, #tpu.memory_space<vmem_shared>>
      tpu.wait_dma2 semaphore(%run_scoped3A : memref<!tpu.dma_semaphore, #tpu.memory_space<semaphore_mem>>) src(%arg21 : memref<48x128xf32, #tpu.memory_space<vmem>>) dst(%dma_wait3A_85 : memref<48x128xf32, #tpu.memory_space<vmem_shared>>)
      tpu.yield
    }) : () -> ()
    %add3A_28 = arith.constant 528 : i32
    %add3A_29 = arith.addi %mul3A_6, %add3A_28 : i32
    "tpu.region"() ({
      %run_scoped3A = tpu.sem_alloc : memref<!tpu.dma_semaphore, #tpu.memory_space<semaphore_mem>>
      %dma_start3A_78 = arith.constant 0 : i32
      %dma_start3A_79 = tpu.memref_slice %arg6[%add3A_29, %dma_start3A_78] : memref<10000x128xf32, #tpu.memory_space<vmem_shared>> -> memref<48x128xf32, #tpu.memory_space<vmem_shared>>
      %dma_start3A_80 = arith.constant 0 : i32
      %dma_start3A_81 = tpu.memref_slice %arg6[%add3A_29, %dma_start3A_80] : memref<10000x128xf32, #tpu.memory_space<vmem_shared>> -> memref<48x128xf32, #tpu.memory_space<vmem_shared>>
      tpu.enqueue_dma source(%arg21 : memref<48x128xf32, #tpu.memory_space<vmem>>) target(%dma_start3A_81 : memref<48x128xf32, #tpu.memory_space<vmem_shared>>) target_semaphore(%run_scoped3A : memref<!tpu.dma_semaphore, #tpu.memory_space<semaphore_mem>>)
      %dma_wait3A_82 = arith.constant 0 : i32
      %dma_wait3A_83 = tpu.memref_slice %arg6[%add3A_29, %dma_wait3A_82] : memref<10000x128xf32, #tpu.memory_space<vmem_shared>> -> memref<48x128xf32, #tpu.memory_space<vmem_shared>>
      %dma_wait3A_84 = arith.constant 0 : i32
      %dma_wait3A_85 = tpu.memref_slice %arg6[%add3A_29, %dma_wait3A_84] : memref<10000x128xf32, #tpu.memory_space<vmem_shared>> -> memref<48x128xf32, #tpu.memory_space<vmem_shared>>
      tpu.wait_dma2 semaphore(%run_scoped3A : memref<!tpu.dma_semaphore, #tpu.memory_space<semaphore_mem>>) src(%arg21 : memref<48x128xf32, #tpu.memory_space<vmem>>) dst(%dma_wait3A_85 : memref<48x128xf32, #tpu.memory_space<vmem_shared>>)
      tpu.yield
    }) : () -> ()
    %add3A_30 = arith.constant 576 : i32
    %add3A_31 = arith.addi %mul3A_6, %add3A_30 : i32
    "tpu.region"() ({
      %run_scoped3A = tpu.sem_alloc : memref<!tpu.dma_semaphore, #tpu.memory_space<semaphore_mem>>
      %dma_start3A_78 = arith.constant 0 : i32
      %dma_start3A_79 = tpu.memref_slice %arg6[%add3A_31, %dma_start3A_78] : memref<10000x128xf32, #tpu.memory_space<vmem_shared>> -> memref<48x128xf32, #tpu.memory_space<vmem_shared>>
      %dma_start3A_80 = arith.constant 0 : i32
      %dma_start3A_81 = tpu.memref_slice %arg6[%add3A_31, %dma_start3A_80] : memref<10000x128xf32, #tpu.memory_space<vmem_shared>> -> memref<48x128xf32, #tpu.memory_space<vmem_shared>>
      tpu.enqueue_dma source(%arg21 : memref<48x128xf32, #tpu.memory_space<vmem>>) target(%dma_start3A_81 : memref<48x128xf32, #tpu.memory_space<vmem_shared>>) target_semaphore(%run_scoped3A : memref<!tpu.dma_semaphore, #tpu.memory_space<semaphore_mem>>)
      %dma_wait3A_82 = arith.constant 0 : i32
      %dma_wait3A_83 = tpu.memref_slice %arg6[%add3A_31, %dma_wait3A_82] : memref<10000x128xf32, #tpu.memory_space<vmem_shared>> -> memref<48x128xf32, #tpu.memory_space<vmem_shared>>
      %dma_wait3A_84 = arith.constant 0 : i32
      %dma_wait3A_85 = tpu.memref_slice %arg6[%add3A_31, %dma_wait3A_84] : memref<10000x128xf32, #tpu.memory_space<vmem_shared>> -> memref<48x128xf32, #tpu.memory_space<vmem_shared>>
      tpu.wait_dma2 semaphore(%run_scoped3A : memref<!tpu.dma_semaphore, #tpu.memory_space<semaphore_mem>>) src(%arg21 : memref<48x128xf32, #tpu.memory_space<vmem>>) dst(%dma_wait3A_85 : memref<48x128xf32, #tpu.memory_space<vmem_shared>>)
      tpu.yield
    }) : () -> ()
    %eq3A = arith.constant 15 : i32
    %eq3A_32 = arith.cmpi eq, %arg1, %eq3A : i32
    %convert_element_type3A = arith.extui %eq3A_32 : i1 to i32
    %cond3A = arith.constant 0 : i32
    %cond3A_33 = arith.cmpi ne, %convert_element_type3A, %cond3A : i32
    scf.if %cond3A_33 {
      "tpu.region"() ({
        %run_scoped3A = tpu.sem_alloc : memref<!tpu.dma_semaphore, #tpu.memory_space<semaphore_mem>>
        %dma_start3A_78 = arith.constant 0 : i32
        %dma_start3A_79 = arith.constant 0 : i32
        %dma_start3A_80 = tpu.memref_slice %arg21[%dma_start3A_78, %dma_start3A_79] : memref<48x128xf32, #tpu.memory_space<vmem>> -> memref<16x128xf32, #tpu.memory_space<vmem>>
        %dma_start3A_81 = arith.constant 9984 : i32
        %dma_start3A_82 = arith.constant 0 : i32
        %dma_start3A_83 = tpu.memref_slice %arg6[%dma_start3A_81, %dma_start3A_82] : memref<10000x128xf32, #tpu.memory_space<vmem_shared>> -> memref<16x128xf32, #tpu.memory_space<vmem_shared>>
        %dma_start3A_84 = arith.constant 9984 : i32
        %dma_start3A_85 = arith.constant 0 : i32
        %dma_start3A_86 = tpu.memref_slice %arg6[%dma_start3A_84, %dma_start3A_85] : memref<10000x128xf32, #tpu.memory_space<vmem_shared>> -> memref<16x128xf32, #tpu.memory_space<vmem_shared>>
        %dma_start3A_87 = arith.constant 0 : i32
        %dma_start3A_88 = arith.constant 0 : i32
        %dma_start3A_89 = tpu.memref_slice %arg21[%dma_start3A_87, %dma_start3A_88] : memref<48x128xf32, #tpu.memory_space<vmem>> -> memref<16x128xf32, #tpu.memory_space<vmem>>
        tpu.enqueue_dma source(%dma_start3A_89 : memref<16x128xf32, #tpu.memory_space<vmem>>) target(%dma_start3A_86 : memref<16x128xf32, #tpu.memory_space<vmem_shared>>) target_semaphore(%run_scoped3A : memref<!tpu.dma_semaphore, #tpu.memory_space<semaphore_mem>>)
        %dma_wait3A_90 = arith.constant 0 : i32
        %dma_wait3A_91 = arith.constant 0 : i32
        %dma_wait3A_92 = tpu.memref_slice %arg21[%dma_wait3A_90, %dma_wait3A_91] : memref<48x128xf32, #tpu.memory_space<vmem>> -> memref<16x128xf32, #tpu.memory_space<vmem>>
        %dma_wait3A_93 = arith.constant 9984 : i32
        %dma_wait3A_94 = arith.constant 0 : i32
        %dma_wait3A_95 = tpu.memref_slice %arg6[%dma_wait3A_93, %dma_wait3A_94] : memref<10000x128xf32, #tpu.memory_space<vmem_shared>> -> memref<16x128xf32, #tpu.memory_space<vmem_shared>>
        %dma_wait3A_96 = arith.constant 9984 : i32
        %dma_wait3A_97 = arith.constant 0 : i32
        %dma_wait3A_98 = tpu.memref_slice %arg6[%dma_wait3A_96, %dma_wait3A_97] : memref<10000x128xf32, #tpu.memory_space<vmem_shared>> -> memref<16x128xf32, #tpu.memory_space<vmem_shared>>
        %dma_wait3A_99 = arith.constant 0 : i32
        %dma_wait3A_100 = arith.constant 0 : i32
        %dma_wait3A_101 = tpu.memref_slice %arg21[%dma_wait3A_99, %dma_wait3A_100] : memref<48x128xf32, #tpu.memory_space<vmem>> -> memref<16x128xf32, #tpu.memory_space<vmem>>
        tpu.wait_dma2 semaphore(%run_scoped3A : memref<!tpu.dma_semaphore, #tpu.memory_space<semaphore_mem>>) src(%dma_wait3A_101 : memref<16x128xf32, #tpu.memory_space<vmem>>) dst(%dma_wait3A_98 : memref<16x128xf32, #tpu.memory_space<vmem_shared>>)
        tpu.yield
      }) : () -> ()
    } else {
    }
    %barrier3A = arith.constant 0 : index
    tpu.barrier barrier_id(%barrier3A)
    %mul3A_34 = arith.constant 16 : i32
    %mul3A_35 = arith.muli %arg0, %mul3A_34 : i32
    %add3A_36 = arith.addi %mul3A_35, %arg1 : i32
    %mul3A_37 = arith.constant 10000 : i32
    %mul3A_38 = arith.muli %add3A_36, %mul3A_37 : i32
    %scan3A_39 = arith.constant 0 : i32
    %scan3A_40 = arith.constant 0 : i32
    %scan3A_41 = arith.constant 39 : i32
    %scan3A_42 = arith.addi %scan3A_40, %scan3A_41 : i32
    %scan3A_43 = arith.constant 1 : i32
    scf.for %scan3A_78 = %scan3A_40 to %scan3A_42 step %scan3A_43  : i32 {
      %mul3A_79 = arith.constant 256 : i32
      %mul3A_80 = arith.muli %scan3A_78, %mul3A_79 : i32
      %add3A_81 = arith.addi %mul3A_38, %mul3A_80 : i32
      %gt3A = arith.constant 0 : i32
      %gt3A_82 = arith.cmpi sgt, %scan3A_78, %gt3A : i32
      %convert_element_type3A_83 = arith.extui %gt3A_82 : i1 to i32
      %cond3A_84 = arith.constant 0 : i32
      %cond3A_85 = arith.cmpi ne, %convert_element_type3A_83, %cond3A_84 : i32
      scf.if %cond3A_85 {
        %dma_wait3A_167 = arith.constant 0 : i32
        %dma_wait3A_168 = arith.constant 0 : i32
        %dma_wait3A_169 = tpu.memref_slice %arg6[%dma_wait3A_167, %dma_wait3A_168] : memref<10000x128xf32, #tpu.memory_space<vmem_shared>> -> memref<10000x128xf32, #tpu.memory_space<vmem_shared>>
        tpu.wait_indirect_dma semaphore(%arg27 : memref<!tpu.dma_semaphore, #tpu.memory_space<semaphore_mem>>) src(%arg17 : memref<64x128xf32, #tpu.memory_space<vmem>>) dst(%dma_wait3A_169 : memref<10000x128xf32, #tpu.memory_space<vmem_shared>>)
        %dma_wait3A_170 = arith.constant 0 : i32
        %dma_wait3A_171 = arith.constant 0 : i32
        %dma_wait3A_172 = tpu.memref_slice %arg6[%dma_wait3A_170, %dma_wait3A_171] : memref<10000x128xf32, #tpu.memory_space<vmem_shared>> -> memref<10000x128xf32, #tpu.memory_space<vmem_shared>>
        tpu.wait_indirect_dma semaphore(%arg28 : memref<!tpu.dma_semaphore, #tpu.memory_space<semaphore_mem>>) src(%arg18 : memref<64x128xf32, #tpu.memory_space<vmem>>) dst(%dma_wait3A_172 : memref<10000x128xf32, #tpu.memory_space<vmem_shared>>)
      } else {
      }
      %add3A_86 = arith.constant 0 : i32
      %add3A_87 = arith.addi %add3A_81, %add3A_86 : i32
      %dma_start3A_88 = tpu.memref_slice %arg3[%add3A_87] : memref<320000xi32, #tpu.memory_space<hbm>> -> memref<64xi32, #tpu.memory_space<hbm>>
      %dma_start3A_89 = tpu.memref_slice %arg3[%add3A_87] : memref<320000xi32, #tpu.memory_space<hbm>> -> memref<64xi32, #tpu.memory_space<hbm>>
      tpu.enqueue_dma source(%dma_start3A_89 : memref<64xi32, #tpu.memory_space<hbm>>) target(%arg7 : memref<64xi32, #tpu.memory_space<vmem>>) target_semaphore(%arg22 : memref<!tpu.dma_semaphore, #tpu.memory_space<semaphore_mem>>)
      %dma_start3A_90 = tpu.memref_slice %arg4[%add3A_87] : memref<320000xi32, #tpu.memory_space<hbm>> -> memref<64xi32, #tpu.memory_space<hbm>>
      %dma_start3A_91 = tpu.memref_slice %arg4[%add3A_87] : memref<320000xi32, #tpu.memory_space<hbm>> -> memref<64xi32, #tpu.memory_space<hbm>>
      tpu.enqueue_dma source(%dma_start3A_91 : memref<64xi32, #tpu.memory_space<hbm>>) target(%arg11 : memref<64xi32, #tpu.memory_space<vmem>>) target_semaphore(%arg22 : memref<!tpu.dma_semaphore, #tpu.memory_space<semaphore_mem>>)
      %add3A_92 = arith.constant 64 : i32
      %add3A_93 = arith.addi %add3A_81, %add3A_92 : i32
      %dma_start3A_94 = tpu.memref_slice %arg3[%add3A_93] : memref<320000xi32, #tpu.memory_space<hbm>> -> memref<64xi32, #tpu.memory_space<hbm>>
      %dma_start3A_95 = tpu.memref_slice %arg3[%add3A_93] : memref<320000xi32, #tpu.memory_space<hbm>> -> memref<64xi32, #tpu.memory_space<hbm>>
      tpu.enqueue_dma source(%dma_start3A_95 : memref<64xi32, #tpu.memory_space<hbm>>) target(%arg8 : memref<64xi32, #tpu.memory_space<vmem>>) target_semaphore(%arg22 : memref<!tpu.dma_semaphore, #tpu.memory_space<semaphore_mem>>)
      %dma_start3A_96 = tpu.memref_slice %arg4[%add3A_93] : memref<320000xi32, #tpu.memory_space<hbm>> -> memref<64xi32, #tpu.memory_space<hbm>>
      %dma_start3A_97 = tpu.memref_slice %arg4[%add3A_93] : memref<320000xi32, #tpu.memory_space<hbm>> -> memref<64xi32, #tpu.memory_space<hbm>>
      tpu.enqueue_dma source(%dma_start3A_97 : memref<64xi32, #tpu.memory_space<hbm>>) target(%arg12 : memref<64xi32, #tpu.memory_space<vmem>>) target_semaphore(%arg22 : memref<!tpu.dma_semaphore, #tpu.memory_space<semaphore_mem>>)
      %dma_wait3A_98 = tpu.memref_slice %arg3[%add3A_87] : memref<320000xi32, #tpu.memory_space<hbm>> -> memref<64xi32, #tpu.memory_space<hbm>>
      %dma_wait3A_99 = tpu.memref_slice %arg3[%add3A_87] : memref<320000xi32, #tpu.memory_space<hbm>> -> memref<64xi32, #tpu.memory_space<hbm>>
      tpu.wait_dma2 semaphore(%arg22 : memref<!tpu.dma_semaphore, #tpu.memory_space<semaphore_mem>>) src(%dma_wait3A_99 : memref<64xi32, #tpu.memory_space<hbm>>) dst(%arg7 : memref<64xi32, #tpu.memory_space<vmem>>)
      %dma_wait3A_100 = tpu.memref_slice %arg4[%add3A_87] : memref<320000xi32, #tpu.memory_space<hbm>> -> memref<64xi32, #tpu.memory_space<hbm>>
      %dma_wait3A_101 = tpu.memref_slice %arg4[%add3A_87] : memref<320000xi32, #tpu.memory_space<hbm>> -> memref<64xi32, #tpu.memory_space<hbm>>
      tpu.wait_dma2 semaphore(%arg22 : memref<!tpu.dma_semaphore, #tpu.memory_space<semaphore_mem>>) src(%dma_wait3A_101 : memref<64xi32, #tpu.memory_space<hbm>>) dst(%arg11 : memref<64xi32, #tpu.memory_space<vmem>>)
      %dma_wait3A_102 = tpu.memref_slice %arg3[%add3A_93] : memref<320000xi32, #tpu.memory_space<hbm>> -> memref<64xi32, #tpu.memory_space<hbm>>
      %dma_wait3A_103 = tpu.memref_slice %arg3[%add3A_93] : memref<320000xi32, #tpu.memory_space<hbm>> -> memref<64xi32, #tpu.memory_space<hbm>>
      tpu.wait_dma2 semaphore(%arg22 : memref<!tpu.dma_semaphore, #tpu.memory_space<semaphore_mem>>) src(%dma_wait3A_103 : memref<64xi32, #tpu.memory_space<hbm>>) dst(%arg8 : memref<64xi32, #tpu.memory_space<vmem>>)
      %dma_wait3A_104 = tpu.memref_slice %arg4[%add3A_93] : memref<320000xi32, #tpu.memory_space<hbm>> -> memref<64xi32, #tpu.memory_space<hbm>>
      %dma_wait3A_105 = tpu.memref_slice %arg4[%add3A_93] : memref<320000xi32, #tpu.memory_space<hbm>> -> memref<64xi32, #tpu.memory_space<hbm>>
      tpu.wait_dma2 semaphore(%arg22 : memref<!tpu.dma_semaphore, #tpu.memory_space<semaphore_mem>>) src(%dma_wait3A_105 : memref<64xi32, #tpu.memory_space<hbm>>) dst(%arg12 : memref<64xi32, #tpu.memory_space<vmem>>)
      %dma_start3A_106 = arith.constant 0 : i32
      %dma_start3A_107 = arith.constant 0 : i32
      %dma_start3A_108 = tpu.memref_slice %arg2[%dma_start3A_106, %dma_start3A_107] : memref<10000x128xf32, #tpu.memory_space<hbm>> -> memref<10000x128xf32, #tpu.memory_space<hbm>>
      tpu.enqueue_indirect_dma source(%dma_start3A_108 : memref<10000x128xf32, #tpu.memory_space<hbm>>) target(%arg17 : memref<64x128xf32, #tpu.memory_space<vmem>>) offsets(%arg7 : memref<64xi32, #tpu.memory_space<vmem>>) semaphore(%arg23 : memref<!tpu.dma_semaphore, #tpu.memory_space<semaphore_mem>>)
      %dma_start3A_109 = arith.constant 0 : i32
      %dma_start3A_110 = arith.constant 0 : i32
      %dma_start3A_111 = tpu.memref_slice %arg2[%dma_start3A_109, %dma_start3A_110] : memref<10000x128xf32, #tpu.memory_space<hbm>> -> memref<10000x128xf32, #tpu.memory_space<hbm>>
      tpu.enqueue_indirect_dma source(%dma_start3A_111 : memref<10000x128xf32, #tpu.memory_space<hbm>>) target(%arg18 : memref<64x128xf32, #tpu.memory_space<vmem>>) offsets(%arg8 : memref<64xi32, #tpu.memory_space<vmem>>) semaphore(%arg24 : memref<!tpu.dma_semaphore, #tpu.memory_space<semaphore_mem>>)
      %dma_wait3A_112 = arith.constant 0 : i32
      %dma_wait3A_113 = arith.constant 0 : i32
      %dma_wait3A_114 = tpu.memref_slice %arg2[%dma_wait3A_112, %dma_wait3A_113] : memref<10000x128xf32, #tpu.memory_space<hbm>> -> memref<10000x128xf32, #tpu.memory_space<hbm>>
      tpu.wait_indirect_dma semaphore(%arg23 : memref<!tpu.dma_semaphore, #tpu.memory_space<semaphore_mem>>) src(%dma_wait3A_114 : memref<10000x128xf32, #tpu.memory_space<hbm>>) dst(%arg17 : memref<64x128xf32, #tpu.memory_space<vmem>>)
      %dma_start3A_115 = arith.constant 0 : i32
      %dma_start3A_116 = arith.constant 0 : i32
      %dma_start3A_117 = tpu.memref_slice %arg6[%dma_start3A_115, %dma_start3A_116] : memref<10000x128xf32, #tpu.memory_space<vmem_shared>> -> memref<10000x128xf32, #tpu.memory_space<vmem_shared>>
      tpu.enqueue_indirect_dma source(%arg17 : memref<64x128xf32, #tpu.memory_space<vmem>>) target(%dma_start3A_117 : memref<10000x128xf32, #tpu.memory_space<vmem_shared>>) offsets(%arg11 : memref<64xi32, #tpu.memory_space<vmem>>) semaphore(%arg27 : memref<!tpu.dma_semaphore, #tpu.memory_space<semaphore_mem>>) {add = true}
      %dma_wait3A_118 = arith.constant 0 : i32
      %dma_wait3A_119 = arith.constant 0 : i32
      %dma_wait3A_120 = tpu.memref_slice %arg2[%dma_wait3A_118, %dma_wait3A_119] : memref<10000x128xf32, #tpu.memory_space<hbm>> -> memref<10000x128xf32, #tpu.memory_space<hbm>>
      tpu.wait_indirect_dma semaphore(%arg24 : memref<!tpu.dma_semaphore, #tpu.memory_space<semaphore_mem>>) src(%dma_wait3A_120 : memref<10000x128xf32, #tpu.memory_space<hbm>>) dst(%arg18 : memref<64x128xf32, #tpu.memory_space<vmem>>)
      %dma_start3A_121 = arith.constant 0 : i32
      %dma_start3A_122 = arith.constant 0 : i32
      %dma_start3A_123 = tpu.memref_slice %arg6[%dma_start3A_121, %dma_start3A_122] : memref<10000x128xf32, #tpu.memory_space<vmem_shared>> -> memref<10000x128xf32, #tpu.memory_space<vmem_shared>>
      tpu.enqueue_indirect_dma source(%arg18 : memref<64x128xf32, #tpu.memory_space<vmem>>) target(%dma_start3A_123 : memref<10000x128xf32, #tpu.memory_space<vmem_shared>>) offsets(%arg12 : memref<64xi32, #tpu.memory_space<vmem>>) semaphore(%arg28 : memref<!tpu.dma_semaphore, #tpu.memory_space<semaphore_mem>>) {add = true}
      %gt3A_124 = arith.constant 0 : i32
      %gt3A_125 = arith.cmpi sgt, %scan3A_78, %gt3A_124 : i32
      %convert_element_type3A_126 = arith.extui %gt3A_125 : i1 to i32
      %cond3A_127 = arith.constant 0 : i32
      %cond3A_128 = arith.cmpi ne, %convert_element_type3A_126, %cond3A_127 : i32
      scf.if %cond3A_128 {
        %dma_wait3A_167 = arith.constant 0 : i32
        %dma_wait3A_168 = arith.constant 0 : i32
        %dma_wait3A_169 = tpu.memref_slice %arg6[%dma_wait3A_167, %dma_wait3A_168] : memref<10000x128xf32, #tpu.memory_space<vmem_shared>> -> memref<10000x128xf32, #tpu.memory_space<vmem_shared>>
        tpu.wait_indirect_dma semaphore(%arg29 : memref<!tpu.dma_semaphore, #tpu.memory_space<semaphore_mem>>) src(%arg19 : memref<64x128xf32, #tpu.memory_space<vmem>>) dst(%dma_wait3A_169 : memref<10000x128xf32, #tpu.memory_space<vmem_shared>>)
        %dma_wait3A_170 = arith.constant 0 : i32
        %dma_wait3A_171 = arith.constant 0 : i32
        %dma_wait3A_172 = tpu.memref_slice %arg6[%dma_wait3A_170, %dma_wait3A_171] : memref<10000x128xf32, #tpu.memory_space<vmem_shared>> -> memref<10000x128xf32, #tpu.memory_space<vmem_shared>>
        tpu.wait_indirect_dma semaphore(%arg30 : memref<!tpu.dma_semaphore, #tpu.memory_space<semaphore_mem>>) src(%arg20 : memref<64x128xf32, #tpu.memory_space<vmem>>) dst(%dma_wait3A_172 : memref<10000x128xf32, #tpu.memory_space<vmem_shared>>)
      } else {
      }
      %add3A_129 = arith.constant 128 : i32
      %add3A_130 = arith.addi %add3A_81, %add3A_129 : i32
      %dma_start3A_131 = tpu.memref_slice %arg3[%add3A_130] : memref<320000xi32, #tpu.memory_space<hbm>> -> memref<64xi32, #tpu.memory_space<hbm>>
      %dma_start3A_132 = tpu.memref_slice %arg3[%add3A_130] : memref<320000xi32, #tpu.memory_space<hbm>> -> memref<64xi32, #tpu.memory_space<hbm>>
      tpu.enqueue_dma source(%dma_start3A_132 : memref<64xi32, #tpu.memory_space<hbm>>) target(%arg9 : memref<64xi32, #tpu.memory_space<vmem>>) target_semaphore(%arg22 : memref<!tpu.dma_semaphore, #tpu.memory_space<semaphore_mem>>)
      %dma_start3A_133 = tpu.memref_slice %arg4[%add3A_130] : memref<320000xi32, #tpu.memory_space<hbm>> -> memref<64xi32, #tpu.memory_space<hbm>>
      %dma_start3A_134 = tpu.memref_slice %arg4[%add3A_130] : memref<320000xi32, #tpu.memory_space<hbm>> -> memref<64xi32, #tpu.memory_space<hbm>>
      tpu.enqueue_dma source(%dma_start3A_134 : memref<64xi32, #tpu.memory_space<hbm>>) target(%arg13 : memref<64xi32, #tpu.memory_space<vmem>>) target_semaphore(%arg22 : memref<!tpu.dma_semaphore, #tpu.memory_space<semaphore_mem>>)
      %add3A_135 = arith.constant 192 : i32
      %add3A_136 = arith.addi %add3A_81, %add3A_135 : i32
      %dma_start3A_137 = tpu.memref_slice %arg3[%add3A_136] : memref<320000xi32, #tpu.memory_space<hbm>> -> memref<64xi32, #tpu.memory_space<hbm>>
      %dma_start3A_138 = tpu.memref_slice %arg3[%add3A_136] : memref<320000xi32, #tpu.memory_space<hbm>> -> memref<64xi32, #tpu.memory_space<hbm>>
      tpu.enqueue_dma source(%dma_start3A_138 : memref<64xi32, #tpu.memory_space<hbm>>) target(%arg10 : memref<64xi32, #tpu.memory_space<vmem>>) target_semaphore(%arg22 : memref<!tpu.dma_semaphore, #tpu.memory_space<semaphore_mem>>)
      %dma_start3A_139 = tpu.memref_slice %arg4[%add3A_136] : memref<320000xi32, #tpu.memory_space<hbm>> -> memref<64xi32, #tpu.memory_space<hbm>>
      %dma_start3A_140 = tpu.memref_slice %arg4[%add3A_136] : memref<320000xi32, #tpu.memory_space<hbm>> -> memref<64xi32, #tpu.memory_space<hbm>>
      tpu.enqueue_dma source(%dma_start3A_140 : memref<64xi32, #tpu.memory_space<hbm>>) target(%arg14 : memref<64xi32, #tpu.memory_space<vmem>>) target_semaphore(%arg22 : memref<!tpu.dma_semaphore, #tpu.memory_space<semaphore_mem>>)
      %dma_wait3A_141 = tpu.memref_slice %arg3[%add3A_130] : memref<320000xi32, #tpu.memory_space<hbm>> -> memref<64xi32, #tpu.memory_space<hbm>>
      %dma_wait3A_142 = tpu.memref_slice %arg3[%add3A_130] : memref<320000xi32, #tpu.memory_space<hbm>> -> memref<64xi32, #tpu.memory_space<hbm>>
      tpu.wait_dma2 semaphore(%arg22 : memref<!tpu.dma_semaphore, #tpu.memory_space<semaphore_mem>>) src(%dma_wait3A_142 : memref<64xi32, #tpu.memory_space<hbm>>) dst(%arg9 : memref<64xi32, #tpu.memory_space<vmem>>)
      %dma_wait3A_143 = tpu.memref_slice %arg4[%add3A_130] : memref<320000xi32, #tpu.memory_space<hbm>> -> memref<64xi32, #tpu.memory_space<hbm>>
      %dma_wait3A_144 = tpu.memref_slice %arg4[%add3A_130] : memref<320000xi32, #tpu.memory_space<hbm>> -> memref<64xi32, #tpu.memory_space<hbm>>
      tpu.wait_dma2 semaphore(%arg22 : memref<!tpu.dma_semaphore, #tpu.memory_space<semaphore_mem>>) src(%dma_wait3A_144 : memref<64xi32, #tpu.memory_space<hbm>>) dst(%arg13 : memref<64xi32, #tpu.memory_space<vmem>>)
      %dma_wait3A_145 = tpu.memref_slice %arg3[%add3A_136] : memref<320000xi32, #tpu.memory_space<hbm>> -> memref<64xi32, #tpu.memory_space<hbm>>
      %dma_wait3A_146 = tpu.memref_slice %arg3[%add3A_136] : memref<320000xi32, #tpu.memory_space<hbm>> -> memref<64xi32, #tpu.memory_space<hbm>>
      tpu.wait_dma2 semaphore(%arg22 : memref<!tpu.dma_semaphore, #tpu.memory_space<semaphore_mem>>) src(%dma_wait3A_146 : memref<64xi32, #tpu.memory_space<hbm>>) dst(%arg10 : memref<64xi32, #tpu.memory_space<vmem>>)
      %dma_wait3A_147 = tpu.memref_slice %arg4[%add3A_136] : memref<320000xi32, #tpu.memory_space<hbm>> -> memref<64xi32, #tpu.memory_space<hbm>>
      %dma_wait3A_148 = tpu.memref_slice %arg4[%add3A_136] : memref<320000xi32, #tpu.memory_space<hbm>> -> memref<64xi32, #tpu.memory_space<hbm>>
      tpu.wait_dma2 semaphore(%arg22 : memref<!tpu.dma_semaphore, #tpu.memory_space<semaphore_mem>>) src(%dma_wait3A_148 : memref<64xi32, #tpu.memory_space<hbm>>) dst(%arg14 : memref<64xi32, #tpu.memory_space<vmem>>)
      %dma_start3A_149 = arith.constant 0 : i32
      %dma_start3A_150 = arith.constant 0 : i32
      %dma_start3A_151 = tpu.memref_slice %arg2[%dma_start3A_149, %dma_start3A_150] : memref<10000x128xf32, #tpu.memory_space<hbm>> -> memref<10000x128xf32, #tpu.memory_space<hbm>>
      tpu.enqueue_indirect_dma source(%dma_start3A_151 : memref<10000x128xf32, #tpu.memory_space<hbm>>) target(%arg19 : memref<64x128xf32, #tpu.memory_space<vmem>>) offsets(%arg9 : memref<64xi32, #tpu.memory_space<vmem>>) semaphore(%arg25 : memref<!tpu.dma_semaphore, #tpu.memory_space<semaphore_mem>>)
      %dma_start3A_152 = arith.constant 0 : i32
      %dma_start3A_153 = arith.constant 0 : i32
      %dma_start3A_154 = tpu.memref_slice %arg2[%dma_start3A_152, %dma_start3A_153] : memref<10000x128xf32, #tpu.memory_space<hbm>> -> memref<10000x128xf32, #tpu.memory_space<hbm>>
      tpu.enqueue_indirect_dma source(%dma_start3A_154 : memref<10000x128xf32, #tpu.memory_space<hbm>>) target(%arg20 : memref<64x128xf32, #tpu.memory_space<vmem>>) offsets(%arg10 : memref<64xi32, #tpu.memory_space<vmem>>) semaphore(%arg26 : memref<!tpu.dma_semaphore, #tpu.memory_space<semaphore_mem>>)
      %dma_wait3A_155 = arith.constant 0 : i32
      %dma_wait3A_156 = arith.constant 0 : i32
      %dma_wait3A_157 = tpu.memref_slice %arg2[%dma_wait3A_155, %dma_wait3A_156] : memref<10000x128xf32, #tpu.memory_space<hbm>> -> memref<10000x128xf32, #tpu.memory_space<hbm>>
      tpu.wait_indirect_dma semaphore(%arg25 : memref<!tpu.dma_semaphore, #tpu.memory_space<semaphore_mem>>) src(%dma_wait3A_157 : memref<10000x128xf32, #tpu.memory_space<hbm>>) dst(%arg19 : memref<64x128xf32, #tpu.memory_space<vmem>>)
      %dma_start3A_158 = arith.constant 0 : i32
      %dma_start3A_159 = arith.constant 0 : i32
      %dma_start3A_160 = tpu.memref_slice %arg6[%dma_start3A_158, %dma_start3A_159] : memref<10000x128xf32, #tpu.memory_space<vmem_shared>> -> memref<10000x128xf32, #tpu.memory_space<vmem_shared>>
      tpu.enqueue_indirect_dma source(%arg19 : memref<64x128xf32, #tpu.memory_space<vmem>>) target(%dma_start3A_160 : memref<10000x128xf32, #tpu.memory_space<vmem_shared>>) offsets(%arg13 : memref<64xi32, #tpu.memory_space<vmem>>) semaphore(%arg29 : memref<!tpu.dma_semaphore, #tpu.memory_space<semaphore_mem>>) {add = true}
      %dma_wait3A_161 = arith.constant 0 : i32
      %dma_wait3A_162 = arith.constant 0 : i32
      %dma_wait3A_163 = tpu.memref_slice %arg2[%dma_wait3A_161, %dma_wait3A_162] : memref<10000x128xf32, #tpu.memory_space<hbm>> -> memref<10000x128xf32, #tpu.memory_space<hbm>>
      tpu.wait_indirect_dma semaphore(%arg26 : memref<!tpu.dma_semaphore, #tpu.memory_space<semaphore_mem>>) src(%dma_wait3A_163 : memref<10000x128xf32, #tpu.memory_space<hbm>>) dst(%arg20 : memref<64x128xf32, #tpu.memory_space<vmem>>)
      %dma_start3A_164 = arith.constant 0 : i32
      %dma_start3A_165 = arith.constant 0 : i32
      %dma_start3A_166 = tpu.memref_slice %arg6[%dma_start3A_164, %dma_start3A_165] : memref<10000x128xf32, #tpu.memory_space<vmem_shared>> -> memref<10000x128xf32, #tpu.memory_space<vmem_shared>>
      tpu.enqueue_indirect_dma source(%arg20 : memref<64x128xf32, #tpu.memory_space<vmem>>) target(%dma_start3A_166 : memref<10000x128xf32, #tpu.memory_space<vmem_shared>>) offsets(%arg14 : memref<64xi32, #tpu.memory_space<vmem>>) semaphore(%arg30 : memref<!tpu.dma_semaphore, #tpu.memory_space<semaphore_mem>>) {add = true}
    }
    %scan3A_44 = arith.constant 39 : i32
    %dma_wait3A = arith.constant 0 : i32
    %dma_wait3A_45 = arith.constant 0 : i32
    %dma_wait3A_46 = tpu.memref_slice %arg6[%dma_wait3A, %dma_wait3A_45] : memref<10000x128xf32, #tpu.memory_space<vmem_shared>> -> memref<10000x128xf32, #tpu.memory_space<vmem_shared>>
    tpu.wait_indirect_dma semaphore(%arg27 : memref<!tpu.dma_semaphore, #tpu.memory_space<semaphore_mem>>) src(%arg17 : memref<64x128xf32, #tpu.memory_space<vmem>>) dst(%dma_wait3A_46 : memref<10000x128xf32, #tpu.memory_space<vmem_shared>>)
    %dma_wait3A_47 = arith.constant 0 : i32
    %dma_wait3A_48 = arith.constant 0 : i32
    %dma_wait3A_49 = tpu.memref_slice %arg6[%dma_wait3A_47, %dma_wait3A_48] : memref<10000x128xf32, #tpu.memory_space<vmem_shared>> -> memref<10000x128xf32, #tpu.memory_space<vmem_shared>>
    tpu.wait_indirect_dma semaphore(%arg28 : memref<!tpu.dma_semaphore, #tpu.memory_space<semaphore_mem>>) src(%arg18 : memref<64x128xf32, #tpu.memory_space<vmem>>) dst(%dma_wait3A_49 : memref<10000x128xf32, #tpu.memory_space<vmem_shared>>)
    %dma_wait3A_50 = arith.constant 0 : i32
    %dma_wait3A_51 = arith.constant 0 : i32
    %dma_wait3A_52 = tpu.memref_slice %arg6[%dma_wait3A_50, %dma_wait3A_51] : memref<10000x128xf32, #tpu.memory_space<vmem_shared>> -> memref<10000x128xf32, #tpu.memory_space<vmem_shared>>
    tpu.wait_indirect_dma semaphore(%arg29 : memref<!tpu.dma_semaphore, #tpu.memory_space<semaphore_mem>>) src(%arg19 : memref<64x128xf32, #tpu.memory_space<vmem>>) dst(%dma_wait3A_52 : memref<10000x128xf32, #tpu.memory_space<vmem_shared>>)
    %dma_wait3A_53 = arith.constant 0 : i32
    %dma_wait3A_54 = arith.constant 0 : i32
    %dma_wait3A_55 = tpu.memref_slice %arg6[%dma_wait3A_53, %dma_wait3A_54] : memref<10000x128xf32, #tpu.memory_space<vmem_shared>> -> memref<10000x128xf32, #tpu.memory_space<vmem_shared>>
    tpu.wait_indirect_dma semaphore(%arg30 : memref<!tpu.dma_semaphore, #tpu.memory_space<semaphore_mem>>) src(%arg20 : memref<64x128xf32, #tpu.memory_space<vmem>>) dst(%dma_wait3A_55 : memref<10000x128xf32, #tpu.memory_space<vmem_shared>>)
    %add3A_56 = arith.constant 9984 : i32
    %add3A_57 = arith.addi %mul3A_38, %add3A_56 : i32
    "tpu.region"() ({
      %run_scoped3A = tpu.sem_alloc : memref<!tpu.dma_semaphore, #tpu.memory_space<semaphore_mem>>
      %dma_start3A_78 = tpu.memref_slice %arg3[%add3A_57] : memref<320000xi32, #tpu.memory_space<hbm>> -> memref<16xi32, #tpu.memory_space<hbm>>
      %dma_start3A_79 = tpu.memref_slice %arg3[%add3A_57] : memref<320000xi32, #tpu.memory_space<hbm>> -> memref<16xi32, #tpu.memory_space<hbm>>
      tpu.enqueue_dma source(%dma_start3A_79 : memref<16xi32, #tpu.memory_space<hbm>>) target(%arg15 : memref<16xi32, #tpu.memory_space<vmem>>) target_semaphore(%run_scoped3A : memref<!tpu.dma_semaphore, #tpu.memory_space<semaphore_mem>>)
      %dma_wait3A_80 = tpu.memref_slice %arg3[%add3A_57] : memref<320000xi32, #tpu.memory_space<hbm>> -> memref<16xi32, #tpu.memory_space<hbm>>
      %dma_wait3A_81 = tpu.memref_slice %arg3[%add3A_57] : memref<320000xi32, #tpu.memory_space<hbm>> -> memref<16xi32, #tpu.memory_space<hbm>>
      tpu.wait_dma2 semaphore(%run_scoped3A : memref<!tpu.dma_semaphore, #tpu.memory_space<semaphore_mem>>) src(%dma_wait3A_81 : memref<16xi32, #tpu.memory_space<hbm>>) dst(%arg15 : memref<16xi32, #tpu.memory_space<vmem>>)
      tpu.yield
    }) : () -> ()
    "tpu.region"() ({
      %run_scoped3A = tpu.sem_alloc : memref<!tpu.dma_semaphore, #tpu.memory_space<semaphore_mem>>
      %dma_start3A_78 = tpu.memref_slice %arg4[%add3A_57] : memref<320000xi32, #tpu.memory_space<hbm>> -> memref<16xi32, #tpu.memory_space<hbm>>
      %dma_start3A_79 = tpu.memref_slice %arg4[%add3A_57] : memref<320000xi32, #tpu.memory_space<hbm>> -> memref<16xi32, #tpu.memory_space<hbm>>
      tpu.enqueue_dma source(%dma_start3A_79 : memref<16xi32, #tpu.memory_space<hbm>>) target(%arg16 : memref<16xi32, #tpu.memory_space<vmem>>) target_semaphore(%run_scoped3A : memref<!tpu.dma_semaphore, #tpu.memory_space<semaphore_mem>>)
      %dma_wait3A_80 = tpu.memref_slice %arg4[%add3A_57] : memref<320000xi32, #tpu.memory_space<hbm>> -> memref<16xi32, #tpu.memory_space<hbm>>
      %dma_wait3A_81 = tpu.memref_slice %arg4[%add3A_57] : memref<320000xi32, #tpu.memory_space<hbm>> -> memref<16xi32, #tpu.memory_space<hbm>>
      tpu.wait_dma2 semaphore(%run_scoped3A : memref<!tpu.dma_semaphore, #tpu.memory_space<semaphore_mem>>) src(%dma_wait3A_81 : memref<16xi32, #tpu.memory_space<hbm>>) dst(%arg16 : memref<16xi32, #tpu.memory_space<vmem>>)
      tpu.yield
    }) : () -> ()
    %dma_start3A = arith.constant 0 : i32
    %dma_start3A_58 = arith.constant 0 : i32
    %dma_start3A_59 = tpu.memref_slice %arg17[%dma_start3A, %dma_start3A_58] : memref<64x128xf32, #tpu.memory_space<vmem>> -> memref<16x128xf32, #tpu.memory_space<vmem>>
    %dma_start3A_60 = arith.constant 0 : i32
    %dma_start3A_61 = arith.constant 0 : i32
    %dma_start3A_62 = tpu.memref_slice %arg2[%dma_start3A_60, %dma_start3A_61] : memref<10000x128xf32, #tpu.memory_space<hbm>> -> memref<10000x128xf32, #tpu.memory_space<hbm>>
    tpu.enqueue_indirect_dma source(%dma_start3A_62 : memref<10000x128xf32, #tpu.memory_space<hbm>>) target(%dma_start3A_59 : memref<16x128xf32, #tpu.memory_space<vmem>>) offsets(%arg15 : memref<16xi32, #tpu.memory_space<vmem>>) semaphore(%arg23 : memref<!tpu.dma_semaphore, #tpu.memory_space<semaphore_mem>>)
    %dma_wait3A_63 = arith.constant 0 : i32
    %dma_wait3A_64 = arith.constant 0 : i32
    %dma_wait3A_65 = tpu.memref_slice %arg17[%dma_wait3A_63, %dma_wait3A_64] : memref<64x128xf32, #tpu.memory_space<vmem>> -> memref<16x128xf32, #tpu.memory_space<vmem>>
    %dma_wait3A_66 = arith.constant 0 : i32
    %dma_wait3A_67 = arith.constant 0 : i32
    %dma_wait3A_68 = tpu.memref_slice %arg2[%dma_wait3A_66, %dma_wait3A_67] : memref<10000x128xf32, #tpu.memory_space<hbm>> -> memref<10000x128xf32, #tpu.memory_space<hbm>>
    tpu.wait_indirect_dma semaphore(%arg23 : memref<!tpu.dma_semaphore, #tpu.memory_space<semaphore_mem>>) src(%dma_wait3A_68 : memref<10000x128xf32, #tpu.memory_space<hbm>>) dst(%dma_wait3A_65 : memref<16x128xf32, #tpu.memory_space<vmem>>)
    "tpu.region"() ({
      %run_scoped3A = tpu.sem_alloc : memref<!tpu.dma_semaphore, #tpu.memory_space<semaphore_mem>>
      %dma_start3A_78 = arith.constant 0 : i32
      %dma_start3A_79 = arith.constant 0 : i32
      %dma_start3A_80 = tpu.memref_slice %arg17[%dma_start3A_78, %dma_start3A_79] : memref<64x128xf32, #tpu.memory_space<vmem>> -> memref<16x128xf32, #tpu.memory_space<vmem>>
      %dma_start3A_81 = arith.constant 0 : i32
      %dma_start3A_82 = arith.constant 0 : i32
      %dma_start3A_83 = tpu.memref_slice %arg6[%dma_start3A_81, %dma_start3A_82] : memref<10000x128xf32, #tpu.memory_space<vmem_shared>> -> memref<10000x128xf32, #tpu.memory_space<vmem_shared>>
      tpu.enqueue_indirect_dma source(%dma_start3A_80 : memref<16x128xf32, #tpu.memory_space<vmem>>) target(%dma_start3A_83 : memref<10000x128xf32, #tpu.memory_space<vmem_shared>>) offsets(%arg16 : memref<16xi32, #tpu.memory_space<vmem>>) semaphore(%run_scoped3A : memref<!tpu.dma_semaphore, #tpu.memory_space<semaphore_mem>>) {add = true}
      %dma_wait3A_84 = arith.constant 0 : i32
      %dma_wait3A_85 = arith.constant 0 : i32
      %dma_wait3A_86 = tpu.memref_slice %arg17[%dma_wait3A_84, %dma_wait3A_85] : memref<64x128xf32, #tpu.memory_space<vmem>> -> memref<16x128xf32, #tpu.memory_space<vmem>>
      %dma_wait3A_87 = arith.constant 0 : i32
      %dma_wait3A_88 = arith.constant 0 : i32
      %dma_wait3A_89 = tpu.memref_slice %arg6[%dma_wait3A_87, %dma_wait3A_88] : memref<10000x128xf32, #tpu.memory_space<vmem_shared>> -> memref<10000x128xf32, #tpu.memory_space<vmem_shared>>
      tpu.wait_indirect_dma semaphore(%run_scoped3A : memref<!tpu.dma_semaphore, #tpu.memory_space<semaphore_mem>>) src(%dma_wait3A_86 : memref<16x128xf32, #tpu.memory_space<vmem>>) dst(%dma_wait3A_89 : memref<10000x128xf32, #tpu.memory_space<vmem_shared>>)
      tpu.yield
    }) : () -> ()
    %barrier3A_69 = arith.constant 0 : index
    tpu.barrier barrier_id(%barrier3A_69)
    %mul3A_70 = arith.constant 10000 : i32
    %mul3A_71 = arith.muli %arg0, %mul3A_70 : i32
    %add3A_72 = arith.addi %mul3A_71, %mul3A_6 : i32
    "tpu.region"() ({
      %run_scoped3A = tpu.sem_alloc : memref<!tpu.dma_semaphore, #tpu.memory_space<semaphore_mem>>
      %dma_start3A_78 = arith.constant 0 : i32
      %dma_start3A_79 = tpu.memref_slice %arg5[%add3A_72, %dma_start3A_78] : memref<20000x128xf32, #tpu.memory_space<hbm>> -> memref<624x128xf32, #tpu.memory_space<hbm>>
      %dma_start3A_80 = arith.constant 0 : i32
      %dma_start3A_81 = tpu.memref_slice %arg6[%mul3A_6, %dma_start3A_80] : memref<10000x128xf32, #tpu.memory_space<vmem_shared>> -> memref<624x128xf32, #tpu.memory_space<vmem_shared>>
      tpu.enqueue_dma source(%dma_start3A_81 : memref<624x128xf32, #tpu.memory_space<vmem_shared>>) target(%dma_start3A_79 : memref<624x128xf32, #tpu.memory_space<hbm>>) target_semaphore(%run_scoped3A : memref<!tpu.dma_semaphore, #tpu.memory_space<semaphore_mem>>)
      %dma_wait3A_82 = arith.constant 0 : i32
      %dma_wait3A_83 = tpu.memref_slice %arg5[%add3A_72, %dma_wait3A_82] : memref<20000x128xf32, #tpu.memory_space<hbm>> -> memref<624x128xf32, #tpu.memory_space<hbm>>
      %dma_wait3A_84 = arith.constant 0 : i32
      %dma_wait3A_85 = tpu.memref_slice %arg6[%mul3A_6, %dma_wait3A_84] : memref<10000x128xf32, #tpu.memory_space<vmem_shared>> -> memref<624x128xf32, #tpu.memory_space<vmem_shared>>
      tpu.wait_dma2 semaphore(%run_scoped3A : memref<!tpu.dma_semaphore, #tpu.memory_space<semaphore_mem>>) src(%dma_wait3A_85 : memref<624x128xf32, #tpu.memory_space<vmem_shared>>) dst(%dma_wait3A_83 : memref<624x128xf32, #tpu.memory_space<hbm>>)
      tpu.yield
    }) : () -> ()
    %eq3A_73 = arith.constant 15 : i32
    %eq3A_74 = arith.cmpi eq, %arg1, %eq3A_73 : i32
    %convert_element_type3A_75 = arith.extui %eq3A_74 : i1 to i32
    %cond3A_76 = arith.constant 0 : i32
    %cond3A_77 = arith.cmpi ne, %convert_element_type3A_75, %cond3A_76 : i32
    scf.if %cond3A_77 {
      %add3A_78 = arith.constant 9984 : i32
      %add3A_79 = arith.addi %mul3A_71, %add3A_78 : i32
      "tpu.region"() ({
        %run_scoped3A = tpu.sem_alloc : memref<!tpu.dma_semaphore, #tpu.memory_space<semaphore_mem>>
        %dma_start3A_80 = arith.constant 0 : i32
        %dma_start3A_81 = tpu.memref_slice %arg5[%add3A_79, %dma_start3A_80] : memref<20000x128xf32, #tpu.memory_space<hbm>> -> memref<16x128xf32, #tpu.memory_space<hbm>>
        %dma_start3A_82 = arith.constant 9984 : i32
        %dma_start3A_83 = arith.constant 0 : i32
        %dma_start3A_84 = tpu.memref_slice %arg6[%dma_start3A_82, %dma_start3A_83] : memref<10000x128xf32, #tpu.memory_space<vmem_shared>> -> memref<16x128xf32, #tpu.memory_space<vmem_shared>>
        tpu.enqueue_dma source(%dma_start3A_84 : memref<16x128xf32, #tpu.memory_space<vmem_shared>>) target(%dma_start3A_81 : memref<16x128xf32, #tpu.memory_space<hbm>>) target_semaphore(%run_scoped3A : memref<!tpu.dma_semaphore, #tpu.memory_space<semaphore_mem>>)
        %dma_wait3A_85 = arith.constant 0 : i32
        %dma_wait3A_86 = tpu.memref_slice %arg5[%add3A_79, %dma_wait3A_85] : memref<20000x128xf32, #tpu.memory_space<hbm>> -> memref<16x128xf32, #tpu.memory_space<hbm>>
        %dma_wait3A_87 = arith.constant 9984 : i32
        %dma_wait3A_88 = arith.constant 0 : i32
        %dma_wait3A_89 = tpu.memref_slice %arg6[%dma_wait3A_87, %dma_wait3A_88] : memref<10000x128xf32, #tpu.memory_space<vmem_shared>> -> memref<16x128xf32, #tpu.memory_space<vmem_shared>>
        tpu.wait_dma2 semaphore(%run_scoped3A : memref<!tpu.dma_semaphore, #tpu.memory_space<semaphore_mem>>) src(%dma_wait3A_89 : memref<16x128xf32, #tpu.memory_space<vmem_shared>>) dst(%dma_wait3A_86 : memref<16x128xf32, #tpu.memory_space<hbm>>)
        tpu.yield
      }) : () -> ()
    } else {
    }
    return
  }
}

#map = affine_map<(d0, d1) -> (0, 0)>
#map1 = affine_map<(d0, d1) -> (0)>
module attributes {stable_mosaic.version = 14 : i64} {
  func.func @k(%arg0: i32, %arg1: i32, %arg2: memref<10000x128xf32, #tpu.memory_space<hbm>>, %arg3: memref<320000xi32, #tpu.memory_space<hbm>>, %arg4: memref<320000xi32, #tpu.memory_space<hbm>>, %arg5: memref<20000x128xf32, #tpu.memory_space<hbm>>, %arg6: memref<10000x128xf32, #tpu.memory_space<vmem_shared>>, %arg7: memref<64xi32, #tpu.memory_space<vmem>>, %arg8: memref<64xi32, #tpu.memory_space<vmem>>, %arg9: memref<64xi32, #tpu.memory_space<vmem>>, %arg10: memref<64xi32, #tpu.memory_space<vmem>>, %arg11: memref<64xi32, #tpu.memory_space<vmem>>, %arg12: memref<64xi32, #tpu.memory_space<vmem>>, %arg13: memref<64xi32, #tpu.memory_space<vmem>>, %arg14: memref<64xi32, #tpu.memory_space<vmem>>, %arg15: memref<16xi32, #tpu.memory_space<vmem>>, %arg16: memref<16xi32, #tpu.memory_space<vmem>>, %arg17: memref<64x128xf32, #tpu.memory_space<vmem>>, %arg18: memref<64x128xf32, #tpu.memory_space<vmem>>, %arg19: memref<64x128xf32, #tpu.memory_space<vmem>>, %arg20: memref<64x128xf32, #tpu.memory_space<vmem>>, %arg21: memref<48x128xf32, #tpu.memory_space<vmem>>, %arg22: memref<!tpu.dma_semaphore, #tpu.memory_space<semaphore_mem>>, %arg23: memref<!tpu.dma_semaphore, #tpu.memory_space<semaphore_mem>>, %arg24: memref<!tpu.dma_semaphore, #tpu.memory_space<semaphore_mem>>, %arg25: memref<!tpu.dma_semaphore, #tpu.memory_space<semaphore_mem>>, %arg26: memref<!tpu.dma_semaphore, #tpu.memory_space<semaphore_mem>>, %arg27: memref<!tpu.dma_semaphore, #tpu.memory_space<semaphore_mem>>, %arg28: memref<!tpu.dma_semaphore, #tpu.memory_space<semaphore_mem>>, %arg29: memref<!tpu.dma_semaphore, #tpu.memory_space<semaphore_mem>>, %arg30: memref<!tpu.dma_semaphore, #tpu.memory_space<semaphore_mem>>) attributes {dimension_semantics = [#tpu.dimension_semantics<core_parallel>, #tpu.dimension_semantics<subcore_parallel>], iteration_bounds = array<i64: 2, 16>, scalar_prefetch = 0 : i64, scratch_operands = 25 : i64, tpu.core_type = #tpu.core_type<sc_vector_subcore>, window_params = [{transform_indices = #map}, {transform_indices = #map1}, {transform_indices = #map1}, {transform_indices = #map}]} {
    %broadcast_in_dim3A = arith.constant 0.000000e+00 : f32
    %broadcast_in_dim3A_0 = vector.broadcast %broadcast_in_dim3A : f32 to vector<16xf32>
    %scan3A = arith.constant 0 : i32
    %scan3A_1 = arith.constant 0 : i32
    %scan3A_2 = arith.constant 48 : i32
    %scan3A_3 = arith.addi %scan3A_1, %scan3A_2 : i32
    %scan3A_4 = arith.constant 1 : i32
    scf.for %scan3A_78 = %scan3A_1 to %scan3A_3 step %scan3A_4  : i32 {
      %scan3A_79 = arith.constant 0 : i32
      %scan3A_80 = arith.constant 0 : i32
      %scan3A_81 = arith.constant 8 : i32
      %scan3A_82 = arith.addi %scan3A_80, %scan3A_81 : i32
      %scan3A_83 = arith.constant 1 : i32
      scf.for %scan3A_85 = %scan3A_80 to %scan3A_82 step %scan3A_83  : i32 {
        %mul3A_86 = arith.constant 16 : i32
        %mul3A_87 = arith.muli %scan3A_85, %mul3A_86 : i32
        %swap3A = arith.index_cast %scan3A_78 : i32 to index
        %swap3A_88 = arith.index_cast %mul3A_87 : i32 to index
        %swap3A_89 = tpu.vector_load %arg21[%swap3A, %swap3A_88] {strides = array<i32>} : memref<48x128xf32, #tpu.memory_space<vmem>>, vector<1x16xf32>,
        %swap3A_90 = vector.shape_cast %swap3A_89 : vector<1x16xf32> to vector<16xf32>
        %swap3A_91 = vector.shape_cast %broadcast_in_dim3A_0 : vector<16xf32> to vector<1x16xf32>
        tpu.vector_store %arg21[%swap3A, %swap3A_88], %swap3A_91 {strides = array<i32>} : memref<48x128xf32, #tpu.memory_space<vmem>>, vector<1x16xf32>,
      }
      %scan3A_84 = arith.constant 8 : i32
    }
    %scan3A_5 = arith.constant 48 : i32
    %mul3A = arith.constant 624 : i32
    %mul3A_6 = arith.muli %arg1, %mul3A : i32
    %add3A = arith.constant 0 : i32
    %add3A_7 = arith.addi %mul3A_6, %add3A : i32
    "tpu.region"() ({
      %run_scoped3A = tpu.sem_alloc : memref<!tpu.dma_semaphore, #tpu.memory_space<semaphore_mem>>
      %dma_start3A_78 = arith.constant 0 : i32
      %dma_start3A_79 = tpu.memref_slice %arg6[%add3A_7, %dma_start3A_78] : memref<10000x128xf32, #tpu.memory_space<vmem_shared>> -> memref<48x128xf32, #tpu.memory_space<vmem_shared>>
      %dma_start3A_80 = arith.constant 0 : i32
      %dma_start3A_81 = tpu.memref_slice %arg6[%add3A_7, %dma_start3A_80] : memref<10000x128xf32, #tpu.memory_space<vmem_shared>> -> memref<48x128xf32, #tpu.memory_space<vmem_shared>>
      tpu.enqueue_dma source(%arg21 : memref<48x128xf32, #tpu.memory_space<vmem>>) target(%dma_start3A_81 : memref<48x128xf32, #tpu.memory_space<vmem_shared>>) target_semaphore(%run_scoped3A : memref<!tpu.dma_semaphore, #tpu.memory_space<semaphore_mem>>)
      %dma_wait3A_82 = arith.constant 0 : i32
      %dma_wait3A_83 = tpu.memref_slice %arg6[%add3A_7, %dma_wait3A_82] : memref<10000x128xf32, #tpu.memory_space<vmem_shared>> -> memref<48x128xf32, #tpu.memory_space<vmem_shared>>
      %dma_wait3A_84 = arith.constant 0 : i32
      %dma_wait3A_85 = tpu.memref_slice %arg6[%add3A_7, %dma_wait3A_84] : memref<10000x128xf32, #tpu.memory_space<vmem_shared>> -> memref<48x128xf32, #tpu.memory_space<vmem_shared>>
      tpu.wait_dma2 semaphore(%run_scoped3A : memref<!tpu.dma_semaphore, #tpu.memory_space<semaphore_mem>>) src(%arg21 : memref<48x128xf32, #tpu.memory_space<vmem>>) dst(%dma_wait3A_85 : memref<48x128xf32, #tpu.memory_space<vmem_shared>>)
      tpu.yield
    }) : () -> ()
    %add3A_8 = arith.constant 48 : i32
    %add3A_9 = arith.addi %mul3A_6, %add3A_8 : i32
    "tpu.region"() ({
      %run_scoped3A = tpu.sem_alloc : memref<!tpu.dma_semaphore, #tpu.memory_space<semaphore_mem>>
      %dma_start3A_78 = arith.constant 0 : i32
      %dma_start3A_79 = tpu.memref_slice %arg6[%add3A_9, %dma_start3A_78] : memref<10000x128xf32, #tpu.memory_space<vmem_shared>> -> memref<48x128xf32, #tpu.memory_space<vmem_shared>>
      %dma_start3A_80 = arith.constant 0 : i32
      %dma_start3A_81 = tpu.memref_slice %arg6[%add3A_9, %dma_start3A_80] : memref<10000x128xf32, #tpu.memory_space<vmem_shared>> -> memref<48x128xf32, #tpu.memory_space<vmem_shared>>
      tpu.enqueue_dma source(%arg21 : memref<48x128xf32, #tpu.memory_space<vmem>>) target(%dma_start3A_81 : memref<48x128xf32, #tpu.memory_space<vmem_shared>>) target_semaphore(%run_scoped3A : memref<!tpu.dma_semaphore, #tpu.memory_space<semaphore_mem>>)
      %dma_wait3A_82 = arith.constant 0 : i32
      %dma_wait3A_83 = tpu.memref_slice %arg6[%add3A_9, %dma_wait3A_82] : memref<10000x128xf32, #tpu.memory_space<vmem_shared>> -> memref<48x128xf32, #tpu.memory_space<vmem_shared>>
      %dma_wait3A_84 = arith.constant 0 : i32
      %dma_wait3A_85 = tpu.memref_slice %arg6[%add3A_9, %dma_wait3A_84] : memref<10000x128xf32, #tpu.memory_space<vmem_shared>> -> memref<48x128xf32, #tpu.memory_space<vmem_shared>>
      tpu.wait_dma2 semaphore(%run_scoped3A : memref<!tpu.dma_semaphore, #tpu.memory_space<semaphore_mem>>) src(%arg21 : memref<48x128xf32, #tpu.memory_space<vmem>>) dst(%dma_wait3A_85 : memref<48x128xf32, #tpu.memory_space<vmem_shared>>)
      tpu.yield
    }) : () -> ()
    %add3A_10 = arith.constant 96 : i32
    %add3A_11 = arith.addi %mul3A_6, %add3A_10 : i32
    "tpu.region"() ({
      %run_scoped3A = tpu.sem_alloc : memref<!tpu.dma_semaphore, #tpu.memory_space<semaphore_mem>>
      %dma_start3A_78 = arith.constant 0 : i32
      %dma_start3A_79 = tpu.memref_slice %arg6[%add3A_11, %dma_start3A_78] : memref<10000x128xf32, #tpu.memory_space<vmem_shared>> -> memref<48x128xf32, #tpu.memory_space<vmem_shared>>
      %dma_start3A_80 = arith.constant 0 : i32
      %dma_start3A_81 = tpu.memref_slice %arg6[%add3A_11, %dma_start3A_80] : memref<10000x128xf32, #tpu.memory_space<vmem_shared>> -> memref<48x128xf32, #tpu.memory_space<vmem_shared>>
      tpu.enqueue_dma source(%arg21 : memref<48x128xf32, #tpu.memory_space<vmem>>) target(%dma_start3A_81 : memref<48x128xf32, #tpu.memory_space<vmem_shared>>) target_semaphore(%run_scoped3A : memref<!tpu.dma_semaphore, #tpu.memory_space<semaphore_mem>>)
      %dma_wait3A_82 = arith.constant 0 : i32
      %dma_wait3A_83 = tpu.memref_slice %arg6[%add3A_11, %dma_wait3A_82] : memref<10000x128xf32, #tpu.memory_space<vmem_shared>> -> memref<48x128xf32, #tpu.memory_space<vmem_shared>>
      %dma_wait3A_84 = arith.constant 0 : i32
      %dma_wait3A_85 = tpu.memref_slice %arg6[%add3A_11, %dma_wait3A_84] : memref<10000x128xf32, #tpu.memory_space<vmem_shared>> -> memref<48x128xf32, #tpu.memory_space<vmem_shared>>
      tpu.wait_dma2 semaphore(%run_scoped3A : memref<!tpu.dma_semaphore, #tpu.memory_space<semaphore_mem>>) src(%arg21 : memref<48x128xf32, #tpu.memory_space<vmem>>) dst(%dma_wait3A_85 : memref<48x128xf32, #tpu.memory_space<vmem_shared>>)
      tpu.yield
    }) : () -> ()
    %add3A_12 = arith.constant 144 : i32
    %add3A_13 = arith.addi %mul3A_6, %add3A_12 : i32
    "tpu.region"() ({
      %run_scoped3A = tpu.sem_alloc : memref<!tpu.dma_semaphore, #tpu.memory_space<semaphore_mem>>
      %dma_start3A_78 = arith.constant 0 : i32
      %dma_start3A_79 = tpu.memref_slice %arg6[%add3A_13, %dma_start3A_78] : memref<10000x128xf32, #tpu.memory_space<vmem_shared>> -> memref<48x128xf32, #tpu.memory_space<vmem_shared>>
      %dma_start3A_80 = arith.constant 0 : i32
      %dma_start3A_81 = tpu.memref_slice %arg6[%add3A_13, %dma_start3A_80] : memref<10000x128xf32, #tpu.memory_space<vmem_shared>> -> memref<48x128xf32, #tpu.memory_space<vmem_shared>>
      tpu.enqueue_dma source(%arg21 : memref<48x128xf32, #tpu.memory_space<vmem>>) target(%dma_start3A_81 : memref<48x128xf32, #tpu.memory_space<vmem_shared>>) target_semaphore(%run_scoped3A : memref<!tpu.dma_semaphore, #tpu.memory_space<semaphore_mem>>)
      %dma_wait3A_82 = arith.constant 0 : i32
      %dma_wait3A_83 = tpu.memref_slice %arg6[%add3A_13, %dma_wait3A_82] : memref<10000x128xf32, #tpu.memory_space<vmem_shared>> -> memref<48x128xf32, #tpu.memory_space<vmem_shared>>
      %dma_wait3A_84 = arith.constant 0 : i32
      %dma_wait3A_85 = tpu.memref_slice %arg6[%add3A_13, %dma_wait3A_84] : memref<10000x128xf32, #tpu.memory_space<vmem_shared>> -> memref<48x128xf32, #tpu.memory_space<vmem_shared>>
      tpu.wait_dma2 semaphore(%run_scoped3A : memref<!tpu.dma_semaphore, #tpu.memory_space<semaphore_mem>>) src(%arg21 : memref<48x128xf32, #tpu.memory_space<vmem>>) dst(%dma_wait3A_85 : memref<48x128xf32, #tpu.memory_space<vmem_shared>>)
      tpu.yield
    }) : () -> ()
    %add3A_14 = arith.constant 192 : i32
    %add3A_15 = arith.addi %mul3A_6, %add3A_14 : i32
    "tpu.region"() ({
      %run_scoped3A = tpu.sem_alloc : memref<!tpu.dma_semaphore, #tpu.memory_space<semaphore_mem>>
      %dma_start3A_78 = arith.constant 0 : i32
      %dma_start3A_79 = tpu.memref_slice %arg6[%add3A_15, %dma_start3A_78] : memref<10000x128xf32, #tpu.memory_space<vmem_shared>> -> memref<48x128xf32, #tpu.memory_space<vmem_shared>>
      %dma_start3A_80 = arith.constant 0 : i32
      %dma_start3A_81 = tpu.memref_slice %arg6[%add3A_15, %dma_start3A_80] : memref<10000x128xf32, #tpu.memory_space<vmem_shared>> -> memref<48x128xf32, #tpu.memory_space<vmem_shared>>
      tpu.enqueue_dma source(%arg21 : memref<48x128xf32, #tpu.memory_space<vmem>>) target(%dma_start3A_81 : memref<48x128xf32, #tpu.memory_space<vmem_shared>>) target_semaphore(%run_scoped3A : memref<!tpu.dma_semaphore, #tpu.memory_space<semaphore_mem>>)
      %dma_wait3A_82 = arith.constant 0 : i32
      %dma_wait3A_83 = tpu.memref_slice %arg6[%add3A_15, %dma_wait3A_82] : memref<10000x128xf32, #tpu.memory_space<vmem_shared>> -> memref<48x128xf32, #tpu.memory_space<vmem_shared>>
      %dma_wait3A_84 = arith.constant 0 : i32
      %dma_wait3A_85 = tpu.memref_slice %arg6[%add3A_15, %dma_wait3A_84] : memref<10000x128xf32, #tpu.memory_space<vmem_shared>> -> memref<48x128xf32, #tpu.memory_space<vmem_shared>>
      tpu.wait_dma2 semaphore(%run_scoped3A : memref<!tpu.dma_semaphore, #tpu.memory_space<semaphore_mem>>) src(%arg21 : memref<48x128xf32, #tpu.memory_space<vmem>>) dst(%dma_wait3A_85 : memref<48x128xf32, #tpu.memory_space<vmem_shared>>)
      tpu.yield
    }) : () -> ()
    %add3A_16 = arith.constant 240 : i32
    %add3A_17 = arith.addi %mul3A_6, %add3A_16 : i32
    "tpu.region"() ({
      %run_scoped3A = tpu.sem_alloc : memref<!tpu.dma_semaphore, #tpu.memory_space<semaphore_mem>>
      %dma_start3A_78 = arith.constant 0 : i32
      %dma_start3A_79 = tpu.memref_slice %arg6[%add3A_17, %dma_start3A_78] : memref<10000x128xf32, #tpu.memory_space<vmem_shared>> -> memref<48x128xf32, #tpu.memory_space<vmem_shared>>
      %dma_start3A_80 = arith.constant 0 : i32
      %dma_start3A_81 = tpu.memref_slice %arg6[%add3A_17, %dma_start3A_80] : memref<10000x128xf32, #tpu.memory_space<vmem_shared>> -> memref<48x128xf32, #tpu.memory_space<vmem_shared>>
      tpu.enqueue_dma source(%arg21 : memref<48x128xf32, #tpu.memory_space<vmem>>) target(%dma_start3A_81 : memref<48x128xf32, #tpu.memory_space<vmem_shared>>) target_semaphore(%run_scoped3A : memref<!tpu.dma_semaphore, #tpu.memory_space<semaphore_mem>>)
      %dma_wait3A_82 = arith.constant 0 : i32
      %dma_wait3A_83 = tpu.memref_slice %arg6[%add3A_17, %dma_wait3A_82] : memref<10000x128xf32, #tpu.memory_space<vmem_shared>> -> memref<48x128xf32, #tpu.memory_space<vmem_shared>>
      %dma_wait3A_84 = arith.constant 0 : i32
      %dma_wait3A_85 = tpu.memref_slice %arg6[%add3A_17, %dma_wait3A_84] : memref<10000x128xf32, #tpu.memory_space<vmem_shared>> -> memref<48x128xf32, #tpu.memory_space<vmem_shared>>
      tpu.wait_dma2 semaphore(%run_scoped3A : memref<!tpu.dma_semaphore, #tpu.memory_space<semaphore_mem>>) src(%arg21 : memref<48x128xf32, #tpu.memory_space<vmem>>) dst(%dma_wait3A_85 : memref<48x128xf32, #tpu.memory_space<vmem_shared>>)
      tpu.yield
    }) : () -> ()
    %add3A_18 = arith.constant 288 : i32
    %add3A_19 = arith.addi %mul3A_6, %add3A_18 : i32
    "tpu.region"() ({
      %run_scoped3A = tpu.sem_alloc : memref<!tpu.dma_semaphore, #tpu.memory_space<semaphore_mem>>
      %dma_start3A_78 = arith.constant 0 : i32
      %dma_start3A_79 = tpu.memref_slice %arg6[%add3A_19, %dma_start3A_78] : memref<10000x128xf32, #tpu.memory_space<vmem_shared>> -> memref<48x128xf32, #tpu.memory_space<vmem_shared>>
      %dma_start3A_80 = arith.constant 0 : i32
      %dma_start3A_81 = tpu.memref_slice %arg6[%add3A_19, %dma_start3A_80] : memref<10000x128xf32, #tpu.memory_space<vmem_shared>> -> memref<48x128xf32, #tpu.memory_space<vmem_shared>>
      tpu.enqueue_dma source(%arg21 : memref<48x128xf32, #tpu.memory_space<vmem>>) target(%dma_start3A_81 : memref<48x128xf32, #tpu.memory_space<vmem_shared>>) target_semaphore(%run_scoped3A : memref<!tpu.dma_semaphore, #tpu.memory_space<semaphore_mem>>)
      %dma_wait3A_82 = arith.constant 0 : i32
      %dma_wait3A_83 = tpu.memref_slice %arg6[%add3A_19, %dma_wait3A_82] : memref<10000x128xf32, #tpu.memory_space<vmem_shared>> -> memref<48x128xf32, #tpu.memory_space<vmem_shared>>
      %dma_wait3A_84 = arith.constant 0 : i32
      %dma_wait3A_85 = tpu.memref_slice %arg6[%add3A_19, %dma_wait3A_84] : memref<10000x128xf32, #tpu.memory_space<vmem_shared>> -> memref<48x128xf32, #tpu.memory_space<vmem_shared>>
      tpu.wait_dma2 semaphore(%run_scoped3A : memref<!tpu.dma_semaphore, #tpu.memory_space<semaphore_mem>>) src(%arg21 : memref<48x128xf32, #tpu.memory_space<vmem>>) dst(%dma_wait3A_85 : memref<48x128xf32, #tpu.memory_space<vmem_shared>>)
      tpu.yield
    }) : () -> ()
    %add3A_20 = arith.constant 336 : i32
    %add3A_21 = arith.addi %mul3A_6, %add3A_20 : i32
    "tpu.region"() ({
      %run_scoped3A = tpu.sem_alloc : memref<!tpu.dma_semaphore, #tpu.memory_space<semaphore_mem>>
      %dma_start3A_78 = arith.constant 0 : i32
      %dma_start3A_79 = tpu.memref_slice %arg6[%add3A_21, %dma_start3A_78] : memref<10000x128xf32, #tpu.memory_space<vmem_shared>> -> memref<48x128xf32, #tpu.memory_space<vmem_shared>>
      %dma_start3A_80 = arith.constant 0 : i32
      %dma_start3A_81 = tpu.memref_slice %arg6[%add3A_21, %dma_start3A_80] : memref<10000x128xf32, #tpu.memory_space<vmem_shared>> -> memref<48x128xf32, #tpu.memory_space<vmem_shared>>
      tpu.enqueue_dma source(%arg21 : memref<48x128xf32, #tpu.memory_space<vmem>>) target(%dma_start3A_81 : memref<48x128xf32, #tpu.memory_space<vmem_shared>>) target_semaphore(%run_scoped3A : memref<!tpu.dma_semaphore, #tpu.memory_space<semaphore_mem>>)
      %dma_wait3A_82 = arith.constant 0 : i32
      %dma_wait3A_83 = tpu.memref_slice %arg6[%add3A_21, %dma_wait3A_82] : memref<10000x128xf32, #tpu.memory_space<vmem_shared>> -> memref<48x128xf32, #tpu.memory_space<vmem_shared>>
      %dma_wait3A_84 = arith.constant 0 : i32
      %dma_wait3A_85 = tpu.memref_slice %arg6[%add3A_21, %dma_wait3A_84] : memref<10000x128xf32, #tpu.memory_space<vmem_shared>> -> memref<48x128xf32, #tpu.memory_space<vmem_shared>>
      tpu.wait_dma2 semaphore(%run_scoped3A : memref<!tpu.dma_semaphore, #tpu.memory_space<semaphore_mem>>) src(%arg21 : memref<48x128xf32, #tpu.memory_space<vmem>>) dst(%dma_wait3A_85 : memref<48x128xf32, #tpu.memory_space<vmem_shared>>)
      tpu.yield
    }) : () -> ()
    %add3A_22 = arith.constant 384 : i32
    %add3A_23 = arith.addi %mul3A_6, %add3A_22 : i32
    "tpu.region"() ({
      %run_scoped3A = tpu.sem_alloc : memref<!tpu.dma_semaphore, #tpu.memory_space<semaphore_mem>>
      %dma_start3A_78 = arith.constant 0 : i32
      %dma_start3A_79 = tpu.memref_slice %arg6[%add3A_23, %dma_start3A_78] : memref<10000x128xf32, #tpu.memory_space<vmem_shared>> -> memref<48x128xf32, #tpu.memory_space<vmem_shared>>
      %dma_start3A_80 = arith.constant 0 : i32
      %dma_start3A_81 = tpu.memref_slice %arg6[%add3A_23, %dma_start3A_80] : memref<10000x128xf32, #tpu.memory_space<vmem_shared>> -> memref<48x128xf32, #tpu.memory_space<vmem_shared>>
      tpu.enqueue_dma source(%arg21 : memref<48x128xf32, #tpu.memory_space<vmem>>) target(%dma_start3A_81 : memref<48x128xf32, #tpu.memory_space<vmem_shared>>) target_semaphore(%run_scoped3A : memref<!tpu.dma_semaphore, #tpu.memory_space<semaphore_mem>>)
      %dma_wait3A_82 = arith.constant 0 : i32
      %dma_wait3A_83 = tpu.memref_slice %arg6[%add3A_23, %dma_wait3A_82] : memref<10000x128xf32, #tpu.memory_space<vmem_shared>> -> memref<48x128xf32, #tpu.memory_space<vmem_shared>>
      %dma_wait3A_84 = arith.constant 0 : i32
      %dma_wait3A_85 = tpu.memref_slice %arg6[%add3A_23, %dma_wait3A_84] : memref<10000x128xf32, #tpu.memory_space<vmem_shared>> -> memref<48x128xf32, #tpu.memory_space<vmem_shared>>
      tpu.wait_dma2 semaphore(%run_scoped3A : memref<!tpu.dma_semaphore, #tpu.memory_space<semaphore_mem>>) src(%arg21 : memref<48x128xf32, #tpu.memory_space<vmem>>) dst(%dma_wait3A_85 : memref<48x128xf32, #tpu.memory_space<vmem_shared>>)
      tpu.yield
    }) : () -> ()
    %add3A_24 = arith.constant 432 : i32
    %add3A_25 = arith.addi %mul3A_6, %add3A_24 : i32
    "tpu.region"() ({
      %run_scoped3A = tpu.sem_alloc : memref<!tpu.dma_semaphore, #tpu.memory_space<semaphore_mem>>
      %dma_start3A_78 = arith.constant 0 : i32
      %dma_start3A_79 = tpu.memref_slice %arg6[%add3A_25, %dma_start3A_78] : memref<10000x128xf32, #tpu.memory_space<vmem_shared>> -> memref<48x128xf32, #tpu.memory_space<vmem_shared>>
      %dma_start3A_80 = arith.constant 0 : i32
      %dma_start3A_81 = tpu.memref_slice %arg6[%add3A_25, %dma_start3A_80] : memref<10000x128xf32, #tpu.memory_space<vmem_shared>> -> memref<48x128xf32, #tpu.memory_space<vmem_shared>>
      tpu.enqueue_dma source(%arg21 : memref<48x128xf32, #tpu.memory_space<vmem>>) target(%dma_start3A_81 : memref<48x128xf32, #tpu.memory_space<vmem_shared>>) target_semaphore(%run_scoped3A : memref<!tpu.dma_semaphore, #tpu.memory_space<semaphore_mem>>)
      %dma_wait3A_82 = arith.constant 0 : i32
      %dma_wait3A_83 = tpu.memref_slice %arg6[%add3A_25, %dma_wait3A_82] : memref<10000x128xf32, #tpu.memory_space<vmem_shared>> -> memref<48x128xf32, #tpu.memory_space<vmem_shared>>
      %dma_wait3A_84 = arith.constant 0 : i32
      %dma_wait3A_85 = tpu.memref_slice %arg6[%add3A_25, %dma_wait3A_84] : memref<10000x128xf32, #tpu.memory_space<vmem_shared>> -> memref<48x128xf32, #tpu.memory_space<vmem_shared>>
      tpu.wait_dma2 semaphore(%run_scoped3A : memref<!tpu.dma_semaphore, #tpu.memory_space<semaphore_mem>>) src(%arg21 : memref<48x128xf32, #tpu.memory_space<vmem>>) dst(%dma_wait3A_85 : memref<48x128xf32, #tpu.memory_space<vmem_shared>>)
      tpu.yield
    }) : () -> ()
    %add3A_26 = arith.constant 480 : i32
    %add3A_27 = arith.addi %mul3A_6, %add3A_26 : i32
    "tpu.region"() ({
      %run_scoped3A = tpu.sem_alloc : memref<!tpu.dma_semaphore, #tpu.memory_space<semaphore_mem>>
      %dma_start3A_78 = arith.constant 0 : i32
      %dma_start3A_79 = tpu.memref_slice %arg6[%add3A_27, %dma_start3A_78] : memref<10000x128xf32, #tpu.memory_space<vmem_shared>> -> memref<48x128xf32, #tpu.memory_space<vmem_shared>>
      %dma_start3A_80 = arith.constant 0 : i32
      %dma_start3A_81 = tpu.memref_slice %arg6[%add3A_27, %dma_start3A_80] : memref<10000x128xf32, #tpu.memory_space<vmem_shared>> -> memref<48x128xf32, #tpu.memory_space<vmem_shared>>
      tpu.enqueue_dma source(%arg21 : memref<48x128xf32, #tpu.memory_space<vmem>>) target(%dma_start3A_81 : memref<48x128xf32, #tpu.memory_space<vmem_shared>>) target_semaphore(%run_scoped3A : memref<!tpu.dma_semaphore, #tpu.memory_space<semaphore_mem>>)
      %dma_wait3A_82 = arith.constant 0 : i32
      %dma_wait3A_83 = tpu.memref_slice %arg6[%add3A_27, %dma_wait3A_82] : memref<10000x128xf32, #tpu.memory_space<vmem_shared>> -> memref<48x128xf32, #tpu.memory_space<vmem_shared>>
      %dma_wait3A_84 = arith.constant 0 : i32
      %dma_wait3A_85 = tpu.memref_slice %arg6[%add3A_27, %dma_wait3A_84] : memref<10000x128xf32, #tpu.memory_space<vmem_shared>> -> memref<48x128xf32, #tpu.memory_space<vmem_shared>>
      tpu.wait_dma2 semaphore(%run_scoped3A : memref<!tpu.dma_semaphore, #tpu.memory_space<semaphore_mem>>) src(%arg21 : memref<48x128xf32, #tpu.memory_space<vmem>>) dst(%dma_wait3A_85 : memref<48x128xf32, #tpu.memory_space<vmem_shared>>)
      tpu.yield
    }) : () -> ()
    %add3A_28 = arith.constant 528 : i32
    %add3A_29 = arith.addi %mul3A_6, %add3A_28 : i32
    "tpu.region"() ({
      %run_scoped3A = tpu.sem_alloc : memref<!tpu.dma_semaphore, #tpu.memory_space<semaphore_mem>>
      %dma_start3A_78 = arith.constant 0 : i32
      %dma_start3A_79 = tpu.memref_slice %arg6[%add3A_29, %dma_start3A_78] : memref<10000x128xf32, #tpu.memory_space<vmem_shared>> -> memref<48x128xf32, #tpu.memory_space<vmem_shared>>
      %dma_start3A_80 = arith.constant 0 : i32
      %dma_start3A_81 = tpu.memref_slice %arg6[%add3A_29, %dma_start3A_80] : memref<10000x128xf32, #tpu.memory_space<vmem_shared>> -> memref<48x128xf32, #tpu.memory_space<vmem_shared>>
      tpu.enqueue_dma source(%arg21 : memref<48x128xf32, #tpu.memory_space<vmem>>) target(%dma_start3A_81 : memref<48x128xf32, #tpu.memory_space<vmem_shared>>) target_semaphore(%run_scoped3A : memref<!tpu.dma_semaphore, #tpu.memory_space<semaphore_mem>>)
      %dma_wait3A_82 = arith.constant 0 : i32
      %dma_wait3A_83 = tpu.memref_slice %arg6[%add3A_29, %dma_wait3A_82] : memref<10000x128xf32, #tpu.memory_space<vmem_shared>> -> memref<48x128xf32, #tpu.memory_space<vmem_shared>>
      %dma_wait3A_84 = arith.constant 0 : i32
      %dma_wait3A_85 = tpu.memref_slice %arg6[%add3A_29, %dma_wait3A_84] : memref<10000x128xf32, #tpu.memory_space<vmem_shared>> -> memref<48x128xf32, #tpu.memory_space<vmem_shared>>
      tpu.wait_dma2 semaphore(%run_scoped3A : memref<!tpu.dma_semaphore, #tpu.memory_space<semaphore_mem>>) src(%arg21 : memref<48x128xf32, #tpu.memory_space<vmem>>) dst(%dma_wait3A_85 : memref<48x128xf32, #tpu.memory_space<vmem_shared>>)
      tpu.yield
    }) : () -> ()
    %add3A_30 = arith.constant 576 : i32
    %add3A_31 = arith.addi %mul3A_6, %add3A_30 : i32
    "tpu.region"() ({
      %run_scoped3A = tpu.sem_alloc : memref<!tpu.dma_semaphore, #tpu.memory_space<semaphore_mem>>
      %dma_start3A_78 = arith.constant 0 : i32
      %dma_start3A_79 = tpu.memref_slice %arg6[%add3A_31, %dma_start3A_78] : memref<10000x128xf32, #tpu.memory_space<vmem_shared>> -> memref<48x128xf32, #tpu.memory_space<vmem_shared>>
      %dma_start3A_80 = arith.constant 0 : i32
      %dma_start3A_81 = tpu.memref_slice %arg6[%add3A_31, %dma_start3A_80] : memref<10000x128xf32, #tpu.memory_space<vmem_shared>> -> memref<48x128xf32, #tpu.memory_space<vmem_shared>>
      tpu.enqueue_dma source(%arg21 : memref<48x128xf32, #tpu.memory_space<vmem>>) target(%dma_start3A_81 : memref<48x128xf32, #tpu.memory_space<vmem_shared>>) target_semaphore(%run_scoped3A : memref<!tpu.dma_semaphore, #tpu.memory_space<semaphore_mem>>)
      %dma_wait3A_82 = arith.constant 0 : i32
      %dma_wait3A_83 = tpu.memref_slice %arg6[%add3A_31, %dma_wait3A_82] : memref<10000x128xf32, #tpu.memory_space<vmem_shared>> -> memref<48x128xf32, #tpu.memory_space<vmem_shared>>
      %dma_wait3A_84 = arith.constant 0 : i32
      %dma_wait3A_85 = tpu.memref_slice %arg6[%add3A_31, %dma_wait3A_84] : memref<10000x128xf32, #tpu.memory_space<vmem_shared>> -> memref<48x128xf32, #tpu.memory_space<vmem_shared>>
      tpu.wait_dma2 semaphore(%run_scoped3A : memref<!tpu.dma_semaphore, #tpu.memory_space<semaphore_mem>>) src(%arg21 : memref<48x128xf32, #tpu.memory_space<vmem>>) dst(%dma_wait3A_85 : memref<48x128xf32, #tpu.memory_space<vmem_shared>>)
      tpu.yield
    }) : () -> ()
    %eq3A = arith.constant 15 : i32
    %eq3A_32 = arith.cmpi eq, %arg1, %eq3A : i32
    %convert_element_type3A = arith.extui %eq3A_32 : i1 to i32
    %cond3A = arith.constant 0 : i32
    %cond3A_33 = arith.cmpi ne, %convert_element_type3A, %cond3A : i32
    scf.if %cond3A_33 {
      "tpu.region"() ({
        %run_scoped3A = tpu.sem_alloc : memref<!tpu.dma_semaphore, #tpu.memory_space<semaphore_mem>>
        %dma_start3A_78 = arith.constant 0 : i32
        %dma_start3A_79 = arith.constant 0 : i32
        %dma_start3A_80 = tpu.memref_slice %arg21[%dma_start3A_78, %dma_start3A_79] : memref<48x128xf32, #tpu.memory_space<vmem>> -> memref<16x128xf32, #tpu.memory_space<vmem>>
        %dma_start3A_81 = arith.constant 9984 : i32
        %dma_start3A_82 = arith.constant 0 : i32
        %dma_start3A_83 = tpu.memref_slice %arg6[%dma_start3A_81, %dma_start3A_82] : memref<10000x128xf32, #tpu.memory_space<vmem_shared>> -> memref<16x128xf32, #tpu.memory_space<vmem_shared>>
        %dma_start3A_84 = arith.constant 9984 : i32
        %dma_start3A_85 = arith.constant 0 : i32
        %dma_start3A_86 = tpu.memref_slice %arg6[%dma_start3A_84, %dma_start3A_85] : memref<10000x128xf32, #tpu.memory_space<vmem_shared>> -> memref<16x128xf32, #tpu.memory_space<vmem_shared>>
        %dma_start3A_87 = arith.constant 0 : i32
        %dma_start3A_88 = arith.constant 0 : i32
        %dma_start3A_89 = tpu.memref_slice %arg21[%dma_start3A_87, %dma_start3A_88] : memref<48x128xf32, #tpu.memory_space<vmem>> -> memref<16x128xf32, #tpu.memory_space<vmem>>
        tpu.enqueue_dma source(%dma_start3A_89 : memref<16x128xf32, #tpu.memory_space<vmem>>) target(%dma_start3A_86 : memref<16x128xf32, #tpu.memory_space<vmem_shared>>) target_semaphore(%run_scoped3A : memref<!tpu.dma_semaphore, #tpu.memory_space<semaphore_mem>>)
        %dma_wait3A_90 = arith.constant 0 : i32
        %dma_wait3A_91 = arith.constant 0 : i32
        %dma_wait3A_92 = tpu.memref_slice %arg21[%dma_wait3A_90, %dma_wait3A_91] : memref<48x128xf32, #tpu.memory_space<vmem>> -> memref<16x128xf32, #tpu.memory_space<vmem>>
        %dma_wait3A_93 = arith.constant 9984 : i32
        %dma_wait3A_94 = arith.constant 0 : i32
        %dma_wait3A_95 = tpu.memref_slice %arg6[%dma_wait3A_93, %dma_wait3A_94] : memref<10000x128xf32, #tpu.memory_space<vmem_shared>> -> memref<16x128xf32, #tpu.memory_space<vmem_shared>>
        %dma_wait3A_96 = arith.constant 9984 : i32
        %dma_wait3A_97 = arith.constant 0 : i32
        %dma_wait3A_98 = tpu.memref_slice %arg6[%dma_wait3A_96, %dma_wait3A_97] : memref<10000x128xf32, #tpu.memory_space<vmem_shared>> -> memref<16x128xf32, #tpu.memory_space<vmem_shared>>
        %dma_wait3A_99 = arith.constant 0 : i32
        %dma_wait3A_100 = arith.constant 0 : i32
        %dma_wait3A_101 = tpu.memref_slice %arg21[%dma_wait3A_99, %dma_wait3A_100] : memref<48x128xf32, #tpu.memory_space<vmem>> -> memref<16x128xf32, #tpu.memory_space<vmem>>
        tpu.wait_dma2 semaphore(%run_scoped3A : memref<!tpu.dma_semaphore, #tpu.memory_space<semaphore_mem>>) src(%dma_wait3A_101 : memref<16x128xf32, #tpu.memory_space<vmem>>) dst(%dma_wait3A_98 : memref<16x128xf32, #tpu.memory_space<vmem_shared>>)
        tpu.yield
      }) : () -> ()
    } else {
    }
    %barrier3A = arith.constant 0 : index
    tpu.barrier barrier_id(%barrier3A)
    %mul3A_34 = arith.constant 16 : i32
    %mul3A_35 = arith.muli %arg0, %mul3A_34 : i32
    %add3A_36 = arith.addi %mul3A_35, %arg1 : i32
    %mul3A_37 = arith.constant 10000 : i32
    %mul3A_38 = arith.muli %add3A_36, %mul3A_37 : i32
    %scan3A_39 = arith.constant 0 : i32
    %scan3A_40 = arith.constant 0 : i32
    %scan3A_41 = arith.constant 39 : i32
    %scan3A_42 = arith.addi %scan3A_40, %scan3A_41 : i32
    %scan3A_43 = arith.constant 1 : i32
    scf.for %scan3A_78 = %scan3A_40 to %scan3A_42 step %scan3A_43  : i32 {
      %mul3A_79 = arith.constant 256 : i32
      %mul3A_80 = arith.muli %scan3A_78, %mul3A_79 : i32
      %add3A_81 = arith.addi %mul3A_38, %mul3A_80 : i32
      %gt3A = arith.constant 0 : i32
      %gt3A_82 = arith.cmpi sgt, %scan3A_78, %gt3A : i32
      %convert_element_type3A_83 = arith.extui %gt3A_82 : i1 to i32
      %cond3A_84 = arith.constant 0 : i32
      %cond3A_85 = arith.cmpi ne, %convert_element_type3A_83, %cond3A_84 : i32
      scf.if %cond3A_85 {
        %dma_wait3A_167 = arith.constant 0 : i32
        %dma_wait3A_168 = arith.constant 0 : i32
        %dma_wait3A_169 = tpu.memref_slice %arg6[%dma_wait3A_167, %dma_wait3A_168] : memref<10000x128xf32, #tpu.memory_space<vmem_shared>> -> memref<10000x128xf32, #tpu.memory_space<vmem_shared>>
        tpu.wait_indirect_dma semaphore(%arg27 : memref<!tpu.dma_semaphore, #tpu.memory_space<semaphore_mem>>) src(%arg17 : memref<64x128xf32, #tpu.memory_space<vmem>>) dst(%dma_wait3A_169 : memref<10000x128xf32, #tpu.memory_space<vmem_shared>>)
        %dma_wait3A_170 = arith.constant 0 : i32
        %dma_wait3A_171 = arith.constant 0 : i32
        %dma_wait3A_172 = tpu.memref_slice %arg6[%dma_wait3A_170, %dma_wait3A_171] : memref<10000x128xf32, #tpu.memory_space<vmem_shared>> -> memref<10000x128xf32, #tpu.memory_space<vmem_shared>>
        tpu.wait_indirect_dma semaphore(%arg28 : memref<!tpu.dma_semaphore, #tpu.memory_space<semaphore_mem>>) src(%arg18 : memref<64x128xf32, #tpu.memory_space<vmem>>) dst(%dma_wait3A_172 : memref<10000x128xf32, #tpu.memory_space<vmem_shared>>)
      } else {
      }
      %add3A_86 = arith.constant 0 : i32
      %add3A_87 = arith.addi %add3A_81, %add3A_86 : i32
      %dma_start3A_88 = tpu.memref_slice %arg3[%add3A_87] : memref<320000xi32, #tpu.memory_space<hbm>> -> memref<64xi32, #tpu.memory_space<hbm>>
      %dma_start3A_89 = tpu.memref_slice %arg3[%add3A_87] : memref<320000xi32, #tpu.memory_space<hbm>> -> memref<64xi32, #tpu.memory_space<hbm>>
      tpu.enqueue_dma source(%dma_start3A_89 : memref<64xi32, #tpu.memory_space<hbm>>) target(%arg7 : memref<64xi32, #tpu.memory_space<vmem>>) target_semaphore(%arg22 : memref<!tpu.dma_semaphore, #tpu.memory_space<semaphore_mem>>)
      %dma_start3A_90 = tpu.memref_slice %arg4[%add3A_87] : memref<320000xi32, #tpu.memory_space<hbm>> -> memref<64xi32, #tpu.memory_space<hbm>>
      %dma_start3A_91 = tpu.memref_slice %arg4[%add3A_87] : memref<320000xi32, #tpu.memory_space<hbm>> -> memref<64xi32, #tpu.memory_space<hbm>>
      tpu.enqueue_dma source(%dma_start3A_91 : memref<64xi32, #tpu.memory_space<hbm>>) target(%arg11 : memref<64xi32, #tpu.memory_space<vmem>>) target_semaphore(%arg22 : memref<!tpu.dma_semaphore, #tpu.memory_space<semaphore_mem>>)
      %add3A_92 = arith.constant 64 : i32
      %add3A_93 = arith.addi %add3A_81, %add3A_92 : i32
      %dma_start3A_94 = tpu.memref_slice %arg3[%add3A_93] : memref<320000xi32, #tpu.memory_space<hbm>> -> memref<64xi32, #tpu.memory_space<hbm>>
      %dma_start3A_95 = tpu.memref_slice %arg3[%add3A_93] : memref<320000xi32, #tpu.memory_space<hbm>> -> memref<64xi32, #tpu.memory_space<hbm>>
      tpu.enqueue_dma source(%dma_start3A_95 : memref<64xi32, #tpu.memory_space<hbm>>) target(%arg8 : memref<64xi32, #tpu.memory_space<vmem>>) target_semaphore(%arg22 : memref<!tpu.dma_semaphore, #tpu.memory_space<semaphore_mem>>)
      %dma_start3A_96 = tpu.memref_slice %arg4[%add3A_93] : memref<320000xi32, #tpu.memory_space<hbm>> -> memref<64xi32, #tpu.memory_space<hbm>>
      %dma_start3A_97 = tpu.memref_slice %arg4[%add3A_93] : memref<320000xi32, #tpu.memory_space<hbm>> -> memref<64xi32, #tpu.memory_space<hbm>>
      tpu.enqueue_dma source(%dma_start3A_97 : memref<64xi32, #tpu.memory_space<hbm>>) target(%arg12 : memref<64xi32, #tpu.memory_space<vmem>>) target_semaphore(%arg22 : memref<!tpu.dma_semaphore, #tpu.memory_space<semaphore_mem>>)
      %dma_wait3A_98 = tpu.memref_slice %arg3[%add3A_87] : memref<320000xi32, #tpu.memory_space<hbm>> -> memref<64xi32, #tpu.memory_space<hbm>>
      %dma_wait3A_99 = tpu.memref_slice %arg3[%add3A_87] : memref<320000xi32, #tpu.memory_space<hbm>> -> memref<64xi32, #tpu.memory_space<hbm>>
      tpu.wait_dma2 semaphore(%arg22 : memref<!tpu.dma_semaphore, #tpu.memory_space<semaphore_mem>>) src(%dma_wait3A_99 : memref<64xi32, #tpu.memory_space<hbm>>) dst(%arg7 : memref<64xi32, #tpu.memory_space<vmem>>)
      %dma_wait3A_100 = tpu.memref_slice %arg4[%add3A_87] : memref<320000xi32, #tpu.memory_space<hbm>> -> memref<64xi32, #tpu.memory_space<hbm>>
      %dma_wait3A_101 = tpu.memref_slice %arg4[%add3A_87] : memref<320000xi32, #tpu.memory_space<hbm>> -> memref<64xi32, #tpu.memory_space<hbm>>
      tpu.wait_dma2 semaphore(%arg22 : memref<!tpu.dma_semaphore, #tpu.memory_space<semaphore_mem>>) src(%dma_wait3A_101 : memref<64xi32, #tpu.memory_space<hbm>>) dst(%arg11 : memref<64xi32, #tpu.memory_space<vmem>>)
      %dma_wait3A_102 = tpu.memref_slice %arg3[%add3A_93] : memref<320000xi32, #tpu.memory_space<hbm>> -> memref<64xi32, #tpu.memory_space<hbm>>
      %dma_wait3A_103 = tpu.memref_slice %arg3[%add3A_93] : memref<320000xi32, #tpu.memory_space<hbm>> -> memref<64xi32, #tpu.memory_space<hbm>>
      tpu.wait_dma2 semaphore(%arg22 : memref<!tpu.dma_semaphore, #tpu.memory_space<semaphore_mem>>) src(%dma_wait3A_103 : memref<64xi32, #tpu.memory_space<hbm>>) dst(%arg8 : memref<64xi32, #tpu.memory_space<vmem>>)
      %dma_wait3A_104 = tpu.memref_slice %arg4[%add3A_93] : memref<320000xi32, #tpu.memory_space<hbm>> -> memref<64xi32, #tpu.memory_space<hbm>>
      %dma_wait3A_105 = tpu.memref_slice %arg4[%add3A_93] : memref<320000xi32, #tpu.memory_space<hbm>> -> memref<64xi32, #tpu.memory_space<hbm>>
      tpu.wait_dma2 semaphore(%arg22 : memref<!tpu.dma_semaphore, #tpu.memory_space<semaphore_mem>>) src(%dma_wait3A_105 : memref<64xi32, #tpu.memory_space<hbm>>) dst(%arg12 : memref<64xi32, #tpu.memory_space<vmem>>)
      %dma_start3A_106 = arith.constant 0 : i32
      %dma_start3A_107 = arith.constant 0 : i32
      %dma_start3A_108 = tpu.memref_slice %arg2[%dma_start3A_106, %dma_start3A_107] : memref<10000x128xf32, #tpu.memory_space<hbm>> -> memref<10000x128xf32, #tpu.memory_space<hbm>>
      tpu.enqueue_indirect_dma source(%dma_start3A_108 : memref<10000x128xf32, #tpu.memory_space<hbm>>) target(%arg17 : memref<64x128xf32, #tpu.memory_space<vmem>>) offsets(%arg7 : memref<64xi32, #tpu.memory_space<vmem>>) semaphore(%arg23 : memref<!tpu.dma_semaphore, #tpu.memory_space<semaphore_mem>>)
      %dma_start3A_109 = arith.constant 0 : i32
      %dma_start3A_110 = arith.constant 0 : i32
      %dma_start3A_111 = tpu.memref_slice %arg2[%dma_start3A_109, %dma_start3A_110] : memref<10000x128xf32, #tpu.memory_space<hbm>> -> memref<10000x128xf32, #tpu.memory_space<hbm>>
      tpu.enqueue_indirect_dma source(%dma_start3A_111 : memref<10000x128xf32, #tpu.memory_space<hbm>>) target(%arg18 : memref<64x128xf32, #tpu.memory_space<vmem>>) offsets(%arg8 : memref<64xi32, #tpu.memory_space<vmem>>) semaphore(%arg24 : memref<!tpu.dma_semaphore, #tpu.memory_space<semaphore_mem>>)
      %dma_wait3A_112 = arith.constant 0 : i32
      %dma_wait3A_113 = arith.constant 0 : i32
      %dma_wait3A_114 = tpu.memref_slice %arg2[%dma_wait3A_112, %dma_wait3A_113] : memref<10000x128xf32, #tpu.memory_space<hbm>> -> memref<10000x128xf32, #tpu.memory_space<hbm>>
      tpu.wait_indirect_dma semaphore(%arg23 : memref<!tpu.dma_semaphore, #tpu.memory_space<semaphore_mem>>) src(%dma_wait3A_114 : memref<10000x128xf32, #tpu.memory_space<hbm>>) dst(%arg17 : memref<64x128xf32, #tpu.memory_space<vmem>>)
      %dma_start3A_115 = arith.constant 0 : i32
      %dma_start3A_116 = arith.constant 0 : i32
      %dma_start3A_117 = tpu.memref_slice %arg6[%dma_start3A_115, %dma_start3A_116] : memref<10000x128xf32, #tpu.memory_space<vmem_shared>> -> memref<10000x128xf32, #tpu.memory_space<vmem_shared>>
      tpu.enqueue_indirect_dma source(%arg17 : memref<64x128xf32, #tpu.memory_space<vmem>>) target(%dma_start3A_117 : memref<10000x128xf32, #tpu.memory_space<vmem_shared>>) offsets(%arg11 : memref<64xi32, #tpu.memory_space<vmem>>) semaphore(%arg27 : memref<!tpu.dma_semaphore, #tpu.memory_space<semaphore_mem>>) {add = true}
      %dma_wait3A_118 = arith.constant 0 : i32
      %dma_wait3A_119 = arith.constant 0 : i32
      %dma_wait3A_120 = tpu.memref_slice %arg2[%dma_wait3A_118, %dma_wait3A_119] : memref<10000x128xf32, #tpu.memory_space<hbm>> -> memref<10000x128xf32, #tpu.memory_space<hbm>>
      tpu.wait_indirect_dma semaphore(%arg24 : memref<!tpu.dma_semaphore, #tpu.memory_space<semaphore_mem>>) src(%dma_wait3A_120 : memref<10000x128xf32, #tpu.memory_space<hbm>>) dst(%arg18 : memref<64x128xf32, #tpu.memory_space<vmem>>)
      %dma_start3A_121 = arith.constant 0 : i32
      %dma_start3A_122 = arith.constant 0 : i32
      %dma_start3A_123 = tpu.memref_slice %arg6[%dma_start3A_121, %dma_start3A_122] : memref<10000x128xf32, #tpu.memory_space<vmem_shared>> -> memref<10000x128xf32, #tpu.memory_space<vmem_shared>>
      tpu.enqueue_indirect_dma source(%arg18 : memref<64x128xf32, #tpu.memory_space<vmem>>) target(%dma_start3A_123 : memref<10000x128xf32, #tpu.memory_space<vmem_shared>>) offsets(%arg12 : memref<64xi32, #tpu.memory_space<vmem>>) semaphore(%arg28 : memref<!tpu.dma_semaphore, #tpu.memory_space<semaphore_mem>>) {add = true}
      %gt3A_124 = arith.constant 0 : i32
      %gt3A_125 = arith.cmpi sgt, %scan3A_78, %gt3A_124 : i32
      %convert_element_type3A_126 = arith.extui %gt3A_125 : i1 to i32
      %cond3A_127 = arith.constant 0 : i32
      %cond3A_128 = arith.cmpi ne, %convert_element_type3A_126, %cond3A_127 : i32
      scf.if %cond3A_128 {
        %dma_wait3A_167 = arith.constant 0 : i32
        %dma_wait3A_168 = arith.constant 0 : i32
        %dma_wait3A_169 = tpu.memref_slice %arg6[%dma_wait3A_167, %dma_wait3A_168] : memref<10000x128xf32, #tpu.memory_space<vmem_shared>> -> memref<10000x128xf32, #tpu.memory_space<vmem_shared>>
        tpu.wait_indirect_dma semaphore(%arg29 : memref<!tpu.dma_semaphore, #tpu.memory_space<semaphore_mem>>) src(%arg19 : memref<64x128xf32, #tpu.memory_space<vmem>>) dst(%dma_wait3A_169 : memref<10000x128xf32, #tpu.memory_space<vmem_shared>>)
        %dma_wait3A_170 = arith.constant 0 : i32
        %dma_wait3A_171 = arith.constant 0 : i32
        %dma_wait3A_172 = tpu.memref_slice %arg6[%dma_wait3A_170, %dma_wait3A_171] : memref<10000x128xf32, #tpu.memory_space<vmem_shared>> -> memref<10000x128xf32, #tpu.memory_space<vmem_shared>>
        tpu.wait_indirect_dma semaphore(%arg30 : memref<!tpu.dma_semaphore, #tpu.memory_space<semaphore_mem>>) src(%arg20 : memref<64x128xf32, #tpu.memory_space<vmem>>) dst(%dma_wait3A_172 : memref<10000x128xf32, #tpu.memory_space<vmem_shared>>)
      } else {
      }
      %add3A_129 = arith.constant 128 : i32
      %add3A_130 = arith.addi %add3A_81, %add3A_129 : i32
      %dma_start3A_131 = tpu.memref_slice %arg3[%add3A_130] : memref<320000xi32, #tpu.memory_space<hbm>> -> memref<64xi32, #tpu.memory_space<hbm>>
      %dma_start3A_132 = tpu.memref_slice %arg3[%add3A_130] : memref<320000xi32, #tpu.memory_space<hbm>> -> memref<64xi32, #tpu.memory_space<hbm>>
      tpu.enqueue_dma source(%dma_start3A_132 : memref<64xi32, #tpu.memory_space<hbm>>) target(%arg9 : memref<64xi32, #tpu.memory_space<vmem>>) target_semaphore(%arg22 : memref<!tpu.dma_semaphore, #tpu.memory_space<semaphore_mem>>)
      %dma_start3A_133 = tpu.memref_slice %arg4[%add3A_130] : memref<320000xi32, #tpu.memory_space<hbm>> -> memref<64xi32, #tpu.memory_space<hbm>>
      %dma_start3A_134 = tpu.memref_slice %arg4[%add3A_130] : memref<320000xi32, #tpu.memory_space<hbm>> -> memref<64xi32, #tpu.memory_space<hbm>>
      tpu.enqueue_dma source(%dma_start3A_134 : memref<64xi32, #tpu.memory_space<hbm>>) target(%arg13 : memref<64xi32, #tpu.memory_space<vmem>>) target_semaphore(%arg22 : memref<!tpu.dma_semaphore, #tpu.memory_space<semaphore_mem>>)
      %add3A_135 = arith.constant 192 : i32
      %add3A_136 = arith.addi %add3A_81, %add3A_135 : i32
      %dma_start3A_137 = tpu.memref_slice %arg3[%add3A_136] : memref<320000xi32, #tpu.memory_space<hbm>> -> memref<64xi32, #tpu.memory_space<hbm>>
      %dma_start3A_138 = tpu.memref_slice %arg3[%add3A_136] : memref<320000xi32, #tpu.memory_space<hbm>> -> memref<64xi32, #tpu.memory_space<hbm>>
      tpu.enqueue_dma source(%dma_start3A_138 : memref<64xi32, #tpu.memory_space<hbm>>) target(%arg10 : memref<64xi32, #tpu.memory_space<vmem>>) target_semaphore(%arg22 : memref<!tpu.dma_semaphore, #tpu.memory_space<semaphore_mem>>)
      %dma_start3A_139 = tpu.memref_slice %arg4[%add3A_136] : memref<320000xi32, #tpu.memory_space<hbm>> -> memref<64xi32, #tpu.memory_space<hbm>>
      %dma_start3A_140 = tpu.memref_slice %arg4[%add3A_136] : memref<320000xi32, #tpu.memory_space<hbm>> -> memref<64xi32, #tpu.memory_space<hbm>>
      tpu.enqueue_dma source(%dma_start3A_140 : memref<64xi32, #tpu.memory_space<hbm>>) target(%arg14 : memref<64xi32, #tpu.memory_space<vmem>>) target_semaphore(%arg22 : memref<!tpu.dma_semaphore, #tpu.memory_space<semaphore_mem>>)
      %dma_wait3A_141 = tpu.memref_slice %arg3[%add3A_130] : memref<320000xi32, #tpu.memory_space<hbm>> -> memref<64xi32, #tpu.memory_space<hbm>>
      %dma_wait3A_142 = tpu.memref_slice %arg3[%add3A_130] : memref<320000xi32, #tpu.memory_space<hbm>> -> memref<64xi32, #tpu.memory_space<hbm>>
      tpu.wait_dma2 semaphore(%arg22 : memref<!tpu.dma_semaphore, #tpu.memory_space<semaphore_mem>>) src(%dma_wait3A_142 : memref<64xi32, #tpu.memory_space<hbm>>) dst(%arg9 : memref<64xi32, #tpu.memory_space<vmem>>)
      %dma_wait3A_143 = tpu.memref_slice %arg4[%add3A_130] : memref<320000xi32, #tpu.memory_space<hbm>> -> memref<64xi32, #tpu.memory_space<hbm>>
      %dma_wait3A_144 = tpu.memref_slice %arg4[%add3A_130] : memref<320000xi32, #tpu.memory_space<hbm>> -> memref<64xi32, #tpu.memory_space<hbm>>
      tpu.wait_dma2 semaphore(%arg22 : memref<!tpu.dma_semaphore, #tpu.memory_space<semaphore_mem>>) src(%dma_wait3A_144 : memref<64xi32, #tpu.memory_space<hbm>>) dst(%arg13 : memref<64xi32, #tpu.memory_space<vmem>>)
      %dma_wait3A_145 = tpu.memref_slice %arg3[%add3A_136] : memref<320000xi32, #tpu.memory_space<hbm>> -> memref<64xi32, #tpu.memory_space<hbm>>
      %dma_wait3A_146 = tpu.memref_slice %arg3[%add3A_136] : memref<320000xi32, #tpu.memory_space<hbm>> -> memref<64xi32, #tpu.memory_space<hbm>>
      tpu.wait_dma2 semaphore(%arg22 : memref<!tpu.dma_semaphore, #tpu.memory_space<semaphore_mem>>) src(%dma_wait3A_146 : memref<64xi32, #tpu.memory_space<hbm>>) dst(%arg10 : memref<64xi32, #tpu.memory_space<vmem>>)
      %dma_wait3A_147 = tpu.memref_slice %arg4[%add3A_136] : memref<320000xi32, #tpu.memory_space<hbm>> -> memref<64xi32, #tpu.memory_space<hbm>>
      %dma_wait3A_148 = tpu.memref_slice %arg4[%add3A_136] : memref<320000xi32, #tpu.memory_space<hbm>> -> memref<64xi32, #tpu.memory_space<hbm>>
      tpu.wait_dma2 semaphore(%arg22 : memref<!tpu.dma_semaphore, #tpu.memory_space<semaphore_mem>>) src(%dma_wait3A_148 : memref<64xi32, #tpu.memory_space<hbm>>) dst(%arg14 : memref<64xi32, #tpu.memory_space<vmem>>)
      %dma_start3A_149 = arith.constant 0 : i32
      %dma_start3A_150 = arith.constant 0 : i32
      %dma_start3A_151 = tpu.memref_slice %arg2[%dma_start3A_149, %dma_start3A_150] : memref<10000x128xf32, #tpu.memory_space<hbm>> -> memref<10000x128xf32, #tpu.memory_space<hbm>>
      tpu.enqueue_indirect_dma source(%dma_start3A_151 : memref<10000x128xf32, #tpu.memory_space<hbm>>) target(%arg19 : memref<64x128xf32, #tpu.memory_space<vmem>>) offsets(%arg9 : memref<64xi32, #tpu.memory_space<vmem>>) semaphore(%arg25 : memref<!tpu.dma_semaphore, #tpu.memory_space<semaphore_mem>>)
      %dma_start3A_152 = arith.constant 0 : i32
      %dma_start3A_153 = arith.constant 0 : i32
      %dma_start3A_154 = tpu.memref_slice %arg2[%dma_start3A_152, %dma_start3A_153] : memref<10000x128xf32, #tpu.memory_space<hbm>> -> memref<10000x128xf32, #tpu.memory_space<hbm>>
      tpu.enqueue_indirect_dma source(%dma_start3A_154 : memref<10000x128xf32, #tpu.memory_space<hbm>>) target(%arg20 : memref<64x128xf32, #tpu.memory_space<vmem>>) offsets(%arg10 : memref<64xi32, #tpu.memory_space<vmem>>) semaphore(%arg26 : memref<!tpu.dma_semaphore, #tpu.memory_space<semaphore_mem>>)
      %dma_wait3A_155 = arith.constant 0 : i32
      %dma_wait3A_156 = arith.constant 0 : i32
      %dma_wait3A_157 = tpu.memref_slice %arg2[%dma_wait3A_155, %dma_wait3A_156] : memref<10000x128xf32, #tpu.memory_space<hbm>> -> memref<10000x128xf32, #tpu.memory_space<hbm>>
      tpu.wait_indirect_dma semaphore(%arg25 : memref<!tpu.dma_semaphore, #tpu.memory_space<semaphore_mem>>) src(%dma_wait3A_157 : memref<10000x128xf32, #tpu.memory_space<hbm>>) dst(%arg19 : memref<64x128xf32, #tpu.memory_space<vmem>>)
      %dma_start3A_158 = arith.constant 0 : i32
      %dma_start3A_159 = arith.constant 0 : i32
      %dma_start3A_160 = tpu.memref_slice %arg6[%dma_start3A_158, %dma_start3A_159] : memref<10000x128xf32, #tpu.memory_space<vmem_shared>> -> memref<10000x128xf32, #tpu.memory_space<vmem_shared>>
      tpu.enqueue_indirect_dma source(%arg19 : memref<64x128xf32, #tpu.memory_space<vmem>>) target(%dma_start3A_160 : memref<10000x128xf32, #tpu.memory_space<vmem_shared>>) offsets(%arg13 : memref<64xi32, #tpu.memory_space<vmem>>) semaphore(%arg29 : memref<!tpu.dma_semaphore, #tpu.memory_space<semaphore_mem>>) {add = true}
      %dma_wait3A_161 = arith.constant 0 : i32
      %dma_wait3A_162 = arith.constant 0 : i32
      %dma_wait3A_163 = tpu.memref_slice %arg2[%dma_wait3A_161, %dma_wait3A_162] : memref<10000x128xf32, #tpu.memory_space<hbm>> -> memref<10000x128xf32, #tpu.memory_space<hbm>>
      tpu.wait_indirect_dma semaphore(%arg26 : memref<!tpu.dma_semaphore, #tpu.memory_space<semaphore_mem>>) src(%dma_wait3A_163 : memref<10000x128xf32, #tpu.memory_space<hbm>>) dst(%arg20 : memref<64x128xf32, #tpu.memory_space<vmem>>)
      %dma_start3A_164 = arith.constant 0 : i32
      %dma_start3A_165 = arith.constant 0 : i32
      %dma_start3A_166 = tpu.memref_slice %arg6[%dma_start3A_164, %dma_start3A_165] : memref<10000x128xf32, #tpu.memory_space<vmem_shared>> -> memref<10000x128xf32, #tpu.memory_space<vmem_shared>>
      tpu.enqueue_indirect_dma source(%arg20 : memref<64x128xf32, #tpu.memory_space<vmem>>) target(%dma_start3A_166 : memref<10000x128xf32, #tpu.memory_space<vmem_shared>>) offsets(%arg14 : memref<64xi32, #tpu.memory_space<vmem>>) semaphore(%arg30 : memref<!tpu.dma_semaphore, #tpu.memory_space<semaphore_mem>>) {add = true}
    }
    %scan3A_44 = arith.constant 39 : i32
    %dma_wait3A = arith.constant 0 : i32
    %dma_wait3A_45 = arith.constant 0 : i32
    %dma_wait3A_46 = tpu.memref_slice %arg6[%dma_wait3A, %dma_wait3A_45] : memref<10000x128xf32, #tpu.memory_space<vmem_shared>> -> memref<10000x128xf32, #tpu.memory_space<vmem_shared>>
    tpu.wait_indirect_dma semaphore(%arg27 : memref<!tpu.dma_semaphore, #tpu.memory_space<semaphore_mem>>) src(%arg17 : memref<64x128xf32, #tpu.memory_space<vmem>>) dst(%dma_wait3A_46 : memref<10000x128xf32, #tpu.memory_space<vmem_shared>>)
    %dma_wait3A_47 = arith.constant 0 : i32
    %dma_wait3A_48 = arith.constant 0 : i32
    %dma_wait3A_49 = tpu.memref_slice %arg6[%dma_wait3A_47, %dma_wait3A_48] : memref<10000x128xf32, #tpu.memory_space<vmem_shared>> -> memref<10000x128xf32, #tpu.memory_space<vmem_shared>>
    tpu.wait_indirect_dma semaphore(%arg28 : memref<!tpu.dma_semaphore, #tpu.memory_space<semaphore_mem>>) src(%arg18 : memref<64x128xf32, #tpu.memory_space<vmem>>) dst(%dma_wait3A_49 : memref<10000x128xf32, #tpu.memory_space<vmem_shared>>)
    %dma_wait3A_50 = arith.constant 0 : i32
    %dma_wait3A_51 = arith.constant 0 : i32
    %dma_wait3A_52 = tpu.memref_slice %arg6[%dma_wait3A_50, %dma_wait3A_51] : memref<10000x128xf32, #tpu.memory_space<vmem_shared>> -> memref<10000x128xf32, #tpu.memory_space<vmem_shared>>
    tpu.wait_indirect_dma semaphore(%arg29 : memref<!tpu.dma_semaphore, #tpu.memory_space<semaphore_mem>>) src(%arg19 : memref<64x128xf32, #tpu.memory_space<vmem>>) dst(%dma_wait3A_52 : memref<10000x128xf32, #tpu.memory_space<vmem_shared>>)
    %dma_wait3A_53 = arith.constant 0 : i32
    %dma_wait3A_54 = arith.constant 0 : i32
    %dma_wait3A_55 = tpu.memref_slice %arg6[%dma_wait3A_53, %dma_wait3A_54] : memref<10000x128xf32, #tpu.memory_space<vmem_shared>> -> memref<10000x128xf32, #tpu.memory_space<vmem_shared>>
    tpu.wait_indirect_dma semaphore(%arg30 : memref<!tpu.dma_semaphore, #tpu.memory_space<semaphore_mem>>) src(%arg20 : memref<64x128xf32, #tpu.memory_space<vmem>>) dst(%dma_wait3A_55 : memref<10000x128xf32, #tpu.memory_space<vmem_shared>>)
    %add3A_56 = arith.constant 9984 : i32
    %add3A_57 = arith.addi %mul3A_38, %add3A_56 : i32
    "tpu.region"() ({
      %run_scoped3A = tpu.sem_alloc : memref<!tpu.dma_semaphore, #tpu.memory_space<semaphore_mem>>
      %dma_start3A_78 = tpu.memref_slice %arg3[%add3A_57] : memref<320000xi32, #tpu.memory_space<hbm>> -> memref<16xi32, #tpu.memory_space<hbm>>
      %dma_start3A_79 = tpu.memref_slice %arg3[%add3A_57] : memref<320000xi32, #tpu.memory_space<hbm>> -> memref<16xi32, #tpu.memory_space<hbm>>
      tpu.enqueue_dma source(%dma_start3A_79 : memref<16xi32, #tpu.memory_space<hbm>>) target(%arg15 : memref<16xi32, #tpu.memory_space<vmem>>) target_semaphore(%run_scoped3A : memref<!tpu.dma_semaphore, #tpu.memory_space<semaphore_mem>>)
      %dma_wait3A_80 = tpu.memref_slice %arg3[%add3A_57] : memref<320000xi32, #tpu.memory_space<hbm>> -> memref<16xi32, #tpu.memory_space<hbm>>
      %dma_wait3A_81 = tpu.memref_slice %arg3[%add3A_57] : memref<320000xi32, #tpu.memory_space<hbm>> -> memref<16xi32, #tpu.memory_space<hbm>>
      tpu.wait_dma2 semaphore(%run_scoped3A : memref<!tpu.dma_semaphore, #tpu.memory_space<semaphore_mem>>) src(%dma_wait3A_81 : memref<16xi32, #tpu.memory_space<hbm>>) dst(%arg15 : memref<16xi32, #tpu.memory_space<vmem>>)
      tpu.yield
    }) : () -> ()
    "tpu.region"() ({
      %run_scoped3A = tpu.sem_alloc : memref<!tpu.dma_semaphore, #tpu.memory_space<semaphore_mem>>
      %dma_start3A_78 = tpu.memref_slice %arg4[%add3A_57] : memref<320000xi32, #tpu.memory_space<hbm>> -> memref<16xi32, #tpu.memory_space<hbm>>
      %dma_start3A_79 = tpu.memref_slice %arg4[%add3A_57] : memref<320000xi32, #tpu.memory_space<hbm>> -> memref<16xi32, #tpu.memory_space<hbm>>
      tpu.enqueue_dma source(%dma_start3A_79 : memref<16xi32, #tpu.memory_space<hbm>>) target(%arg16 : memref<16xi32, #tpu.memory_space<vmem>>) target_semaphore(%run_scoped3A : memref<!tpu.dma_semaphore, #tpu.memory_space<semaphore_mem>>)
      %dma_wait3A_80 = tpu.memref_slice %arg4[%add3A_57] : memref<320000xi32, #tpu.memory_space<hbm>> -> memref<16xi32, #tpu.memory_space<hbm>>
      %dma_wait3A_81 = tpu.memref_slice %arg4[%add3A_57] : memref<320000xi32, #tpu.memory_space<hbm>> -> memref<16xi32, #tpu.memory_space<hbm>>
      tpu.wait_dma2 semaphore(%run_scoped3A : memref<!tpu.dma_semaphore, #tpu.memory_space<semaphore_mem>>) src(%dma_wait3A_81 : memref<16xi32, #tpu.memory_space<hbm>>) dst(%arg16 : memref<16xi32, #tpu.memory_space<vmem>>)
      tpu.yield
    }) : () -> ()
    %dma_start3A = arith.constant 0 : i32
    %dma_start3A_58 = arith.constant 0 : i32
    %dma_start3A_59 = tpu.memref_slice %arg17[%dma_start3A, %dma_start3A_58] : memref<64x128xf32, #tpu.memory_space<vmem>> -> memref<16x128xf32, #tpu.memory_space<vmem>>
    %dma_start3A_60 = arith.constant 0 : i32
    %dma_start3A_61 = arith.constant 0 : i32
    %dma_start3A_62 = tpu.memref_slice %arg2[%dma_start3A_60, %dma_start3A_61] : memref<10000x128xf32, #tpu.memory_space<hbm>> -> memref<10000x128xf32, #tpu.memory_space<hbm>>
    tpu.enqueue_indirect_dma source(%dma_start3A_62 : memref<10000x128xf32, #tpu.memory_space<hbm>>) target(%dma_start3A_59 : memref<16x128xf32, #tpu.memory_space<vmem>>) offsets(%arg15 : memref<16xi32, #tpu.memory_space<vmem>>) semaphore(%arg23 : memref<!tpu.dma_semaphore, #tpu.memory_space<semaphore_mem>>)
    %dma_wait3A_63 = arith.constant 0 : i32
    %dma_wait3A_64 = arith.constant 0 : i32
    %dma_wait3A_65 = tpu.memref_slice %arg17[%dma_wait3A_63, %dma_wait3A_64] : memref<64x128xf32, #tpu.memory_space<vmem>> -> memref<16x128xf32, #tpu.memory_space<vmem>>
    %dma_wait3A_66 = arith.constant 0 : i32
    %dma_wait3A_67 = arith.constant 0 : i32
    %dma_wait3A_68 = tpu.memref_slice %arg2[%dma_wait3A_66, %dma_wait3A_67] : memref<10000x128xf32, #tpu.memory_space<hbm>> -> memref<10000x128xf32, #tpu.memory_space<hbm>>
    tpu.wait_indirect_dma semaphore(%arg23 : memref<!tpu.dma_semaphore, #tpu.memory_space<semaphore_mem>>) src(%dma_wait3A_68 : memref<10000x128xf32, #tpu.memory_space<hbm>>) dst(%dma_wait3A_65 : memref<16x128xf32, #tpu.memory_space<vmem>>)
    "tpu.region"() ({
      %run_scoped3A = tpu.sem_alloc : memref<!tpu.dma_semaphore, #tpu.memory_space<semaphore_mem>>
      %dma_start3A_78 = arith.constant 0 : i32
      %dma_start3A_79 = arith.constant 0 : i32
      %dma_start3A_80 = tpu.memref_slice %arg17[%dma_start3A_78, %dma_start3A_79] : memref<64x128xf32, #tpu.memory_space<vmem>> -> memref<16x128xf32, #tpu.memory_space<vmem>>
      %dma_start3A_81 = arith.constant 0 : i32
      %dma_start3A_82 = arith.constant 0 : i32
      %dma_start3A_83 = tpu.memref_slice %arg6[%dma_start3A_81, %dma_start3A_82] : memref<10000x128xf32, #tpu.memory_space<vmem_shared>> -> memref<10000x128xf32, #tpu.memory_space<vmem_shared>>
      tpu.enqueue_indirect_dma source(%dma_start3A_80 : memref<16x128xf32, #tpu.memory_space<vmem>>) target(%dma_start3A_83 : memref<10000x128xf32, #tpu.memory_space<vmem_shared>>) offsets(%arg16 : memref<16xi32, #tpu.memory_space<vmem>>) semaphore(%run_scoped3A : memref<!tpu.dma_semaphore, #tpu.memory_space<semaphore_mem>>) {add = true}
      %dma_wait3A_84 = arith.constant 0 : i32
      %dma_wait3A_85 = arith.constant 0 : i32
      %dma_wait3A_86 = tpu.memref_slice %arg17[%dma_wait3A_84, %dma_wait3A_85] : memref<64x128xf32, #tpu.memory_space<vmem>> -> memref<16x128xf32, #tpu.memory_space<vmem>>
      %dma_wait3A_87 = arith.constant 0 : i32
      %dma_wait3A_88 = arith.constant 0 : i32
      %dma_wait3A_89 = tpu.memref_slice %arg6[%dma_wait3A_87, %dma_wait3A_88] : memref<10000x128xf32, #tpu.memory_space<vmem_shared>> -> memref<10000x128xf32, #tpu.memory_space<vmem_shared>>
      tpu.wait_indirect_dma semaphore(%run_scoped3A : memref<!tpu.dma_semaphore, #tpu.memory_space<semaphore_mem>>) src(%dma_wait3A_86 : memref<16x128xf32, #tpu.memory_space<vmem>>) dst(%dma_wait3A_89 : memref<10000x128xf32, #tpu.memory_space<vmem_shared>>)
      tpu.yield
    }) : () -> ()
    %barrier3A_69 = arith.constant 0 : index
    tpu.barrier barrier_id(%barrier3A_69)
    %mul3A_70 = arith.constant 10000 : i32
    %mul3A_71 = arith.muli %arg0, %mul3A_70 : i32
    %add3A_72 = arith.addi %mul3A_71, %mul3A_6 : i32
    "tpu.region"() ({
      %run_scoped3A = tpu.sem_alloc : memref<!tpu.dma_semaphore, #tpu.memory_space<semaphore_mem>>
      %dma_start3A_78 = arith.constant 0 : i32
      %dma_start3A_79 = tpu.memref_slice %arg5[%add3A_72, %dma_start3A_78] : memref<20000x128xf32, #tpu.memory_space<hbm>> -> memref<624x128xf32, #tpu.memory_space<hbm>>
      %dma_start3A_80 = arith.constant 0 : i32
      %dma_start3A_81 = tpu.memref_slice %arg6[%mul3A_6, %dma_start3A_80] : memref<10000x128xf32, #tpu.memory_space<vmem_shared>> -> memref<624x128xf32, #tpu.memory_space<vmem_shared>>
      tpu.enqueue_dma source(%dma_start3A_81 : memref<624x128xf32, #tpu.memory_space<vmem_shared>>) target(%dma_start3A_79 : memref<624x128xf32, #tpu.memory_space<hbm>>) target_semaphore(%run_scoped3A : memref<!tpu.dma_semaphore, #tpu.memory_space<semaphore_mem>>)
      %dma_wait3A_82 = arith.constant 0 : i32
      %dma_wait3A_83 = tpu.memref_slice %arg5[%add3A_72, %dma_wait3A_82] : memref<20000x128xf32, #tpu.memory_space<hbm>> -> memref<624x128xf32, #tpu.memory_space<hbm>>
      %dma_wait3A_84 = arith.constant 0 : i32
      %dma_wait3A_85 = tpu.memref_slice %arg6[%mul3A_6, %dma_wait3A_84] : memref<10000x128xf32, #tpu.memory_space<vmem_shared>> -> memref<624x128xf32, #tpu.memory_space<vmem_shared>>
      tpu.wait_dma2 semaphore(%run_scoped3A : memref<!tpu.dma_semaphore, #tpu.memory_space<semaphore_mem>>) src(%dma_wait3A_85 : memref<624x128xf32, #tpu.memory_space<vmem_shared>>) dst(%dma_wait3A_83 : memref<624x128xf32, #tpu.memory_space<hbm>>)
      tpu.yield
    }) : () -> ()
    %eq3A_73 = arith.constant 15 : i32
    %eq3A_74 = arith.cmpi eq, %arg1, %eq3A_73 : i32
    %convert_element_type3A_75 = arith.extui %eq3A_74 : i1 to i32
    %cond3A_76 = arith.constant 0 : i32
    %cond3A_77 = arith.cmpi ne, %convert_element_type3A_75, %cond3A_76 : i32
    scf.if %cond3A_77 {
      %add3A_78 = arith.constant 9984 : i32
      %add3A_79 = arith.addi %mul3A_71, %add3A_78 : i32
      "tpu.region"() ({
        %run_scoped3A = tpu.sem_alloc : memref<!tpu.dma_semaphore, #tpu.memory_space<semaphore_mem>>
        %dma_start3A_80 = arith.constant 0 : i32
        %dma_start3A_81 = tpu.memref_slice %arg5[%add3A_79, %dma_start3A_80] : memref<20000x128xf32, #tpu.memory_space<hbm>> -> memref<16x128xf32, #tpu.memory_space<hbm>>
        %dma_start3A_82 = arith.constant 9984 : i32
        %dma_start3A_83 = arith.constant 0 : i32
        %dma_start3A_84 = tpu.memref_slice %arg6[%dma_start3A_82, %dma_start3A_83] : memref<10000x128xf32, #tpu.memory_space<vmem_shared>> -> memref<16x128xf32, #tpu.memory_space<vmem_shared>>
        tpu.enqueue_dma source(%dma_start3A_84 : memref<16x128xf32, #tpu.memory_space<vmem_shared>>) target(%dma_start3A_81 : memref<16x128xf32, #tpu.memory_space<hbm>>) target_semaphore(%run_scoped3A : memref<!tpu.dma_semaphore, #tpu.memory_space<semaphore_mem>>)
        %dma_wait3A_85 = arith.constant 0 : i32
        %dma_wait3A_86 = tpu.memref_slice %arg5[%add3A_79, %dma_wait3A_85] : memref<20000x128xf32, #tpu.memory_space<hbm>> -> memref<16x128xf32, #tpu.memory_space<hbm>>
        %dma_wait3A_87 = arith.constant 9984 : i32
        %dma_wait3A_88 = arith.constant 0 : i32
        %dma_wait3A_89 = tpu.memref_slice %arg6[%dma_wait3A_87, %dma_wait3A_88] : memref<10000x128xf32, #tpu.memory_space<vmem_shared>> -> memref<16x128xf32, #tpu.memory_space<vmem_shared>>
        tpu.wait_dma2 semaphore(%run_scoped3A : memref<!tpu.dma_semaphore, #tpu.memory_space<semaphore_mem>>) src(%dma_wait3A_89 : memref<16x128xf32, #tpu.memory_space<vmem_shared>>) dst(%dma_wait3A_86 : memref<16x128xf32, #tpu.memory_space<hbm>>)
        tpu.yield
      }) : () -> ()
    } else {
    }
    return
  }
}

module attributes {stable_mosaic.version = 14 : i64} {
  func.func @body(%arg0: i32, %arg1: memref<1000x128xf32, #tpu.memory_space<vmem>>, %arg2: memref<2x128xf32, #tpu.memory_space<vmem>>, %arg3: memref<1x128xf32, #tpu.memory_space<vmem>>, %arg4: memref<1x128xf32, #tpu.memory_space<vmem>>, %arg5: memref<128x128xf32, #tpu.memory_space<vmem>>, %arg6: memref<1000x1xf32, #tpu.memory_space<vmem>>, %arg7: memref<1000x128xf32, #tpu.memory_space<vmem>>) attributes {dimension_semantics = [#tpu.dimension_semantics<arbitrary>], iteration_bounds = array<i64: 10>, scalar_prefetch = 0 : i64, scratch_operands = 0 : i64, tpu.core_type = #tpu.core_type<tc>, window_params = [{transform_indices = @transform_0, window_bounds = array<i64: 1000, 128>}, {pipeline_mode = #tpu.pipeline_mode<synchronous>, transform_indices = @transform_1, window_bounds = array<i64: 2, 128>}, {pipeline_mode = #tpu.pipeline_mode<synchronous>, transform_indices = @transform_2, window_bounds = array<i64: 1, 128>}, {pipeline_mode = #tpu.pipeline_mode<synchronous>, transform_indices = @transform_3, window_bounds = array<i64: 1, 128>}, {pipeline_mode = #tpu.pipeline_mode<synchronous>, transform_indices = @transform_4, window_bounds = array<i64: 128, 128>}, {transform_indices = @transform_5, window_bounds = array<i64: 1000, 1>}, {transform_indices = @transform_6, window_bounds = array<i64: 1000, 128>}]} {
    %get3A = arith.constant 0 : index
    %get3A_0 = arith.constant 0 : index
    %get3A_1 = vector.load %arg2[%get3A, %get3A_0] : memref<2x128xf32, #tpu.memory_space<vmem>>, vector<1x128xf32>
    %mul3A = arith.constant 9.99999974E-5 : f32
    %mul3A_2 = vector.broadcast %mul3A : f32 to vector<1x128xf32>
    %mul3A_3 = arith.mulf %get3A_1, %mul3A_2 : vector<1x128xf32>
    %get3A_4 = arith.constant 1 : index
    %get3A_5 = arith.constant 0 : index
    %get3A_6 = vector.load %arg2[%get3A_4, %get3A_5] : memref<2x128xf32, #tpu.memory_space<vmem>>, vector<1x128xf32>
    %mul3A_7 = arith.constant 9.99999974E-5 : f32
    %mul3A_8 = vector.broadcast %mul3A_7 : f32 to vector<1x128xf32>
    %mul3A_9 = arith.mulf %get3A_6, %mul3A_8 : vector<1x128xf32>
    %mul3A_10 = arith.mulf %mul3A_3, %mul3A_3 : vector<1x128xf32>
    %sub3A = arith.subf %mul3A_9, %mul3A_10 : vector<1x128xf32>
    %get3A_11 = arith.constant 0 : index
    %get3A_12 = arith.constant 0 : index
    %get3A_13 = vector.load %arg3[%get3A_11, %get3A_12] : memref<1x128xf32, #tpu.memory_space<vmem>>, vector<1x128xf32>
    %get3A_14 = arith.constant 0 : index
    %get3A_15 = arith.constant 0 : index
    %get3A_16 = vector.load %arg1[%get3A_14, %get3A_15] : memref<1000x128xf32, #tpu.memory_space<vmem>>, vector<1000x128xf32>
    %sub3A_17 = vector.broadcast %mul3A_3 : vector<1x128xf32> to vector<1000x128xf32>
    %sub3A_18 = arith.subf %get3A_16, %sub3A_17 : vector<1000x128xf32>
    %mul3A_19 = vector.broadcast %get3A_13 : vector<1x128xf32> to vector<1000x128xf32>
    %mul3A_20 = arith.mulf %mul3A_19, %sub3A_18 : vector<1000x128xf32>
    %add3A = arith.constant 9.99999974E-6 : f32
    %add3A_21 = vector.broadcast %add3A : f32 to vector<1x128xf32>
    %add3A_22 = arith.addf %sub3A, %add3A_21 : vector<1x128xf32>
    %rsqrt3A = math.rsqrt %add3A_22 : vector<1x128xf32>
    %mul3A_23 = vector.broadcast %rsqrt3A : vector<1x128xf32> to vector<1000x128xf32>
    %mul3A_24 = arith.mulf %mul3A_20, %mul3A_23 : vector<1000x128xf32>
    %get3A_25 = arith.constant 0 : index
    %get3A_26 = arith.constant 0 : index
    %get3A_27 = vector.load %arg4[%get3A_25, %get3A_26] : memref<1x128xf32, #tpu.memory_space<vmem>>, vector<1x128xf32>
    %add3A_28 = vector.broadcast %get3A_27 : vector<1x128xf32> to vector<1000x128xf32>
    %add3A_29 = arith.addf %mul3A_24, %add3A_28 : vector<1000x128xf32>
    %get3A_30 = arith.constant 0 : index
    %get3A_31 = arith.constant 0 : index
    %get3A_32 = vector.load %arg5[%get3A_30, %get3A_31] : memref<128x128xf32, #tpu.memory_space<vmem>>, vector<128x128xf32>
    %dot_general3A = arith.constant dense<0.000000e+00> : vector<1000x128xf32>
    %dot_general3A_33 = tpu.matmul %add3A_29, %get3A_32, %dot_general3A {dimension_numbers = #tpu.dot_dimension_numbers<[1], [0], [0], [1], [0, 0, 1, 1], [], []>, transpose_lhs_hint = false} : vector<1000x128xf32>, vector<128x128xf32>, vector<1000x128xf32> -> vector<1000x128xf32>
    %get3A_34 = arith.constant 0 : index
    %get3A_35 = arith.constant 0 : index
    %get3A_36 = vector.load %arg6[%get3A_34, %get3A_35] : memref<1000x1xf32, #tpu.memory_space<vmem>>, vector<1000x1xf32>
    %mul3A_37 = vector.broadcast %get3A_36 : vector<1000x1xf32> to vector<1000x128xf32>
    %mul3A_38 = arith.mulf %dot_general3A_33, %mul3A_37 : vector<1000x128xf32>
    %swap3A = arith.constant 0 : index
    %swap3A_39 = arith.constant 0 : index
    %swap3A_40 = vector.load %arg7[%swap3A, %swap3A_39] : memref<1000x128xf32, #tpu.memory_space<vmem>>, vector<1000x128xf32>
    tpu.vector_store %arg7[%swap3A, %swap3A_39], %mul3A_38 {strides = array<i32>} : memref<1000x128xf32, #tpu.memory_space<vmem>>, vector<1000x128xf32>,
    return
  }
  func.func @transform_0(%arg0: i32) -> (i32, i32) {
    %c0_i32 = arith.constant 0 : i32
    %c0_i32_0 = arith.constant 0 : i32
    return %arg0, %c0_i32 : i32, i32
  }
  func.func @transform_1(%arg0: i32) -> (i32, i32) {
    %c0_i32 = arith.constant 0 : i32
    %c0_i32_0 = arith.constant 0 : i32
    %c0_i32_1 = arith.constant 0 : i32
    return %c0_i32, %c0_i32_0 : i32, i32
  }
  func.func @transform_2(%arg0: i32) -> (i32, i32) {
    %c0_i32 = arith.constant 0 : i32
    %c0_i32_0 = arith.constant 0 : i32
    %c0_i32_1 = arith.constant 0 : i32
    return %c0_i32, %c0_i32_0 : i32, i32
  }
  func.func @transform_3(%arg0: i32) -> (i32, i32) {
    %c0_i32 = arith.constant 0 : i32
    %c0_i32_0 = arith.constant 0 : i32
    %c0_i32_1 = arith.constant 0 : i32
    return %c0_i32, %c0_i32_0 : i32, i32
  }
  func.func @transform_4(%arg0: i32) -> (i32, i32) {
    %c0_i32 = arith.constant 0 : i32
    %c0_i32_0 = arith.constant 0 : i32
    %c0_i32_1 = arith.constant 0 : i32
    return %c0_i32, %c0_i32_0 : i32, i32
  }
  func.func @transform_5(%arg0: i32) -> (i32, i32) {
    %c0_i32 = arith.constant 0 : i32
    %c0_i32_0 = arith.constant 0 : i32
    return %arg0, %c0_i32 : i32, i32
  }
  func.func @transform_6(%arg0: i32) -> (i32, i32) {
    %c0_i32 = arith.constant 0 : i32
    %c0_i32_0 = arith.constant 0 : i32
    return %arg0, %c0_i32 : i32, i32
  }
}

module attributes {stable_mosaic.version = 14 : i64} {
  func.func @body(%arg0: i32, %arg1: memref<1000x128xf32, #tpu.memory_space<vmem>>, %arg2: memref<128x128xf32, #tpu.memory_space<vmem>>, %arg3: memref<1000x128xf32, #tpu.memory_space<vmem>>, %arg4: memref<1000x128xf32, #tpu.memory_space<vmem>>, %arg5: memref<1000x128xf32, #tpu.memory_space<vmem>>, %arg6: memref<1000x1xf32, #tpu.memory_space<vmem>>) attributes {dimension_semantics = [#tpu.dimension_semantics<arbitrary>], iteration_bounds = array<i64: 10>, scalar_prefetch = 0 : i64, scratch_operands = 0 : i64, tpu.core_type = #tpu.core_type<tc>, window_params = [{transform_indices = @transform_0, window_bounds = array<i64: 1000, 128>}, {pipeline_mode = #tpu.pipeline_mode<synchronous>, transform_indices = @transform_1, window_bounds = array<i64: 128, 128>}, {transform_indices = @transform_2, window_bounds = array<i64: 1000, 128>}, {transform_indices = @transform_3, window_bounds = array<i64: 1000, 128>}, {transform_indices = @transform_4, window_bounds = array<i64: 1000, 128>}, {transform_indices = @transform_5, window_bounds = array<i64: 1000, 1>}]} {
    %get3A = arith.constant 0 : index
    %get3A_0 = arith.constant 0 : index
    %get3A_1 = vector.load %arg3[%get3A, %get3A_0] : memref<1000x128xf32, #tpu.memory_space<vmem>>, vector<1000x1xf32>
    %get3A_2 = arith.constant 0 : index
    %get3A_3 = arith.constant 0 : index
    %get3A_4 = vector.load %arg4[%get3A_2, %get3A_3] : memref<1000x128xf32, #tpu.memory_space<vmem>>, vector<1000x1xf32>
    %add3A = arith.addf %get3A_1, %get3A_4 : vector<1000x1xf32>
    %add3A_5 = arith.constant 1.000000e+00 : f32
    %add3A_6 = vector.broadcast %add3A_5 : f32 to vector<1000x1xf32>
    %add3A_7 = arith.addf %add3A, %add3A_6 : vector<1000x1xf32>
    %rsqrt3A = math.rsqrt %add3A_7 : vector<1000x1xf32>
    %swap3A = arith.constant 0 : index
    %swap3A_8 = arith.constant 0 : index
    %swap3A_9 = vector.load %arg6[%swap3A, %swap3A_8] : memref<1000x1xf32, #tpu.memory_space<vmem>>, vector<1000x1xf32>
    tpu.vector_store %arg6[%swap3A, %swap3A_8], %rsqrt3A {strides = array<i32>} : memref<1000x1xf32, #tpu.memory_space<vmem>>, vector<1000x1xf32>,
    %get3A_10 = arith.constant 0 : index
    %get3A_11 = arith.constant 0 : index
    %get3A_12 = vector.load %arg1[%get3A_10, %get3A_11] : memref<1000x128xf32, #tpu.memory_space<vmem>>, vector<1000x128xf32>
    %get3A_13 = arith.constant 0 : index
    %get3A_14 = arith.constant 0 : index
    %get3A_15 = vector.load %arg2[%get3A_13, %get3A_14] : memref<128x128xf32, #tpu.memory_space<vmem>>, vector<128x128xf32>
    %dot_general3A = arith.constant dense<0.000000e+00> : vector<1000x128xf32>
    %dot_general3A_16 = tpu.matmul %get3A_12, %get3A_15, %dot_general3A {dimension_numbers = #tpu.dot_dimension_numbers<[1], [0], [0], [1], [0, 0, 1, 1], [], []>, transpose_lhs_hint = false} : vector<1000x128xf32>, vector<128x128xf32>, vector<1000x128xf32> -> vector<1000x128xf32>
    %mul3A = vector.broadcast %rsqrt3A : vector<1000x1xf32> to vector<1000x128xf32>
    %mul3A_17 = arith.mulf %dot_general3A_16, %mul3A : vector<1000x128xf32>
    %swap3A_18 = arith.constant 0 : index
    %swap3A_19 = arith.constant 0 : index
    %swap3A_20 = vector.load %arg5[%swap3A_18, %swap3A_19] : memref<1000x128xf32, #tpu.memory_space<vmem>>, vector<1000x128xf32>
    tpu.vector_store %arg5[%swap3A_18, %swap3A_19], %mul3A_17 {strides = array<i32>} : memref<1000x128xf32, #tpu.memory_space<vmem>>, vector<1000x128xf32>,
    return
  }
  func.func @transform_0(%arg0: i32) -> (i32, i32) {
    %c0_i32 = arith.constant 0 : i32
    %c0_i32_0 = arith.constant 0 : i32
    return %arg0, %c0_i32 : i32, i32
  }
  func.func @transform_1(%arg0: i32) -> (i32, i32) {
    %c0_i32 = arith.constant 0 : i32
    %c0_i32_0 = arith.constant 0 : i32
    %c0_i32_1 = arith.constant 0 : i32
    return %c0_i32, %c0_i32_0 : i32, i32
  }
  func.func @transform_2(%arg0: i32) -> (i32, i32) {
    %c0_i32 = arith.constant 0 : i32
    %c0_i32_0 = arith.constant 0 : i32
    return %arg0, %c0_i32 : i32, i32
  }
  func.func @transform_3(%arg0: i32) -> (i32, i32) {
    %add3A = arith.constant 10 : i32
    %add3A_0 = arith.addi %arg0, %add3A : i32
    %c0_i32 = arith.constant 0 : i32
    %c0_i32_1 = arith.constant 0 : i32
    return %add3A_0, %c0_i32 : i32, i32
  }
  func.func @transform_4(%arg0: i32) -> (i32, i32) {
    %c0_i32 = arith.constant 0 : i32
    %c0_i32_0 = arith.constant 0 : i32
    return %arg0, %c0_i32 : i32, i32
  }
  func.func @transform_5(%arg0: i32) -> (i32, i32) {
    %c0_i32 = arith.constant 0 : i32
    %c0_i32_0 = arith.constant 0 : i32
    return %arg0, %c0_i32 : i32, i32
  }
}

module attributes {stable_mosaic.version = 14 : i64} {
  func.func @body(%arg0: i32, %arg1: memref<1000x128xf32, #tpu.memory_space<vmem>>, %arg2: memref<1000x128xf32, #tpu.memory_space<vmem>>, %arg3: memref<1000x128xf32, #tpu.memory_space<vmem>>, %arg4: memref<1000x1xf32, #tpu.memory_space<vmem>>, %arg5: memref<1x128xf32, #tpu.memory_space<vmem>>, %arg6: memref<1000x128xf32, #tpu.memory_space<vmem>>, %arg7: memref<2x128xf32, #tpu.memory_space<vmem>>) attributes {dimension_semantics = [#tpu.dimension_semantics<arbitrary>], iteration_bounds = array<i64: 10>, scalar_prefetch = 0 : i64, scratch_operands = 0 : i64, tpu.core_type = #tpu.core_type<tc>, window_params = [{transform_indices = @transform_0, window_bounds = array<i64: 1000, 128>}, {transform_indices = @transform_1, window_bounds = array<i64: 1000, 128>}, {transform_indices = @transform_2, window_bounds = array<i64: 1000, 128>}, {transform_indices = @transform_3, window_bounds = array<i64: 1000, 1>}, {pipeline_mode = #tpu.pipeline_mode<synchronous>, transform_indices = @transform_4, window_bounds = array<i64: 1, 128>}, {transform_indices = @transform_5, window_bounds = array<i64: 1000, 128>}, {pipeline_mode = #tpu.pipeline_mode<synchronous>, transform_indices = @transform_6, window_bounds = array<i64: 2, 128>}]} {
    %get3A = arith.constant 0 : index
    %get3A_0 = arith.constant 0 : index
    %get3A_1 = vector.load %arg1[%get3A, %get3A_0] : memref<1000x128xf32, #tpu.memory_space<vmem>>, vector<1000x128xf32>
    %get3A_2 = arith.constant 0 : index
    %get3A_3 = arith.constant 0 : index
    %get3A_4 = vector.load %arg2[%get3A_2, %get3A_3] : memref<1000x128xf32, #tpu.memory_space<vmem>>, vector<1000x128xf32>
    %add3A = arith.addf %get3A_1, %get3A_4 : vector<1000x128xf32>
    %get3A_5 = arith.constant 0 : index
    %get3A_6 = arith.constant 0 : index
    %get3A_7 = vector.load %arg3[%get3A_5, %get3A_6] : memref<1000x128xf32, #tpu.memory_space<vmem>>, vector<1000x128xf32>
    %add3A_8 = arith.addf %add3A, %get3A_7 : vector<1000x128xf32>
    %get3A_9 = arith.constant 0 : index
    %get3A_10 = arith.constant 0 : index
    %get3A_11 = vector.load %arg4[%get3A_9, %get3A_10] : memref<1000x1xf32, #tpu.memory_space<vmem>>, vector<1000x1xf32>
    %mul3A = vector.broadcast %get3A_11 : vector<1000x1xf32> to vector<1000x128xf32>
    %mul3A_12 = arith.mulf %add3A_8, %mul3A : vector<1000x128xf32>
    %get3A_13 = arith.constant 0 : index
    %get3A_14 = arith.constant 0 : index
    %get3A_15 = vector.load %arg5[%get3A_13, %get3A_14] : memref<1x128xf32, #tpu.memory_space<vmem>>, vector<1x128xf32>
    %add3A_16 = vector.broadcast %get3A_15 : vector<1x128xf32> to vector<1000x128xf32>
    %add3A_17 = arith.addf %mul3A_12, %add3A_16 : vector<1000x128xf32>
    %max3A = arith.constant 0.000000e+00 : f32
    %max3A_18 = vector.broadcast %max3A : f32 to vector<1000x128xf32>
    %max3A_19 = arith.maximumf %add3A_17, %max3A_18 : vector<1000x128xf32>
    %swap3A = arith.constant 0 : index
    %swap3A_20 = arith.constant 0 : index
    %swap3A_21 = vector.load %arg6[%swap3A, %swap3A_20] : memref<1000x128xf32, #tpu.memory_space<vmem>>, vector<1000x128xf32>
    tpu.vector_store %arg6[%swap3A, %swap3A_20], %max3A_19 {strides = array<i32>} : memref<1000x128xf32, #tpu.memory_space<vmem>>, vector<1000x128xf32>,
    %eq3A = arith.constant 0 : i32
    %eq3A_22 = arith.cmpi eq, %arg0, %eq3A : i32
    %convert_element_type3A = arith.extui %eq3A_22 : i1 to i32
    %cond3A = arith.constant 0 : i32
    %cond3A_23 = arith.cmpi ne, %convert_element_type3A, %cond3A : i32
    scf.if %cond3A_23 {
      %broadcast_in_dim3A_43 = arith.constant 0.000000e+00 : f32
      %broadcast_in_dim3A_44 = vector.broadcast %broadcast_in_dim3A_43 : f32 to vector<2x128xf32>
      %swap3A_45 = arith.constant 0 : index
      %swap3A_46 = arith.constant 0 : index
      %swap3A_47 = vector.load %arg7[%swap3A_45, %swap3A_46] : memref<2x128xf32, #tpu.memory_space<vmem>>, vector<2x128xf32>
      tpu.vector_store %arg7[%swap3A_45, %swap3A_46], %broadcast_in_dim3A_44 {strides = array<i32>} : memref<2x128xf32, #tpu.memory_space<vmem>>, vector<2x128xf32>,
    } else {
    }
    %get3A_24 = arith.constant 0 : index
    %get3A_25 = arith.constant 0 : index
    %get3A_26 = vector.load %arg7[%get3A_24, %get3A_25] : memref<2x128xf32, #tpu.memory_space<vmem>>, vector<1x128xf32>
    %reduce_sum3A = arith.constant dense<0.000000e+00> : vector<128xf32>
    %reduce_sum3A_27 = vector.multi_reduction <add>, %max3A_19, %reduce_sum3A [0] : vector<1000x128xf32> to vector<128xf32>
    %broadcast_in_dim3A = vector.shape_cast %reduce_sum3A_27 : vector<128xf32> to vector<1x128xf32>
    %add3A_28 = arith.addf %get3A_26, %broadcast_in_dim3A : vector<1x128xf32>
    %swap3A_29 = arith.constant 0 : index
    %swap3A_30 = arith.constant 0 : index
    %swap3A_31 = vector.load %arg7[%swap3A_29, %swap3A_30] : memref<2x128xf32, #tpu.memory_space<vmem>>, vector<1x128xf32>
    tpu.vector_store %arg7[%swap3A_29, %swap3A_30], %add3A_28 {strides = array<i32>} : memref<2x128xf32, #tpu.memory_space<vmem>>, vector<1x128xf32>,
    %get3A_32 = arith.constant 1 : index
    %get3A_33 = arith.constant 0 : index
    %get3A_34 = vector.load %arg7[%get3A_32, %get3A_33] : memref<2x128xf32, #tpu.memory_space<vmem>>, vector<1x128xf32>
    %mul3A_35 = arith.mulf %max3A_19, %max3A_19 : vector<1000x128xf32>
    %reduce_sum3A_36 = arith.constant dense<0.000000e+00> : vector<128xf32>
    %reduce_sum3A_37 = vector.multi_reduction <add>, %mul3A_35, %reduce_sum3A_36 [0] : vector<1000x128xf32> to vector<128xf32>
    %broadcast_in_dim3A_38 = vector.shape_cast %reduce_sum3A_37 : vector<128xf32> to vector<1x128xf32>
    %add3A_39 = arith.addf %get3A_34, %broadcast_in_dim3A_38 : vector<1x128xf32>
    %swap3A_40 = arith.constant 1 : index
    %swap3A_41 = arith.constant 0 : index
    %swap3A_42 = vector.load %arg7[%swap3A_40, %swap3A_41] : memref<2x128xf32, #tpu.memory_space<vmem>>, vector<1x128xf32>
    tpu.vector_store %arg7[%swap3A_40, %swap3A_41], %add3A_39 {strides = array<i32>} : memref<2x128xf32, #tpu.memory_space<vmem>>, vector<1x128xf32>,
    return
  }
  func.func @transform_0(%arg0: i32) -> (i32, i32) {
    %c0_i32 = arith.constant 0 : i32
    %c0_i32_0 = arith.constant 0 : i32
    return %arg0, %c0_i32 : i32, i32
  }
  func.func @transform_1(%arg0: i32) -> (i32, i32) {
    %add3A = arith.constant 10 : i32
    %add3A_0 = arith.addi %arg0, %add3A : i32
    %c0_i32 = arith.constant 0 : i32
    %c0_i32_1 = arith.constant 0 : i32
    return %add3A_0, %c0_i32 : i32, i32
  }
  func.func @transform_2(%arg0: i32) -> (i32, i32) {
    %c0_i32 = arith.constant 0 : i32
    %c0_i32_0 = arith.constant 0 : i32
    return %arg0, %c0_i32 : i32, i32
  }
  func.func @transform_3(%arg0: i32) -> (i32, i32) {
    %c0_i32 = arith.constant 0 : i32
    %c0_i32_0 = arith.constant 0 : i32
    return %arg0, %c0_i32 : i32, i32
  }
  func.func @transform_4(%arg0: i32) -> (i32, i32) {
    %c0_i32 = arith.constant 0 : i32
    %c0_i32_0 = arith.constant 0 : i32
    %c0_i32_1 = arith.constant 0 : i32
    return %c0_i32, %c0_i32_0 : i32, i32
  }
  func.func @transform_5(%arg0: i32) -> (i32, i32) {
    %c0_i32 = arith.constant 0 : i32
    %c0_i32_0 = arith.constant 0 : i32
    return %arg0, %c0_i32 : i32, i32
  }
  func.func @transform_6(%arg0: i32) -> (i32, i32) {
    %c0_i32 = arith.constant 0 : i32
    %c0_i32_0 = arith.constant 0 : i32
    %c0_i32_1 = arith.constant 0 : i32
    return %c0_i32, %c0_i32_0 : i32, i32
  }
}

module attributes {stable_mosaic.version = 14 : i64} {
  func.func @body(%arg0: i32, %arg1: memref<1000x128xf32, #tpu.memory_space<vmem>>, %arg2: memref<1000x128xf32, #tpu.memory_space<vmem>>, %arg3: memref<1000x128xf32, #tpu.memory_space<vmem>>, %arg4: memref<1000x1xf32, #tpu.memory_space<vmem>>, %arg5: memref<1x128xf32, #tpu.memory_space<vmem>>, %arg6: memref<1000x128xf32, #tpu.memory_space<vmem>>) attributes {dimension_semantics = [#tpu.dimension_semantics<arbitrary>], iteration_bounds = array<i64: 10>, scalar_prefetch = 0 : i64, scratch_operands = 0 : i64, tpu.core_type = #tpu.core_type<tc>, window_params = [{transform_indices = @transform_0, window_bounds = array<i64: 1000, 128>}, {transform_indices = @transform_1, window_bounds = array<i64: 1000, 128>}, {transform_indices = @transform_2, window_bounds = array<i64: 1000, 128>}, {transform_indices = @transform_3, window_bounds = array<i64: 1000, 1>}, {pipeline_mode = #tpu.pipeline_mode<synchronous>, transform_indices = @transform_4, window_bounds = array<i64: 1, 128>}, {transform_indices = @transform_5, window_bounds = array<i64: 1000, 128>}]} {
    %get3A = arith.constant 0 : index
    %get3A_0 = arith.constant 0 : index
    %get3A_1 = vector.load %arg1[%get3A, %get3A_0] : memref<1000x128xf32, #tpu.memory_space<vmem>>, vector<1000x128xf32>
    %get3A_2 = arith.constant 0 : index
    %get3A_3 = arith.constant 0 : index
    %get3A_4 = vector.load %arg2[%get3A_2, %get3A_3] : memref<1000x128xf32, #tpu.memory_space<vmem>>, vector<1000x128xf32>
    %add3A = arith.addf %get3A_1, %get3A_4 : vector<1000x128xf32>
    %get3A_5 = arith.constant 0 : index
    %get3A_6 = arith.constant 0 : index
    %get3A_7 = vector.load %arg3[%get3A_5, %get3A_6] : memref<1000x128xf32, #tpu.memory_space<vmem>>, vector<1000x128xf32>
    %add3A_8 = arith.addf %add3A, %get3A_7 : vector<1000x128xf32>
    %get3A_9 = arith.constant 0 : index
    %get3A_10 = arith.constant 0 : index
    %get3A_11 = vector.load %arg4[%get3A_9, %get3A_10] : memref<1000x1xf32, #tpu.memory_space<vmem>>, vector<1000x1xf32>
    %mul3A = vector.broadcast %get3A_11 : vector<1000x1xf32> to vector<1000x128xf32>
    %mul3A_12 = arith.mulf %add3A_8, %mul3A : vector<1000x128xf32>
    %get3A_13 = arith.constant 0 : index
    %get3A_14 = arith.constant 0 : index
    %get3A_15 = vector.load %arg5[%get3A_13, %get3A_14] : memref<1x128xf32, #tpu.memory_space<vmem>>, vector<1x128xf32>
    %add3A_16 = vector.broadcast %get3A_15 : vector<1x128xf32> to vector<1000x128xf32>
    %add3A_17 = arith.addf %mul3A_12, %add3A_16 : vector<1000x128xf32>
    %reduce_max3A = arith.constant dense<0xFF800000> : vector<1000xf32>
    %reduce_max3A_18 = vector.multi_reduction <maximumf>, %add3A_17, %reduce_max3A [1] : vector<1000x128xf32> to vector<1000xf32>
    %broadcast_in_dim3A = vector.shape_cast %reduce_max3A_18 : vector<1000xf32> to vector<1000x1xf32>
    %sub3A = vector.broadcast %broadcast_in_dim3A : vector<1000x1xf32> to vector<1000x128xf32>
    %sub3A_19 = arith.subf %add3A_17, %sub3A : vector<1000x128xf32>
    %exp3A = math.exp %sub3A_19 : vector<1000x128xf32>
    %reduce_sum3A = arith.constant dense<0.000000e+00> : vector<1000xf32>
    %reduce_sum3A_20 = vector.multi_reduction <add>, %exp3A, %reduce_sum3A [1] : vector<1000x128xf32> to vector<1000xf32>
    %broadcast_in_dim3A_21 = vector.shape_cast %reduce_sum3A_20 : vector<1000xf32> to vector<1000x1xf32>
    %log3A = math.log %broadcast_in_dim3A_21 : vector<1000x1xf32>
    %sub3A_22 = vector.broadcast %broadcast_in_dim3A : vector<1000x1xf32> to vector<1000x128xf32>
    %sub3A_23 = arith.subf %add3A_17, %sub3A_22 : vector<1000x128xf32>
    %sub3A_24 = vector.broadcast %log3A : vector<1000x1xf32> to vector<1000x128xf32>
    %sub3A_25 = arith.subf %sub3A_23, %sub3A_24 : vector<1000x128xf32>
    %swap3A = arith.constant 0 : index
    %swap3A_26 = arith.constant 0 : index
    %swap3A_27 = vector.load %arg6[%swap3A, %swap3A_26] : memref<1000x128xf32, #tpu.memory_space<vmem>>, vector<1000x128xf32>
    tpu.vector_store %arg6[%swap3A, %swap3A_26], %sub3A_25 {strides = array<i32>} : memref<1000x128xf32, #tpu.memory_space<vmem>>, vector<1000x128xf32>,
    return
  }
  func.func @transform_0(%arg0: i32) -> (i32, i32) {
    %c0_i32 = arith.constant 0 : i32
    %c0_i32_0 = arith.constant 0 : i32
    return %arg0, %c0_i32 : i32, i32
  }
  func.func @transform_1(%arg0: i32) -> (i32, i32) {
    %add3A = arith.constant 10 : i32
    %add3A_0 = arith.addi %arg0, %add3A : i32
    %c0_i32 = arith.constant 0 : i32
    %c0_i32_1 = arith.constant 0 : i32
    return %add3A_0, %c0_i32 : i32, i32
  }
  func.func @transform_2(%arg0: i32) -> (i32, i32) {
    %c0_i32 = arith.constant 0 : i32
    %c0_i32_0 = arith.constant 0 : i32
    return %arg0, %c0_i32 : i32, i32
  }
  func.func @transform_3(%arg0: i32) -> (i32, i32) {
    %c0_i32 = arith.constant 0 : i32
    %c0_i32_0 = arith.constant 0 : i32
    return %arg0, %c0_i32 : i32, i32
  }
  func.func @transform_4(%arg0: i32) -> (i32, i32) {
    %c0_i32 = arith.constant 0 : i32
    %c0_i32_0 = arith.constant 0 : i32
    %c0_i32_1 = arith.constant 0 : i32
    return %c0_i32, %c0_i32_0 : i32, i32
  }
  func.func @transform_5(%arg0: i32) -> (i32, i32) {
    %c0_i32 = arith.constant 0 : i32
    %c0_i32_0 = arith.constant 0 : i32
    return %arg0, %c0_i32 : i32, i32
  }
}

</mosaic_0001>

<sc_bundles>
// kernel: kernel.12.cloned.1.call-start
scs
__scs_entry_jumppad:
0x0: {  	(pc) =	sbr.rel $0x88, $3  }
0x1: {  	(tag) =	ssettag $0x0;
	lr =	simm.s32 $0x1  }
0x2: {  	[smem:$0x3F99] =	sst lr;
	_ =	strace $0xD0000000  }
0x3: {  	_ = 	snop  }
0x4: {  	_ = 	snop  }
0x5: {  	_ = 	snop  }
0x6: {  	_ = 	snop  }
0x7: {  	_ = 	snop  }
__scs_overlays_trampoline_lowered:
0x8: {  	[smem:$0x3FA8] =	sst s0  }
0x9: {  	[smem:$0x3FA9] =	sst s1  }
0xa: {  	[smem:$0x3FAA] =	sst s2  }
0xb: {  	[smem:$0x3FAB] =	sst s3  }
0xc: {  	[smem:$0x3FAC] =	sst s4  }
0xd: {  	[smem:$0x3FAD] =	sst s5  }
0xe: {  	[smem:$0x3FAE] =	sst s6  }
0xf: {  	[smem:$0x3FAF] =	sst s7  }
0x10: {  	[smem:$0x3FB0] =	sst s8  }
0x11: {  	[smem:$0x3FB1] =	sst s9;
	s0 =	simm.s32 @!p0 $0x0  }
0x12: {  	s1 =	sld [smem:$0x3F97];
	s0 =	simm.s32 @p0 $0x1  }
0x13: {  	[smem:$0x3FB2] =	sst s0;
	s0 =	simm.s32 @!p1 $0x0  }
0x14: {  	s2 =	sld [smem:$0x3F96];
	s0 =	simm.s32 @p1 $0x1  }
0x15: {  	[smem:$0x3FB3] =	sst s0;
	s0 =	simm.s32 @!p2 $0x0  }
0x16: {  	s3 =	sld [smem:$0x3FDB];
	s0 =	simm.s32 @p2 $0x1  }
0x17: {  	s4 =	simm.s32 $0x1BF5;
	[smem:$0x3FB5] =	sst s0  }
0x18: {  	s0 =	sld [smem:$0x3F98];
	_ =	swait.ge [sflag:s4], $0x0  }
0x19: {  	s7 =	sld [smem:$0x3F99]  }
0x1a: {  	s8 =	sadd.s32 $0xFFFFE003, lr  }
0x1b: {  	s9 =	sadd.s32 $0xFFFFFEF7, lr;
	s5 =	simm.s32 $0xFFFFFFFF;
	p2 =	slt.u32 s8, $0xFFFFF086  }
0x1c: {  	p1 =	slt.u32 s9, $0xF7A;
	s5 =	simm.s32 @!p2 $0x0  }
0x1d: {  	s5 =	simm.s32 @p1 $0x1;
	p0 =	seq.s32 s7, s2  }
0x1e: {  	s7 =	smul.u32 @!p0 $0xF7A, s2;
	p2 =	seq.s32 @!p0 s5, $0x0  }
0x1f: {  	s9 =	smul.u32 $0xF7A, s1;
	s8 =	simm.s32 @!p0 $0x1BF5;
	p2 =	por !p2, p0  }
0x20: {  	[sflag:s8] =	ssyncset.s32 @!p0 $0xFFFFF086;
	s6 =	sadd.s32 @!p0 s3, s7;
	s7 =	simm.s32 @!p0 $0x108  }
0x21: {  	s3 =	sadd.s32 s3, s9;
	s6 =	sadd.s32 @!p0 $0x88, s6;
	s7 =	simm.s32 @p2 $0x1082  }
0x22: {  	[simem:s7], [sflag:s8] =	dma.local @!p0 [hbm:s6], $0xF7A  }
0x23: {  	s9 =	sor.u32 $0xD0000000, s2;
	s6 =	simm.s32 $0x108;
	_ =	swait.ge @!p0 [sflag:s8], $0x0  }
0x24: {  	s3 =	sadd.s32 $0x88, s3;
	s6 =	simm.s32 @!p1 $0x1082;
	[sflag:s4] =	ssyncset.s32 $0xFFFFF086  }
0x25: {  	[simem:s6], [sflag:s4] =	dma.local [hbm:s3], $0xF7A  }
0x26: {  	[smem:$0x3F99] =	sst s1;
	(tag) =	ssettag s2;
	_ =	strace s9  }
0x27: {  	s1 =	sld [smem:$0x3FA9]  }
0x28: {  	s2 =	sld [smem:$0x3FAA]  }
0x29: {  	s4 =	sld [smem:$0x3FAC]  }
0x2a: {  	p0 =	seq.s32 s5, $0x0;
	s5 =	sld [smem:$0x3FAD]  }
0x2b: {  	s6 =	sld [smem:$0x3FAE]  }
0x2c: {  	s7 =	sld [smem:$0x3FAF]  }
0x2d: {  	s3 =	simm.s32 $0x108;
	s8 =	sld [smem:$0x3FB0]  }
0x2e: {  	s3 =	simm.s32 @!p0 $0x1082;
	s9 =	sld [smem:$0x3FB1]  }
0x2f: {  	lr =	sadd.s32 s0, s3;
	s0 =	sld [smem:$0x3FA8]  }
0x30: {  	s3 =	sld [smem:$0x3FAB]  }
0x31: {  	[smem:$0x3FB4] =	sst s10  }
0x32: {  	s10 =	sld [smem:$0x3FB2];
	_ =	sdelay $0x3  }
0x33: {  	p0 =	seq.s32 s10, $0x1;
	s10 =	sld [smem:$0x3FB4];
	_ =	sdelay $0x3  }
0x34: {  	[smem:$0x3FB4] =	sst s10  }
0x35: {  	s10 =	sld [smem:$0x3FB3];
	_ =	sdelay $0x3  }
0x36: {  	p1 =	seq.s32 s10, $0x1;
	s10 =	sld [smem:$0x3FB4];
	_ =	sdelay $0x3  }
0x37: {  	[smem:$0x3FB4] =	sst s10  }
0x38: {  	s10 =	sld [smem:$0x3FB5]  }
0x39: {  	_ = 	snop;
	(pc) =	sbr.ind lr, $3  }
0x3a: {  	_ = 	snop  }
0x3b: {  	_ = 	snop  }
0x3c: {  	p2 =	seq.s32 s10, $0x1;
	s10 =	sld [smem:$0x3FB4]  }
0x3d: {  	_ =	shalt  }
0x3e: {  	_ =	shalt  }
0x3f: {  	_ =	shalt  }
0x40: {  	_ =	shalt  }
0x41: {  	_ =	shalt  }
0x42: {  	_ =	shalt  }
0x43: {  	_ =	shalt  }
0x44: {  	_ =	shalt  }
0x45: {  	_ =	shalt  }
0x46: {  	_ =	shalt  }
0x47: {  	_ =	shalt  }
0x48: {  	_ =	shalt  }
0x49: {  	_ =	shalt  }
0x4a: {  	_ =	shalt  }
0x4b: {  	_ =	shalt  }
0x4c: {  	_ =	shalt  }
0x4d: {  	_ =	shalt  }
0x4e: {  	_ =	shalt  }
0x4f: {  	_ =	shalt  }
0x50: {  	_ =	shalt  }
0x51: {  	_ =	shalt  }
0x52: {  	_ =	shalt  }
0x53: {  	_ =	shalt  }
0x54: {  	_ =	shalt  }
0x55: {  	_ =	shalt  }
0x56: {  	_ =	shalt  }
0x57: {  	_ =	shalt  }
0x58: {  	_ =	shalt  }
0x59: {  	_ =	shalt  }
0x5a: {  	_ =	shalt  }
0x5b: {  	_ =	shalt  }
0x5c: {  	_ =	shalt  }
0x5d: {  	_ =	shalt  }
0x5e: {  	_ =	shalt  }
0x5f: {  	_ =	shalt  }
0x60: {  	_ =	shalt  }
0x61: {  	_ =	shalt  }
0x62: {  	_ =	shalt  }
0x63: {  	_ =	shalt  }
0x64: {  	_ =	shalt  }
0x65: {  	_ =	shalt  }
0x66: {  	_ =	shalt  }
0x67: {  	_ =	shalt  }
0x68: {  	_ =	shalt  }
0x69: {  	_ =	shalt  }
0x6a: {  	_ =	shalt  }
0x6b: {  	_ =	shalt  }
0x6c: {  	_ =	shalt  }
0x6d: {  	_ =	shalt  }
0x6e: {  	_ =	shalt  }
0x6f: {  	_ =	shalt  }
0x70: {  	_ =	shalt  }
0x71: {  	_ =	shalt  }
0x72: {  	_ =	shalt  }
0x73: {  	_ =	shalt  }
0x74: {  	_ =	shalt  }
0x75: {  	_ =	shalt  }
0x76: {  	_ =	shalt  }
0x77: {  	_ =	shalt  }
0x78: {  	_ =	shalt  }
0x79: {  	_ =	shalt  }
0x7a: {  	_ =	shalt  }
0x7b: {  	_ =	shalt  }
0x7c: {  	_ =	shalt  }
0x7d: {  	_ =	shalt  }
0x7e: {  	_ =	shalt  }
0x7f: {  	_ =	shalt  }
0x80: {  	_ =	shalt  }
0x81: {  	_ =	shalt  }
0x82: {  	_ =	shalt  }
0x83: {  	_ =	shalt  }
0x84: {  	_ =	shalt  }
0x85: {  	_ =	shalt  }
0x86: {  	_ =	shalt  }
0x87: {  	_ =	shalt  }
.Lfunc_end0:
.L_simem_size_0:
called_computation.1_lowered:
.L_overlay_start_0:
0x88: {  	s2 =	sld [smem:$0x3FD9]  }
0x89: {  	s3 =	sld [smem:$0x3FFE];
	_ =	sdelay $0x1  }
0x8a: {  	s1 =	srdreg.scid  }
0x8b: {  	s0 =	sand.u32 $0x1, s1  }
0x8c: {  	s17 =	sshll.u32 s0, $0xA;
	s2 =	sadd.s32 s3, s2  }
0x8d: {  	s2 =	sadd.s32 s2, s17  }
0x8e: {  	[smem:$0x3FC0] =	sst s2  }
0x8f: {  	_ = 	snop  }
0x90: {  	s2 =	sld [smem:$0x3FD0];
	(tm) =	ssettm $0x1  }
0x91: {  	s18 =	sld [smem:$0x3FFB];
	_ =	sdelay $0x3  }
0x92: {  	_ =	strace s18  }
0x93: {  	s3 =	sld [smem:$0x3FFC];
	_ =	sdelay $0x3  }
0x94: {  	_ =	strace s3  }
0x95: {  	s3 =	sld [smem:$0x3FFD];
	_ =	sdelay $0x3  }
0x96: {  	_ =	strace s3  }
0x97: {  	_ =	strace $0x8FFFFFFF  }
0x98: {  	s19 =	sld [smem:$0x3FDB];
	_ =	sdelay $0x1  }
0x99: {  	s4 =	simm.s32 $_scs_section_size  }
0x9a: {  	s5 =	simm.s32 $_size__tile_overlayer_lowered;
	s6 =	simm.s32 $_tile_overlayer_lowered  }
0x9b: {  	s22 =	simm.s32 $0x1BFF;
	s21 =	sshll.u32 s6, $0x1;
	s3 =	sadd.s32 s4, s19  }
0x9c: {  	s7 =	simm.s32 $0x0;
	s20 =	sshll.u32 s5, $0x1;
	s5 =	sadd.s32 s21, s3  }
0x9d: {  	[timem:s7], [sflag:s22] =	dma.local [hbm:s5], s20  }
0x9e: {  	_ =	swait.ge [sflag:s22], s20  }
0x9f: {  	s4 =	ssub.s32 $0x0, s20;
	[sflag:s22] =	ssyncset.done $0x0  }
0xa0: {  	[sflag:s22] =	ssyncadd.s32 s4;
	_ =	sdelay $0x1  }
0xa1: {  	s23 =	simm.s32 $0x1B8B  }
0xa2: {  	_ =	swait.ge [sflag:s23], $0x1  }
0xa3: {  	[sflag:s23] =	ssyncset.done $0x0  }
0xa4: {  	s25 =	simm.s32 $0x1B8E;
	s24 =	sld [smem:$0x3FFE];
	[sflag:s23] =	ssyncadd.s32 $0xFFFFFFFF  }
0xa5: {  	s26 =	simm.s32 $execute0_lowered;
	[smem:$0x3FD2] =	sst s25  }
0xa6: {  	s5 =	sshll.u32 s26, $0x1;
	_ =	strace $0x80000049;
	[dreg:$0x1] =	wrdreg $0xFFFFFFFF  }
0xa7: {  	s28 =	simm.s32 $_size_execute0_lowered;
	s3 =	sadd.s32 s3, s5;
	[dreg:$0x0] =	wrdreg $0x0  }
0xa8: {  	s5 =	sshll.u32 s28, $0x1;
	[dreg:$0x2] =	wrdreg s3  }
0xa9: {  	[dreg:$0x3] =	wrdreg s5  }
0xaa: {  	[dreg:$0x4] =	wrdreg $0xC0  }
0xab: {  	_ =	task [dreg:s7], $0x5FFFF  }
0xac: {  	[dreg:$0x1] =	wrdreg $0xFFFFFFFF  }
0xad: {  	[dreg:$0x0] =	wrdreg $0x60  }
0xae: {  	[dreg:$0x2] =	wrdreg s2  }
0xaf: {  	[dreg:$0x3] =	wrdreg s24  }
0xb0: {  	[dreg:$0x4] =	wrdreg $0x0  }
0xb1: {  	[dreg:$0x5] =	wrdreg $0x9  }
0xb2: {  	_ =	task.clear_ibuf [dreg:s7], $0x6FFFF;
	_ =	strace $0x90000049  }
0xb3: {  	s29 =	simm.s32 $0x9;
	_ =	strace $0x8000004B  }
0xb4: {  	_ =	swait.ge [sflag:s29], $0x1  }
0xb5: {  	[sflag:s29] =	ssyncadd.s32 $0xFFFFFFFF  }
0xb6: {  	_ =	strace $0x9000004B  }
0xb7: {  	_ =	sfence  }
0xb8: {  	s30 =	sld [smem:$0x0];
	_ =	sdelay $0x2  }
0xb9: {  	s31 =	sshll.u32 s1, $0xD;
	s1 =	sshrl.u32 s1, $0x2  }
0xba: {  	s3 =	sand.u32 $0x4000, s31;
	s1 =	sadd.s32 s1, s30  }
0xbb: {  	s0 =	sor.u32 s3, s0;
	s1 =	sshll.u32 s1, $0x11  }
0xbc: {  	s0 =	sor.u32 s1, s0  }
0xbd: {  	s0 =	sadd.s32 $0x8F2B, s0  }
0xbe: {  	[sflag:s0] =	ssyncadd.remote.s32 $0x1  }
0xbf: {  	_ =	sfence.sel $0xFFFF  }
0xc0: {  	[dreg:$0x0] =	wrdreg $0xFFFFFFFF;
	(pc) =	sbr.abs _section_cstart, $3  }
0xc1: {  	[dreg:$0x1] =	wrdreg $0xFFFFFFFF  }
0xc2: {  	_ =	task.clear_ibuf [dreg:s7], $0x2FFFF;
	_ =	strace $0x9FFFFFFF  }
0xc3: {  	(tm) =	ssettm $0x7FFFFFFF  }
tec
execute0_lowered:
.L_overlay_start_1:
0x0: {  	(tag) =	ssettag $0x1  }
0x1: {  	s1 =	rddreg [dreg:$0x0]  }
0x2: {  	s0 =	rddreg [dreg:$0x1]  }
0x3: {  	s2 =	rddreg [dreg:$0x2];
	s4 =	simm.s32 $0x0  }
0x4: {  	s3 =	srdreg.scid;
	s14 =	stileid.u32;
	s28 =	simm.s32 $0x13A80  }
0x5: {  	s29 =	simm.s32 $0x13900;
	s30 =	simm.s32 $0x13B00;
	s31 =	simm.s32 $0x1  }
0x6: {  	[smem:$0x7FF] =	sst s4;
	s6 =	sadd.s32 $0x2600, s0;
	s5 =	smul.u32 $0x4E000, s14  }
0x7: {  	s3 =	sand.u32 $0x1, s3;
	s7 =	sadd.s32 $0xC400, s0;
	s13 =	smul.u32 $0x2710, s14  }
0x8: {  	s0 =	sadd.s32 $0x16200, s0;
	s11 =	smul.u32 $0x2700, s14;
	p0 =	sne.s32 s14, $0xF  }
0x9: {  	_ =	strace $0x8000004A;
	s8 =	ssub.s32 $0x2, s3;
	s5 =	sshrl.u32 s5, $0x2  }
0xa: {  	s10 =	smul.u32 $0x27100, s3;
	s9 =	sshrl.u32 s8, $0x1;
	s20 =	sadd.s32 s5, s2  }
0xb: {  	s8 =	ssub.s32 s8, s9;
	s12 =	sadd.s32 $0x1800, s20;
	[dreg:$0x19] =	wrdreg s20  }
0xc: {  	s9 =	sadd.s32 s13, s10;
	s15 =	sadd.s32 $0x3000, s20;
	[dreg:$0xc] =	wrdreg s12  }
0xd: {  	s10 =	sadd.s32 s11, s10;
	s16 =	sadd.s32 $0x4800, s20;
	[dreg:$0xd] =	wrdreg s15  }
0xe: {  	s5 =	sshll.u32 s3, $0x4;
	s17 =	sadd.s32 $0x6000, s20;
	[dreg:$0xe] =	wrdreg s16  }
0xf: {  	s3 =	smul.u32 $0x138800, s3;
	s18 =	sadd.s32 $0x7800, s20;
	[dreg:$0xf] =	wrdreg s17  }
0x10: {  	s19 =	sadd.s32 $0x9000, s20;
	s21 =	sshrl.u32 s9, $0x3;
	[dreg:$0x10] =	wrdreg s18  }
0x11: {  	s13 =	sadd.s32 $0xA800, s20;
	s22 =	sadd.s32 $0xC000, s20;
	[dreg:$0x11] =	wrdreg s19  }
0x12: {  	s24 =	sadd.s32 $0xC0, s9;
	s25 =	sadd.s32 $0xF000, s20;
	[dreg:$0x12] =	wrdreg s13  }
0x13: {  	s10 =	sadd.s32 s0, s10;
	[dreg:$0x13] =	wrdreg s22;
	s23 =	sadd.s32 s21, s7  }
0x14: {  	s15 =	sadd.s32 $0xD800, s20;
	[dreg:$0x15] =	wrdreg s25;
	s12 =	sadd.s32 s21, s6  }
0x15: {  	s13 =	sshrl.u32 s24, $0x3;
	s17 =	sadd.s32 $0x10800, s20;
	[dreg:$0x17] =	wrdreg s10  }
0x16: {  	s3 =	sshrl.u32 s3, $0x3;
	s21 =	sadd.s32 $0x12000, s20;
	[dreg:$0x14] =	wrdreg s15  }
0x17: {  	s25 =	smax.u32 s8, $0x1;
	s8 =	simm.s32 $0x3;
	[dreg:$0x4] =	wrdreg s23  }
0x18: {  	s10 =	simm.s32 $0x13B80;
	[dreg:$0x5] =	wrdreg s12;
	s26 =	sadd.s32 s13, s7  }
0x19: {  	s15 =	sadd.s32 $0x80, s9;
	s12 =	sor.u32 s14, s5;
	[dreg:$0x16] =	wrdreg s17  }
0x1a: {  	s13 =	sadd.s32 s13, s6;
	s9 =	sadd.s32 $0x40, s9;
	[dreg:$0x18] =	wrdreg s21  }
0x1b: {  	s0 =	sadd.s32 s0, s3;
	[dreg:$0x1d] =	wrdreg s25;
	s25 =	simm.s32 $0xA  }
0x1c: {  	s3 =	simm.s32 $0x13D80;
	s14 =	simm.s32 $0x19D80;
	[dreg:$0x6] =	wrdreg s26  }
0x1d: {  	s11 =	sshrl.u32 s15, $0x3;
	s12 =	smul.u32 $0x2710, s12;
	[dreg:$0x7] =	wrdreg s13  }
0x1e: {  	s9 =	sshrl.u32 s9, $0x3;
	s0 =	sadd.s32 $0x27000, s0;
	s13 =	simm.s32 $0x17D80  }
0x1f: {  	s15 =	simm.s32 $0x4;
	s16 =	sadd.s32 s11, s7;
	[dreg:$0x1c] =	wrdreg s0  }
0x20: {  	s18 =	sadd.s32 s11, s6;
	s19 =	sadd.s32 s9, s7;
	[dreg:$0x8] =	wrdreg s16  }
0x21: {  	s26 =	sadd.s32 s9, s6;
	s0 =	simm.s32 $0x40;
	[dreg:$0x9] =	wrdreg s18  }
0x22: {  	s9 =	simm.s32 $0x13980;
	s11 =	simm.s32 $0x13A00;
	[dreg:$0xa] =	wrdreg s19  }
0x23: {  	s12 =	sshrl.u32 s12, $0x3;
	s19 =	sadd.s32 $0x138000, s2;
	[dreg:$0xb] =	wrdreg s26  }
0x24: {  	s26 =	simm.s32 $0x13880;
	s16 =	simm.s32 $0x5;
	s22 =	sadd.s32 $0x4E0, s12  }
0x25: {  	s12 =	simm.s32 $0x13C00;
	s23 =	sadd.s32 s7, s22;
	s24 =	sadd.s32 s6, s22  }
0x26: {  	s6 =	simm.s32 $0x15D80;
	s7 =	simm.s32 $0x2;
	[dreg:$0x1a] =	wrdreg s23  }
0x27: {  	v0 =	vimm.f32 $0.0e+00;
	[dreg:$0x1b] =	wrdreg s24;
	s24 =	simm.s32 $0x1BD80;
	s23 =	simm.s32 $0x0  }
.LBB2_1:
0x28: {  	s17 =	simm.s32 $0x70;
	s18 =	simm.s32 $0x3C0  }
.LBB2_2:
0x29: {  	p1 =	sne.s32 s18, $0x5FC0;
	[tilespmem:s17+$0x1BD80] =	vst v0  }
0x2a: {  	[tilespmem:s17+$0x1BD10] =	vst v0  }
0x2b: {  	[tilespmem:s17+$0x1BD20] =	vst v0  }
.Ltmp0:
0x2c: {  	[tilespmem:s17+$0x1BD30] =	vst v0;
	(pc) =	sbr.rel @p1 .LBB2_2-.Ltmp0, $4  }
0x2d: {  	[tilespmem:s17+$0x1BD40] =	vst v0  }
0x2e: {  	[tilespmem:s17+$0x1BD50] =	vst v0  }
0x2f: {  	[tilespmem:s17+$0x1BD60] =	vst v0  }
0x30: {  	[tilespmem:s17+$0x1BD70] =	vst v0;
	s17 =	sshra.s32 s18, $0x2;
	s18 =	sadd.s32 $0x200, s18  }
0x31: {  	[tilespmem:s17+$0x1BD80] =	vst v0  }
0x32: {  	[tilespmem:s17+$0x1BD10] =	vst v0  }
0x33: {  	[tilespmem:s17+$0x1BD20] =	vst v0  }
0x34: {  	[tilespmem:s17+$0x1BD30] =	vst v0  }
0x35: {  	[tilespmem:s17+$0x1BD40] =	vst v0  }
0x36: {  	[tilespmem:s17+$0x1BD50] =	vst v0  }
0x37: {  	[tilespmem:s17+$0x1BD60] =	vst v0  }
0x38: {  	[tilespmem:s17+$0x1BD70] =	vst v0  }
0x39: {  	[spmem:s20] =	stream.linear.scatter [tilespmem:s24], [sflag:$0xA], $0x1800, $0x38;
	[tilespmem:$0x1D580] =	vst v63  }
0x3a: {  	_ =	swait.ge [sflag:s25], $0x1800  }
0x3b: {  	[sflag:s25] =	ssyncset.done $0x0  }
0x3c: {  	s22 =	rddreg [dreg:$0xc];
	[sflag:s25] =	ssyncadd.s32 $0xFFFFE800  }
0x3d: {  	[spmem:s22] =	stream.linear.scatter [tilespmem:s24], [sflag:$0xA], $0x1800, $0x38;
	[tilespmem:$0x1D580] =	vst v63  }
0x3e: {  	_ =	swait.ge [sflag:s25], $0x1800  }
0x3f: {  	[sflag:s25] =	ssyncset.done $0x0  }
0x40: {  	s5 =	rddreg [dreg:$0xd];
	[sflag:s25] =	ssyncadd.s32 $0xFFFFE800  }
0x41: {  	[spmem:s5] =	stream.linear.scatter [tilespmem:s24], [sflag:$0xA], $0x1800, $0x38;
	[tilespmem:$0x1D580] =	vst v63  }
0x42: {  	_ =	swait.ge [sflag:s25], $0x1800  }
0x43: {  	[sflag:s25] =	ssyncset.done $0x0  }
0x44: {  	s18 =	rddreg [dreg:$0xe];
	[sflag:s25] =	ssyncadd.s32 $0xFFFFE800  }
0x45: {  	[spmem:s18] =	stream.linear.scatter [tilespmem:s24], [sflag:$0xA], $0x1800, $0x38;
	[tilespmem:$0x1D580] =	vst v63  }
0x46: {  	_ =	swait.ge [sflag:s25], $0x1800  }
0x47: {  	[sflag:s25] =	ssyncset.done $0x0  }
0x48: {  	s20 =	rddreg [dreg:$0xf];
	[sflag:s25] =	ssyncadd.s32 $0xFFFFE800  }
0x49: {  	[spmem:s20] =	stream.linear.scatter [tilespmem:s24], [sflag:$0xA], $0x1800, $0x38;
	[tilespmem:$0x1D580] =	vst v63  }
0x4a: {  	_ =	swait.ge [sflag:s25], $0x1800  }
0x4b: {  	[sflag:s25] =	ssyncset.done $0x0  }
0x4c: {  	s21 =	rddreg [dreg:$0x10];
	[sflag:s25] =	ssyncadd.s32 $0xFFFFE800  }
0x4d: {  	[spmem:s21] =	stream.linear.scatter [tilespmem:s24], [sflag:$0xA], $0x1800, $0x38;
	[tilespmem:$0x1D580] =	vst v63  }
0x4e: {  	_ =	swait.ge [sflag:s25], $0x1800  }
0x4f: {  	[sflag:s25] =	ssyncset.done $0x0  }
0x50: {  	s22 =	rddreg [dreg:$0x11];
	[sflag:s25] =	ssyncadd.s32 $0xFFFFE800  }
0x51: {  	[spmem:s22] =	stream.linear.scatter [tilespmem:s24], [sflag:$0xA], $0x1800, $0x38;
	[tilespmem:$0x1D580] =	vst v63  }
0x52: {  	_ =	swait.ge [sflag:s25], $0x1800  }
0x53: {  	[sflag:s25] =	ssyncset.done $0x0  }
0x54: {  	s5 =	rddreg [dreg:$0x12];
	[sflag:s25] =	ssyncadd.s32 $0xFFFFE800  }
0x55: {  	[spmem:s5] =	stream.linear.scatter [tilespmem:s24], [sflag:$0xA], $0x1800, $0x38;
	[tilespmem:$0x1D580] =	vst v63  }
0x56: {  	_ =	swait.ge [sflag:s25], $0x1800  }
0x57: {  	[sflag:s25] =	ssyncset.done $0x0  }
0x58: {  	s18 =	rddreg [dreg:$0x13];
	[sflag:s25] =	ssyncadd.s32 $0xFFFFE800  }
0x59: {  	[spmem:s18] =	stream.linear.scatter [tilespmem:s24], [sflag:$0xA], $0x1800, $0x38;
	[tilespmem:$0x1D580] =	vst v63  }
0x5a: {  	_ =	swait.ge [sflag:s25], $0x1800  }
0x5b: {  	[sflag:s25] =	ssyncset.done $0x0  }
0x5c: {  	s20 =	rddreg [dreg:$0x14];
	[sflag:s25] =	ssyncadd.s32 $0xFFFFE800  }
0x5d: {  	[spmem:s20] =	stream.linear.scatter [tilespmem:s24], [sflag:$0xA], $0x1800, $0x38;
	[tilespmem:$0x1D580] =	vst v63  }
0x5e: {  	_ =	swait.ge [sflag:s25], $0x1800  }
0x5f: {  	[sflag:s25] =	ssyncset.done $0x0  }
0x60: {  	s21 =	rddreg [dreg:$0x15];
	[sflag:s25] =	ssyncadd.s32 $0xFFFFE800  }
0x61: {  	[spmem:s21] =	stream.linear.scatter [tilespmem:s24], [sflag:$0xA], $0x1800, $0x38;
	[tilespmem:$0x1D580] =	vst v63  }
0x62: {  	_ =	swait.ge [sflag:s25], $0x1800  }
0x63: {  	[sflag:s25] =	ssyncset.done $0x0  }
0x64: {  	s22 =	rddreg [dreg:$0x16];
	[sflag:s25] =	ssyncadd.s32 $0xFFFFE800  }
0x65: {  	[spmem:s22] =	stream.linear.scatter [tilespmem:s24], [sflag:$0xA], $0x1800, $0x38;
	[tilespmem:$0x1D580] =	vst v63  }
0x66: {  	_ =	swait.ge [sflag:s25], $0x1800  }
0x67: {  	[sflag:s25] =	ssyncset.done $0x0  }
0x68: {  	s5 =	rddreg [dreg:$0x18];
	[sflag:s25] =	ssyncadd.s32 $0xFFFFE800  }
0x69: {  	[spmem:s5] =	stream.linear.scatter [tilespmem:s24], [sflag:$0xA], $0x1800, $0x38;
	[tilespmem:$0x1D580] =	vst v63  }
0x6a: {  	_ =	swait.ge [sflag:s25], $0x1800  }
0x6b: {  	[sflag:s25] =	ssyncset.done $0x0  }
0x6c: {  	s17 =	simm.s32 @!p0 $0x1BD80;
	[sflag:s25] =	ssyncadd.s32 $0xFFFFE800  }
0x6d: {  	[spmem:s19] =	stream.linear.scatter @!p0 [tilespmem:s17], [sflag:$0xA], $0x800, $0x38;
	[tilespmem:$0x1D580] =	vst v63  }
0x6e: {  	s17 =	simm.s32 @!p0 $0xA  }
0x6f: {  	_ =	swait.ge @!p0 [sflag:s17], $0x800  }
0x70: {  	[sflag:s17] =	ssyncset.done @!p0 $0x0  }
0x71: {  	p1 =	por $0x1, $0x1;
	[sflag:s17] =	ssyncadd.s32 @!p0 $0xFFFFF800  }
0x72: {  	s17 =	simm.s32 @!p1 $0x6;
	[bflag:$0x0] =	sbarrier.arrive $0xFFFF  }
0x73: {  	_ =	swait.ge @!p1 [sflag:s17], $0x2000  }
0x74: {  	[sflag:s17] =	ssyncset.done @!p1 $0x0  }
0x75: {  	[sflag:s17] =	ssyncadd.s32 @!p1 $0xFFFFE000;
	s17 =	simm.s32 @!p1 $0x7  }
0x76: {  	_ =	swait.ge @!p1 [sflag:s17], $0x2000  }
0x77: {  	s18 =	rddreg [dreg:$0x5];
	[sflag:s17] =	ssyncset.done @!p1 $0x0  }
0x78: {  	s22 =	rddreg [dreg:$0x4];
	[sflag:s17] =	ssyncadd.s32 @!p1 $0xFFFFE000;
	s18 =	sadd.s32 $0x0, s18  }
0x79: {  	[tilespmem:s26], [sflag:$0x1] =	stream.linear.gather [hbm4b:s18+s4], $0x40, $0x38;
	[tilespmem:$0x1D580] =	vst v63  }
0x7a: {  	s5 =	smov.u32 s19;
	s19 =	rddreg [dreg:$0xb];
	s20 =	sadd.s32 $0x0, s22  }
0x7b: {  	[tilespmem:s28], [sflag:$0x1] =	stream.linear.gather [hbm4b:s20+s4], $0x40, $0x38;
	[tilespmem:$0x1D580] =	vst v63  }
0x7c: {  	s21 =	rddreg [dreg:$0xa];
	s18 =	sadd.s32 $0x0, s19  }
0x7d: {  	[tilespmem:s29], [sflag:$0x1] =	stream.linear.gather [hbm4b:s18+s4], $0x40, $0x38;
	[tilespmem:$0x1D580] =	vst v63  }
0x7e: {  	s19 =	sadd.s32 $0x0, s21  }
0x7f: {  	[tilespmem:s30], [sflag:$0x1] =	stream.linear.gather [hbm4b:s19+s4], $0x40, $0x38;
	[tilespmem:$0x1D580] =	vst v63  }
0x80: {  	_ =	swait.ge [sflag:s31], $0x40  }
0x81: {  	[sflag:s31] =	ssyncset.done $0x0  }
0x82: {  	[sflag:s31] =	ssyncadd.s32 $0xFFFFFFC0  }
0x83: {  	_ =	swait.ge [sflag:s31], $0x40  }
0x84: {  	[sflag:s31] =	ssyncset.done $0x0  }
0x85: {  	[sflag:s31] =	ssyncadd.s32 $0xFFFFFFC0  }
0x86: {  	_ =	swait.ge [sflag:s31], $0x40  }
0x87: {  	[sflag:s31] =	ssyncset.done $0x0  }
0x88: {  	[sflag:s31] =	ssyncadd.s32 $0xFFFFFFC0  }
0x89: {  	_ =	swait.ge [sflag:s31], $0x40  }
0x8a: {  	[sflag:s31] =	ssyncset.done $0x0  }
0x8b: {  	[sflag:s31] =	ssyncadd.s32 $0xFFFFFFC0  }
0x8c: {  	[tilespmem:s3], [sflag:$0x2] =	stream.indirect.gather [hbm4b:s1+s0], $0x80, s26, s0, $0xb8;
	[tilespmem:$0x1D580] =	vst v63  }
0x8d: {  	_ = 	snop  }
0x8e: {  	[tilespmem:s6], [sflag:$0x3] =	stream.indirect.gather [hbm4b:s1+s0], $0x80, s29, s0, $0xb8;
	[tilespmem:$0x1D580] =	vst v63  }
0x8f: {  	_ =	swait.ge [sflag:s7], $0x2000  }
0x90: {  	[sflag:s7] =	ssyncset.done $0x0  }
0x91: {  	[sflag:s7] =	ssyncadd.s32 $0xFFFFE000  }
0x92: {  	[spmem:s2] =	stream.indirect.scatter.add.f32 [tilespmem:s3], [sflag:$0x6], $0x80, s28, s0, $0xb8;
	[tilespmem:$0x1D580] =	vst v63  }
0x93: {  	_ =	swait.ge [sflag:s8], $0x2000  }
0x94: {  	[sflag:s8] =	ssyncset.done $0x0  }
0x95: {  	s17 =	simm.s32 @!p1 $0x8;
	[sflag:s8] =	ssyncadd.s32 $0xFFFFE000  }
0x96: {  	[spmem:s2] =	stream.indirect.scatter.add.f32 [tilespmem:s6], [sflag:$0x7], $0x80, s30, s0, $0xb8;
	[tilespmem:$0x1D580] =	vst v63  }
0x97: {  	_ =	swait.ge @!p1 [sflag:s17], $0x2000  }
0x98: {  	[sflag:s17] =	ssyncset.done @!p1 $0x0  }
0x99: {  	[sflag:s17] =	ssyncadd.s32 @!p1 $0xFFFFE000;
	s17 =	simm.s32 @!p1 $0x9  }
0x9a: {  	_ =	swait.ge @!p1 [sflag:s17], $0x2000  }
0x9b: {  	s20 =	rddreg [dreg:$0x9];
	[sflag:s17] =	ssyncset.done @!p1 $0x0  }
0x9c: {  	s21 =	rddreg [dreg:$0x8];
	[sflag:s17] =	ssyncadd.s32 @!p1 $0xFFFFE000;
	s18 =	sadd.s32 $0x0, s20  }
0x9d: {  	[tilespmem:s9], [sflag:$0x1] =	stream.linear.gather [hbm4b:s18+s4], $0x40, $0x38;
	[tilespmem:$0x1D580] =	vst v63  }
0x9e: {  	s19 =	rddreg [dreg:$0x7];
	s20 =	sadd.s32 $0x0, s21  }
0x9f: {  	[tilespmem:s10], [sflag:$0x1] =	stream.linear.gather [hbm4b:s20+s4], $0x40, $0x38;
	[tilespmem:$0x1D580] =	vst v63  }
0xa0: {  	s21 =	rddreg [dreg:$0x6];
	s17 =	sadd.s32 $0x0, s19  }
0xa1: {  	[tilespmem:s11], [sflag:$0x1] =	stream.linear.gather [hbm4b:s17+s4], $0x40, $0x38;
	[tilespmem:$0x1D580] =	vst v63  }
0xa2: {  	s22 =	sadd.s32 $0x0, s21  }
0xa3: {  	[tilespmem:s12], [sflag:$0x1] =	stream.linear.gather [hbm4b:s22+s4], $0x40, $0x38;
	[tilespmem:$0x1D580] =	vst v63  }
0xa4: {  	_ =	swait.ge [sflag:s31], $0x40  }
0xa5: {  	[sflag:s31] =	ssyncset.done $0x0  }
0xa6: {  	[sflag:s31] =	ssyncadd.s32 $0xFFFFFFC0  }
0xa7: {  	_ =	swait.ge [sflag:s31], $0x40  }
0xa8: {  	[sflag:s31] =	ssyncset.done $0x0  }
0xa9: {  	[sflag:s31] =	ssyncadd.s32 $0xFFFFFFC0  }
0xaa: {  	_ =	swait.ge [sflag:s31], $0x40  }
0xab: {  	[sflag:s31] =	ssyncset.done $0x0  }
0xac: {  	[sflag:s31] =	ssyncadd.s32 $0xFFFFFFC0  }
0xad: {  	_ =	swait.ge [sflag:s31], $0x40  }
0xae: {  	[sflag:s31] =	ssyncset.done $0x0  }
0xaf: {  	[sflag:s31] =	ssyncadd.s32 $0xFFFFFFC0  }
0xb0: {  	[tilespmem:s13], [sflag:$0x4] =	stream.indirect.gather [hbm4b:s1+s0], $0x80, s9, s0, $0xb8;
	[tilespmem:$0x1D580] =	vst v63  }
0xb1: {  	_ = 	snop  }
0xb2: {  	[tilespmem:s14], [sflag:$0x5] =	stream.indirect.gather [hbm4b:s1+s0], $0x80, s11, s0, $0xb8;
	[tilespmem:$0x1D580] =	vst v63  }
0xb3: {  	_ =	swait.ge [sflag:s15], $0x2000  }
0xb4: {  	[sflag:s15] =	ssyncset.done $0x0  }
0xb5: {  	[sflag:s15] =	ssyncadd.s32 $0xFFFFE000  }
0xb6: {  	[spmem:s2] =	stream.indirect.scatter.add.f32 [tilespmem:s13], [sflag:$0x8], $0x80, s10, s0, $0xb8;
	[tilespmem:$0x1D580] =	vst v63  }
0xb7: {  	p1 =	por $0x0, $0x0;
	_ =	swait.ge [sflag:s16], $0x2000  }
0xb8: {  	s17 =	simm.s32 $0x40;
	s22 =	simm.s32 $0x20;
	[sflag:s16] =	ssyncset.done $0x0  }
.LBB2_4:
0xb9: {  	s20 =	simm.s32 @!p1 $0x6;
	[sflag:s16] =	ssyncadd.s32 $0xFFFFE000  }
0xba: {  	[spmem:s2] =	stream.indirect.scatter.add.f32 [tilespmem:s14], [sflag:$0x9], $0x80, s12, s0, $0xb8;
	[tilespmem:$0x1D580] =	vst v63  }
0xbb: {  	_ =	swait.ge @!p1 [sflag:s20], $0x2000  }
0xbc: {  	[sflag:s20] =	ssyncset.done @!p1 $0x0  }
0xbd: {  	[sflag:s20] =	ssyncadd.s32 @!p1 $0xFFFFE000;
	s20 =	simm.s32 @!p1 $0x7  }
0xbe: {  	_ =	swait.ge @!p1 [sflag:s20], $0x2000  }
0xbf: {  	s21 =	rddreg [dreg:$0x5];
	[sflag:s20] =	ssyncset.done @!p1 $0x0  }
0xc0: {  	s19 =	rddreg [dreg:$0x4];
	[sflag:s20] =	ssyncadd.s32 @!p1 $0xFFFFE000;
	s20 =	sadd.s32 s22, s21  }
0xc1: {  	[tilespmem:s26], [sflag:$0x1] =	stream.linear.gather [hbm4b:s20+s4], $0x40, $0x38;
	[tilespmem:$0x1D580] =	vst v63  }
0xc2: {  	s21 =	rddreg [dreg:$0xb];
	s19 =	sadd.s32 s22, s19  }
0xc3: {  	[tilespmem:s28], [sflag:$0x1] =	stream.linear.gather [hbm4b:s19+s4], $0x40, $0x38;
	[tilespmem:$0x1D580] =	vst v63  }
0xc4: {  	s20 =	rddreg [dreg:$0xa];
	s21 =	sadd.s32 s22, s21  }
0xc5: {  	[tilespmem:s29], [sflag:$0x1] =	stream.linear.gather [hbm4b:s21+s4], $0x40, $0x38;
	[tilespmem:$0x1D580] =	vst v63  }
0xc6: {  	s21 =	sadd.s32 s22, s20  }
0xc7: {  	[tilespmem:s30], [sflag:$0x1] =	stream.linear.gather [hbm4b:s21+s4], $0x40, $0x38;
	[tilespmem:$0x1D580] =	vst v63  }
0xc8: {  	_ =	swait.ge [sflag:s31], $0x40  }
0xc9: {  	[sflag:s31] =	ssyncset.done $0x0  }
0xca: {  	[sflag:s31] =	ssyncadd.s32 $0xFFFFFFC0  }
0xcb: {  	_ =	swait.ge [sflag:s31], $0x40  }
0xcc: {  	[sflag:s31] =	ssyncset.done $0x0  }
0xcd: {  	[sflag:s31] =	ssyncadd.s32 $0xFFFFFFC0  }
0xce: {  	_ =	swait.ge [sflag:s31], $0x40  }
0xcf: {  	[sflag:s31] =	ssyncset.done $0x0  }
0xd0: {  	[sflag:s31] =	ssyncadd.s32 $0xFFFFFFC0  }
0xd1: {  	_ =	swait.ge [sflag:s31], $0x40  }
0xd2: {  	[sflag:s31] =	ssyncset.done $0x0  }
0xd3: {  	[sflag:s31] =	ssyncadd.s32 $0xFFFFFFC0  }
0xd4: {  	[tilespmem:s3], [sflag:$0x2] =	stream.indirect.gather [hbm4b:s1+s0], $0x80, s26, s0, $0xb8;
	[tilespmem:$0x1D580] =	vst v63  }
0xd5: {  	_ = 	snop  }
0xd6: {  	[tilespmem:s6], [sflag:$0x3] =	stream.indirect.gather [hbm4b:s1+s0], $0x80, s29, s0, $0xb8;
	[tilespmem:$0x1D580] =	vst v63  }
0xd7: {  	_ =	swait.ge [sflag:s7], $0x2000  }
0xd8: {  	[sflag:s7] =	ssyncset.done $0x0  }
0xd9: {  	[sflag:s7] =	ssyncadd.s32 $0xFFFFE000  }
0xda: {  	[spmem:s2] =	stream.indirect.scatter.add.f32 [tilespmem:s3], [sflag:$0x6], $0x80, s28, s0, $0xb8;
	[tilespmem:$0x1D580] =	vst v63  }
0xdb: {  	_ =	swait.ge [sflag:s8], $0x2000  }
0xdc: {  	[sflag:s8] =	ssyncset.done $0x0  }
0xdd: {  	s19 =	simm.s32 @!p1 $0x8;
	[sflag:s8] =	ssyncadd.s32 $0xFFFFE000  }
0xde: {  	[spmem:s2] =	stream.indirect.scatter.add.f32 [tilespmem:s6], [sflag:$0x7], $0x80, s30, s0, $0xb8;
	[tilespmem:$0x1D580] =	vst v63  }
0xdf: {  	_ =	swait.ge @!p1 [sflag:s19], $0x2000  }
0xe0: {  	[sflag:s19] =	ssyncset.done @!p1 $0x0  }
0xe1: {  	[sflag:s19] =	ssyncadd.s32 @!p1 $0xFFFFE000;
	s19 =	simm.s32 @!p1 $0x9  }
0xe2: {  	_ =	swait.ge @!p1 [sflag:s19], $0x2000  }
0xe3: {  	s20 =	rddreg [dreg:$0x9];
	[sflag:s19] =	ssyncset.done @!p1 $0x0  }
0xe4: {  	s21 =	rddreg [dreg:$0x8];
	[sflag:s19] =	ssyncadd.s32 @!p1 $0xFFFFE000;
	s19 =	sadd.s32 s22, s20  }
0xe5: {  	[tilespmem:s9], [sflag:$0x1] =	stream.linear.gather [hbm4b:s19+s4], $0x40, $0x38;
	[tilespmem:$0x1D580] =	vst v63  }
0xe6: {  	s20 =	rddreg [dreg:$0x7];
	s19 =	sadd.s32 s22, s21  }
0xe7: {  	[tilespmem:s10], [sflag:$0x1] =	stream.linear.gather [hbm4b:s19+s4], $0x40, $0x38;
	[tilespmem:$0x1D580] =	vst v63  }
0xe8: {  	s21 =	rddreg [dreg:$0x6];
	s20 =	sadd.s32 s22, s20  }
0xe9: {  	[tilespmem:s11], [sflag:$0x1] =	stream.linear.gather [hbm4b:s20+s4], $0x40, $0x38;
	[tilespmem:$0x1D580] =	vst v63  }
0xea: {  	s21 =	sadd.s32 s22, s21  }
0xeb: {  	[tilespmem:s12], [sflag:$0x1] =	stream.linear.gather [hbm4b:s21+s4], $0x40, $0x38;
	[tilespmem:$0x1D580] =	vst v63  }
0xec: {  	_ =	swait.ge [sflag:s31], $0x40  }
0xed: {  	[sflag:s31] =	ssyncset.done $0x0  }
0xee: {  	[sflag:s31] =	ssyncadd.s32 $0xFFFFFFC0  }
0xef: {  	_ =	swait.ge [sflag:s31], $0x40  }
0xf0: {  	[sflag:s31] =	ssyncset.done $0x0  }
0xf1: {  	[sflag:s31] =	ssyncadd.s32 $0xFFFFFFC0  }
0xf2: {  	_ =	swait.ge [sflag:s31], $0x40  }
0xf3: {  	[sflag:s31] =	ssyncset.done $0x0  }
0xf4: {  	[sflag:s31] =	ssyncadd.s32 $0xFFFFFFC0  }
0xf5: {  	_ =	swait.ge [sflag:s31], $0x40  }
0xf6: {  	[sflag:s31] =	ssyncset.done $0x0  }
0xf7: {  	[sflag:s31] =	ssyncadd.s32 $0xFFFFFFC0  }
0xf8: {  	[tilespmem:s13], [sflag:$0x4] =	stream.indirect.gather [hbm4b:s1+s0], $0x80, s9, s0, $0xb8;
	[tilespmem:$0x1D580] =	vst v63  }
0xf9: {  	s18 =	smov.u32 s17;
	s17 =	sadd.s32 $0x20, s17  }
0xfa: {  	[tilespmem:s14], [sflag:$0x5] =	stream.indirect.gather [hbm4b:s1+s0], $0x80, s11, s0, $0xb8;
	[tilespmem:$0x1D580] =	vst v63  }
0xfb: {  	p2 =	sne.s32 s17, $0x4E0;
	_ =	swait.ge [sflag:s15], $0x2000  }
.Ltmp1:
0xfc: {  	[sflag:s15] =	ssyncset.done $0x0;
	(pc) =	sbr.rel @p2 .LBB2_4-.Ltmp1, $4  }
0xfd: {  	[sflag:s15] =	ssyncadd.s32 $0xFFFFE000  }
0xfe: {  	[spmem:s2] =	stream.indirect.scatter.add.f32 [tilespmem:s13], [sflag:$0x8], $0x80, s10, s0, $0xb8;
	[tilespmem:$0x1D580] =	vst v63  }
0xff: {  	s22 =	smov.u32 s18;
	_ =	swait.ge [sflag:s16], $0x2000  }
0x100: {  	p1 =	seq.s32 s22, $0x0;
	[sflag:s16] =	ssyncset.done $0x0  }
0x101: {  	s17 =	simm.s32 @!p1 $0x6;
	[sflag:s16] =	ssyncadd.s32 $0xFFFFE000  }
0x102: {  	[spmem:s2] =	stream.indirect.scatter.add.f32 [tilespmem:s14], [sflag:$0x9], $0x80, s12, s0, $0xb8;
	[tilespmem:$0x1D580] =	vst v63  }
0x103: {  	_ =	swait.ge @!p1 [sflag:s17], $0x2000  }
0x104: {  	[sflag:s17] =	ssyncset.done @!p1 $0x0  }
0x105: {  	[sflag:s17] =	ssyncadd.s32 @!p1 $0xFFFFE000;
	s17 =	simm.s32 @!p1 $0x7  }
0x106: {  	_ =	swait.ge @!p1 [sflag:s17], $0x2000  }
0x107: {  	s18 =	rddreg [dreg:$0x5];
	[sflag:s17] =	ssyncset.done @!p1 $0x0  }
0x108: {  	s19 =	rddreg [dreg:$0x4];
	[sflag:s17] =	ssyncadd.s32 @!p1 $0xFFFFE000;
	s21 =	sadd.s32 s22, s18  }
0x109: {  	[tilespmem:s26], [sflag:$0x1] =	stream.linear.gather [hbm4b:s21+s4], $0x40, $0x38;
	[tilespmem:$0x1D580] =	vst v63  }
0x10a: {  	s18 =	rddreg [dreg:$0xb];
	s20 =	sadd.s32 s22, s19  }
0x10b: {  	[tilespmem:s28], [sflag:$0x1] =	stream.linear.gather [hbm4b:s20+s4], $0x40, $0x38;
	[tilespmem:$0x1D580] =	vst v63  }
0x10c: {  	s21 =	rddreg [dreg:$0xa];
	s18 =	sadd.s32 s22, s18  }
0x10d: {  	[tilespmem:s29], [sflag:$0x1] =	stream.linear.gather [hbm4b:s18+s4], $0x40, $0x38;
	[tilespmem:$0x1D580] =	vst v63  }
0x10e: {  	s19 =	sadd.s32 s22, s21  }
0x10f: {  	[tilespmem:s30], [sflag:$0x1] =	stream.linear.gather [hbm4b:s19+s4], $0x40, $0x38;
	[tilespmem:$0x1D580] =	vst v63  }
0x110: {  	_ =	swait.ge [sflag:s31], $0x40  }
0x111: {  	[sflag:s31] =	ssyncset.done $0x0  }
0x112: {  	[sflag:s31] =	ssyncadd.s32 $0xFFFFFFC0  }
0x113: {  	_ =	swait.ge [sflag:s31], $0x40  }
0x114: {  	[sflag:s31] =	ssyncset.done $0x0  }
0x115: {  	[sflag:s31] =	ssyncadd.s32 $0xFFFFFFC0  }
0x116: {  	_ =	swait.ge [sflag:s31], $0x40  }
0x117: {  	[sflag:s31] =	ssyncset.done $0x0  }
0x118: {  	[sflag:s31] =	ssyncadd.s32 $0xFFFFFFC0  }
0x119: {  	_ =	swait.ge [sflag:s31], $0x40  }
0x11a: {  	[sflag:s31] =	ssyncset.done $0x0  }
0x11b: {  	[sflag:s31] =	ssyncadd.s32 $0xFFFFFFC0  }
0x11c: {  	[tilespmem:s3], [sflag:$0x2] =	stream.indirect.gather [hbm4b:s1+s0], $0x80, s26, s0, $0xb8;
	[tilespmem:$0x1D580] =	vst v63  }
0x11d: {  	_ = 	snop  }
0x11e: {  	[tilespmem:s6], [sflag:$0x3] =	stream.indirect.gather [hbm4b:s1+s0], $0x80, s29, s0, $0xb8;
	[tilespmem:$0x1D580] =	vst v63  }
0x11f: {  	_ =	swait.ge [sflag:s7], $0x2000  }
0x120: {  	[sflag:s7] =	ssyncset.done $0x0  }
0x121: {  	[sflag:s7] =	ssyncadd.s32 $0xFFFFE000  }
0x122: {  	[spmem:s2] =	stream.indirect.scatter.add.f32 [tilespmem:s3], [sflag:$0x6], $0x80, s28, s0, $0xb8;
	[tilespmem:$0x1D580] =	vst v63  }
0x123: {  	_ =	swait.ge [sflag:s8], $0x2000  }
0x124: {  	[sflag:s8] =	ssyncset.done $0x0  }
0x125: {  	s17 =	simm.s32 @!p1 $0x8;
	[sflag:s8] =	ssyncadd.s32 $0xFFFFE000  }
0x126: {  	[spmem:s2] =	stream.indirect.scatter.add.f32 [tilespmem:s6], [sflag:$0x7], $0x80, s30, s0, $0xb8;
	[tilespmem:$0x1D580] =	vst v63  }
0x127: {  	_ =	swait.ge @!p1 [sflag:s17], $0x2000  }
0x128: {  	[sflag:s17] =	ssyncset.done @!p1 $0x0  }
0x129: {  	[sflag:s17] =	ssyncadd.s32 @!p1 $0xFFFFE000;
	s17 =	simm.s32 @!p1 $0x9  }
0x12a: {  	_ =	swait.ge @!p1 [sflag:s17], $0x2000  }
0x12b: {  	s20 =	rddreg [dreg:$0x9];
	[sflag:s17] =	ssyncset.done @!p1 $0x0  }
0x12c: {  	s21 =	rddreg [dreg:$0x8];
	[sflag:s17] =	ssyncadd.s32 @!p1 $0xFFFFE000;
	s18 =	sadd.s32 s22, s20  }
0x12d: {  	[tilespmem:s9], [sflag:$0x1] =	stream.linear.gather [hbm4b:s18+s4], $0x40, $0x38;
	[tilespmem:$0x1D580] =	vst v63  }
0x12e: {  	s17 =	rddreg [dreg:$0x7];
	s20 =	sadd.s32 s22, s21  }
0x12f: {  	[tilespmem:s10], [sflag:$0x1] =	stream.linear.gather [hbm4b:s20+s4], $0x40, $0x38;
	[tilespmem:$0x1D580] =	vst v63  }
0x130: {  	s21 =	rddreg [dreg:$0x6];
	s17 =	sadd.s32 s22, s17  }
0x131: {  	[tilespmem:s11], [sflag:$0x1] =	stream.linear.gather [hbm4b:s17+s4], $0x40, $0x38;
	[tilespmem:$0x1D580] =	vst v63  }
0x132: {  	s18 =	sadd.s32 s22, s21  }
0x133: {  	[tilespmem:s12], [sflag:$0x1] =	stream.linear.gather [hbm4b:s18+s4], $0x40, $0x38;
	[tilespmem:$0x1D580] =	vst v63  }
0x134: {  	_ =	swait.ge [sflag:s31], $0x40  }
0x135: {  	[sflag:s31] =	ssyncset.done $0x0  }
0x136: {  	[sflag:s31] =	ssyncadd.s32 $0xFFFFFFC0  }
0x137: {  	_ =	swait.ge [sflag:s31], $0x40  }
0x138: {  	[sflag:s31] =	ssyncset.done $0x0  }
0x139: {  	[sflag:s31] =	ssyncadd.s32 $0xFFFFFFC0  }
0x13a: {  	_ =	swait.ge [sflag:s31], $0x40  }
0x13b: {  	[sflag:s31] =	ssyncset.done $0x0  }
0x13c: {  	[sflag:s31] =	ssyncadd.s32 $0xFFFFFFC0  }
0x13d: {  	_ =	swait.ge [sflag:s31], $0x40  }
0x13e: {  	[sflag:s31] =	ssyncset.done $0x0  }
0x13f: {  	[sflag:s31] =	ssyncadd.s32 $0xFFFFFFC0  }
0x140: {  	[tilespmem:s13], [sflag:$0x4] =	stream.indirect.gather [hbm4b:s1+s0], $0x80, s9, s0, $0xb8;
	[tilespmem:$0x1D580] =	vst v63  }
0x141: {  	_ = 	snop  }
0x142: {  	[tilespmem:s14], [sflag:$0x5] =	stream.indirect.gather [hbm4b:s1+s0], $0x80, s11, s0, $0xb8;
	[tilespmem:$0x1D580] =	vst v63  }
0x143: {  	_ =	swait.ge [sflag:s15], $0x2000  }
0x144: {  	[sflag:s15] =	ssyncset.done $0x0  }
0x145: {  	[sflag:s15] =	ssyncadd.s32 $0xFFFFE000  }
0x146: {  	[spmem:s2] =	stream.indirect.scatter.add.f32 [tilespmem:s13], [sflag:$0x8], $0x80, s10, s0, $0xb8;
	[tilespmem:$0x1D580] =	vst v63  }
0x147: {  	_ =	swait.ge [sflag:s16], $0x2000  }
0x148: {  	[sflag:s16] =	ssyncset.done $0x0  }
0x149: {  	s19 =	simm.s32 $0x6;
	[sflag:s16] =	ssyncadd.s32 $0xFFFFE000  }
0x14a: {  	[spmem:s2] =	stream.indirect.scatter.add.f32 [tilespmem:s14], [sflag:$0x9], $0x80, s12, s0, $0xb8;
	[tilespmem:$0x1D580] =	vst v63  }
0x14b: {  	_ =	swait.ge [sflag:s19], $0x2000  }
0x14c: {  	[sflag:s19] =	ssyncset.done $0x0  }
0x14d: {  	s20 =	simm.s32 $0x7;
	[sflag:s19] =	ssyncadd.s32 $0xFFFFE000  }
0x14e: {  	_ =	swait.ge [sflag:s20], $0x2000  }
0x14f: {  	[sflag:s20] =	ssyncset.done $0x0  }
0x150: {  	s21 =	simm.s32 $0x8;
	[sflag:s20] =	ssyncadd.s32 $0xFFFFE000  }
0x151: {  	_ =	swait.ge [sflag:s21], $0x2000  }
0x152: {  	[sflag:s21] =	ssyncset.done $0x0  }
0x153: {  	s22 =	simm.s32 $0x9;
	[sflag:s21] =	ssyncadd.s32 $0xFFFFE000  }
0x154: {  	_ =	swait.ge [sflag:s22], $0x2000  }
0x155: {  	[sflag:s22] =	ssyncset.done $0x0  }
0x156: {  	s19 =	simm.s32 $0x13C80;
	s18 =	rddreg [dreg:$0x1b];
	[sflag:s22] =	ssyncadd.s32 $0xFFFFE000  }
0x157: {  	[tilespmem:s19], [sflag:$0xA] =	stream.linear.gather [hbm4b:s18+s4], $0x10, $0x38;
	[tilespmem:$0x1D580] =	vst v63  }
0x158: {  	_ =	swait.ge [sflag:s25], $0x10  }
0x159: {  	[sflag:s25] =	ssyncset.done $0x0  }
0x15a: {  	s21 =	simm.s32 $0x13D00;
	s20 =	rddreg [dreg:$0x1a];
	[sflag:s25] =	ssyncadd.s32 $0xFFFFFFF0  }
0x15b: {  	[tilespmem:s21], [sflag:$0xA] =	stream.linear.gather [hbm4b:s20+s4], $0x10, $0x38;
	[tilespmem:$0x1D580] =	vst v63  }
0x15c: {  	_ =	swait.ge [sflag:s25], $0x10  }
0x15d: {  	[sflag:s25] =	ssyncset.done $0x0  }
0x15e: {  	s22 =	simm.s32 $0x10;
	[sflag:s25] =	ssyncadd.s32 $0xFFFFFFF0  }
0x15f: {  	[tilespmem:s3], [sflag:$0x2] =	stream.indirect.gather [hbm4b:s1+s22], $0x80, s19, s22, $0xb8;
	[tilespmem:$0x1D580] =	vst v63  }
0x160: {  	_ =	swait.ge [sflag:s7], $0x800  }
0x161: {  	[sflag:s7] =	ssyncset.done $0x0  }
0x162: {  	[sflag:s7] =	ssyncadd.s32 $0xFFFFF800  }
0x163: {  	[spmem:s2] =	stream.indirect.scatter.add.f32 [tilespmem:s3], [sflag:$0xA], $0x80, s21, s22, $0xb8;
	[tilespmem:$0x1D580] =	vst v63  }
0x164: {  	_ =	swait.ge [sflag:s25], $0x800  }
0x165: {  	[sflag:s25] =	ssyncset.done $0x0  }
0x166: {  	[sflag:s25] =	ssyncadd.s32 $0xFFFFF800  }
0x167: {  	s18 =	stileid.u32;
	[bflag:$0x0] =	sbarrier.arrive $0xFFFF  }
0x168: {  	s17 =	sshll.u32 s18, $0x6;
	s20 =	rddreg [dreg:$0x19]  }
0x169: {  	s17 =	sor.u32 $0x1C0A, s17;
	s21 =	rddreg [dreg:$0x17];
	s19 =	sshrl.u32 s20, $0x3  }
0x16a: {  	[hbm:s21], [sflag:s17] =	dma.local [spmem:s19], $0x2700  }
0x16b: {  	_ =	swait.ge [sflag:s25], $0x2700  }
0x16c: {  	s18 =	sshrl.u32 @!p0 s5, $0x3;
	[sflag:s25] =	ssyncset.done $0x0  }
0x16d: {  	s19 =	smov.u32 s5;
	s5 =	rddreg [dreg:$0x1c];
	[sflag:s25] =	ssyncadd.s32 $0xFFFFD900  }
0x16e: {  	[hbm:s5], [sflag:s17] =	dma.local @!p0 [spmem:s18], $0x100  }
0x16f: {  	s17 =	simm.s32 @!p0 $0xA  }
0x170: {  	_ =	swait.ge @!p0 [sflag:s17], $0x100  }
0x171: {  	s23 =	sadd.s32 $0x1, s23;
	s22 =	rddreg [dreg:$0x1d]  }
0x172: {  	p1 =	sne.s32 s23, s22  }
.Ltmp2:
0x173: {  	_ = 	snop;
	(pc) =	sbr.rel @p1 .LBB2_1-.Ltmp2, $3  }
0x174: {  	_ =	sdelay $0x1  }
0x175: {  	[sflag:s17] =	ssyncset.done @!p0 $0x0  }
0x176: {  	[sflag:s17] =	ssyncadd.s32 @!p0 $0xFFFFFF00  }
0x177: {  	_ =	sfence.sel $0x180000  }
0x178: {  	[bflag:$0x0] =	sbarrier.arrive $0xFFFF  }
0x179: {  	_ =	strace $0x9000004A  }
0x17a: {  	s0 =	stileid.u32;
	[bflag:$0x2] =	sbarrier.arrive $0xFFFF  }
0x17b: {  	p0 =	sne.s32 s0, $0x0;
	s0 =	rddreg [dreg:$0x3]  }
0x17c: {  	s0 =	sadd.s32 @!p0 $0x100000, s0  }
0x17d: {  	[sflag:s0] =	ssyncadd.tile.s32 @!p0 $0x1;
	_ =	shalt  }
.Lfunc_end2:
_tile_overlayer_lowered:
.L_overlay_start_2:
0x17e: {  	(tag) =	ssettag $0x2  }
0x17f: {  	s0 =	rddreg [dreg:$0x0];
	s2 =	stileid.u32  }
0x180: {  	s1 =	rddreg [dreg:$0x1];
	p0 =	sne.s32 s2, $0x0  }
0x181: {  	s3 =	rddreg [dreg:$0x2];
	[bflag:$0x3] =	sbarrier.arrive $0xFFFF;
	s2 =	simm.s32 @!p0 $0x1C0A  }
0x182: {  	[timem:s3], [sflag:s2] =	dma.local @!p0 [hbm:s0], s1  }
0x183: {  	s0 =	simm.s32 @!p0 $0xA  }
0x184: {  	_ =	swait.ge @!p0 [sflag:s0], s1  }
0x185: {  	s1 =	ssub.s32 @!p0 $0x0, s1;
	[sflag:s0] =	ssyncset.done @!p0 $0x0  }
0x186: {  	[sflag:s0] =	ssyncadd.s32 @!p0 s1  }
0x187: {  	[bflag:$0x3] =	sbarrier.arrive $0xFFFF  }
0x188: {  	_ =	shalt  }

// kernel: kernel.15.cloned.1.call-start
scs
__scs_entry_jumppad:
0x0: {  	(pc) =	sbr.rel $0x88, $3  }
0x1: {  	(tag) =	ssettag $0x0;
	lr =	simm.s32 $0x1  }
0x2: {  	[smem:$0x3F99] =	sst lr;
	_ =	strace $0xD0000000  }
0x3: {  	_ = 	snop  }
0x4: {  	_ = 	snop  }
0x5: {  	_ = 	snop  }
0x6: {  	_ = 	snop  }
0x7: {  	_ = 	snop  }
__scs_overlays_trampoline_lowered:
0x8: {  	[smem:$0x3FA8] =	sst s0  }
0x9: {  	[smem:$0x3FA9] =	sst s1  }
0xa: {  	[smem:$0x3FAA] =	sst s2  }
0xb: {  	[smem:$0x3FAB] =	sst s3  }
0xc: {  	[smem:$0x3FAC] =	sst s4  }
0xd: {  	[smem:$0x3FAD] =	sst s5  }
0xe: {  	[smem:$0x3FAE] =	sst s6  }
0xf: {  	[smem:$0x3FAF] =	sst s7  }
0x10: {  	[smem:$0x3FB0] =	sst s8  }
0x11: {  	[smem:$0x3FB1] =	sst s9;
	s0 =	simm.s32 @!p0 $0x0  }
0x12: {  	s1 =	sld [smem:$0x3F97];
	s0 =	simm.s32 @p0 $0x1  }
0x13: {  	[smem:$0x3FB2] =	sst s0;
	s0 =	simm.s32 @!p1 $0x0  }
0x14: {  	s2 =	sld [smem:$0x3F96];
	s0 =	simm.s32 @p1 $0x1  }
0x15: {  	[smem:$0x3FB3] =	sst s0;
	s0 =	simm.s32 @!p2 $0x0  }
0x16: {  	s3 =	sld [smem:$0x3FDB];
	s0 =	simm.s32 @p2 $0x1  }
0x17: {  	s4 =	simm.s32 $0x1BF5;
	[smem:$0x3FB5] =	sst s0  }
0x18: {  	s0 =	sld [smem:$0x3F98];
	_ =	swait.ge [sflag:s4], $0x0  }
0x19: {  	s7 =	sld [smem:$0x3F99]  }
0x1a: {  	s8 =	sadd.s32 $0xFFFFE003, lr  }
0x1b: {  	s9 =	sadd.s32 $0xFFFFFEF7, lr;
	s5 =	simm.s32 $0xFFFFFFFF;
	p2 =	slt.u32 s8, $0xFFFFF086  }
0x1c: {  	p1 =	slt.u32 s9, $0xF7A;
	s5 =	simm.s32 @!p2 $0x0  }
0x1d: {  	s5 =	simm.s32 @p1 $0x1;
	p0 =	seq.s32 s7, s2  }
0x1e: {  	s7 =	smul.u32 @!p0 $0xF7A, s2;
	p2 =	seq.s32 @!p0 s5, $0x0  }
0x1f: {  	s9 =	smul.u32 $0xF7A, s1;
	s8 =	simm.s32 @!p0 $0x1BF5;
	p2 =	por !p2, p0  }
0x20: {  	[sflag:s8] =	ssyncset.s32 @!p0 $0xFFFFF086;
	s6 =	sadd.s32 @!p0 s3, s7;
	s7 =	simm.s32 @!p0 $0x108  }
0x21: {  	s3 =	sadd.s32 s3, s9;
	s6 =	sadd.s32 @!p0 $0x88, s6;
	s7 =	simm.s32 @p2 $0x1082  }
0x22: {  	[simem:s7], [sflag:s8] =	dma.local @!p0 [hbm:s6], $0xF7A  }
0x23: {  	s9 =	sor.u32 $0xD0000000, s2;
	s6 =	simm.s32 $0x108;
	_ =	swait.ge @!p0 [sflag:s8], $0x0  }
0x24: {  	s3 =	sadd.s32 $0x88, s3;
	s6 =	simm.s32 @!p1 $0x1082;
	[sflag:s4] =	ssyncset.s32 $0xFFFFF086  }
0x25: {  	[simem:s6], [sflag:s4] =	dma.local [hbm:s3], $0xF7A  }
0x26: {  	[smem:$0x3F99] =	sst s1;
	(tag) =	ssettag s2;
	_ =	strace s9  }
0x27: {  	s1 =	sld [smem:$0x3FA9]  }
0x28: {  	s2 =	sld [smem:$0x3FAA]  }
0x29: {  	s4 =	sld [smem:$0x3FAC]  }
0x2a: {  	p0 =	seq.s32 s5, $0x0;
	s5 =	sld [smem:$0x3FAD]  }
0x2b: {  	s6 =	sld [smem:$0x3FAE]  }
0x2c: {  	s7 =	sld [smem:$0x3FAF]  }
0x2d: {  	s3 =	simm.s32 $0x108;
	s8 =	sld [smem:$0x3FB0]  }
0x2e: {  	s3 =	simm.s32 @!p0 $0x1082;
	s9 =	sld [smem:$0x3FB1]  }
0x2f: {  	lr =	sadd.s32 s0, s3;
	s0 =	sld [smem:$0x3FA8]  }
0x30: {  	s3 =	sld [smem:$0x3FAB]  }
0x31: {  	[smem:$0x3FB4] =	sst s10  }
0x32: {  	s10 =	sld [smem:$0x3FB2];
	_ =	sdelay $0x3  }
0x33: {  	p0 =	seq.s32 s10, $0x1;
	s10 =	sld [smem:$0x3FB4];
	_ =	sdelay $0x3  }
0x34: {  	[smem:$0x3FB4] =	sst s10  }
0x35: {  	s10 =	sld [smem:$0x3FB3];
	_ =	sdelay $0x3  }
0x36: {  	p1 =	seq.s32 s10, $0x1;
	s10 =	sld [smem:$0x3FB4];
	_ =	sdelay $0x3  }
0x37: {  	[smem:$0x3FB4] =	sst s10  }
0x38: {  	s10 =	sld [smem:$0x3FB5]  }
0x39: {  	_ = 	snop;
	(pc) =	sbr.ind lr, $3  }
0x3a: {  	_ = 	snop  }
0x3b: {  	_ = 	snop  }
0x3c: {  	p2 =	seq.s32 s10, $0x1;
	s10 =	sld [smem:$0x3FB4]  }
0x3d: {  	_ =	shalt  }
0x3e: {  	_ =	shalt  }
0x3f: {  	_ =	shalt  }
0x40: {  	_ =	shalt  }
0x41: {  	_ =	shalt  }
0x42: {  	_ =	shalt  }
0x43: {  	_ =	shalt  }
0x44: {  	_ =	shalt  }
0x45: {  	_ =	shalt  }
0x46: {  	_ =	shalt  }
0x47: {  	_ =	shalt  }
0x48: {  	_ =	shalt  }
0x49: {  	_ =	shalt  }
0x4a: {  	_ =	shalt  }
0x4b: {  	_ =	shalt  }
0x4c: {  	_ =	shalt  }
0x4d: {  	_ =	shalt  }
0x4e: {  	_ =	shalt  }
0x4f: {  	_ =	shalt  }
0x50: {  	_ =	shalt  }
0x51: {  	_ =	shalt  }
0x52: {  	_ =	shalt  }
0x53: {  	_ =	shalt  }
0x54: {  	_ =	shalt  }
0x55: {  	_ =	shalt  }
0x56: {  	_ =	shalt  }
0x57: {  	_ =	shalt  }
0x58: {  	_ =	shalt  }
0x59: {  	_ =	shalt  }
0x5a: {  	_ =	shalt  }
0x5b: {  	_ =	shalt  }
0x5c: {  	_ =	shalt  }
0x5d: {  	_ =	shalt  }
0x5e: {  	_ =	shalt  }
0x5f: {  	_ =	shalt  }
0x60: {  	_ =	shalt  }
0x61: {  	_ =	shalt  }
0x62: {  	_ =	shalt  }
0x63: {  	_ =	shalt  }
0x64: {  	_ =	shalt  }
0x65: {  	_ =	shalt  }
0x66: {  	_ =	shalt  }
0x67: {  	_ =	shalt  }
0x68: {  	_ =	shalt  }
0x69: {  	_ =	shalt  }
0x6a: {  	_ =	shalt  }
0x6b: {  	_ =	shalt  }
0x6c: {  	_ =	shalt  }
0x6d: {  	_ =	shalt  }
0x6e: {  	_ =	shalt  }
0x6f: {  	_ =	shalt  }
0x70: {  	_ =	shalt  }
0x71: {  	_ =	shalt  }
0x72: {  	_ =	shalt  }
0x73: {  	_ =	shalt  }
0x74: {  	_ =	shalt  }
0x75: {  	_ =	shalt  }
0x76: {  	_ =	shalt  }
0x77: {  	_ =	shalt  }
0x78: {  	_ =	shalt  }
0x79: {  	_ =	shalt  }
0x7a: {  	_ =	shalt  }
0x7b: {  	_ =	shalt  }
0x7c: {  	_ =	shalt  }
0x7d: {  	_ =	shalt  }
0x7e: {  	_ =	shalt  }
0x7f: {  	_ =	shalt  }
0x80: {  	_ =	shalt  }
0x81: {  	_ =	shalt  }
0x82: {  	_ =	shalt  }
0x83: {  	_ =	shalt  }
0x84: {  	_ =	shalt  }
0x85: {  	_ =	shalt  }
0x86: {  	_ =	shalt  }
0x87: {  	_ =	shalt  }
.Lfunc_end0:
.L_simem_size_0:
called_computation.2_lowered:
.L_overlay_start_0:
0x88: {  	s2 =	sld [smem:$0x3FD9]  }
0x89: {  	s3 =	sld [smem:$0x3FFE];
	_ =	sdelay $0x1  }
0x8a: {  	s1 =	srdreg.scid  }
0x8b: {  	s0 =	sand.u32 $0x1, s1  }
0x8c: {  	s17 =	sshll.u32 s0, $0xA;
	s2 =	sadd.s32 s3, s2  }
0x8d: {  	s2 =	sadd.s32 s2, s17  }
0x8e: {  	[smem:$0x3FC0] =	sst s2  }
0x8f: {  	_ = 	snop  }
0x90: {  	s2 =	sld [smem:$0x3FD0];
	(tm) =	ssettm $0x1  }
0x91: {  	s18 =	sld [smem:$0x3FFB];
	_ =	sdelay $0x3  }
0x92: {  	_ =	strace s18  }
0x93: {  	s3 =	sld [smem:$0x3FFC];
	_ =	sdelay $0x3  }
0x94: {  	_ =	strace s3  }
0x95: {  	s3 =	sld [smem:$0x3FFD];
	_ =	sdelay $0x3  }
0x96: {  	_ =	strace s3  }
0x97: {  	_ =	strace $0x8FFFFFFF  }
0x98: {  	s19 =	sld [smem:$0x3FDB];
	_ =	sdelay $0x1  }
0x99: {  	s4 =	simm.s32 $_scs_section_size  }
0x9a: {  	s5 =	simm.s32 $_size__tile_overlayer_lowered;
	s6 =	simm.s32 $_tile_overlayer_lowered  }
0x9b: {  	s22 =	simm.s32 $0x1BFF;
	s21 =	sshll.u32 s6, $0x1;
	s3 =	sadd.s32 s4, s19  }
0x9c: {  	s7 =	simm.s32 $0x0;
	s20 =	sshll.u32 s5, $0x1;
	s5 =	sadd.s32 s21, s3  }
0x9d: {  	[timem:s7], [sflag:s22] =	dma.local [hbm:s5], s20  }
0x9e: {  	_ =	swait.ge [sflag:s22], s20  }
0x9f: {  	s4 =	ssub.s32 $0x0, s20;
	[sflag:s22] =	ssyncset.done $0x0  }
0xa0: {  	[sflag:s22] =	ssyncadd.s32 s4;
	_ =	sdelay $0x1  }
0xa1: {  	s23 =	simm.s32 $0x1B8B  }
0xa2: {  	_ =	swait.ge [sflag:s23], $0x1  }
0xa3: {  	[sflag:s23] =	ssyncset.done $0x0  }
0xa4: {  	s25 =	simm.s32 $0x1B8E;
	s24 =	sld [smem:$0x3FFE];
	[sflag:s23] =	ssyncadd.s32 $0xFFFFFFFF  }
0xa5: {  	s26 =	simm.s32 $execute0_lowered;
	[smem:$0x3FD2] =	sst s25  }
0xa6: {  	s5 =	sshll.u32 s26, $0x1;
	_ =	strace $0x8000004C;
	[dreg:$0x1] =	wrdreg $0xFFFFFFFF  }
0xa7: {  	s28 =	simm.s32 $_size_execute0_lowered;
	s3 =	sadd.s32 s3, s5;
	[dreg:$0x0] =	wrdreg $0x0  }
0xa8: {  	s5 =	sshll.u32 s28, $0x1;
	[dreg:$0x2] =	wrdreg s3  }
0xa9: {  	[dreg:$0x3] =	wrdreg s5  }
0xaa: {  	[dreg:$0x4] =	wrdreg $0xC0  }
0xab: {  	_ =	task [dreg:s7], $0x5FFFF  }
0xac: {  	[dreg:$0x1] =	wrdreg $0xFFFFFFFF  }
0xad: {  	[dreg:$0x0] =	wrdreg $0x60  }
0xae: {  	[dreg:$0x2] =	wrdreg s2  }
0xaf: {  	[dreg:$0x3] =	wrdreg s24  }
0xb0: {  	[dreg:$0x4] =	wrdreg $0x0  }
0xb1: {  	[dreg:$0x5] =	wrdreg $0x9  }
0xb2: {  	_ =	task.clear_ibuf [dreg:s7], $0x6FFFF;
	_ =	strace $0x9000004C  }
0xb3: {  	s29 =	simm.s32 $0x9;
	_ =	strace $0x8000004E  }
0xb4: {  	_ =	swait.ge [sflag:s29], $0x1  }
0xb5: {  	[sflag:s29] =	ssyncadd.s32 $0xFFFFFFFF  }
0xb6: {  	_ =	strace $0x9000004E  }
0xb7: {  	_ =	sfence  }
0xb8: {  	s30 =	sld [smem:$0x0];
	_ =	sdelay $0x2  }
0xb9: {  	s31 =	sshll.u32 s1, $0xD;
	s1 =	sshrl.u32 s1, $0x2  }
0xba: {  	s3 =	sand.u32 $0x4000, s31;
	s1 =	sadd.s32 s1, s30  }
0xbb: {  	s0 =	sor.u32 s3, s0;
	s1 =	sshll.u32 s1, $0x11  }
0xbc: {  	s0 =	sor.u32 s1, s0  }
0xbd: {  	s0 =	sadd.s32 $0x8F2B, s0  }
0xbe: {  	[sflag:s0] =	ssyncadd.remote.s32 $0x1  }
0xbf: {  	_ =	sfence.sel $0xFFFF  }
0xc0: {  	[dreg:$0x0] =	wrdreg $0xFFFFFFFF;
	(pc) =	sbr.abs _section_cstart, $3  }
0xc1: {  	[dreg:$0x1] =	wrdreg $0xFFFFFFFF  }
0xc2: {  	_ =	task.clear_ibuf [dreg:s7], $0x2FFFF;
	_ =	strace $0x9FFFFFFF  }
0xc3: {  	(tm) =	ssettm $0x7FFFFFFF  }
tec
execute0_lowered:
.L_overlay_start_1:
0x0: {  	(tag) =	ssettag $0x1  }
0x1: {  	s1 =	rddreg [dreg:$0x0]  }
0x2: {  	s0 =	rddreg [dreg:$0x1]  }
0x3: {  	s2 =	rddreg [dreg:$0x2];
	s4 =	simm.s32 $0x0  }
0x4: {  	s3 =	srdreg.scid;
	s14 =	stileid.u32;
	s28 =	simm.s32 $0x13A80  }
0x5: {  	s29 =	simm.s32 $0x13900;
	s30 =	simm.s32 $0x13B00;
	s31 =	simm.s32 $0x1  }
0x6: {  	[smem:$0x7FF] =	sst s4;
	s6 =	sadd.s32 $0x2600, s0;
	s5 =	smul.u32 $0x4E000, s14  }
0x7: {  	s3 =	sand.u32 $0x1, s3;
	s7 =	sadd.s32 $0xC400, s0;
	s13 =	smul.u32 $0x2710, s14  }
0x8: {  	s0 =	sadd.s32 $0x16200, s0;
	s11 =	smul.u32 $0x2700, s14;
	p0 =	sne.s32 s14, $0xF  }
0x9: {  	_ =	strace $0x8000004D;
	s8 =	ssub.s32 $0x2, s3;
	s5 =	sshrl.u32 s5, $0x2  }
0xa: {  	s10 =	smul.u32 $0x27100, s3;
	s9 =	sshrl.u32 s8, $0x1;
	s20 =	sadd.s32 s5, s2  }
0xb: {  	s8 =	ssub.s32 s8, s9;
	s12 =	sadd.s32 $0x1800, s20;
	[dreg:$0x19] =	wrdreg s20  }
0xc: {  	s9 =	sadd.s32 s13, s10;
	s15 =	sadd.s32 $0x3000, s20;
	[dreg:$0xc] =	wrdreg s12  }
0xd: {  	s10 =	sadd.s32 s11, s10;
	s16 =	sadd.s32 $0x4800, s20;
	[dreg:$0xd] =	wrdreg s15  }
0xe: {  	s5 =	sshll.u32 s3, $0x4;
	s17 =	sadd.s32 $0x6000, s20;
	[dreg:$0xe] =	wrdreg s16  }
0xf: {  	s3 =	smul.u32 $0x138800, s3;
	s18 =	sadd.s32 $0x7800, s20;
	[dreg:$0xf] =	wrdreg s17  }
0x10: {  	s19 =	sadd.s32 $0x9000, s20;
	s21 =	sshrl.u32 s9, $0x3;
	[dreg:$0x10] =	wrdreg s18  }
0x11: {  	s13 =	sadd.s32 $0xA800, s20;
	s22 =	sadd.s32 $0xC000, s20;
	[dreg:$0x11] =	wrdreg s19  }
0x12: {  	s24 =	sadd.s32 $0xC0, s9;
	s25 =	sadd.s32 $0xF000, s20;
	[dreg:$0x12] =	wrdreg s13  }
0x13: {  	s10 =	sadd.s32 s0, s10;
	[dreg:$0x13] =	wrdreg s22;
	s23 =	sadd.s32 s21, s7  }
0x14: {  	s15 =	sadd.s32 $0xD800, s20;
	[dreg:$0x15] =	wrdreg s25;
	s12 =	sadd.s32 s21, s6  }
0x15: {  	s13 =	sshrl.u32 s24, $0x3;
	s17 =	sadd.s32 $0x10800, s20;
	[dreg:$0x17] =	wrdreg s10  }
0x16: {  	s3 =	sshrl.u32 s3, $0x3;
	s21 =	sadd.s32 $0x12000, s20;
	[dreg:$0x14] =	wrdreg s15  }
0x17: {  	s25 =	smax.u32 s8, $0x1;
	s8 =	simm.s32 $0x3;
	[dreg:$0x4] =	wrdreg s23  }
0x18: {  	s10 =	simm.s32 $0x13B80;
	[dreg:$0x5] =	wrdreg s12;
	s26 =	sadd.s32 s13, s7  }
0x19: {  	s15 =	sadd.s32 $0x80, s9;
	s12 =	sor.u32 s14, s5;
	[dreg:$0x16] =	wrdreg s17  }
0x1a: {  	s13 =	sadd.s32 s13, s6;
	s9 =	sadd.s32 $0x40, s9;
	[dreg:$0x18] =	wrdreg s21  }
0x1b: {  	s0 =	sadd.s32 s0, s3;
	[dreg:$0x1d] =	wrdreg s25;
	s25 =	simm.s32 $0xA  }
0x1c: {  	s3 =	simm.s32 $0x13D80;
	s14 =	simm.s32 $0x19D80;
	[dreg:$0x6] =	wrdreg s26  }
0x1d: {  	s11 =	sshrl.u32 s15, $0x3;
	s12 =	smul.u32 $0x2710, s12;
	[dreg:$0x7] =	wrdreg s13  }
0x1e: {  	s9 =	sshrl.u32 s9, $0x3;
	s0 =	sadd.s32 $0x27000, s0;
	s13 =	simm.s32 $0x17D80  }
0x1f: {  	s15 =	simm.s32 $0x4;
	s16 =	sadd.s32 s11, s7;
	[dreg:$0x1c] =	wrdreg s0  }
0x20: {  	s18 =	sadd.s32 s11, s6;
	s19 =	sadd.s32 s9, s7;
	[dreg:$0x8] =	wrdreg s16  }
0x21: {  	s26 =	sadd.s32 s9, s6;
	s0 =	simm.s32 $0x40;
	[dreg:$0x9] =	wrdreg s18  }
0x22: {  	s9 =	simm.s32 $0x13980;
	s11 =	simm.s32 $0x13A00;
	[dreg:$0xa] =	wrdreg s19  }
0x23: {  	s12 =	sshrl.u32 s12, $0x3;
	s19 =	sadd.s32 $0x138000, s2;
	[dreg:$0xb] =	wrdreg s26  }
0x24: {  	s26 =	simm.s32 $0x13880;
	s16 =	simm.s32 $0x5;
	s22 =	sadd.s32 $0x4E0, s12  }
0x25: {  	s12 =	simm.s32 $0x13C00;
	s23 =	sadd.s32 s7, s22;
	s24 =	sadd.s32 s6, s22  }
0x26: {  	s6 =	simm.s32 $0x15D80;
	s7 =	simm.s32 $0x2;
	[dreg:$0x1a] =	wrdreg s23  }
0x27: {  	v0 =	vimm.f32 $0.0e+00;
	[dreg:$0x1b] =	wrdreg s24;
	s24 =	simm.s32 $0x1BD80;
	s23 =	simm.s32 $0x0  }
.LBB2_1:
0x28: {  	s17 =	simm.s32 $0x70;
	s18 =	simm.s32 $0x3C0  }
.LBB2_2:
0x29: {  	p1 =	sne.s32 s18, $0x5FC0;
	[tilespmem:s17+$0x1BD80] =	vst v0  }
0x2a: {  	[tilespmem:s17+$0x1BD10] =	vst v0  }
0x2b: {  	[tilespmem:s17+$0x1BD20] =	vst v0  }
.Ltmp0:
0x2c: {  	[tilespmem:s17+$0x1BD30] =	vst v0;
	(pc) =	sbr.rel @p1 .LBB2_2-.Ltmp0, $4  }
0x2d: {  	[tilespmem:s17+$0x1BD40] =	vst v0  }
0x2e: {  	[tilespmem:s17+$0x1BD50] =	vst v0  }
0x2f: {  	[tilespmem:s17+$0x1BD60] =	vst v0  }
0x30: {  	[tilespmem:s17+$0x1BD70] =	vst v0;
	s17 =	sshra.s32 s18, $0x2;
	s18 =	sadd.s32 $0x200, s18  }
0x31: {  	[tilespmem:s17+$0x1BD80] =	vst v0  }
0x32: {  	[tilespmem:s17+$0x1BD10] =	vst v0  }
0x33: {  	[tilespmem:s17+$0x1BD20] =	vst v0  }
0x34: {  	[tilespmem:s17+$0x1BD30] =	vst v0  }
0x35: {  	[tilespmem:s17+$0x1BD40] =	vst v0  }
0x36: {  	[tilespmem:s17+$0x1BD50] =	vst v0  }
0x37: {  	[tilespmem:s17+$0x1BD60] =	vst v0  }
0x38: {  	[tilespmem:s17+$0x1BD70] =	vst v0  }
0x39: {  	[spmem:s20] =	stream.linear.scatter [tilespmem:s24], [sflag:$0xA], $0x1800, $0x38;
	[tilespmem:$0x1D580] =	vst v63  }
0x3a: {  	_ =	swait.ge [sflag:s25], $0x1800  }
0x3b: {  	[sflag:s25] =	ssyncset.done $0x0  }
0x3c: {  	s22 =	rddreg [dreg:$0xc];
	[sflag:s25] =	ssyncadd.s32 $0xFFFFE800  }
0x3d: {  	[spmem:s22] =	stream.linear.scatter [tilespmem:s24], [sflag:$0xA], $0x1800, $0x38;
	[tilespmem:$0x1D580] =	vst v63  }
0x3e: {  	_ =	swait.ge [sflag:s25], $0x1800  }
0x3f: {  	[sflag:s25] =	ssyncset.done $0x0  }
0x40: {  	s5 =	rddreg [dreg:$0xd];
	[sflag:s25] =	ssyncadd.s32 $0xFFFFE800  }
0x41: {  	[spmem:s5] =	stream.linear.scatter [tilespmem:s24], [sflag:$0xA], $0x1800, $0x38;
	[tilespmem:$0x1D580] =	vst v63  }
0x42: {  	_ =	swait.ge [sflag:s25], $0x1800  }
0x43: {  	[sflag:s25] =	ssyncset.done $0x0  }
0x44: {  	s18 =	rddreg [dreg:$0xe];
	[sflag:s25] =	ssyncadd.s32 $0xFFFFE800  }
0x45: {  	[spmem:s18] =	stream.linear.scatter [tilespmem:s24], [sflag:$0xA], $0x1800, $0x38;
	[tilespmem:$0x1D580] =	vst v63  }
0x46: {  	_ =	swait.ge [sflag:s25], $0x1800  }
0x47: {  	[sflag:s25] =	ssyncset.done $0x0  }
0x48: {  	s20 =	rddreg [dreg:$0xf];
	[sflag:s25] =	ssyncadd.s32 $0xFFFFE800  }
0x49: {  	[spmem:s20] =	stream.linear.scatter [tilespmem:s24], [sflag:$0xA], $0x1800, $0x38;
	[tilespmem:$0x1D580] =	vst v63  }
0x4a: {  	_ =	swait.ge [sflag:s25], $0x1800  }
0x4b: {  	[sflag:s25] =	ssyncset.done $0x0  }
0x4c: {  	s21 =	rddreg [dreg:$0x10];
	[sflag:s25] =	ssyncadd.s32 $0xFFFFE800  }
0x4d: {  	[spmem:s21] =	stream.linear.scatter [tilespmem:s24], [sflag:$0xA], $0x1800, $0x38;
	[tilespmem:$0x1D580] =	vst v63  }
0x4e: {  	_ =	swait.ge [sflag:s25], $0x1800  }
0x4f: {  	[sflag:s25] =	ssyncset.done $0x0  }
0x50: {  	s22 =	rddreg [dreg:$0x11];
	[sflag:s25] =	ssyncadd.s32 $0xFFFFE800  }
0x51: {  	[spmem:s22] =	stream.linear.scatter [tilespmem:s24], [sflag:$0xA], $0x1800, $0x38;
	[tilespmem:$0x1D580] =	vst v63  }
0x52: {  	_ =	swait.ge [sflag:s25], $0x1800  }
0x53: {  	[sflag:s25] =	ssyncset.done $0x0  }
0x54: {  	s5 =	rddreg [dreg:$0x12];
	[sflag:s25] =	ssyncadd.s32 $0xFFFFE800  }
0x55: {  	[spmem:s5] =	stream.linear.scatter [tilespmem:s24], [sflag:$0xA], $0x1800, $0x38;
	[tilespmem:$0x1D580] =	vst v63  }
0x56: {  	_ =	swait.ge [sflag:s25], $0x1800  }
0x57: {  	[sflag:s25] =	ssyncset.done $0x0  }
0x58: {  	s18 =	rddreg [dreg:$0x13];
	[sflag:s25] =	ssyncadd.s32 $0xFFFFE800  }
0x59: {  	[spmem:s18] =	stream.linear.scatter [tilespmem:s24], [sflag:$0xA], $0x1800, $0x38;
	[tilespmem:$0x1D580] =	vst v63  }
0x5a: {  	_ =	swait.ge [sflag:s25], $0x1800  }
0x5b: {  	[sflag:s25] =	ssyncset.done $0x0  }
0x5c: {  	s20 =	rddreg [dreg:$0x14];
	[sflag:s25] =	ssyncadd.s32 $0xFFFFE800  }
0x5d: {  	[spmem:s20] =	stream.linear.scatter [tilespmem:s24], [sflag:$0xA], $0x1800, $0x38;
	[tilespmem:$0x1D580] =	vst v63  }
0x5e: {  	_ =	swait.ge [sflag:s25], $0x1800  }
0x5f: {  	[sflag:s25] =	ssyncset.done $0x0  }
0x60: {  	s21 =	rddreg [dreg:$0x15];
	[sflag:s25] =	ssyncadd.s32 $0xFFFFE800  }
0x61: {  	[spmem:s21] =	stream.linear.scatter [tilespmem:s24], [sflag:$0xA], $0x1800, $0x38;
	[tilespmem:$0x1D580] =	vst v63  }
0x62: {  	_ =	swait.ge [sflag:s25], $0x1800  }
0x63: {  	[sflag:s25] =	ssyncset.done $0x0  }
0x64: {  	s22 =	rddreg [dreg:$0x16];
	[sflag:s25] =	ssyncadd.s32 $0xFFFFE800  }
0x65: {  	[spmem:s22] =	stream.linear.scatter [tilespmem:s24], [sflag:$0xA], $0x1800, $0x38;
	[tilespmem:$0x1D580] =	vst v63  }
0x66: {  	_ =	swait.ge [sflag:s25], $0x1800  }
0x67: {  	[sflag:s25] =	ssyncset.done $0x0  }
0x68: {  	s5 =	rddreg [dreg:$0x18];
	[sflag:s25] =	ssyncadd.s32 $0xFFFFE800  }
0x69: {  	[spmem:s5] =	stream.linear.scatter [tilespmem:s24], [sflag:$0xA], $0x1800, $0x38;
	[tilespmem:$0x1D580] =	vst v63  }
0x6a: {  	_ =	swait.ge [sflag:s25], $0x1800  }
0x6b: {  	[sflag:s25] =	ssyncset.done $0x0  }
0x6c: {  	s17 =	simm.s32 @!p0 $0x1BD80;
	[sflag:s25] =	ssyncadd.s32 $0xFFFFE800  }
0x6d: {  	[spmem:s19] =	stream.linear.scatter @!p0 [tilespmem:s17], [sflag:$0xA], $0x800, $0x38;
	[tilespmem:$0x1D580] =	vst v63  }
0x6e: {  	s17 =	simm.s32 @!p0 $0xA  }
0x6f: {  	_ =	swait.ge @!p0 [sflag:s17], $0x800  }
0x70: {  	[sflag:s17] =	ssyncset.done @!p0 $0x0  }
0x71: {  	p1 =	por $0x1, $0x1;
	[sflag:s17] =	ssyncadd.s32 @!p0 $0xFFFFF800  }
0x72: {  	s17 =	simm.s32 @!p1 $0x6;
	[bflag:$0x0] =	sbarrier.arrive $0xFFFF  }
0x73: {  	_ =	swait.ge @!p1 [sflag:s17], $0x2000  }
0x74: {  	[sflag:s17] =	ssyncset.done @!p1 $0x0  }
0x75: {  	[sflag:s17] =	ssyncadd.s32 @!p1 $0xFFFFE000;
	s17 =	simm.s32 @!p1 $0x7  }
0x76: {  	_ =	swait.ge @!p1 [sflag:s17], $0x2000  }
0x77: {  	s18 =	rddreg [dreg:$0x5];
	[sflag:s17] =	ssyncset.done @!p1 $0x0  }
0x78: {  	s22 =	rddreg [dreg:$0x4];
	[sflag:s17] =	ssyncadd.s32 @!p1 $0xFFFFE000;
	s18 =	sadd.s32 $0x0, s18  }
0x79: {  	[tilespmem:s26], [sflag:$0x1] =	stream.linear.gather [hbm4b:s18+s4], $0x40, $0x38;
	[tilespmem:$0x1D580] =	vst v63  }
0x7a: {  	s5 =	smov.u32 s19;
	s19 =	rddreg [dreg:$0xb];
	s20 =	sadd.s32 $0x0, s22  }
0x7b: {  	[tilespmem:s28], [sflag:$0x1] =	stream.linear.gather [hbm4b:s20+s4], $0x40, $0x38;
	[tilespmem:$0x1D580] =	vst v63  }
0x7c: {  	s21 =	rddreg [dreg:$0xa];
	s18 =	sadd.s32 $0x0, s19  }
0x7d: {  	[tilespmem:s29], [sflag:$0x1] =	stream.linear.gather [hbm4b:s18+s4], $0x40, $0x38;
	[tilespmem:$0x1D580] =	vst v63  }
0x7e: {  	s19 =	sadd.s32 $0x0, s21  }
0x7f: {  	[tilespmem:s30], [sflag:$0x1] =	stream.linear.gather [hbm4b:s19+s4], $0x40, $0x38;
	[tilespmem:$0x1D580] =	vst v63  }
0x80: {  	_ =	swait.ge [sflag:s31], $0x40  }
0x81: {  	[sflag:s31] =	ssyncset.done $0x0  }
0x82: {  	[sflag:s31] =	ssyncadd.s32 $0xFFFFFFC0  }
0x83: {  	_ =	swait.ge [sflag:s31], $0x40  }
0x84: {  	[sflag:s31] =	ssyncset.done $0x0  }
0x85: {  	[sflag:s31] =	ssyncadd.s32 $0xFFFFFFC0  }
0x86: {  	_ =	swait.ge [sflag:s31], $0x40  }
0x87: {  	[sflag:s31] =	ssyncset.done $0x0  }
0x88: {  	[sflag:s31] =	ssyncadd.s32 $0xFFFFFFC0  }
0x89: {  	_ =	swait.ge [sflag:s31], $0x40  }
0x8a: {  	[sflag:s31] =	ssyncset.done $0x0  }
0x8b: {  	[sflag:s31] =	ssyncadd.s32 $0xFFFFFFC0  }
0x8c: {  	[tilespmem:s3], [sflag:$0x2] =	stream.indirect.gather [hbm4b:s1+s0], $0x80, s26, s0, $0xb8;
	[tilespmem:$0x1D580] =	vst v63  }
0x8d: {  	_ = 	snop  }
0x8e: {  	[tilespmem:s6], [sflag:$0x3] =	stream.indirect.gather [hbm4b:s1+s0], $0x80, s29, s0, $0xb8;
	[tilespmem:$0x1D580] =	vst v63  }
0x8f: {  	_ =	swait.ge [sflag:s7], $0x2000  }
0x90: {  	[sflag:s7] =	ssyncset.done $0x0  }
0x91: {  	[sflag:s7] =	ssyncadd.s32 $0xFFFFE000  }
0x92: {  	[spmem:s2] =	stream.indirect.scatter.add.f32 [tilespmem:s3], [sflag:$0x6], $0x80, s28, s0, $0xb8;
	[tilespmem:$0x1D580] =	vst v63  }
0x93: {  	_ =	swait.ge [sflag:s8], $0x2000  }
0x94: {  	[sflag:s8] =	ssyncset.done $0x0  }
0x95: {  	s17 =	simm.s32 @!p1 $0x8;
	[sflag:s8] =	ssyncadd.s32 $0xFFFFE000  }
0x96: {  	[spmem:s2] =	stream.indirect.scatter.add.f32 [tilespmem:s6], [sflag:$0x7], $0x80, s30, s0, $0xb8;
	[tilespmem:$0x1D580] =	vst v63  }
0x97: {  	_ =	swait.ge @!p1 [sflag:s17], $0x2000  }
0x98: {  	[sflag:s17] =	ssyncset.done @!p1 $0x0  }
0x99: {  	[sflag:s17] =	ssyncadd.s32 @!p1 $0xFFFFE000;
	s17 =	simm.s32 @!p1 $0x9  }
0x9a: {  	_ =	swait.ge @!p1 [sflag:s17], $0x2000  }
0x9b: {  	s20 =	rddreg [dreg:$0x9];
	[sflag:s17] =	ssyncset.done @!p1 $0x0  }
0x9c: {  	s21 =	rddreg [dreg:$0x8];
	[sflag:s17] =	ssyncadd.s32 @!p1 $0xFFFFE000;
	s18 =	sadd.s32 $0x0, s20  }
0x9d: {  	[tilespmem:s9], [sflag:$0x1] =	stream.linear.gather [hbm4b:s18+s4], $0x40, $0x38;
	[tilespmem:$0x1D580] =	vst v63  }
0x9e: {  	s19 =	rddreg [dreg:$0x7];
	s20 =	sadd.s32 $0x0, s21  }
0x9f: {  	[tilespmem:s10], [sflag:$0x1] =	stream.linear.gather [hbm4b:s20+s4], $0x40, $0x38;
	[tilespmem:$0x1D580] =	vst v63  }
0xa0: {  	s21 =	rddreg [dreg:$0x6];
	s17 =	sadd.s32 $0x0, s19  }
0xa1: {  	[tilespmem:s11], [sflag:$0x1] =	stream.linear.gather [hbm4b:s17+s4], $0x40, $0x38;
	[tilespmem:$0x1D580] =	vst v63  }
0xa2: {  	s22 =	sadd.s32 $0x0, s21  }
0xa3: {  	[tilespmem:s12], [sflag:$0x1] =	stream.linear.gather [hbm4b:s22+s4], $0x40, $0x38;
	[tilespmem:$0x1D580] =	vst v63  }
0xa4: {  	_ =	swait.ge [sflag:s31], $0x40  }
0xa5: {  	[sflag:s31] =	ssyncset.done $0x0  }
0xa6: {  	[sflag:s31] =	ssyncadd.s32 $0xFFFFFFC0  }
0xa7: {  	_ =	swait.ge [sflag:s31], $0x40  }
0xa8: {  	[sflag:s31] =	ssyncset.done $0x0  }
0xa9: {  	[sflag:s31] =	ssyncadd.s32 $0xFFFFFFC0  }
0xaa: {  	_ =	swait.ge [sflag:s31], $0x40  }
0xab: {  	[sflag:s31] =	ssyncset.done $0x0  }
0xac: {  	[sflag:s31] =	ssyncadd.s32 $0xFFFFFFC0  }
0xad: {  	_ =	swait.ge [sflag:s31], $0x40  }
0xae: {  	[sflag:s31] =	ssyncset.done $0x0  }
0xaf: {  	[sflag:s31] =	ssyncadd.s32 $0xFFFFFFC0  }
0xb0: {  	[tilespmem:s13], [sflag:$0x4] =	stream.indirect.gather [hbm4b:s1+s0], $0x80, s9, s0, $0xb8;
	[tilespmem:$0x1D580] =	vst v63  }
0xb1: {  	_ = 	snop  }
0xb2: {  	[tilespmem:s14], [sflag:$0x5] =	stream.indirect.gather [hbm4b:s1+s0], $0x80, s11, s0, $0xb8;
	[tilespmem:$0x1D580] =	vst v63  }
0xb3: {  	_ =	swait.ge [sflag:s15], $0x2000  }
0xb4: {  	[sflag:s15] =	ssyncset.done $0x0  }
0xb5: {  	[sflag:s15] =	ssyncadd.s32 $0xFFFFE000  }
0xb6: {  	[spmem:s2] =	stream.indirect.scatter.add.f32 [tilespmem:s13], [sflag:$0x8], $0x80, s10, s0, $0xb8;
	[tilespmem:$0x1D580] =	vst v63  }
0xb7: {  	p1 =	por $0x0, $0x0;
	_ =	swait.ge [sflag:s16], $0x2000  }
0xb8: {  	s17 =	simm.s32 $0x40;
	s22 =	simm.s32 $0x20;
	[sflag:s16] =	ssyncset.done $0x0  }
.LBB2_4:
0xb9: {  	s20 =	simm.s32 @!p1 $0x6;
	[sflag:s16] =	ssyncadd.s32 $0xFFFFE000  }
0xba: {  	[spmem:s2] =	stream.indirect.scatter.add.f32 [tilespmem:s14], [sflag:$0x9], $0x80, s12, s0, $0xb8;
	[tilespmem:$0x1D580] =	vst v63  }
0xbb: {  	_ =	swait.ge @!p1 [sflag:s20], $0x2000  }
0xbc: {  	[sflag:s20] =	ssyncset.done @!p1 $0x0  }
0xbd: {  	[sflag:s20] =	ssyncadd.s32 @!p1 $0xFFFFE000;
	s20 =	simm.s32 @!p1 $0x7  }
0xbe: {  	_ =	swait.ge @!p1 [sflag:s20], $0x2000  }
0xbf: {  	s21 =	rddreg [dreg:$0x5];
	[sflag:s20] =	ssyncset.done @!p1 $0x0  }
0xc0: {  	s19 =	rddreg [dreg:$0x4];
	[sflag:s20] =	ssyncadd.s32 @!p1 $0xFFFFE000;
	s20 =	sadd.s32 s22, s21  }
0xc1: {  	[tilespmem:s26], [sflag:$0x1] =	stream.linear.gather [hbm4b:s20+s4], $0x40, $0x38;
	[tilespmem:$0x1D580] =	vst v63  }
0xc2: {  	s21 =	rddreg [dreg:$0xb];
	s19 =	sadd.s32 s22, s19  }
0xc3: {  	[tilespmem:s28], [sflag:$0x1] =	stream.linear.gather [hbm4b:s19+s4], $0x40, $0x38;
	[tilespmem:$0x1D580] =	vst v63  }
0xc4: {  	s20 =	rddreg [dreg:$0xa];
	s21 =	sadd.s32 s22, s21  }
0xc5: {  	[tilespmem:s29], [sflag:$0x1] =	stream.linear.gather [hbm4b:s21+s4], $0x40, $0x38;
	[tilespmem:$0x1D580] =	vst v63  }
0xc6: {  	s21 =	sadd.s32 s22, s20  }
0xc7: {  	[tilespmem:s30], [sflag:$0x1] =	stream.linear.gather [hbm4b:s21+s4], $0x40, $0x38;
	[tilespmem:$0x1D580] =	vst v63  }
0xc8: {  	_ =	swait.ge [sflag:s31], $0x40  }
0xc9: {  	[sflag:s31] =	ssyncset.done $0x0  }
0xca: {  	[sflag:s31] =	ssyncadd.s32 $0xFFFFFFC0  }
0xcb: {  	_ =	swait.ge [sflag:s31], $0x40  }
0xcc: {  	[sflag:s31] =	ssyncset.done $0x0  }
0xcd: {  	[sflag:s31] =	ssyncadd.s32 $0xFFFFFFC0  }
0xce: {  	_ =	swait.ge [sflag:s31], $0x40  }
0xcf: {  	[sflag:s31] =	ssyncset.done $0x0  }
0xd0: {  	[sflag:s31] =	ssyncadd.s32 $0xFFFFFFC0  }
0xd1: {  	_ =	swait.ge [sflag:s31], $0x40  }
0xd2: {  	[sflag:s31] =	ssyncset.done $0x0  }
0xd3: {  	[sflag:s31] =	ssyncadd.s32 $0xFFFFFFC0  }
0xd4: {  	[tilespmem:s3], [sflag:$0x2] =	stream.indirect.gather [hbm4b:s1+s0], $0x80, s26, s0, $0xb8;
	[tilespmem:$0x1D580] =	vst v63  }
0xd5: {  	_ = 	snop  }
0xd6: {  	[tilespmem:s6], [sflag:$0x3] =	stream.indirect.gather [hbm4b:s1+s0], $0x80, s29, s0, $0xb8;
	[tilespmem:$0x1D580] =	vst v63  }
0xd7: {  	_ =	swait.ge [sflag:s7], $0x2000  }
0xd8: {  	[sflag:s7] =	ssyncset.done $0x0  }
0xd9: {  	[sflag:s7] =	ssyncadd.s32 $0xFFFFE000  }
0xda: {  	[spmem:s2] =	stream.indirect.scatter.add.f32 [tilespmem:s3], [sflag:$0x6], $0x80, s28, s0, $0xb8;
	[tilespmem:$0x1D580] =	vst v63  }
0xdb: {  	_ =	swait.ge [sflag:s8], $0x2000  }
0xdc: {  	[sflag:s8] =	ssyncset.done $0x0  }
0xdd: {  	s19 =	simm.s32 @!p1 $0x8;
	[sflag:s8] =	ssyncadd.s32 $0xFFFFE000  }
0xde: {  	[spmem:s2] =	stream.indirect.scatter.add.f32 [tilespmem:s6], [sflag:$0x7], $0x80, s30, s0, $0xb8;
	[tilespmem:$0x1D580] =	vst v63  }
0xdf: {  	_ =	swait.ge @!p1 [sflag:s19], $0x2000  }
0xe0: {  	[sflag:s19] =	ssyncset.done @!p1 $0x0  }
0xe1: {  	[sflag:s19] =	ssyncadd.s32 @!p1 $0xFFFFE000;
	s19 =	simm.s32 @!p1 $0x9  }
0xe2: {  	_ =	swait.ge @!p1 [sflag:s19], $0x2000  }
0xe3: {  	s20 =	rddreg [dreg:$0x9];
	[sflag:s19] =	ssyncset.done @!p1 $0x0  }
0xe4: {  	s21 =	rddreg [dreg:$0x8];
	[sflag:s19] =	ssyncadd.s32 @!p1 $0xFFFFE000;
	s19 =	sadd.s32 s22, s20  }
0xe5: {  	[tilespmem:s9], [sflag:$0x1] =	stream.linear.gather [hbm4b:s19+s4], $0x40, $0x38;
	[tilespmem:$0x1D580] =	vst v63  }
0xe6: {  	s20 =	rddreg [dreg:$0x7];
	s19 =	sadd.s32 s22, s21  }
0xe7: {  	[tilespmem:s10], [sflag:$0x1] =	stream.linear.gather [hbm4b:s19+s4], $0x40, $0x38;
	[tilespmem:$0x1D580] =	vst v63  }
0xe8: {  	s21 =	rddreg [dreg:$0x6];
	s20 =	sadd.s32 s22, s20  }
0xe9: {  	[tilespmem:s11], [sflag:$0x1] =	stream.linear.gather [hbm4b:s20+s4], $0x40, $0x38;
	[tilespmem:$0x1D580] =	vst v63  }
0xea: {  	s21 =	sadd.s32 s22, s21  }
0xeb: {  	[tilespmem:s12], [sflag:$0x1] =	stream.linear.gather [hbm4b:s21+s4], $0x40, $0x38;
	[tilespmem:$0x1D580] =	vst v63  }
0xec: {  	_ =	swait.ge [sflag:s31], $0x40  }
0xed: {  	[sflag:s31] =	ssyncset.done $0x0  }
0xee: {  	[sflag:s31] =	ssyncadd.s32 $0xFFFFFFC0  }
0xef: {  	_ =	swait.ge [sflag:s31], $0x40  }
0xf0: {  	[sflag:s31] =	ssyncset.done $0x0  }
0xf1: {  	[sflag:s31] =	ssyncadd.s32 $0xFFFFFFC0  }
0xf2: {  	_ =	swait.ge [sflag:s31], $0x40  }
0xf3: {  	[sflag:s31] =	ssyncset.done $0x0  }
0xf4: {  	[sflag:s31] =	ssyncadd.s32 $0xFFFFFFC0  }
0xf5: {  	_ =	swait.ge [sflag:s31], $0x40  }
0xf6: {  	[sflag:s31] =	ssyncset.done $0x0  }
0xf7: {  	[sflag:s31] =	ssyncadd.s32 $0xFFFFFFC0  }
0xf8: {  	[tilespmem:s13], [sflag:$0x4] =	stream.indirect.gather [hbm4b:s1+s0], $0x80, s9, s0, $0xb8;
	[tilespmem:$0x1D580] =	vst v63  }
0xf9: {  	s18 =	smov.u32 s17;
	s17 =	sadd.s32 $0x20, s17  }
0xfa: {  	[tilespmem:s14], [sflag:$0x5] =	stream.indirect.gather [hbm4b:s1+s0], $0x80, s11, s0, $0xb8;
	[tilespmem:$0x1D580] =	vst v63  }
0xfb: {  	p2 =	sne.s32 s17, $0x4E0;
	_ =	swait.ge [sflag:s15], $0x2000  }
.Ltmp1:
0xfc: {  	[sflag:s15] =	ssyncset.done $0x0;
	(pc) =	sbr.rel @p2 .LBB2_4-.Ltmp1, $4  }
0xfd: {  	[sflag:s15] =	ssyncadd.s32 $0xFFFFE000  }
0xfe: {  	[spmem:s2] =	stream.indirect.scatter.add.f32 [tilespmem:s13], [sflag:$0x8], $0x80, s10, s0, $0xb8;
	[tilespmem:$0x1D580] =	vst v63  }
0xff: {  	s22 =	smov.u32 s18;
	_ =	swait.ge [sflag:s16], $0x2000  }
0x100: {  	p1 =	seq.s32 s22, $0x0;
	[sflag:s16] =	ssyncset.done $0x0  }
0x101: {  	s17 =	simm.s32 @!p1 $0x6;
	[sflag:s16] =	ssyncadd.s32 $0xFFFFE000  }
0x102: {  	[spmem:s2] =	stream.indirect.scatter.add.f32 [tilespmem:s14], [sflag:$0x9], $0x80, s12, s0, $0xb8;
	[tilespmem:$0x1D580] =	vst v63  }
0x103: {  	_ =	swait.ge @!p1 [sflag:s17], $0x2000  }
0x104: {  	[sflag:s17] =	ssyncset.done @!p1 $0x0  }
0x105: {  	[sflag:s17] =	ssyncadd.s32 @!p1 $0xFFFFE000;
	s17 =	simm.s32 @!p1 $0x7  }
0x106: {  	_ =	swait.ge @!p1 [sflag:s17], $0x2000  }
0x107: {  	s18 =	rddreg [dreg:$0x5];
	[sflag:s17] =	ssyncset.done @!p1 $0x0  }
0x108: {  	s19 =	rddreg [dreg:$0x4];
	[sflag:s17] =	ssyncadd.s32 @!p1 $0xFFFFE000;
	s21 =	sadd.s32 s22, s18  }
0x109: {  	[tilespmem:s26], [sflag:$0x1] =	stream.linear.gather [hbm4b:s21+s4], $0x40, $0x38;
	[tilespmem:$0x1D580] =	vst v63  }
0x10a: {  	s18 =	rddreg [dreg:$0xb];
	s20 =	sadd.s32 s22, s19  }
0x10b: {  	[tilespmem:s28], [sflag:$0x1] =	stream.linear.gather [hbm4b:s20+s4], $0x40, $0x38;
	[tilespmem:$0x1D580] =	vst v63  }
0x10c: {  	s21 =	rddreg [dreg:$0xa];
	s18 =	sadd.s32 s22, s18  }
0x10d: {  	[tilespmem:s29], [sflag:$0x1] =	stream.linear.gather [hbm4b:s18+s4], $0x40, $0x38;
	[tilespmem:$0x1D580] =	vst v63  }
0x10e: {  	s19 =	sadd.s32 s22, s21  }
0x10f: {  	[tilespmem:s30], [sflag:$0x1] =	stream.linear.gather [hbm4b:s19+s4], $0x40, $0x38;
	[tilespmem:$0x1D580] =	vst v63  }
0x110: {  	_ =	swait.ge [sflag:s31], $0x40  }
0x111: {  	[sflag:s31] =	ssyncset.done $0x0  }
0x112: {  	[sflag:s31] =	ssyncadd.s32 $0xFFFFFFC0  }
0x113: {  	_ =	swait.ge [sflag:s31], $0x40  }
0x114: {  	[sflag:s31] =	ssyncset.done $0x0  }
0x115: {  	[sflag:s31] =	ssyncadd.s32 $0xFFFFFFC0  }
0x116: {  	_ =	swait.ge [sflag:s31], $0x40  }
0x117: {  	[sflag:s31] =	ssyncset.done $0x0  }
0x118: {  	[sflag:s31] =	ssyncadd.s32 $0xFFFFFFC0  }
0x119: {  	_ =	swait.ge [sflag:s31], $0x40  }
0x11a: {  	[sflag:s31] =	ssyncset.done $0x0  }
0x11b: {  	[sflag:s31] =	ssyncadd.s32 $0xFFFFFFC0  }
0x11c: {  	[tilespmem:s3], [sflag:$0x2] =	stream.indirect.gather [hbm4b:s1+s0], $0x80, s26, s0, $0xb8;
	[tilespmem:$0x1D580] =	vst v63  }
0x11d: {  	_ = 	snop  }
0x11e: {  	[tilespmem:s6], [sflag:$0x3] =	stream.indirect.gather [hbm4b:s1+s0], $0x80, s29, s0, $0xb8;
	[tilespmem:$0x1D580] =	vst v63  }
0x11f: {  	_ =	swait.ge [sflag:s7], $0x2000  }
0x120: {  	[sflag:s7] =	ssyncset.done $0x0  }
0x121: {  	[sflag:s7] =	ssyncadd.s32 $0xFFFFE000  }
0x122: {  	[spmem:s2] =	stream.indirect.scatter.add.f32 [tilespmem:s3], [sflag:$0x6], $0x80, s28, s0, $0xb8;
	[tilespmem:$0x1D580] =	vst v63  }
0x123: {  	_ =	swait.ge [sflag:s8], $0x2000  }
0x124: {  	[sflag:s8] =	ssyncset.done $0x0  }
0x125: {  	s17 =	simm.s32 @!p1 $0x8;
	[sflag:s8] =	ssyncadd.s32 $0xFFFFE000  }
0x126: {  	[spmem:s2] =	stream.indirect.scatter.add.f32 [tilespmem:s6], [sflag:$0x7], $0x80, s30, s0, $0xb8;
	[tilespmem:$0x1D580] =	vst v63  }
0x127: {  	_ =	swait.ge @!p1 [sflag:s17], $0x2000  }
0x128: {  	[sflag:s17] =	ssyncset.done @!p1 $0x0  }
0x129: {  	[sflag:s17] =	ssyncadd.s32 @!p1 $0xFFFFE000;
	s17 =	simm.s32 @!p1 $0x9  }
0x12a: {  	_ =	swait.ge @!p1 [sflag:s17], $0x2000  }
0x12b: {  	s20 =	rddreg [dreg:$0x9];
	[sflag:s17] =	ssyncset.done @!p1 $0x0  }
0x12c: {  	s21 =	rddreg [dreg:$0x8];
	[sflag:s17] =	ssyncadd.s32 @!p1 $0xFFFFE000;
	s18 =	sadd.s32 s22, s20  }
0x12d: {  	[tilespmem:s9], [sflag:$0x1] =	stream.linear.gather [hbm4b:s18+s4], $0x40, $0x38;
	[tilespmem:$0x1D580] =	vst v63  }
0x12e: {  	s17 =	rddreg [dreg:$0x7];
	s20 =	sadd.s32 s22, s21  }
0x12f: {  	[tilespmem:s10], [sflag:$0x1] =	stream.linear.gather [hbm4b:s20+s4], $0x40, $0x38;
	[tilespmem:$0x1D580] =	vst v63  }
0x130: {  	s21 =	rddreg [dreg:$0x6];
	s17 =	sadd.s32 s22, s17  }
0x131: {  	[tilespmem:s11], [sflag:$0x1] =	stream.linear.gather [hbm4b:s17+s4], $0x40, $0x38;
	[tilespmem:$0x1D580] =	vst v63  }
0x132: {  	s18 =	sadd.s32 s22, s21  }
0x133: {  	[tilespmem:s12], [sflag:$0x1] =	stream.linear.gather [hbm4b:s18+s4], $0x40, $0x38;
	[tilespmem:$0x1D580] =	vst v63  }
0x134: {  	_ =	swait.ge [sflag:s31], $0x40  }
0x135: {  	[sflag:s31] =	ssyncset.done $0x0  }
0x136: {  	[sflag:s31] =	ssyncadd.s32 $0xFFFFFFC0  }
0x137: {  	_ =	swait.ge [sflag:s31], $0x40  }
0x138: {  	[sflag:s31] =	ssyncset.done $0x0  }
0x139: {  	[sflag:s31] =	ssyncadd.s32 $0xFFFFFFC0  }
0x13a: {  	_ =	swait.ge [sflag:s31], $0x40  }
0x13b: {  	[sflag:s31] =	ssyncset.done $0x0  }
0x13c: {  	[sflag:s31] =	ssyncadd.s32 $0xFFFFFFC0  }
0x13d: {  	_ =	swait.ge [sflag:s31], $0x40  }
0x13e: {  	[sflag:s31] =	ssyncset.done $0x0  }
0x13f: {  	[sflag:s31] =	ssyncadd.s32 $0xFFFFFFC0  }
0x140: {  	[tilespmem:s13], [sflag:$0x4] =	stream.indirect.gather [hbm4b:s1+s0], $0x80, s9, s0, $0xb8;
	[tilespmem:$0x1D580] =	vst v63  }
0x141: {  	_ = 	snop  }
0x142: {  	[tilespmem:s14], [sflag:$0x5] =	stream.indirect.gather [hbm4b:s1+s0], $0x80, s11, s0, $0xb8;
	[tilespmem:$0x1D580] =	vst v63  }
0x143: {  	_ =	swait.ge [sflag:s15], $0x2000  }
0x144: {  	[sflag:s15] =	ssyncset.done $0x0  }
0x145: {  	[sflag:s15] =	ssyncadd.s32 $0xFFFFE000  }
0x146: {  	[spmem:s2] =	stream.indirect.scatter.add.f32 [tilespmem:s13], [sflag:$0x8], $0x80, s10, s0, $0xb8;
	[tilespmem:$0x1D580] =	vst v63  }
0x147: {  	_ =	swait.ge [sflag:s16], $0x2000  }
0x148: {  	[sflag:s16] =	ssyncset.done $0x0  }
0x149: {  	s19 =	simm.s32 $0x6;
	[sflag:s16] =	ssyncadd.s32 $0xFFFFE000  }
0x14a: {  	[spmem:s2] =	stream.indirect.scatter.add.f32 [tilespmem:s14], [sflag:$0x9], $0x80, s12, s0, $0xb8;
	[tilespmem:$0x1D580] =	vst v63  }
0x14b: {  	_ =	swait.ge [sflag:s19], $0x2000  }
0x14c: {  	[sflag:s19] =	ssyncset.done $0x0  }
0x14d: {  	s20 =	simm.s32 $0x7;
	[sflag:s19] =	ssyncadd.s32 $0xFFFFE000  }
0x14e: {  	_ =	swait.ge [sflag:s20], $0x2000  }
0x14f: {  	[sflag:s20] =	ssyncset.done $0x0  }
0x150: {  	s21 =	simm.s32 $0x8;
	[sflag:s20] =	ssyncadd.s32 $0xFFFFE000  }
0x151: {  	_ =	swait.ge [sflag:s21], $0x2000  }
0x152: {  	[sflag:s21] =	ssyncset.done $0x0  }
0x153: {  	s22 =	simm.s32 $0x9;
	[sflag:s21] =	ssyncadd.s32 $0xFFFFE000  }
0x154: {  	_ =	swait.ge [sflag:s22], $0x2000  }
0x155: {  	[sflag:s22] =	ssyncset.done $0x0  }
0x156: {  	s19 =	simm.s32 $0x13C80;
	s18 =	rddreg [dreg:$0x1b];
	[sflag:s22] =	ssyncadd.s32 $0xFFFFE000  }
0x157: {  	[tilespmem:s19], [sflag:$0xA] =	stream.linear.gather [hbm4b:s18+s4], $0x10, $0x38;
	[tilespmem:$0x1D580] =	vst v63  }
0x158: {  	_ =	swait.ge [sflag:s25], $0x10  }
0x159: {  	[sflag:s25] =	ssyncset.done $0x0  }
0x15a: {  	s21 =	simm.s32 $0x13D00;
	s20 =	rddreg [dreg:$0x1a];
	[sflag:s25] =	ssyncadd.s32 $0xFFFFFFF0  }
0x15b: {  	[tilespmem:s21], [sflag:$0xA] =	stream.linear.gather [hbm4b:s20+s4], $0x10, $0x38;
	[tilespmem:$0x1D580] =	vst v63  }
0x15c: {  	_ =	swait.ge [sflag:s25], $0x10  }
0x15d: {  	[sflag:s25] =	ssyncset.done $0x0  }
0x15e: {  	s22 =	simm.s32 $0x10;
	[sflag:s25] =	ssyncadd.s32 $0xFFFFFFF0  }
0x15f: {  	[tilespmem:s3], [sflag:$0x2] =	stream.indirect.gather [hbm4b:s1+s22], $0x80, s19, s22, $0xb8;
	[tilespmem:$0x1D580] =	vst v63  }
0x160: {  	_ =	swait.ge [sflag:s7], $0x800  }
0x161: {  	[sflag:s7] =	ssyncset.done $0x0  }
0x162: {  	[sflag:s7] =	ssyncadd.s32 $0xFFFFF800  }
0x163: {  	[spmem:s2] =	stream.indirect.scatter.add.f32 [tilespmem:s3], [sflag:$0xA], $0x80, s21, s22, $0xb8;
	[tilespmem:$0x1D580] =	vst v63  }
0x164: {  	_ =	swait.ge [sflag:s25], $0x800  }
0x165: {  	[sflag:s25] =	ssyncset.done $0x0  }
0x166: {  	[sflag:s25] =	ssyncadd.s32 $0xFFFFF800  }
0x167: {  	s18 =	stileid.u32;
	[bflag:$0x0] =	sbarrier.arrive $0xFFFF  }
0x168: {  	s17 =	sshll.u32 s18, $0x6;
	s20 =	rddreg [dreg:$0x19]  }
0x169: {  	s17 =	sor.u32 $0x1C0A, s17;
	s21 =	rddreg [dreg:$0x17];
	s19 =	sshrl.u32 s20, $0x3  }
0x16a: {  	[hbm:s21], [sflag:s17] =	dma.local [spmem:s19], $0x2700  }
0x16b: {  	_ =	swait.ge [sflag:s25], $0x2700  }
0x16c: {  	s18 =	sshrl.u32 @!p0 s5, $0x3;
	[sflag:s25] =	ssyncset.done $0x0  }
0x16d: {  	s19 =	smov.u32 s5;
	s5 =	rddreg [dreg:$0x1c];
	[sflag:s25] =	ssyncadd.s32 $0xFFFFD900  }
0x16e: {  	[hbm:s5], [sflag:s17] =	dma.local @!p0 [spmem:s18], $0x100  }
0x16f: {  	s17 =	simm.s32 @!p0 $0xA  }
0x170: {  	_ =	swait.ge @!p0 [sflag:s17], $0x100  }
0x171: {  	s23 =	sadd.s32 $0x1, s23;
	s22 =	rddreg [dreg:$0x1d]  }
0x172: {  	p1 =	sne.s32 s23, s22  }
.Ltmp2:
0x173: {  	_ = 	snop;
	(pc) =	sbr.rel @p1 .LBB2_1-.Ltmp2, $3  }
0x174: {  	_ =	sdelay $0x1  }
0x175: {  	[sflag:s17] =	ssyncset.done @!p0 $0x0  }
0x176: {  	[sflag:s17] =	ssyncadd.s32 @!p0 $0xFFFFFF00  }
0x177: {  	_ =	sfence.sel $0x180000  }
0x178: {  	[bflag:$0x0] =	sbarrier.arrive $0xFFFF  }
0x179: {  	_ =	strace $0x9000004D  }
0x17a: {  	s0 =	stileid.u32;
	[bflag:$0x2] =	sbarrier.arrive $0xFFFF  }
0x17b: {  	p0 =	sne.s32 s0, $0x0;
	s0 =	rddreg [dreg:$0x3]  }
0x17c: {  	s0 =	sadd.s32 @!p0 $0x100000, s0  }
0x17d: {  	[sflag:s0] =	ssyncadd.tile.s32 @!p0 $0x1;
	_ =	shalt  }
.Lfunc_end2:
_tile_overlayer_lowered:
.L_overlay_start_2:
0x17e: {  	(tag) =	ssettag $0x2  }
0x17f: {  	s0 =	rddreg [dreg:$0x0];
	s2 =	stileid.u32  }
0x180: {  	s1 =	rddreg [dreg:$0x1];
	p0 =	sne.s32 s2, $0x0  }
0x181: {  	s3 =	rddreg [dreg:$0x2];
	[bflag:$0x3] =	sbarrier.arrive $0xFFFF;
	s2 =	simm.s32 @!p0 $0x1C0A  }
0x182: {  	[timem:s3], [sflag:s2] =	dma.local @!p0 [hbm:s0], s1  }
0x183: {  	s0 =	simm.s32 @!p0 $0xA  }
0x184: {  	_ =	swait.ge @!p0 [sflag:s0], s1  }
0x185: {  	s1 =	ssub.s32 @!p0 $0x0, s1;
	[sflag:s0] =	ssyncset.done @!p0 $0x0  }
0x186: {  	[sflag:s0] =	ssyncadd.s32 @!p0 s1  }
0x187: {  	[bflag:$0x3] =	sbarrier.arrive $0xFFFF  }
0x188: {  	_ =	shalt  }

// kernel: kernel.9.cloned.1.call-start
scs
__scs_entry_jumppad:
0x0: {  	(pc) =	sbr.rel $0x88, $3  }
0x1: {  	(tag) =	ssettag $0x0;
	lr =	simm.s32 $0x1  }
0x2: {  	[smem:$0x3F99] =	sst lr;
	_ =	strace $0xD0000000  }
0x3: {  	_ = 	snop  }
0x4: {  	_ = 	snop  }
0x5: {  	_ = 	snop  }
0x6: {  	_ = 	snop  }
0x7: {  	_ = 	snop  }
__scs_overlays_trampoline_lowered:
0x8: {  	[smem:$0x3FA8] =	sst s0  }
0x9: {  	[smem:$0x3FA9] =	sst s1  }
0xa: {  	[smem:$0x3FAA] =	sst s2  }
0xb: {  	[smem:$0x3FAB] =	sst s3  }
0xc: {  	[smem:$0x3FAC] =	sst s4  }
0xd: {  	[smem:$0x3FAD] =	sst s5  }
0xe: {  	[smem:$0x3FAE] =	sst s6  }
0xf: {  	[smem:$0x3FAF] =	sst s7  }
0x10: {  	[smem:$0x3FB0] =	sst s8  }
0x11: {  	[smem:$0x3FB1] =	sst s9;
	s0 =	simm.s32 @!p0 $0x0  }
0x12: {  	s1 =	sld [smem:$0x3F97];
	s0 =	simm.s32 @p0 $0x1  }
0x13: {  	[smem:$0x3FB2] =	sst s0;
	s0 =	simm.s32 @!p1 $0x0  }
0x14: {  	s2 =	sld [smem:$0x3F96];
	s0 =	simm.s32 @p1 $0x1  }
0x15: {  	[smem:$0x3FB3] =	sst s0;
	s0 =	simm.s32 @!p2 $0x0  }
0x16: {  	s3 =	sld [smem:$0x3FDB];
	s0 =	simm.s32 @p2 $0x1  }
0x17: {  	s4 =	simm.s32 $0x1BF5;
	[smem:$0x3FB5] =	sst s0  }
0x18: {  	s0 =	sld [smem:$0x3F98];
	_ =	swait.ge [sflag:s4], $0x0  }
0x19: {  	s7 =	sld [smem:$0x3F99]  }
0x1a: {  	s8 =	sadd.s32 $0xFFFFE003, lr  }
0x1b: {  	s9 =	sadd.s32 $0xFFFFFEF7, lr;
	s5 =	simm.s32 $0xFFFFFFFF;
	p2 =	slt.u32 s8, $0xFFFFF086  }
0x1c: {  	p1 =	slt.u32 s9, $0xF7A;
	s5 =	simm.s32 @!p2 $0x0  }
0x1d: {  	s5 =	simm.s32 @p1 $0x1;
	p0 =	seq.s32 s7, s2  }
0x1e: {  	s7 =	smul.u32 @!p0 $0xF7A, s2;
	p2 =	seq.s32 @!p0 s5, $0x0  }
0x1f: {  	s9 =	smul.u32 $0xF7A, s1;
	s8 =	simm.s32 @!p0 $0x1BF5;
	p2 =	por !p2, p0  }
0x20: {  	[sflag:s8] =	ssyncset.s32 @!p0 $0xFFFFF086;
	s6 =	sadd.s32 @!p0 s3, s7;
	s7 =	simm.s32 @!p0 $0x108  }
0x21: {  	s3 =	sadd.s32 s3, s9;
	s6 =	sadd.s32 @!p0 $0x88, s6;
	s7 =	simm.s32 @p2 $0x1082  }
0x22: {  	[simem:s7], [sflag:s8] =	dma.local @!p0 [hbm:s6], $0xF7A  }
0x23: {  	s9 =	sor.u32 $0xD0000000, s2;
	s6 =	simm.s32 $0x108;
	_ =	swait.ge @!p0 [sflag:s8], $0x0  }
0x24: {  	s3 =	sadd.s32 $0x88, s3;
	s6 =	simm.s32 @!p1 $0x1082;
	[sflag:s4] =	ssyncset.s32 $0xFFFFF086  }
0x25: {  	[simem:s6], [sflag:s4] =	dma.local [hbm:s3], $0xF7A  }
0x26: {  	[smem:$0x3F99] =	sst s1;
	(tag) =	ssettag s2;
	_ =	strace s9  }
0x27: {  	s1 =	sld [smem:$0x3FA9]  }
0x28: {  	s2 =	sld [smem:$0x3FAA]  }
0x29: {  	s4 =	sld [smem:$0x3FAC]  }
0x2a: {  	p0 =	seq.s32 s5, $0x0;
	s5 =	sld [smem:$0x3FAD]  }
0x2b: {  	s6 =	sld [smem:$0x3FAE]  }
0x2c: {  	s7 =	sld [smem:$0x3FAF]  }
0x2d: {  	s3 =	simm.s32 $0x108;
	s8 =	sld [smem:$0x3FB0]  }
0x2e: {  	s3 =	simm.s32 @!p0 $0x1082;
	s9 =	sld [smem:$0x3FB1]  }
0x2f: {  	lr =	sadd.s32 s0, s3;
	s0 =	sld [smem:$0x3FA8]  }
0x30: {  	s3 =	sld [smem:$0x3FAB]  }
0x31: {  	[smem:$0x3FB4] =	sst s10  }
0x32: {  	s10 =	sld [smem:$0x3FB2];
	_ =	sdelay $0x3  }
0x33: {  	p0 =	seq.s32 s10, $0x1;
	s10 =	sld [smem:$0x3FB4];
	_ =	sdelay $0x3  }
0x34: {  	[smem:$0x3FB4] =	sst s10  }
0x35: {  	s10 =	sld [smem:$0x3FB3];
	_ =	sdelay $0x3  }
0x36: {  	p1 =	seq.s32 s10, $0x1;
	s10 =	sld [smem:$0x3FB4];
	_ =	sdelay $0x3  }
0x37: {  	[smem:$0x3FB4] =	sst s10  }
0x38: {  	s10 =	sld [smem:$0x3FB5]  }
0x39: {  	_ = 	snop;
	(pc) =	sbr.ind lr, $3  }
0x3a: {  	_ = 	snop  }
0x3b: {  	_ = 	snop  }
0x3c: {  	p2 =	seq.s32 s10, $0x1;
	s10 =	sld [smem:$0x3FB4]  }
0x3d: {  	_ =	shalt  }
0x3e: {  	_ =	shalt  }
0x3f: {  	_ =	shalt  }
0x40: {  	_ =	shalt  }
0x41: {  	_ =	shalt  }
0x42: {  	_ =	shalt  }
0x43: {  	_ =	shalt  }
0x44: {  	_ =	shalt  }
0x45: {  	_ =	shalt  }
0x46: {  	_ =	shalt  }
0x47: {  	_ =	shalt  }
0x48: {  	_ =	shalt  }
0x49: {  	_ =	shalt  }
0x4a: {  	_ =	shalt  }
0x4b: {  	_ =	shalt  }
0x4c: {  	_ =	shalt  }
0x4d: {  	_ =	shalt  }
0x4e: {  	_ =	shalt  }
0x4f: {  	_ =	shalt  }
0x50: {  	_ =	shalt  }
0x51: {  	_ =	shalt  }
0x52: {  	_ =	shalt  }
0x53: {  	_ =	shalt  }
0x54: {  	_ =	shalt  }
0x55: {  	_ =	shalt  }
0x56: {  	_ =	shalt  }
0x57: {  	_ =	shalt  }
0x58: {  	_ =	shalt  }
0x59: {  	_ =	shalt  }
0x5a: {  	_ =	shalt  }
0x5b: {  	_ =	shalt  }
0x5c: {  	_ =	shalt  }
0x5d: {  	_ =	shalt  }
0x5e: {  	_ =	shalt  }
0x5f: {  	_ =	shalt  }
0x60: {  	_ =	shalt  }
0x61: {  	_ =	shalt  }
0x62: {  	_ =	shalt  }
0x63: {  	_ =	shalt  }
0x64: {  	_ =	shalt  }
0x65: {  	_ =	shalt  }
0x66: {  	_ =	shalt  }
0x67: {  	_ =	shalt  }
0x68: {  	_ =	shalt  }
0x69: {  	_ =	shalt  }
0x6a: {  	_ =	shalt  }
0x6b: {  	_ =	shalt  }
0x6c: {  	_ =	shalt  }
0x6d: {  	_ =	shalt  }
0x6e: {  	_ =	shalt  }
0x6f: {  	_ =	shalt  }
0x70: {  	_ =	shalt  }
0x71: {  	_ =	shalt  }
0x72: {  	_ =	shalt  }
0x73: {  	_ =	shalt  }
0x74: {  	_ =	shalt  }
0x75: {  	_ =	shalt  }
0x76: {  	_ =	shalt  }
0x77: {  	_ =	shalt  }
0x78: {  	_ =	shalt  }
0x79: {  	_ =	shalt  }
0x7a: {  	_ =	shalt  }
0x7b: {  	_ =	shalt  }
0x7c: {  	_ =	shalt  }
0x7d: {  	_ =	shalt  }
0x7e: {  	_ =	shalt  }
0x7f: {  	_ =	shalt  }
0x80: {  	_ =	shalt  }
0x81: {  	_ =	shalt  }
0x82: {  	_ =	shalt  }
0x83: {  	_ =	shalt  }
0x84: {  	_ =	shalt  }
0x85: {  	_ =	shalt  }
0x86: {  	_ =	shalt  }
0x87: {  	_ =	shalt  }
.Lfunc_end0:
.L_simem_size_0:
called_computation_lowered:
.L_overlay_start_0:
0x88: {  	s2 =	sld [smem:$0x3FD9]  }
0x89: {  	s3 =	sld [smem:$0x3FFE];
	_ =	sdelay $0x1  }
0x8a: {  	s1 =	srdreg.scid  }
0x8b: {  	s0 =	sand.u32 $0x1, s1  }
0x8c: {  	s16 =	sshll.u32 s0, $0xA;
	s2 =	sadd.s32 s3, s2  }
0x8d: {  	s2 =	sadd.s32 s2, s16  }
0x8e: {  	[smem:$0x3FC0] =	sst s2  }
0x8f: {  	_ = 	snop  }
0x90: {  	(tm) =	ssettm $0x1  }
0x91: {  	s17 =	sld [smem:$0x3FFB];
	_ =	sdelay $0x3  }
0x92: {  	_ =	strace s17  }
0x93: {  	s2 =	sld [smem:$0x3FFC];
	_ =	sdelay $0x3  }
0x94: {  	_ =	strace s2  }
0x95: {  	s2 =	sld [smem:$0x3FFD];
	_ =	sdelay $0x3  }
0x96: {  	_ =	strace s2  }
0x97: {  	_ =	strace $0x8FFFFFFF  }
0x98: {  	s18 =	sld [smem:$0x3FDB];
	_ =	sdelay $0x1  }
0x99: {  	s19 =	simm.s32 $_scs_section_size  }
0x9a: {  	s4 =	simm.s32 $_size__tile_overlayer_lowered;
	s5 =	simm.s32 $_tile_overlayer_lowered  }
0x9b: {  	s22 =	simm.s32 $0x1BFF;
	s21 =	sshll.u32 s5, $0x1;
	s2 =	sadd.s32 s19, s18  }
0x9c: {  	s6 =	simm.s32 $0x0;
	s20 =	sshll.u32 s4, $0x1;
	s4 =	sadd.s32 s21, s2  }
0x9d: {  	[timem:s6], [sflag:s22] =	dma.local [hbm:s4], s20  }
0x9e: {  	_ =	swait.ge [sflag:s22], s20  }
0x9f: {  	s3 =	ssub.s32 $0x0, s20;
	[sflag:s22] =	ssyncset.done $0x0  }
0xa0: {  	[sflag:s22] =	ssyncadd.s32 s3;
	_ =	sdelay $0x1  }
0xa1: {  	s23 =	simm.s32 $0x1B8B  }
0xa2: {  	_ =	swait.ge [sflag:s23], $0x1  }
0xa3: {  	[sflag:s23] =	ssyncset.done $0x0  }
0xa4: {  	s25 =	simm.s32 $0x1B8E;
	s24 =	sld [smem:$0x3FFE];
	[sflag:s23] =	ssyncadd.s32 $0xFFFFFFFF  }
0xa5: {  	s26 =	simm.s32 $execute0_lowered;
	[smem:$0x3FD2] =	sst s25  }
0xa6: {  	s4 =	sshll.u32 s26, $0x1;
	_ =	strace $0x80000046;
	[dreg:$0x1] =	wrdreg $0xFFFFFFFF  }
0xa7: {  	s28 =	simm.s32 $_size_execute0_lowered;
	s2 =	sadd.s32 s2, s4;
	[dreg:$0x0] =	wrdreg $0x0  }
0xa8: {  	s4 =	sshll.u32 s28, $0x1;
	[dreg:$0x2] =	wrdreg s2  }
0xa9: {  	[dreg:$0x3] =	wrdreg s4  }
0xaa: {  	[dreg:$0x4] =	wrdreg $0xC0  }
0xab: {  	_ =	task [dreg:s6], $0x5FFFF  }
0xac: {  	[dreg:$0x1] =	wrdreg $0xFFFFFFFF  }
0xad: {  	[dreg:$0x0] =	wrdreg $0x60  }
0xae: {  	[dreg:$0x2] =	wrdreg s24  }
0xaf: {  	[dreg:$0x3] =	wrdreg $0x0  }
0xb0: {  	[dreg:$0x4] =	wrdreg $0x9  }
0xb1: {  	_ =	task.clear_ibuf [dreg:s6], $0x5FFFF;
	_ =	strace $0x90000046  }
0xb2: {  	s29 =	simm.s32 $0x9;
	_ =	strace $0x80000048  }
0xb3: {  	_ =	swait.ge [sflag:s29], $0x1  }
0xb4: {  	[sflag:s29] =	ssyncadd.s32 $0xFFFFFFFF  }
0xb5: {  	_ =	strace $0x90000048  }
0xb6: {  	_ =	sfence  }
0xb7: {  	s30 =	sld [smem:$0x0];
	_ =	sdelay $0x2  }
0xb8: {  	s31 =	sshll.u32 s1, $0xD;
	s1 =	sshrl.u32 s1, $0x2  }
0xb9: {  	s3 =	sand.u32 $0x4000, s31;
	s1 =	sadd.s32 s1, s30  }
0xba: {  	s0 =	sor.u32 s3, s0;
	s1 =	sshll.u32 s1, $0x11  }
0xbb: {  	s0 =	sor.u32 s1, s0  }
0xbc: {  	s0 =	sadd.s32 $0x8F2B, s0  }
0xbd: {  	[sflag:s0] =	ssyncadd.remote.s32 $0x1  }
0xbe: {  	_ =	sfence.sel $0xFFFF  }
0xbf: {  	[dreg:$0x0] =	wrdreg $0xFFFFFFFF;
	(pc) =	sbr.abs _section_cstart, $3  }
0xc0: {  	[dreg:$0x1] =	wrdreg $0xFFFFFFFF  }
0xc1: {  	_ =	task.clear_ibuf [dreg:s6], $0x2FFFF;
	_ =	strace $0x9FFFFFFF  }
0xc2: {  	(tm) =	ssettm $0x7FFFFFFF  }
0xc3: {  	_ =	shalt  }
tec
execute0_lowered:
.L_overlay_start_1:
0x0: {  	(tag) =	ssettag $0x1  }
0x1: {  	s0 =	rddreg [dreg:$0x0]  }
0x2: {  	s2 =	rddreg [dreg:$0x1]  }
0x3: {  	s3 =	simm.s32 $0x0;
	s1 =	srdreg.scid;
	s11 =	stileid.u32  }
0x4: {  	[smem:$0x7FF] =	sst s3;
	s1 =	sand.u32 $0x1, s1;
	s5 =	smul.u32 $0x4E000, s11  }
0x5: {  	s4 =	sadd.s32 $0xC400, s0;
	s0 =	sadd.s32 $0x16200, s0;
	s23 =	smul.u32 $0x2700, s11  }
0x6: {  	s17 =	smul.u32 $0x2710, s11;
	p0 =	sne.s32 s11, $0xF;
	s5 =	sshrl.u32 s5, $0x2  }
0x7: {  	_ =	strace $0x80000047;
	s6 =	ssub.s32 $0x2, s1;
	s5 =	sadd.s32 s5, s2  }
0x8: {  	s28 =	sshll.u32 s1, $0x4;
	s15 =	smul.u32 $0x138800, s1;
	s8 =	sadd.s32 $0x1800, s5  }
0x9: {  	s1 =	smul.u32 $0x27100, s1;
	s24 =	sadd.s32 $0x3000, s5;
	[dreg:$0x3] =	wrdreg s8  }
0xa: {  	s7 =	sshrl.u32 s6, $0x1;
	s25 =	sadd.s32 $0x4800, s5;
	[dreg:$0x4] =	wrdreg s24  }
0xb: {  	s6 =	ssub.s32 s6, s7;
	s26 =	sadd.s32 $0x6000, s5;
	[dreg:$0x5] =	wrdreg s25  }
0xc: {  	s7 =	sadd.s32 s23, s1;
	s9 =	sadd.s32 $0x7800, s5;
	[dreg:$0x6] =	wrdreg s26  }
0xd: {  	s21 =	sadd.s32 s17, s1;
	s29 =	sadd.s32 $0x9000, s5;
	[dreg:$0x7] =	wrdreg s9  }
0xe: {  	s17 =	simm.s32 $0x13A80;
	s10 =	sadd.s32 $0xA800, s5;
	[dreg:$0x8] =	wrdreg s29  }
0xf: {  	s12 =	sadd.s32 $0xC000, s5;
	s13 =	sadd.s32 $0xD800, s5;
	[dreg:$0x9] =	wrdreg s10  }
0x10: {  	s14 =	sadd.s32 $0xF000, s5;
	s16 =	sadd.s32 $0x12000, s5;
	[dreg:$0xa] =	wrdreg s12  }
0x11: {  	s23 =	smax.u32 s6, $0x1;
	s22 =	sadd.s32 $0x100, s21;
	[dreg:$0xb] =	wrdreg s13  }
0x12: {  	s6 =	simm.s32 $0x13880;
	s8 =	sor.u32 s11, s28;
	[dreg:$0xc] =	wrdreg s14  }
0x13: {  	s10 =	sadd.s32 $0x10800, s5;
	[dreg:$0xe] =	wrdreg s16;
	s9 =	sshrl.u32 s15, $0x3  }
0x14: {  	[dreg:$0x11] =	wrdreg s23;
	s24 =	sadd.s32 $0x1C0, s21;
	s25 =	sadd.s32 $0x180, s21  }
0x15: {  	s11 =	simm.s32 $0x13980;
	s12 =	simm.s32 $0x13A00;
	s13 =	simm.s32 $0x2  }
0x16: {  	s14 =	simm.s32 $0x3;
	s15 =	simm.s32 $0x4;
	s16 =	simm.s32 $0x5  }
0x17: {  	s8 =	smul.u32 $0x2710, s8;
	[dreg:$0xd] =	wrdreg s10;
	s19 =	sadd.s32 s0, s9  }
0x18: {  	s0 =	sadd.s32 s0, s7;
	s1 =	sshrl.u32 s24, $0x3;
	s26 =	sshrl.u32 s25, $0x3  }
0x19: {  	s7 =	simm.s32 $0x13900;
	s9 =	simm.s32 $0x40;
	s10 =	simm.s32 $0x13B00  }
0x1a: {  	[dreg:$0xf] =	wrdreg s0;
	s20 =	sadd.s32 $0x27000, s19;
	s0 =	sadd.s32 $0x140, s21  }
0x1b: {  	s23 =	sadd.s32 s1, s4;
	s24 =	sadd.s32 s26, s4;
	s26 =	sadd.s32 $0x138000, s2  }
0x1c: {  	s1 =	simm.s32 $0x6;
	s19 =	simm.s32 $0x0;
	s8 =	sshrl.u32 s8, $0x3  }
0x1d: {  	[dreg:$0x10] =	wrdreg s20;
	s0 =	sshrl.u32 s0, $0x3;
	s18 =	sadd.s32 s4, s8  }
0x1e: {  	s25 =	sadd.s32 s0, s4;
	s0 =	simm.s32 $0x15B00;
	s28 =	sadd.s32 $0x4E0, s18  }
0x1f: {  	s8 =	simm.s32 $0x1;
	s29 =	sadd.s32 $0x8, s18;
	[dreg:$0x12] =	wrdreg s28  }
0x20: {  	v0 =	vimm.f32 $0.0e+00;
	v1 =	vimm.f32 $1.000000000e+00;
	s30 =	sadd.s32 $0x10, s18;
	s31 =	sadd.s32 $0x18, s18;
	[dreg:$0x13] =	wrdreg s29  }
.LBB2_1:
0x21: {  	s20 =	simm.s32 $0x70;
	s21 =	simm.s32 $0x3C0  }
.LBB2_2:
0x22: {  	p1 =	sne.s32 s21, $0x5FC0;
	[tilespmem:s20+$0x15B00] =	vst v0  }
0x23: {  	[tilespmem:s20+$0x15A90] =	vst v0  }
0x24: {  	[tilespmem:s20+$0x15AA0] =	vst v0  }
.Ltmp0:
0x25: {  	[tilespmem:s20+$0x15AB0] =	vst v0;
	(pc) =	sbr.rel @p1 .LBB2_2-.Ltmp0, $4  }
0x26: {  	[tilespmem:s20+$0x15AC0] =	vst v0  }
0x27: {  	[tilespmem:s20+$0x15AD0] =	vst v0  }
0x28: {  	[tilespmem:s20+$0x15AE0] =	vst v0  }
0x29: {  	[tilespmem:s20+$0x15AF0] =	vst v0;
	s20 =	sshra.s32 s21, $0x2;
	s21 =	sadd.s32 $0x200, s21  }
0x2a: {  	[tilespmem:s20+$0x15B00] =	vst v0  }
0x2b: {  	[tilespmem:s20+$0x15A90] =	vst v0  }
0x2c: {  	[tilespmem:s20+$0x15AA0] =	vst v0  }
0x2d: {  	[tilespmem:s20+$0x15AB0] =	vst v0  }
0x2e: {  	[tilespmem:s20+$0x15AC0] =	vst v0  }
0x2f: {  	[tilespmem:s20+$0x15AD0] =	vst v0  }
0x30: {  	[tilespmem:s20+$0x15AE0] =	vst v0  }
0x31: {  	[tilespmem:s20+$0x15AF0] =	vst v0;
	s20 =	simm.s32 $0x0;
	s21 =	simm.s32 $0x200  }
.LBB2_4:
0x32: {  	p1 =	sne.s32 s21, $0x7E00;
	[tilespmem:s20+$0x13B70] =	vst v1  }
0x33: {  	[tilespmem:s20+$0x13B00] =	vst v1  }
0x34: {  	[tilespmem:s20+$0x13B10] =	vst v1  }
.Ltmp1:
0x35: {  	[tilespmem:s20+$0x13B20] =	vst v1;
	(pc) =	sbr.rel @p1 .LBB2_4-.Ltmp1, $4  }
0x36: {  	[tilespmem:s20+$0x13B30] =	vst v1  }
0x37: {  	[tilespmem:s20+$0x13B40] =	vst v1  }
0x38: {  	[tilespmem:s20+$0x13B50] =	vst v1  }
0x39: {  	[tilespmem:s20+$0x13B60] =	vst v1;
	s20 =	sshra.s32 s21, $0x2;
	s21 =	sadd.s32 $0x200, s21  }
0x3a: {  	[tilespmem:s20+$0x13B70] =	vst v1  }
0x3b: {  	[tilespmem:s20+$0x13B00] =	vst v1  }
0x3c: {  	[tilespmem:s20+$0x13B10] =	vst v1  }
0x3d: {  	[tilespmem:s20+$0x13B20] =	vst v1  }
0x3e: {  	[tilespmem:s20+$0x13B30] =	vst v1  }
0x3f: {  	[tilespmem:s20+$0x13B40] =	vst v1  }
0x40: {  	[tilespmem:s20+$0x13B50] =	vst v1  }
0x41: {  	[tilespmem:s20+$0x13B60] =	vst v1  }
0x42: {  	[spmem:s5] =	stream.linear.scatter [tilespmem:s0], [sflag:$0x6], $0x1800, $0x38;
	[tilespmem:$0x17300] =	vst v63  }
0x43: {  	_ =	swait.ge [sflag:s1], $0x1800  }
0x44: {  	[sflag:s1] =	ssyncset.done $0x0  }
0x45: {  	s28 =	rddreg [dreg:$0x3];
	[sflag:s1] =	ssyncadd.s32 $0xFFFFE800  }
0x46: {  	[spmem:s28] =	stream.linear.scatter [tilespmem:s0], [sflag:$0x6], $0x1800, $0x38;
	[tilespmem:$0x17300] =	vst v63  }
0x47: {  	_ =	swait.ge [sflag:s1], $0x1800  }
0x48: {  	[sflag:s1] =	ssyncset.done $0x0  }
0x49: {  	s29 =	rddreg [dreg:$0x4];
	[sflag:s1] =	ssyncadd.s32 $0xFFFFE800  }
0x4a: {  	[spmem:s29] =	stream.linear.scatter [tilespmem:s0], [sflag:$0x6], $0x1800, $0x38;
	[tilespmem:$0x17300] =	vst v63  }
0x4b: {  	_ =	swait.ge [sflag:s1], $0x1800  }
0x4c: {  	[sflag:s1] =	ssyncset.done $0x0  }
0x4d: {  	s21 =	rddreg [dreg:$0x5];
	[sflag:s1] =	ssyncadd.s32 $0xFFFFE800  }
0x4e: {  	[spmem:s21] =	stream.linear.scatter [tilespmem:s0], [sflag:$0x6], $0x1800, $0x38;
	[tilespmem:$0x17300] =	vst v63  }
0x4f: {  	_ =	swait.ge [sflag:s1], $0x1800  }
0x50: {  	[sflag:s1] =	ssyncset.done $0x0  }
0x51: {  	s28 =	rddreg [dreg:$0x6];
	[sflag:s1] =	ssyncadd.s32 $0xFFFFE800  }
0x52: {  	[spmem:s28] =	stream.linear.scatter [tilespmem:s0], [sflag:$0x6], $0x1800, $0x38;
	[tilespmem:$0x17300] =	vst v63  }
0x53: {  	_ =	swait.ge [sflag:s1], $0x1800  }
0x54: {  	[sflag:s1] =	ssyncset.done $0x0  }
0x55: {  	s29 =	rddreg [dreg:$0x7];
	[sflag:s1] =	ssyncadd.s32 $0xFFFFE800  }
0x56: {  	[spmem:s29] =	stream.linear.scatter [tilespmem:s0], [sflag:$0x6], $0x1800, $0x38;
	[tilespmem:$0x17300] =	vst v63  }
0x57: {  	_ =	swait.ge [sflag:s1], $0x1800  }
0x58: {  	[sflag:s1] =	ssyncset.done $0x0  }
0x59: {  	s21 =	rddreg [dreg:$0x8];
	[sflag:s1] =	ssyncadd.s32 $0xFFFFE800  }
0x5a: {  	[spmem:s21] =	stream.linear.scatter [tilespmem:s0], [sflag:$0x6], $0x1800, $0x38;
	[tilespmem:$0x17300] =	vst v63  }
0x5b: {  	_ =	swait.ge [sflag:s1], $0x1800  }
0x5c: {  	[sflag:s1] =	ssyncset.done $0x0  }
0x5d: {  	s28 =	rddreg [dreg:$0x9];
	[sflag:s1] =	ssyncadd.s32 $0xFFFFE800  }
0x5e: {  	[spmem:s28] =	stream.linear.scatter [tilespmem:s0], [sflag:$0x6], $0x1800, $0x38;
	[tilespmem:$0x17300] =	vst v63  }
0x5f: {  	_ =	swait.ge [sflag:s1], $0x1800  }
0x60: {  	[sflag:s1] =	ssyncset.done $0x0  }
0x61: {  	s29 =	rddreg [dreg:$0xa];
	[sflag:s1] =	ssyncadd.s32 $0xFFFFE800  }
0x62: {  	[spmem:s29] =	stream.linear.scatter [tilespmem:s0], [sflag:$0x6], $0x1800, $0x38;
	[tilespmem:$0x17300] =	vst v63  }
0x63: {  	_ =	swait.ge [sflag:s1], $0x1800  }
0x64: {  	[sflag:s1] =	ssyncset.done $0x0  }
0x65: {  	s21 =	rddreg [dreg:$0xb];
	[sflag:s1] =	ssyncadd.s32 $0xFFFFE800  }
0x66: {  	[spmem:s21] =	stream.linear.scatter [tilespmem:s0], [sflag:$0x6], $0x1800, $0x38;
	[tilespmem:$0x17300] =	vst v63  }
0x67: {  	_ =	swait.ge [sflag:s1], $0x1800  }
0x68: {  	[sflag:s1] =	ssyncset.done $0x0  }
0x69: {  	s28 =	rddreg [dreg:$0xc];
	[sflag:s1] =	ssyncadd.s32 $0xFFFFE800  }
0x6a: {  	[spmem:s28] =	stream.linear.scatter [tilespmem:s0], [sflag:$0x6], $0x1800, $0x38;
	[tilespmem:$0x17300] =	vst v63  }
0x6b: {  	_ =	swait.ge [sflag:s1], $0x1800  }
0x6c: {  	[sflag:s1] =	ssyncset.done $0x0  }
0x6d: {  	s29 =	rddreg [dreg:$0xd];
	[sflag:s1] =	ssyncadd.s32 $0xFFFFE800  }
0x6e: {  	[spmem:s29] =	stream.linear.scatter [tilespmem:s0], [sflag:$0x6], $0x1800, $0x38;
	[tilespmem:$0x17300] =	vst v63  }
0x6f: {  	_ =	swait.ge [sflag:s1], $0x1800  }
0x70: {  	[sflag:s1] =	ssyncset.done $0x0  }
0x71: {  	s21 =	rddreg [dreg:$0xe];
	[sflag:s1] =	ssyncadd.s32 $0xFFFFE800  }
0x72: {  	[spmem:s21] =	stream.linear.scatter [tilespmem:s0], [sflag:$0x6], $0x1800, $0x38;
	[tilespmem:$0x17300] =	vst v63  }
0x73: {  	_ =	swait.ge [sflag:s1], $0x1800  }
0x74: {  	[sflag:s1] =	ssyncset.done $0x0  }
0x75: {  	s20 =	simm.s32 @!p0 $0x15B00;
	[sflag:s1] =	ssyncadd.s32 $0xFFFFE800  }
0x76: {  	[spmem:s26] =	stream.linear.scatter @!p0 [tilespmem:s20], [sflag:$0x6], $0x800, $0x38;
	[tilespmem:$0x17300] =	vst v63  }
0x77: {  	s20 =	simm.s32 @!p0 $0x6  }
0x78: {  	_ =	swait.ge @!p0 [sflag:s20], $0x800  }
0x79: {  	[sflag:s20] =	ssyncset.done @!p0 $0x0  }
0x7a: {  	[sflag:s20] =	ssyncadd.s32 @!p0 $0xFFFFF800  }
0x7b: {  	s28 =	simm.s32 $0x0;
	[bflag:$0x0] =	sbarrier.arrive $0xFFFF  }
0x7c: {  	[tilespmem:s6], [sflag:$0x1] =	stream.linear.gather [hbm4b:s18+s28], $0x40, $0x38;
	[tilespmem:$0x17300] =	vst v63  }
0x7d: {  	s21 =	rddreg [dreg:$0x13]  }
0x7e: {  	[tilespmem:s7], [sflag:$0x1] =	stream.linear.gather [hbm4b:s21+s28], $0x40, $0x38;
	[tilespmem:$0x17300] =	vst v63  }
0x7f: {  	_ =	swait.ge [sflag:s8], $0x40  }
0x80: {  	[sflag:s8] =	ssyncset.done $0x0  }
0x81: {  	[sflag:s8] =	ssyncadd.s32 $0xFFFFFFC0  }
0x82: {  	_ =	swait.ge [sflag:s8], $0x40  }
0x83: {  	[sflag:s8] =	ssyncset.done $0x0  }
0x84: {  	[sflag:s8] =	ssyncadd.s32 $0xFFFFFFC0  }
0x85: {  	[spmem:s2] =	stream.indirect.scatter.add.f32 [tilespmem:s10], [sflag:$0x2], $0x80, s6, s9, $0xb8;
	[tilespmem:$0x17300] =	vst v63  }
0x86: {  	_ = 	snop  }
0x87: {  	[spmem:s2] =	stream.indirect.scatter.add.f32 [tilespmem:s10], [sflag:$0x3], $0x80, s7, s9, $0xb8;
	[tilespmem:$0x17300] =	vst v63  }
0x88: {  	_ = 	snop  }
0x89: {  	[tilespmem:s11], [sflag:$0x1] =	stream.linear.gather [hbm4b:s30+s28], $0x40, $0x38;
	[tilespmem:$0x17300] =	vst v63  }
0x8a: {  	_ = 	snop  }
0x8b: {  	[tilespmem:s12], [sflag:$0x1] =	stream.linear.gather [hbm4b:s31+s28], $0x40, $0x38;
	[tilespmem:$0x17300] =	vst v63  }
0x8c: {  	_ =	swait.ge [sflag:s8], $0x40  }
0x8d: {  	[sflag:s8] =	ssyncset.done $0x0  }
0x8e: {  	[sflag:s8] =	ssyncadd.s32 $0xFFFFFFC0  }
0x8f: {  	_ =	swait.ge [sflag:s8], $0x40  }
0x90: {  	[sflag:s8] =	ssyncset.done $0x0  }
0x91: {  	[sflag:s8] =	ssyncadd.s32 $0xFFFFFFC0  }
0x92: {  	[spmem:s2] =	stream.indirect.scatter.add.f32 [tilespmem:s10], [sflag:$0x4], $0x80, s11, s9, $0xb8;
	[tilespmem:$0x17300] =	vst v63  }
0x93: {  	_ = 	snop  }
0x94: {  	[spmem:s2] =	stream.indirect.scatter.add.f32 [tilespmem:s10], [sflag:$0x5], $0x80, s12, s9, $0xb8;
	[tilespmem:$0x17300] =	vst v63  }
0x95: {  	_ =	swait.ge [sflag:s13], $0x2000  }
0x96: {  	[sflag:s13] =	ssyncset.done $0x0  }
0x97: {  	[sflag:s13] =	ssyncadd.s32 $0xFFFFE000  }
0x98: {  	_ =	swait.ge [sflag:s14], $0x2000  }
0x99: {  	s29 =	sshrl.u32 s22, $0x3;
	[sflag:s14] =	ssyncset.done $0x0  }
0x9a: {  	s20 =	sadd.s32 s4, s29;
	[sflag:s14] =	ssyncadd.s32 $0xFFFFE000  }
0x9b: {  	[tilespmem:s6], [sflag:$0x1] =	stream.linear.gather [hbm4b:s20+s3], $0x40, $0x38;
	[tilespmem:$0x17300] =	vst v63  }
0x9c: {  	s21 =	sadd.s32 $0x0, s25  }
0x9d: {  	[tilespmem:s7], [sflag:$0x1] =	stream.linear.gather [hbm4b:s21+s3], $0x40, $0x38;
	[tilespmem:$0x17300] =	vst v63  }
0x9e: {  	_ =	swait.ge [sflag:s8], $0x40  }
0x9f: {  	[sflag:s8] =	ssyncset.done $0x0  }
0xa0: {  	[sflag:s8] =	ssyncadd.s32 $0xFFFFFFC0  }
0xa1: {  	_ =	swait.ge [sflag:s8], $0x40  }
0xa2: {  	[sflag:s8] =	ssyncset.done $0x0  }
0xa3: {  	[sflag:s8] =	ssyncadd.s32 $0xFFFFFFC0  }
0xa4: {  	[spmem:s2] =	stream.indirect.scatter.add.f32 [tilespmem:s10], [sflag:$0x2], $0x80, s6, s9, $0xb8;
	[tilespmem:$0x17300] =	vst v63  }
0xa5: {  	_ = 	snop  }
0xa6: {  	[spmem:s2] =	stream.indirect.scatter.add.f32 [tilespmem:s10], [sflag:$0x3], $0x80, s7, s9, $0xb8;
	[tilespmem:$0x17300] =	vst v63  }
0xa7: {  	_ =	swait.ge [sflag:s15], $0x2000  }
0xa8: {  	[sflag:s15] =	ssyncset.done $0x0  }
0xa9: {  	[sflag:s15] =	ssyncadd.s32 $0xFFFFE000  }
0xaa: {  	_ =	swait.ge [sflag:s16], $0x2000  }
0xab: {  	[sflag:s16] =	ssyncset.done $0x0  }
0xac: {  	s28 =	sadd.s32 $0x0, s24;
	[sflag:s16] =	ssyncadd.s32 $0xFFFFE000  }
0xad: {  	[tilespmem:s11], [sflag:$0x1] =	stream.linear.gather [hbm4b:s28+s3], $0x40, $0x38;
	[tilespmem:$0x17300] =	vst v63  }
0xae: {  	s29 =	sadd.s32 $0x0, s23  }
0xaf: {  	[tilespmem:s12], [sflag:$0x1] =	stream.linear.gather [hbm4b:s29+s3], $0x40, $0x38;
	[tilespmem:$0x17300] =	vst v63  }
0xb0: {  	_ =	swait.ge [sflag:s8], $0x40  }
0xb1: {  	[sflag:s8] =	ssyncset.done $0x0  }
0xb2: {  	[sflag:s8] =	ssyncadd.s32 $0xFFFFFFC0  }
0xb3: {  	_ =	swait.ge [sflag:s8], $0x40  }
0xb4: {  	[sflag:s8] =	ssyncset.done $0x0  }
0xb5: {  	s20 =	simm.s32 $0x20;
	s21 =	sadd.s32 $0x100, s22;
	[sflag:s8] =	ssyncadd.s32 $0xFFFFFFC0  }
0xb6: {  	[spmem:s2] =	stream.indirect.scatter.add.f32 [tilespmem:s10], [sflag:$0x4], $0x80, s11, s9, $0xb8;
	[tilespmem:$0x17300] =	vst v63  }
.LBB2_6:
0xb7: {  	[spmem:s2] =	stream.indirect.scatter.add.f32 [tilespmem:s10], [sflag:$0x5], $0x80, s12, s9, $0xb8;
	[tilespmem:$0x17300] =	vst v63  }
0xb8: {  	s28 =	smov.u32 s20  }
0xb9: {  	p1 =	sne.s32 s20, $0x4A0;
	s20 =	sadd.s32 $0x20, s20;
	_ =	swait.ge [sflag:s13], $0x2000  }
0xba: {  	[sflag:s13] =	ssyncset.done $0x0  }
0xbb: {  	[sflag:s13] =	ssyncadd.s32 $0xFFFFE000  }
0xbc: {  	_ =	swait.ge [sflag:s14], $0x2000  }
0xbd: {  	s29 =	sshrl.u32 s21, $0x3;
	[sflag:s14] =	ssyncset.done $0x0  }
0xbe: {  	s29 =	sadd.s32 s4, s29;
	[sflag:s14] =	ssyncadd.s32 $0xFFFFE000  }
0xbf: {  	[tilespmem:s6], [sflag:$0x1] =	stream.linear.gather [hbm4b:s29+s3], $0x40, $0x38;
	[tilespmem:$0x17300] =	vst v63  }
0xc0: {  	s29 =	sadd.s32 s28, s25  }
0xc1: {  	[tilespmem:s7], [sflag:$0x1] =	stream.linear.gather [hbm4b:s29+s3], $0x40, $0x38;
	[tilespmem:$0x17300] =	vst v63  }
0xc2: {  	_ =	swait.ge [sflag:s8], $0x40  }
0xc3: {  	[sflag:s8] =	ssyncset.done $0x0  }
0xc4: {  	[sflag:s8] =	ssyncadd.s32 $0xFFFFFFC0  }
0xc5: {  	_ =	swait.ge [sflag:s8], $0x40  }
0xc6: {  	[sflag:s8] =	ssyncset.done $0x0  }
0xc7: {  	[sflag:s8] =	ssyncadd.s32 $0xFFFFFFC0  }
0xc8: {  	[spmem:s2] =	stream.indirect.scatter.add.f32 [tilespmem:s10], [sflag:$0x2], $0x80, s6, s9, $0xb8;
	[tilespmem:$0x17300] =	vst v63  }
0xc9: {  	_ = 	snop  }
0xca: {  	[spmem:s2] =	stream.indirect.scatter.add.f32 [tilespmem:s10], [sflag:$0x3], $0x80, s7, s9, $0xb8;
	[tilespmem:$0x17300] =	vst v63  }
0xcb: {  	_ =	swait.ge [sflag:s15], $0x2000  }
0xcc: {  	[sflag:s15] =	ssyncset.done $0x0  }
0xcd: {  	[sflag:s15] =	ssyncadd.s32 $0xFFFFE000  }
0xce: {  	_ =	swait.ge [sflag:s16], $0x2000  }
0xcf: {  	[sflag:s16] =	ssyncset.done $0x0  }
0xd0: {  	s29 =	sadd.s32 s28, s24;
	[sflag:s16] =	ssyncadd.s32 $0xFFFFE000  }
0xd1: {  	[tilespmem:s11], [sflag:$0x1] =	stream.linear.gather [hbm4b:s29+s3], $0x40, $0x38;
	[tilespmem:$0x17300] =	vst v63  }
0xd2: {  	s28 =	sadd.s32 s28, s23  }
0xd3: {  	[tilespmem:s12], [sflag:$0x1] =	stream.linear.gather [hbm4b:s28+s3], $0x40, $0x38;
	[tilespmem:$0x17300] =	vst v63  }
0xd4: {  	_ =	swait.ge [sflag:s8], $0x40  }
0xd5: {  	[sflag:s8] =	ssyncset.done $0x0  }
0xd6: {  	[sflag:s8] =	ssyncadd.s32 $0xFFFFFFC0  }
.Ltmp2:
0xd7: {  	_ =	swait.ge [sflag:s8], $0x40;
	(pc) =	sbr.rel @p1 .LBB2_6-.Ltmp2, $4  }
0xd8: {  	[sflag:s8] =	ssyncset.done $0x0  }
0xd9: {  	[sflag:s8] =	ssyncadd.s32 $0xFFFFFFC0  }
0xda: {  	[spmem:s2] =	stream.indirect.scatter.add.f32 [tilespmem:s10], [sflag:$0x4], $0x80, s11, s9, $0xb8;
	[tilespmem:$0x17300] =	vst v63  }
0xdb: {  	s21 =	sadd.s32 $0x100, s21  }
0xdc: {  	[spmem:s2] =	stream.indirect.scatter.add.f32 [tilespmem:s10], [sflag:$0x5], $0x80, s12, s9, $0xb8;
	[tilespmem:$0x17300] =	vst v63  }
0xdd: {  	_ =	swait.ge [sflag:s13], $0x2000  }
0xde: {  	[sflag:s13] =	ssyncset.done $0x0  }
0xdf: {  	[sflag:s13] =	ssyncadd.s32 $0xFFFFE000  }
0xe0: {  	_ =	swait.ge [sflag:s14], $0x2000  }
0xe1: {  	[sflag:s14] =	ssyncset.done $0x0  }
0xe2: {  	[sflag:s14] =	ssyncadd.s32 $0xFFFFE000  }
0xe3: {  	_ =	swait.ge [sflag:s15], $0x2000  }
0xe4: {  	[sflag:s15] =	ssyncset.done $0x0  }
0xe5: {  	[sflag:s15] =	ssyncadd.s32 $0xFFFFE000  }
0xe6: {  	_ =	swait.ge [sflag:s16], $0x2000  }
0xe7: {  	[sflag:s16] =	ssyncset.done $0x0  }
0xe8: {  	s20 =	rddreg [dreg:$0x12];
	[sflag:s16] =	ssyncadd.s32 $0xFFFFE000  }
0xe9: {  	[tilespmem:s17], [sflag:$0x6] =	stream.linear.gather [hbm4b:s20+s3], $0x10, $0x38;
	[tilespmem:$0x17300] =	vst v63  }
0xea: {  	_ =	swait.ge [sflag:s1], $0x10  }
0xeb: {  	[sflag:s1] =	ssyncset.done $0x0  }
0xec: {  	s21 =	simm.s32 $0x10;
	[sflag:s1] =	ssyncadd.s32 $0xFFFFFFF0  }
0xed: {  	[spmem:s2] =	stream.indirect.scatter.add.f32 [tilespmem:s10], [sflag:$0x6], $0x80, s17, s21, $0xb8;
	[tilespmem:$0x17300] =	vst v63  }
0xee: {  	_ =	swait.ge [sflag:s1], $0x800  }
0xef: {  	[sflag:s1] =	ssyncset.done $0x0  }
0xf0: {  	s28 =	stileid.u32;
	[sflag:s1] =	ssyncadd.s32 $0xFFFFF800  }
0xf1: {  	s20 =	sshll.u32 s28, $0x6;
	[bflag:$0x0] =	sbarrier.arrive $0xFFFF  }
0xf2: {  	s20 =	sor.u32 $0x1C06, s20;
	s21 =	sshrl.u32 s5, $0x3;
	s28 =	rddreg [dreg:$0xf]  }
0xf3: {  	[hbm:s28], [sflag:s20] =	dma.local [spmem:s21], $0x2700  }
0xf4: {  	_ =	swait.ge [sflag:s1], $0x2700  }
0xf5: {  	[sflag:s1] =	ssyncset.done $0x0  }
0xf6: {  	s21 =	sshrl.u32 @!p0 s26, $0x3;
	s28 =	rddreg [dreg:$0x10];
	[sflag:s1] =	ssyncadd.s32 $0xFFFFD900  }
0xf7: {  	[hbm:s28], [sflag:s20] =	dma.local @!p0 [spmem:s21], $0x100  }
0xf8: {  	s20 =	simm.s32 @!p0 $0x6  }
0xf9: {  	_ =	swait.ge @!p0 [sflag:s20], $0x100  }
0xfa: {  	s19 =	sadd.s32 $0x1, s19;
	s29 =	rddreg [dreg:$0x11]  }
0xfb: {  	p1 =	sne.s32 s19, s29  }
.Ltmp3:
0xfc: {  	_ = 	snop;
	(pc) =	sbr.rel @p1 .LBB2_1-.Ltmp3, $3  }
0xfd: {  	_ =	sdelay $0x1  }
0xfe: {  	[sflag:s20] =	ssyncset.done @!p0 $0x0  }
0xff: {  	[sflag:s20] =	ssyncadd.s32 @!p0 $0xFFFFFF00  }
0x100: {  	_ =	sfence.sel $0x180000  }
0x101: {  	[bflag:$0x0] =	sbarrier.arrive $0xFFFF  }
0x102: {  	_ =	strace $0x90000047  }
0x103: {  	s0 =	stileid.u32;
	[bflag:$0x2] =	sbarrier.arrive $0xFFFF  }
0x104: {  	p0 =	sne.s32 s0, $0x0;
	s0 =	rddreg [dreg:$0x2]  }
0x105: {  	s0 =	sadd.s32 @!p0 $0x100000, s0  }
0x106: {  	[sflag:s0] =	ssyncadd.tile.s32 @!p0 $0x1;
	_ =	shalt  }
.Lfunc_end2:
_tile_overlayer_lowered:
.L_overlay_start_2:
0x107: {  	(tag) =	ssettag $0x2  }
0x108: {  	s0 =	rddreg [dreg:$0x0];
	s2 =	stileid.u32  }
0x109: {  	s1 =	rddreg [dreg:$0x1];
	p0 =	sne.s32 s2, $0x0  }
0x10a: {  	s3 =	rddreg [dreg:$0x2];
	[bflag:$0x3] =	sbarrier.arrive $0xFFFF;
	s2 =	simm.s32 @!p0 $0x1C06  }
0x10b: {  	[timem:s3], [sflag:s2] =	dma.local @!p0 [hbm:s0], s1  }
0x10c: {  	s0 =	simm.s32 @!p0 $0x6  }
0x10d: {  	_ =	swait.ge @!p0 [sflag:s0], s1  }
0x10e: {  	s1 =	ssub.s32 @!p0 $0x0, s1;
	[sflag:s0] =	ssyncset.done @!p0 $0x0  }
0x10f: {  	[sflag:s0] =	ssyncadd.s32 @!p0 s1  }
0x110: {  	[bflag:$0x3] =	sbarrier.arrive $0xFFFF  }
0x111: {  	_ =	shalt  }

</sc_bundles>
